<compile_context>
chip_gen: v7x
topology: tpu7x:2x2x1
jax: 0.10.2.dev20260603
libtpu: 0.0.44.dev20260713+nightly
codegen_flags: <defaults>
</compile_context>

<pallas_src>
import jax
import jax.numpy as jnp
from jax import lax
from jax.experimental import pallas as pl
from jax.experimental.pallas import tpu as pltpu
from jax.experimental.pallas import tpu_sc as plsc

_N = 10000
_E = 320000
_D = 128
_K = 80
_CHUNKS = _E // _K
_NW = 32
_CPT = _CHUNKS // _NW
_NST = 5
_SB = _CPT // _NST
_RPT = 640
_NPAD = _RPT * 16


def _sc_agg_make(with_counts):
    mesh = plsc.VectorSubcoreMesh(core_axis_name="c", subcore_axis_name="s")
    out_type = jax.ShapeDtypeStruct((2, _NPAD, _D), jnp.float32)
    scratch = [
        pltpu.VMEM((2, _SB, _K), jnp.int32),
        pltpu.VMEM((2, _SB, _K), jnp.int32),
        pltpu.VMEM((2, _K, _D), jnp.float32),
        pltpu.VMEM_SHARED((_NPAD, _D), jnp.float32),
        pltpu.SemaphoreType.DMA,
        pltpu.SemaphoreType.DMA,
        pltpu.SemaphoreType.DMA,
    ]
    if with_counts:
        out_type = [out_type, jax.ShapeDtypeStruct((2, _NPAD), jnp.float32)]
        scratch += [
            pltpu.VMEM((_K,), jnp.float32),
            pltpu.VMEM_SHARED((_NPAD,), jnp.float32),
            pltpu.SemaphoreType.DMA,
        ]

    def body(y, src4, dst4, zrow, zcnt, ones, *rest):
        if with_counts:
            (out, cnt_out, sidx, didx, rows, acc, sem0, sem1, semi,
             ones_v, cacc, semc) = rest
        else:
            out, sidx, didx, rows, acc, sem0, sem1, semi = rest
        c = lax.axis_index("c")
        s = lax.axis_index("s")
        wid = s * 2 + c
        r0 = s * _RPT

        pltpu.sync_copy(zrow, acc.at[pl.ds(r0, _RPT)])
        if with_counts:
            pltpu.sync_copy(zcnt, cacc.at[pl.ds(r0, _RPT)])
            pltpu.sync_copy(ones, ones_v)
        plsc.subcore_barrier()

        def issue_idx(st, b):
            pltpu.async_copy(src4.at[wid, st], sidx.at[b], semi)
            pltpu.async_copy(dst4.at[wid, st], didx.at[b], semi)

        def wait_idx(st, b):
            pltpu.make_async_copy(src4.at[wid, st], sidx.at[b], semi).wait()
            pltpu.make_async_copy(dst4.at[wid, st], didx.at[b], semi).wait()

        def issue(i, ib, buf, sem):
            return pltpu.async_copy(y.at[sidx.at[ib, i]], rows.at[buf], sem)

        def drain(i, ib, buf, sem):
            pltpu.make_async_copy(y.at[sidx.at[ib, i]], rows.at[buf],
                                  sem).wait()

        def scatter(buf, ib, i):
            pltpu.sync_copy(rows.at[buf], acc.at[didx.at[ib, i]], add=True)

        def fire_cnt(ib, i):
            if with_counts:
                pltpu.async_copy(ones_v, cacc.at[didx.at[ib, i]], semc,
                                 add=True)

        def drain_cnt(ib):
            if with_counts:
                pltpu.make_async_copy(ones_v, cacc.at[didx.at[ib, 0]],
                                      semc).wait()

        issue_idx(0, 0)
        wait_idx(0, 0)
        for st in range(_NST):
            ib = st % 2
            if st + 1 < _NST:
                issue_idx(st + 1, 1 - ib)
            issue(0, ib, 0, sem0)

            def pair(t, carry, ib=ib):
                i = 2 * t
                issue(i + 1, ib, 1, sem1)
                fire_cnt(ib, i)
                drain(i, ib, 0, sem0)
                scatter(0, ib, i)

                @pl.when(i + 2 < _SB)
                def _prefetch():
                    issue(i + 2, ib, 0, sem0)

                fire_cnt(ib, i + 1)
                drain(i + 1, ib, 1, sem1)
                scatter(1, ib, i + 1)
                drain_cnt(ib)
                drain_cnt(ib)
                return carry

            lax.fori_loop(0, (_SB - 1) // 2, pair, 0)
            fire_cnt(ib, _SB - 1)
            drain(_SB - 1, ib, 0, sem0)
            scatter(0, ib, _SB - 1)
            drain_cnt(ib)
            if st + 1 < _NST:
                wait_idx(st + 1, 1 - ib)

        plsc.subcore_barrier()
        pltpu.sync_copy(acc.at[pl.ds(r0, _RPT)],
                        out.at[c, pl.ds(r0, _RPT)])
        if with_counts:
            pltpu.sync_copy(cacc.at[pl.ds(r0, _RPT)],
                            cnt_out.at[c, pl.ds(r0, _RPT)])

    return pl.kernel(body, out_type=out_type, mesh=mesh,
                     scratch_types=scratch)


_sc_agg_counts = _sc_agg_make(True)
_sc_agg = _sc_agg_make(False)


def _make_tc_layer(relu):
    n_blocks = 10
    br = 1024

    def body(p_ref, c_ref, x_ref, wl_ref, bl_ref, wr_ref, o_ref):
        cnt = c_ref[0, 0] + c_ref[1, 0]
        recip = 1.0 / jnp.maximum(cnt, 1.0)
        agg = ((p_ref[0] + p_ref[1]) * recip[:, None]).astype(jnp.bfloat16)
        acc = lax.dot_general(agg, wl_ref[...].astype(jnp.bfloat16),
                              (((1,), (1,)), ((), ())),
                              preferred_element_type=jnp.float32)
        acc = acc + bl_ref[...]
        acc = acc + lax.dot_general(x_ref[...].astype(jnp.bfloat16),
                                    wr_ref[...].astype(jnp.bfloat16),
                                    (((1,), (1,)), ((), ())),
                                    preferred_element_type=jnp.float32)
        o_ref[...] = jnp.maximum(acc, 0.0) if relu else acc

    return pl.pallas_call(
        body,
        grid=(n_blocks,),
        in_specs=[
            pl.BlockSpec((2, br, _D), lambda i: (0, i, 0)),
            pl.BlockSpec((2, 1, br), lambda i: (0, 0, i)),
            pl.BlockSpec((br, _D), lambda i: (i, 0)),
            pl.BlockSpec((_D, _D), lambda i: (0, 0)),
            pl.BlockSpec((1, _D), lambda i: (0, 0)),
            pl.BlockSpec((_D, _D), lambda i: (0, 0)),
        ],
        out_specs=pl.BlockSpec((br, _D), lambda i: (i, 0)),
        out_shape=jax.ShapeDtypeStruct((_N, _D), jnp.float32),
    )


_tc_layer_relu = _make_tc_layer(True)
_tc_layer_lin = _make_tc_layer(False)


def kernel(x, edge_index, W1l, b1l, W1r, W2l, b2l, W2r):
    src4 = edge_index[0].reshape(_NW, _NST, _SB, _K)
    dst4 = edge_index[1].reshape(_NW, _NST, _SB, _K)
    zrow = jnp.zeros((_RPT, _D), jnp.float32)
    zcnt = jnp.zeros((_RPT,), jnp.float32)
    ones = jnp.ones((_K,), jnp.float32)
    p1, cnts = _sc_agg_counts(x, src4, dst4, zrow, zcnt, ones)
    cnts = cnts.reshape(2, 1, _NPAD)
    h = _tc_layer_relu(p1, cnts, x, W1l, b1l.reshape(1, _D), W1r)
    p2 = _sc_agg(h, src4, dst4, zrow, zcnt, ones)
    logits = _tc_layer_lin(p2, cnts, h, W2l, b2l.reshape(1, _D), W2r)
    return h, logits

# --- scband reference (transcript-rebuilt; emitter-appended) ---
"""Pipeline reference for scband-graph-sage-69217692942518 (READ-ONLY COPY).

The authoritative reference and input builder live on the scoring server;
editing this copy changes nothing except your own understanding.
"""

import jax, jax.numpy as jnp
import numpy as np

N = 10000
E = 320000
D = 128
H = 128
O = 128


def setup_inputs(seed: int = 0) -> dict:
    key = jax.random.key(seed)
    ks = jax.random.split(key, 10)
    x = jax.random.normal(ks[0], (N, D), dtype=jnp.float32)
    edge_index = jax.random.randint(ks[1], (2, E), 0, N, dtype=jnp.int32)
    s1 = 1.0 / np.sqrt(D)
    s2 = 1.0 / np.sqrt(H)
    W1l = jax.random.normal(ks[2], (H, D), dtype=jnp.float32) * s1
    b1l = jnp.zeros((H,), dtype=jnp.float32)
    W1r = jax.random.normal(ks[3], (H, D), dtype=jnp.float32) * s1
    W2l = jax.random.normal(ks[4], (O, H), dtype=jnp.float32) * s2
    b2l = jnp.zeros((O,), dtype=jnp.float32)
    W2r = jax.random.normal(ks[5], (O, H), dtype=jnp.float32) * s2
    return {"x": x, "edge_index": edge_index, "W1l": W1l, "b1l": b1l, "W1r": W1r,
            "W2l": W2l, "b2l": b2l, "W2r": W2r}


def _sage_layer(x, src, dst, Wl, bl, Wr):
    # message: x_j gathered from source nodes
    xj = jnp.take(x, src, axis=0)
    # mean aggregation at destination nodes (SAGEConv aggr='mean')
    agg = jax.ops.segment_sum(xj, dst, num_segments=N)
    cnt = jax.ops.segment_sum(jnp.ones((src.shape[0], 1), x.dtype), dst, num_segments=N)
    agg = agg / jnp.maximum(cnt, 1.0)
    # out = lin_l(agg) + lin_r(x)  (lin_r has no bias in SAGEConv)
    return agg @ Wl.T + bl + x @ Wr.T


def reference(x, edge_index, W1l, b1l, W1r, W2l, b2l, W2r):
    src = edge_index[0]
    dst = edge_index[1]
    h = _sage_layer(x, src, dst, W1l, b1l, W1r)
    h = jax.nn.relu(h)
    # dropout is identity in eval mode
    logits = _sage_layer(h, src, dst, W2l, b2l, W2r)
    return (h, logits)

if __name__ == "__main__":
    import jax
    _d = setup_inputs()
    print(jax.jit(kernel)(*tuple(_d.values())))

</pallas_src>

<mosaic_0001>
#map = affine_map<(d0, d1) -> (0, 0)>
#map1 = affine_map<(d0, d1) -> (0, 0, 0, 0)>
#map2 = affine_map<(d0, d1) -> (0)>
#map3 = affine_map<(d0, d1) -> (0, 0, 0)>
module attributes {stable_mosaic.version = 14 : i64} {
  func.func @body(%arg0: i32, %arg1: i32, %arg2: memref<10000x128xf32, #tpu.memory_space<hbm>>, %arg3: memref<32x5x25x80xi32, #tpu.memory_space<hbm>>, %arg4: memref<32x5x25x80xi32, #tpu.memory_space<hbm>>, %arg5: memref<640x128xf32, #tpu.memory_space<hbm>>, %arg6: memref<640xf32, #tpu.memory_space<hbm>>, %arg7: memref<80xf32, #tpu.memory_space<hbm>>, %arg8: memref<2x10240x128xf32, #tpu.memory_space<hbm>>, %arg9: memref<2x10240xf32, #tpu.memory_space<hbm>>, %arg10: memref<2x25x80xi32, #tpu.memory_space<vmem>>, %arg11: memref<2x25x80xi32, #tpu.memory_space<vmem>>, %arg12: memref<2x80x128xf32, #tpu.memory_space<vmem>>, %arg13: memref<10240x128xf32, #tpu.memory_space<vmem_shared>>, %arg14: memref<!tpu.dma_semaphore, #tpu.memory_space<semaphore_mem>>, %arg15: memref<!tpu.dma_semaphore, #tpu.memory_space<semaphore_mem>>, %arg16: memref<!tpu.dma_semaphore, #tpu.memory_space<semaphore_mem>>, %arg17: memref<80xf32, #tpu.memory_space<vmem>>, %arg18: memref<10240xf32, #tpu.memory_space<vmem_shared>>, %arg19: memref<!tpu.dma_semaphore, #tpu.memory_space<semaphore_mem>>) attributes {dimension_semantics = [#tpu.dimension_semantics<core_parallel>, #tpu.dimension_semantics<subcore_parallel>], iteration_bounds = array<i64: 2, 16>, scalar_prefetch = 0 : i64, scratch_operands = 10 : i64, tpu.core_type = #tpu.core_type<sc_vector_subcore>, window_params = [{transform_indices = #map}, {transform_indices = #map1}, {transform_indices = #map1}, {transform_indices = #map}, {transform_indices = #map2}, {transform_indices = #map2}, {transform_indices = #map3}, {transform_indices = #map}]} {
    %mul3A = arith.constant 2 : i32
    %mul3A_0 = arith.muli %arg1, %mul3A : i32
    %add3A = arith.addi %mul3A_0, %arg0 : i32
    %mul3A_1 = arith.constant 640 : i32
    %mul3A_2 = arith.muli %arg1, %mul3A_1 : i32
    "tpu.region"() ({
      %run_scoped3A_605 = tpu.sem_alloc : memref<!tpu.dma_semaphore, #tpu.memory_space<semaphore_mem>>
      %dma_start3A_606 = arith.constant 0 : i32
      %dma_start3A_607 = tpu.memref_slice %arg13[%mul3A_2, %dma_start3A_606] : memref<10240x128xf32, #tpu.memory_space<vmem_shared>> -> memref<640x128xf32, #tpu.memory_space<vmem_shared>>
      tpu.enqueue_dma source(%arg5 : memref<640x128xf32, #tpu.memory_space<hbm>>) target(%dma_start3A_607 : memref<640x128xf32, #tpu.memory_space<vmem_shared>>) target_semaphore(%run_scoped3A_605 : memref<!tpu.dma_semaphore, #tpu.memory_space<semaphore_mem>>)
      %dma_wait3A_608 = arith.constant 0 : i32
      %dma_wait3A_609 = tpu.memref_slice %arg13[%mul3A_2, %dma_wait3A_608] : memref<10240x128xf32, #tpu.memory_space<vmem_shared>> -> memref<640x128xf32, #tpu.memory_space<vmem_shared>>
      tpu.wait_dma2 semaphore(%run_scoped3A_605 : memref<!tpu.dma_semaphore, #tpu.memory_space<semaphore_mem>>) src(%arg5 : memref<640x128xf32, #tpu.memory_space<hbm>>) dst(%dma_wait3A_609 : memref<640x128xf32, #tpu.memory_space<vmem_shared>>)
      tpu.yield
    }) : () -> ()
    "tpu.region"() ({
      %run_scoped3A_605 = tpu.sem_alloc : memref<!tpu.dma_semaphore, #tpu.memory_space<semaphore_mem>>
      %dma_start3A_606 = tpu.memref_slice %arg18[%mul3A_2] : memref<10240xf32, #tpu.memory_space<vmem_shared>> -> memref<640xf32, #tpu.memory_space<vmem_shared>>
      tpu.enqueue_dma source(%arg6 : memref<640xf32, #tpu.memory_space<hbm>>) target(%dma_start3A_606 : memref<640xf32, #tpu.memory_space<vmem_shared>>) target_semaphore(%run_scoped3A_605 : memref<!tpu.dma_semaphore, #tpu.memory_space<semaphore_mem>>)
      %dma_wait3A_607 = tpu.memref_slice %arg18[%mul3A_2] : memref<10240xf32, #tpu.memory_space<vmem_shared>> -> memref<640xf32, #tpu.memory_space<vmem_shared>>
      tpu.wait_dma2 semaphore(%run_scoped3A_605 : memref<!tpu.dma_semaphore, #tpu.memory_space<semaphore_mem>>) src(%arg6 : memref<640xf32, #tpu.memory_space<hbm>>) dst(%dma_wait3A_607 : memref<640xf32, #tpu.memory_space<vmem_shared>>)
      tpu.yield
    }) : () -> ()
    "tpu.region"() ({
      %run_scoped3A_605 = tpu.sem_alloc : memref<!tpu.dma_semaphore, #tpu.memory_space<semaphore_mem>>
      tpu.enqueue_dma source(%arg7 : memref<80xf32, #tpu.memory_space<hbm>>) target(%arg17 : memref<80xf32, #tpu.memory_space<vmem>>) target_semaphore(%run_scoped3A_605 : memref<!tpu.dma_semaphore, #tpu.memory_space<semaphore_mem>>)
      tpu.wait_dma2 semaphore(%run_scoped3A_605 : memref<!tpu.dma_semaphore, #tpu.memory_space<semaphore_mem>>) src(%arg7 : memref<80xf32, #tpu.memory_space<hbm>>) dst(%arg17 : memref<80xf32, #tpu.memory_space<vmem>>)
      tpu.yield
    }) : () -> ()
    %barrier3A = arith.constant 0 : index
    tpu.barrier barrier_id(%barrier3A)
    %dma_start3A = arith.constant 0 : i32
    %dma_start3A_3 = arith.constant 0 : i32
    %dma_start3A_4 = arith.constant 0 : i32
    %dma_start3A_5 = arith.constant 0 : i32
    %dma_start3A_6 = tpu.memref_slice %arg10[%dma_start3A_3, %dma_start3A_4, %dma_start3A_5] : memref<2x25x80xi32, #tpu.memory_space<vmem>> -> memref<1x25x80xi32, #tpu.memory_space<vmem>>
    %dma_start3A_7 = tpu.memref_squeeze %dma_start3A_6 : memref<1x25x80xi32, #tpu.memory_space<vmem>> -> memref<25x80xi32, #tpu.memory_space<vmem>>
    %dma_start3A_8 = arith.constant 0 : i32
    %dma_start3A_9 = arith.constant 0 : i32
    %dma_start3A_10 = tpu.memref_slice %arg3[%add3A, %dma_start3A, %dma_start3A_8, %dma_start3A_9] : memref<32x5x25x80xi32, #tpu.memory_space<hbm>> -> memref<1x1x25x80xi32, #tpu.memory_space<hbm>>
    %dma_start3A_11 = tpu.memref_squeeze %dma_start3A_10 : memref<1x1x25x80xi32, #tpu.memory_space<hbm>> -> memref<25x80xi32, #tpu.memory_space<hbm>>
    %dma_start3A_12 = arith.constant 0 : i32
    %dma_start3A_13 = arith.constant 0 : i32
    %dma_start3A_14 = tpu.memref_slice %arg10[%dma_start3A_3, %dma_start3A_12, %dma_start3A_13] : memref<2x25x80xi32, #tpu.memory_space<vmem>> -> memref<1x25x80xi32, #tpu.memory_space<vmem>>
    %dma_start3A_15 = tpu.memref_squeeze %dma_start3A_14 : memref<1x25x80xi32, #tpu.memory_space<vmem>> -> memref<25x80xi32, #tpu.memory_space<vmem>>
    %dma_start3A_16 = arith.constant 0 : i32
    %dma_start3A_17 = arith.constant 0 : i32
    %dma_start3A_18 = tpu.memref_slice %arg3[%add3A, %dma_start3A, %dma_start3A_16, %dma_start3A_17] : memref<32x5x25x80xi32, #tpu.memory_space<hbm>> -> memref<1x1x25x80xi32, #tpu.memory_space<hbm>>
    %dma_start3A_19 = tpu.memref_squeeze %dma_start3A_18 : memref<1x1x25x80xi32, #tpu.memory_space<hbm>> -> memref<25x80xi32, #tpu.memory_space<hbm>>
    tpu.enqueue_dma source(%dma_start3A_19 : memref<25x80xi32, #tpu.memory_space<hbm>>) target(%dma_start3A_15 : memref<25x80xi32, #tpu.memory_space<vmem>>) target_semaphore(%arg16 : memref<!tpu.dma_semaphore, #tpu.memory_space<semaphore_mem>>)
    %dma_start3A_20 = arith.constant 0 : i32
    %dma_start3A_21 = arith.constant 0 : i32
    %dma_start3A_22 = arith.constant 0 : i32
    %dma_start3A_23 = arith.constant 0 : i32
    %dma_start3A_24 = tpu.memref_slice %arg11[%dma_start3A_21, %dma_start3A_22, %dma_start3A_23] : memref<2x25x80xi32, #tpu.memory_space<vmem>> -> memref<1x25x80xi32, #tpu.memory_space<vmem>>
    %dma_start3A_25 = tpu.memref_squeeze %dma_start3A_24 : memref<1x25x80xi32, #tpu.memory_space<vmem>> -> memref<25x80xi32, #tpu.memory_space<vmem>>
    %dma_start3A_26 = arith.constant 0 : i32
    %dma_start3A_27 = arith.constant 0 : i32
    %dma_start3A_28 = tpu.memref_slice %arg4[%add3A, %dma_start3A_20, %dma_start3A_26, %dma_start3A_27] : memref<32x5x25x80xi32, #tpu.memory_space<hbm>> -> memref<1x1x25x80xi32, #tpu.memory_space<hbm>>
    %dma_start3A_29 = tpu.memref_squeeze %dma_start3A_28 : memref<1x1x25x80xi32, #tpu.memory_space<hbm>> -> memref<25x80xi32, #tpu.memory_space<hbm>>
    %dma_start3A_30 = arith.constant 0 : i32
    %dma_start3A_31 = arith.constant 0 : i32
    %dma_start3A_32 = tpu.memref_slice %arg11[%dma_start3A_21, %dma_start3A_30, %dma_start3A_31] : memref<2x25x80xi32, #tpu.memory_space<vmem>> -> memref<1x25x80xi32, #tpu.memory_space<vmem>>
    %dma_start3A_33 = tpu.memref_squeeze %dma_start3A_32 : memref<1x25x80xi32, #tpu.memory_space<vmem>> -> memref<25x80xi32, #tpu.memory_space<vmem>>
    %dma_start3A_34 = arith.constant 0 : i32
    %dma_start3A_35 = arith.constant 0 : i32
    %dma_start3A_36 = tpu.memref_slice %arg4[%add3A, %dma_start3A_20, %dma_start3A_34, %dma_start3A_35] : memref<32x5x25x80xi32, #tpu.memory_space<hbm>> -> memref<1x1x25x80xi32, #tpu.memory_space<hbm>>
    %dma_start3A_37 = tpu.memref_squeeze %dma_start3A_36 : memref<1x1x25x80xi32, #tpu.memory_space<hbm>> -> memref<25x80xi32, #tpu.memory_space<hbm>>
    tpu.enqueue_dma source(%dma_start3A_37 : memref<25x80xi32, #tpu.memory_space<hbm>>) target(%dma_start3A_33 : memref<25x80xi32, #tpu.memory_space<vmem>>) target_semaphore(%arg16 : memref<!tpu.dma_semaphore, #tpu.memory_space<semaphore_mem>>)
    %dma_wait3A = arith.constant 0 : i32
    %dma_wait3A_38 = arith.constant 0 : i32
    %dma_wait3A_39 = arith.constant 0 : i32
    %dma_wait3A_40 = arith.constant 0 : i32
    %dma_wait3A_41 = tpu.memref_slice %arg10[%dma_wait3A_38, %dma_wait3A_39, %dma_wait3A_40] : memref<2x25x80xi32, #tpu.memory_space<vmem>> -> memref<1x25x80xi32, #tpu.memory_space<vmem>>
    %dma_wait3A_42 = tpu.memref_squeeze %dma_wait3A_41 : memref<1x25x80xi32, #tpu.memory_space<vmem>> -> memref<25x80xi32, #tpu.memory_space<vmem>>
    %dma_wait3A_43 = arith.constant 0 : i32
    %dma_wait3A_44 = arith.constant 0 : i32
    %dma_wait3A_45 = tpu.memref_slice %arg3[%add3A, %dma_wait3A, %dma_wait3A_43, %dma_wait3A_44] : memref<32x5x25x80xi32, #tpu.memory_space<hbm>> -> memref<1x1x25x80xi32, #tpu.memory_space<hbm>>
    %dma_wait3A_46 = tpu.memref_squeeze %dma_wait3A_45 : memref<1x1x25x80xi32, #tpu.memory_space<hbm>> -> memref<25x80xi32, #tpu.memory_space<hbm>>
    %dma_wait3A_47 = arith.constant 0 : i32
    %dma_wait3A_48 = arith.constant 0 : i32
    %dma_wait3A_49 = tpu.memref_slice %arg10[%dma_wait3A_38, %dma_wait3A_47, %dma_wait3A_48] : memref<2x25x80xi32, #tpu.memory_space<vmem>> -> memref<1x25x80xi32, #tpu.memory_space<vmem>>
    %dma_wait3A_50 = tpu.memref_squeeze %dma_wait3A_49 : memref<1x25x80xi32, #tpu.memory_space<vmem>> -> memref<25x80xi32, #tpu.memory_space<vmem>>
    %dma_wait3A_51 = arith.constant 0 : i32
    %dma_wait3A_52 = arith.constant 0 : i32
    %dma_wait3A_53 = tpu.memref_slice %arg3[%add3A, %dma_wait3A, %dma_wait3A_51, %dma_wait3A_52] : memref<32x5x25x80xi32, #tpu.memory_space<hbm>> -> memref<1x1x25x80xi32, #tpu.memory_space<hbm>>
    %dma_wait3A_54 = tpu.memref_squeeze %dma_wait3A_53 : memref<1x1x25x80xi32, #tpu.memory_space<hbm>> -> memref<25x80xi32, #tpu.memory_space<hbm>>
    tpu.wait_dma2 semaphore(%arg16 : memref<!tpu.dma_semaphore, #tpu.memory_space<semaphore_mem>>) src(%dma_wait3A_54 : memref<25x80xi32, #tpu.memory_space<hbm>>) dst(%dma_wait3A_50 : memref<25x80xi32, #tpu.memory_space<vmem>>)
    %dma_wait3A_55 = arith.constant 0 : i32
    %dma_wait3A_56 = arith.constant 0 : i32
    %dma_wait3A_57 = arith.constant 0 : i32
    %dma_wait3A_58 = arith.constant 0 : i32
    %dma_wait3A_59 = tpu.memref_slice %arg11[%dma_wait3A_56, %dma_wait3A_57, %dma_wait3A_58] : memref<2x25x80xi32, #tpu.memory_space<vmem>> -> memref<1x25x80xi32, #tpu.memory_space<vmem>>
    %dma_wait3A_60 = tpu.memref_squeeze %dma_wait3A_59 : memref<1x25x80xi32, #tpu.memory_space<vmem>> -> memref<25x80xi32, #tpu.memory_space<vmem>>
    %dma_wait3A_61 = arith.constant 0 : i32
    %dma_wait3A_62 = arith.constant 0 : i32
    %dma_wait3A_63 = tpu.memref_slice %arg4[%add3A, %dma_wait3A_55, %dma_wait3A_61, %dma_wait3A_62] : memref<32x5x25x80xi32, #tpu.memory_space<hbm>> -> memref<1x1x25x80xi32, #tpu.memory_space<hbm>>
    %dma_wait3A_64 = tpu.memref_squeeze %dma_wait3A_63 : memref<1x1x25x80xi32, #tpu.memory_space<hbm>> -> memref<25x80xi32, #tpu.memory_space<hbm>>
    %dma_wait3A_65 = arith.constant 0 : i32
    %dma_wait3A_66 = arith.constant 0 : i32
    %dma_wait3A_67 = tpu.memref_slice %arg11[%dma_wait3A_56, %dma_wait3A_65, %dma_wait3A_66] : memref<2x25x80xi32, #tpu.memory_space<vmem>> -> memref<1x25x80xi32, #tpu.memory_space<vmem>>
    %dma_wait3A_68 = tpu.memref_squeeze %dma_wait3A_67 : memref<1x25x80xi32, #tpu.memory_space<vmem>> -> memref<25x80xi32, #tpu.memory_space<vmem>>
    %dma_wait3A_69 = arith.constant 0 : i32
    %dma_wait3A_70 = arith.constant 0 : i32
    %dma_wait3A_71 = tpu.memref_slice %arg4[%add3A, %dma_wait3A_55, %dma_wait3A_69, %dma_wait3A_70] : memref<32x5x25x80xi32, #tpu.memory_space<hbm>> -> memref<1x1x25x80xi32, #tpu.memory_space<hbm>>
    %dma_wait3A_72 = tpu.memref_squeeze %dma_wait3A_71 : memref<1x1x25x80xi32, #tpu.memory_space<hbm>> -> memref<25x80xi32, #tpu.memory_space<hbm>>
    tpu.wait_dma2 semaphore(%arg16 : memref<!tpu.dma_semaphore, #tpu.memory_space<semaphore_mem>>) src(%dma_wait3A_72 : memref<25x80xi32, #tpu.memory_space<hbm>>) dst(%dma_wait3A_68 : memref<25x80xi32, #tpu.memory_space<vmem>>)
    %dma_start3A_73 = arith.constant 1 : i32
    %dma_start3A_74 = arith.constant 1 : i32
    %dma_start3A_75 = arith.constant 0 : i32
    %dma_start3A_76 = arith.constant 0 : i32
    %dma_start3A_77 = tpu.memref_slice %arg10[%dma_start3A_74, %dma_start3A_75, %dma_start3A_76] : memref<2x25x80xi32, #tpu.memory_space<vmem>> -> memref<1x25x80xi32, #tpu.memory_space<vmem>>
    %dma_start3A_78 = tpu.memref_squeeze %dma_start3A_77 : memref<1x25x80xi32, #tpu.memory_space<vmem>> -> memref<25x80xi32, #tpu.memory_space<vmem>>
    %dma_start3A_79 = arith.constant 0 : i32
    %dma_start3A_80 = arith.constant 0 : i32
    %dma_start3A_81 = tpu.memref_slice %arg3[%add3A, %dma_start3A_73, %dma_start3A_79, %dma_start3A_80] : memref<32x5x25x80xi32, #tpu.memory_space<hbm>> -> memref<1x1x25x80xi32, #tpu.memory_space<hbm>>
    %dma_start3A_82 = tpu.memref_squeeze %dma_start3A_81 : memref<1x1x25x80xi32, #tpu.memory_space<hbm>> -> memref<25x80xi32, #tpu.memory_space<hbm>>
    %dma_start3A_83 = arith.constant 0 : i32
    %dma_start3A_84 = arith.constant 0 : i32
    %dma_start3A_85 = tpu.memref_slice %arg10[%dma_start3A_74, %dma_start3A_83, %dma_start3A_84] : memref<2x25x80xi32, #tpu.memory_space<vmem>> -> memref<1x25x80xi32, #tpu.memory_space<vmem>>
    %dma_start3A_86 = tpu.memref_squeeze %dma_start3A_85 : memref<1x25x80xi32, #tpu.memory_space<vmem>> -> memref<25x80xi32, #tpu.memory_space<vmem>>
    %dma_start3A_87 = arith.constant 0 : i32
    %dma_start3A_88 = arith.constant 0 : i32
    %dma_start3A_89 = tpu.memref_slice %arg3[%add3A, %dma_start3A_73, %dma_start3A_87, %dma_start3A_88] : memref<32x5x25x80xi32, #tpu.memory_space<hbm>> -> memref<1x1x25x80xi32, #tpu.memory_space<hbm>>
    %dma_start3A_90 = tpu.memref_squeeze %dma_start3A_89 : memref<1x1x25x80xi32, #tpu.memory_space<hbm>> -> memref<25x80xi32, #tpu.memory_space<hbm>>
    tpu.enqueue_dma source(%dma_start3A_90 : memref<25x80xi32, #tpu.memory_space<hbm>>) target(%dma_start3A_86 : memref<25x80xi32, #tpu.memory_space<vmem>>) target_semaphore(%arg16 : memref<!tpu.dma_semaphore, #tpu.memory_space<semaphore_mem>>)
    %dma_start3A_91 = arith.constant 1 : i32
    %dma_start3A_92 = arith.constant 1 : i32
    %dma_start3A_93 = arith.constant 0 : i32
    %dma_start3A_94 = arith.constant 0 : i32
    %dma_start3A_95 = tpu.memref_slice %arg11[%dma_start3A_92, %dma_start3A_93, %dma_start3A_94] : memref<2x25x80xi32, #tpu.memory_space<vmem>> -> memref<1x25x80xi32, #tpu.memory_space<vmem>>
    %dma_start3A_96 = tpu.memref_squeeze %dma_start3A_95 : memref<1x25x80xi32, #tpu.memory_space<vmem>> -> memref<25x80xi32, #tpu.memory_space<vmem>>
    %dma_start3A_97 = arith.constant 0 : i32
    %dma_start3A_98 = arith.constant 0 : i32
    %dma_start3A_99 = tpu.memref_slice %arg4[%add3A, %dma_start3A_91, %dma_start3A_97, %dma_start3A_98] : memref<32x5x25x80xi32, #tpu.memory_space<hbm>> -> memref<1x1x25x80xi32, #tpu.memory_space<hbm>>
    %dma_start3A_100 = tpu.memref_squeeze %dma_start3A_99 : memref<1x1x25x80xi32, #tpu.memory_space<hbm>> -> memref<25x80xi32, #tpu.memory_space<hbm>>
    %dma_start3A_101 = arith.constant 0 : i32
    %dma_start3A_102 = arith.constant 0 : i32
    %dma_start3A_103 = tpu.memref_slice %arg11[%dma_start3A_92, %dma_start3A_101, %dma_start3A_102] : memref<2x25x80xi32, #tpu.memory_space<vmem>> -> memref<1x25x80xi32, #tpu.memory_space<vmem>>
    %dma_start3A_104 = tpu.memref_squeeze %dma_start3A_103 : memref<1x25x80xi32, #tpu.memory_space<vmem>> -> memref<25x80xi32, #tpu.memory_space<vmem>>
    %dma_start3A_105 = arith.constant 0 : i32
    %dma_start3A_106 = arith.constant 0 : i32
    %dma_start3A_107 = tpu.memref_slice %arg4[%add3A, %dma_start3A_91, %dma_start3A_105, %dma_start3A_106] : memref<32x5x25x80xi32, #tpu.memory_space<hbm>> -> memref<1x1x25x80xi32, #tpu.memory_space<hbm>>
    %dma_start3A_108 = tpu.memref_squeeze %dma_start3A_107 : memref<1x1x25x80xi32, #tpu.memory_space<hbm>> -> memref<25x80xi32, #tpu.memory_space<hbm>>
    tpu.enqueue_dma source(%dma_start3A_108 : memref<25x80xi32, #tpu.memory_space<hbm>>) target(%dma_start3A_104 : memref<25x80xi32, #tpu.memory_space<vmem>>) target_semaphore(%arg16 : memref<!tpu.dma_semaphore, #tpu.memory_space<semaphore_mem>>)
    %dma_start3A_109 = arith.constant 0 : i32
    %dma_start3A_110 = arith.constant 0 : i32
    %dma_start3A_111 = arith.constant 0 : i32
    %dma_start3A_112 = arith.constant 0 : i32
    %dma_start3A_113 = arith.constant 0 : i32
    %dma_start3A_114 = tpu.memref_slice %arg12[%dma_start3A_111, %dma_start3A_112, %dma_start3A_113] : memref<2x80x128xf32, #tpu.memory_space<vmem>> -> memref<1x80x128xf32, #tpu.memory_space<vmem>>
    %dma_start3A_115 = tpu.memref_squeeze %dma_start3A_114 : memref<1x80x128xf32, #tpu.memory_space<vmem>> -> memref<80x128xf32, #tpu.memory_space<vmem>>
    %dma_start3A_116 = arith.constant 0 : i32
    %dma_start3A_117 = tpu.memref_slice %arg10[%dma_start3A_109, %dma_start3A_110, %dma_start3A_116] : memref<2x25x80xi32, #tpu.memory_space<vmem>> -> memref<1x1x80xi32, #tpu.memory_space<vmem>>
    %dma_start3A_118 = tpu.memref_squeeze %dma_start3A_117 : memref<1x1x80xi32, #tpu.memory_space<vmem>> -> memref<80xi32, #tpu.memory_space<vmem>>
    %dma_start3A_119 = arith.constant 0 : i32
    %dma_start3A_120 = arith.constant 0 : i32
    %dma_start3A_121 = tpu.memref_slice %arg2[%dma_start3A_119, %dma_start3A_120] : memref<10000x128xf32, #tpu.memory_space<hbm>> -> memref<10000x128xf32, #tpu.memory_space<hbm>>
    tpu.enqueue_indirect_dma source(%dma_start3A_121 : memref<10000x128xf32, #tpu.memory_space<hbm>>) target(%dma_start3A_115 : memref<80x128xf32, #tpu.memory_space<vmem>>) offsets(%dma_start3A_118 : memref<80xi32, #tpu.memory_space<vmem>>) semaphore(%arg14 : memref<!tpu.dma_semaphore, #tpu.memory_space<semaphore_mem>>)
    %scan3A = arith.constant 0 : i32
    %scan3A_122 = arith.constant 0 : i32
    %scan3A_123 = arith.constant 12 : i32
    %scan3A_124 = arith.addi %scan3A_122, %scan3A_123 : i32
    %scan3A_125 = arith.constant 1 : i32
    scf.for %scan3A_605 = %scan3A_122 to %scan3A_124 step %scan3A_125  : i32 {
      %mul3A_606 = arith.constant 2 : i32
      %mul3A_607 = arith.muli %mul3A_606, %scan3A_605 : i32
      %add3A_608 = arith.constant 1 : i32
      %add3A_609 = arith.addi %mul3A_607, %add3A_608 : i32
      %dma_start3A_610 = arith.constant 0 : i32
      %dma_start3A_611 = arith.constant 1 : i32
      %dma_start3A_612 = arith.constant 0 : i32
      %dma_start3A_613 = arith.constant 0 : i32
      %dma_start3A_614 = tpu.memref_slice %arg12[%dma_start3A_611, %dma_start3A_612, %dma_start3A_613] : memref<2x80x128xf32, #tpu.memory_space<vmem>> -> memref<1x80x128xf32, #tpu.memory_space<vmem>>
      %dma_start3A_615 = tpu.memref_squeeze %dma_start3A_614 : memref<1x80x128xf32, #tpu.memory_space<vmem>> -> memref<80x128xf32, #tpu.memory_space<vmem>>
      %dma_start3A_616 = arith.constant 0 : i32
      %dma_start3A_617 = tpu.memref_slice %arg10[%dma_start3A_610, %add3A_609, %dma_start3A_616] : memref<2x25x80xi32, #tpu.memory_space<vmem>> -> memref<1x1x80xi32, #tpu.memory_space<vmem>>
      %dma_start3A_618 = tpu.memref_squeeze %dma_start3A_617 : memref<1x1x80xi32, #tpu.memory_space<vmem>> -> memref<80xi32, #tpu.memory_space<vmem>>
      %dma_start3A_619 = arith.constant 0 : i32
      %dma_start3A_620 = arith.constant 0 : i32
      %dma_start3A_621 = tpu.memref_slice %arg2[%dma_start3A_619, %dma_start3A_620] : memref<10000x128xf32, #tpu.memory_space<hbm>> -> memref<10000x128xf32, #tpu.memory_space<hbm>>
      tpu.enqueue_indirect_dma source(%dma_start3A_621 : memref<10000x128xf32, #tpu.memory_space<hbm>>) target(%dma_start3A_615 : memref<80x128xf32, #tpu.memory_space<vmem>>) offsets(%dma_start3A_618 : memref<80xi32, #tpu.memory_space<vmem>>) semaphore(%arg15 : memref<!tpu.dma_semaphore, #tpu.memory_space<semaphore_mem>>)
      %dma_start3A_622 = arith.constant 0 : i32
      %dma_start3A_623 = arith.constant 0 : i32
      %dma_start3A_624 = tpu.memref_slice %arg11[%dma_start3A_622, %mul3A_607, %dma_start3A_623] : memref<2x25x80xi32, #tpu.memory_space<vmem>> -> memref<1x1x80xi32, #tpu.memory_space<vmem>>
      %dma_start3A_625 = tpu.memref_squeeze %dma_start3A_624 : memref<1x1x80xi32, #tpu.memory_space<vmem>> -> memref<80xi32, #tpu.memory_space<vmem>>
      %dma_start3A_626 = arith.constant 0 : i32
      %dma_start3A_627 = tpu.memref_slice %arg18[%dma_start3A_626] : memref<10240xf32, #tpu.memory_space<vmem_shared>> -> memref<10240xf32, #tpu.memory_space<vmem_shared>>
      tpu.enqueue_indirect_dma source(%arg17 : memref<80xf32, #tpu.memory_space<vmem>>) target(%dma_start3A_627 : memref<10240xf32, #tpu.memory_space<vmem_shared>>) offsets(%dma_start3A_625 : memref<80xi32, #tpu.memory_space<vmem>>) semaphore(%arg19 : memref<!tpu.dma_semaphore, #tpu.memory_space<semaphore_mem>>) {add = true}
      %dma_wait3A_628 = arith.constant 0 : i32
      %dma_wait3A_629 = arith.constant 0 : i32
      %dma_wait3A_630 = arith.constant 0 : i32
      %dma_wait3A_631 = arith.constant 0 : i32
      %dma_wait3A_632 = tpu.memref_slice %arg12[%dma_wait3A_629, %dma_wait3A_630, %dma_wait3A_631] : memref<2x80x128xf32, #tpu.memory_space<vmem>> -> memref<1x80x128xf32, #tpu.memory_space<vmem>>
      %dma_wait3A_633 = tpu.memref_squeeze %dma_wait3A_632 : memref<1x80x128xf32, #tpu.memory_space<vmem>> -> memref<80x128xf32, #tpu.memory_space<vmem>>
      %dma_wait3A_634 = arith.constant 0 : i32
      %dma_wait3A_635 = tpu.memref_slice %arg10[%dma_wait3A_628, %mul3A_607, %dma_wait3A_634] : memref<2x25x80xi32, #tpu.memory_space<vmem>> -> memref<1x1x80xi32, #tpu.memory_space<vmem>>
      %dma_wait3A_636 = tpu.memref_squeeze %dma_wait3A_635 : memref<1x1x80xi32, #tpu.memory_space<vmem>> -> memref<80xi32, #tpu.memory_space<vmem>>
      %dma_wait3A_637 = arith.constant 0 : i32
      %dma_wait3A_638 = arith.constant 0 : i32
      %dma_wait3A_639 = tpu.memref_slice %arg2[%dma_wait3A_637, %dma_wait3A_638] : memref<10000x128xf32, #tpu.memory_space<hbm>> -> memref<10000x128xf32, #tpu.memory_space<hbm>>
      tpu.wait_indirect_dma semaphore(%arg14 : memref<!tpu.dma_semaphore, #tpu.memory_space<semaphore_mem>>) src(%dma_wait3A_639 : memref<10000x128xf32, #tpu.memory_space<hbm>>) dst(%dma_wait3A_633 : memref<80x128xf32, #tpu.memory_space<vmem>>)
      %run_scoped3A_640 = arith.constant 0 : i32
      %run_scoped3A_641 = arith.constant 0 : i32
      "tpu.region"() ({
        %run_scoped3A_686 = tpu.sem_alloc : memref<!tpu.dma_semaphore, #tpu.memory_space<semaphore_mem>>
        %dma_start3A_687 = arith.constant 0 : i32
        %dma_start3A_688 = arith.constant 0 : i32
        %dma_start3A_689 = tpu.memref_slice %arg12[%run_scoped3A_640, %dma_start3A_687, %dma_start3A_688] : memref<2x80x128xf32, #tpu.memory_space<vmem>> -> memref<1x80x128xf32, #tpu.memory_space<vmem>>
        %dma_start3A_690 = tpu.memref_squeeze %dma_start3A_689 : memref<1x80x128xf32, #tpu.memory_space<vmem>> -> memref<80x128xf32, #tpu.memory_space<vmem>>
        %dma_start3A_691 = arith.constant 0 : i32
        %dma_start3A_692 = tpu.memref_slice %arg11[%run_scoped3A_641, %mul3A_607, %dma_start3A_691] : memref<2x25x80xi32, #tpu.memory_space<vmem>> -> memref<1x1x80xi32, #tpu.memory_space<vmem>>
        %dma_start3A_693 = tpu.memref_squeeze %dma_start3A_692 : memref<1x1x80xi32, #tpu.memory_space<vmem>> -> memref<80xi32, #tpu.memory_space<vmem>>
        %dma_start3A_694 = arith.constant 0 : i32
        %dma_start3A_695 = arith.constant 0 : i32
        %dma_start3A_696 = tpu.memref_slice %arg13[%dma_start3A_694, %dma_start3A_695] : memref<10240x128xf32, #tpu.memory_space<vmem_shared>> -> memref<10240x128xf32, #tpu.memory_space<vmem_shared>>
        tpu.enqueue_indirect_dma source(%dma_start3A_690 : memref<80x128xf32, #tpu.memory_space<vmem>>) target(%dma_start3A_696 : memref<10240x128xf32, #tpu.memory_space<vmem_shared>>) offsets(%dma_start3A_693 : memref<80xi32, #tpu.memory_space<vmem>>) semaphore(%run_scoped3A_686 : memref<!tpu.dma_semaphore, #tpu.memory_space<semaphore_mem>>) {add = true}
        %dma_wait3A_697 = arith.constant 0 : i32
        %dma_wait3A_698 = arith.constant 0 : i32
        %dma_wait3A_699 = tpu.memref_slice %arg12[%run_scoped3A_640, %dma_wait3A_697, %dma_wait3A_698] : memref<2x80x128xf32, #tpu.memory_space<vmem>> -> memref<1x80x128xf32, #tpu.memory_space<vmem>>
        %dma_wait3A_700 = tpu.memref_squeeze %dma_wait3A_699 : memref<1x80x128xf32, #tpu.memory_space<vmem>> -> memref<80x128xf32, #tpu.memory_space<vmem>>
        %dma_wait3A_701 = arith.constant 0 : i32
        %dma_wait3A_702 = tpu.memref_slice %arg11[%run_scoped3A_641, %mul3A_607, %dma_wait3A_701] : memref<2x25x80xi32, #tpu.memory_space<vmem>> -> memref<1x1x80xi32, #tpu.memory_space<vmem>>
        %dma_wait3A_703 = tpu.memref_squeeze %dma_wait3A_702 : memref<1x1x80xi32, #tpu.memory_space<vmem>> -> memref<80xi32, #tpu.memory_space<vmem>>
        %dma_wait3A_704 = arith.constant 0 : i32
        %dma_wait3A_705 = arith.constant 0 : i32
        %dma_wait3A_706 = tpu.memref_slice %arg13[%dma_wait3A_704, %dma_wait3A_705] : memref<10240x128xf32, #tpu.memory_space<vmem_shared>> -> memref<10240x128xf32, #tpu.memory_space<vmem_shared>>
        tpu.wait_indirect_dma semaphore(%run_scoped3A_686 : memref<!tpu.dma_semaphore, #tpu.memory_space<semaphore_mem>>) src(%dma_wait3A_700 : memref<80x128xf32, #tpu.memory_space<vmem>>) dst(%dma_wait3A_706 : memref<10240x128xf32, #tpu.memory_space<vmem_shared>>)
        tpu.yield
      }) : () -> ()
      %add3A_642 = arith.constant 2 : i32
      %add3A_643 = arith.addi %mul3A_607, %add3A_642 : i32
      %lt3A = arith.constant 25 : i32
      %lt3A_644 = arith.cmpi slt, %add3A_643, %lt3A : i32
      %convert_element_type3A = arith.extui %lt3A_644 : i1 to i32
      %cond3A = arith.constant 0 : i32
      %cond3A_645 = arith.cmpi ne, %convert_element_type3A, %cond3A : i32
      scf.if %cond3A_645 {
        %add3A_686 = arith.constant 2 : i32
        %add3A_687 = arith.addi %mul3A_607, %add3A_686 : i32
        %dma_start3A_688 = arith.constant 0 : i32
        %dma_start3A_689 = arith.constant 0 : i32
        %dma_start3A_690 = arith.constant 0 : i32
        %dma_start3A_691 = arith.constant 0 : i32
        %dma_start3A_692 = tpu.memref_slice %arg12[%dma_start3A_689, %dma_start3A_690, %dma_start3A_691] : memref<2x80x128xf32, #tpu.memory_space<vmem>> -> memref<1x80x128xf32, #tpu.memory_space<vmem>>
        %dma_start3A_693 = tpu.memref_squeeze %dma_start3A_692 : memref<1x80x128xf32, #tpu.memory_space<vmem>> -> memref<80x128xf32, #tpu.memory_space<vmem>>
        %dma_start3A_694 = arith.constant 0 : i32
        %dma_start3A_695 = tpu.memref_slice %arg10[%dma_start3A_688, %add3A_687, %dma_start3A_694] : memref<2x25x80xi32, #tpu.memory_space<vmem>> -> memref<1x1x80xi32, #tpu.memory_space<vmem>>
        %dma_start3A_696 = tpu.memref_squeeze %dma_start3A_695 : memref<1x1x80xi32, #tpu.memory_space<vmem>> -> memref<80xi32, #tpu.memory_space<vmem>>
        %dma_start3A_697 = arith.constant 0 : i32
        %dma_start3A_698 = arith.constant 0 : i32
        %dma_start3A_699 = tpu.memref_slice %arg2[%dma_start3A_697, %dma_start3A_698] : memref<10000x128xf32, #tpu.memory_space<hbm>> -> memref<10000x128xf32, #tpu.memory_space<hbm>>
        tpu.enqueue_indirect_dma source(%dma_start3A_699 : memref<10000x128xf32, #tpu.memory_space<hbm>>) target(%dma_start3A_693 : memref<80x128xf32, #tpu.memory_space<vmem>>) offsets(%dma_start3A_696 : memref<80xi32, #tpu.memory_space<vmem>>) semaphore(%arg14 : memref<!tpu.dma_semaphore, #tpu.memory_space<semaphore_mem>>)
      } else {
      }
      %add3A_646 = arith.constant 1 : i32
      %add3A_647 = arith.addi %mul3A_607, %add3A_646 : i32
      %dma_start3A_648 = arith.constant 0 : i32
      %dma_start3A_649 = arith.constant 0 : i32
      %dma_start3A_650 = tpu.memref_slice %arg11[%dma_start3A_648, %add3A_647, %dma_start3A_649] : memref<2x25x80xi32, #tpu.memory_space<vmem>> -> memref<1x1x80xi32, #tpu.memory_space<vmem>>
      %dma_start3A_651 = tpu.memref_squeeze %dma_start3A_650 : memref<1x1x80xi32, #tpu.memory_space<vmem>> -> memref<80xi32, #tpu.memory_space<vmem>>
      %dma_start3A_652 = arith.constant 0 : i32
      %dma_start3A_653 = tpu.memref_slice %arg18[%dma_start3A_652] : memref<10240xf32, #tpu.memory_space<vmem_shared>> -> memref<10240xf32, #tpu.memory_space<vmem_shared>>
      tpu.enqueue_indirect_dma source(%arg17 : memref<80xf32, #tpu.memory_space<vmem>>) target(%dma_start3A_653 : memref<10240xf32, #tpu.memory_space<vmem_shared>>) offsets(%dma_start3A_651 : memref<80xi32, #tpu.memory_space<vmem>>) semaphore(%arg19 : memref<!tpu.dma_semaphore, #tpu.memory_space<semaphore_mem>>) {add = true}
      %add3A_654 = arith.constant 1 : i32
      %add3A_655 = arith.addi %mul3A_607, %add3A_654 : i32
      %dma_wait3A_656 = arith.constant 0 : i32
      %dma_wait3A_657 = arith.constant 1 : i32
      %dma_wait3A_658 = arith.constant 0 : i32
      %dma_wait3A_659 = arith.constant 0 : i32
      %dma_wait3A_660 = tpu.memref_slice %arg12[%dma_wait3A_657, %dma_wait3A_658, %dma_wait3A_659] : memref<2x80x128xf32, #tpu.memory_space<vmem>> -> memref<1x80x128xf32, #tpu.memory_space<vmem>>
      %dma_wait3A_661 = tpu.memref_squeeze %dma_wait3A_660 : memref<1x80x128xf32, #tpu.memory_space<vmem>> -> memref<80x128xf32, #tpu.memory_space<vmem>>
      %dma_wait3A_662 = arith.constant 0 : i32
      %dma_wait3A_663 = tpu.memref_slice %arg10[%dma_wait3A_656, %add3A_655, %dma_wait3A_662] : memref<2x25x80xi32, #tpu.memory_space<vmem>> -> memref<1x1x80xi32, #tpu.memory_space<vmem>>
      %dma_wait3A_664 = tpu.memref_squeeze %dma_wait3A_663 : memref<1x1x80xi32, #tpu.memory_space<vmem>> -> memref<80xi32, #tpu.memory_space<vmem>>
      %dma_wait3A_665 = arith.constant 0 : i32
      %dma_wait3A_666 = arith.constant 0 : i32
      %dma_wait3A_667 = tpu.memref_slice %arg2[%dma_wait3A_665, %dma_wait3A_666] : memref<10000x128xf32, #tpu.memory_space<hbm>> -> memref<10000x128xf32, #tpu.memory_space<hbm>>
      tpu.wait_indirect_dma semaphore(%arg15 : memref<!tpu.dma_semaphore, #tpu.memory_space<semaphore_mem>>) src(%dma_wait3A_667 : memref<10000x128xf32, #tpu.memory_space<hbm>>) dst(%dma_wait3A_661 : memref<80x128xf32, #tpu.memory_space<vmem>>)
      %add3A_668 = arith.constant 1 : i32
      %add3A_669 = arith.addi %mul3A_607, %add3A_668 : i32
      %run_scoped3A_670 = arith.constant 1 : i32
      %run_scoped3A_671 = arith.constant 0 : i32
      "tpu.region"() ({
        %run_scoped3A_686 = tpu.sem_alloc : memref<!tpu.dma_semaphore, #tpu.memory_space<semaphore_mem>>
        %dma_start3A_687 = arith.constant 0 : i32
        %dma_start3A_688 = arith.constant 0 : i32
        %dma_start3A_689 = tpu.memref_slice %arg12[%run_scoped3A_670, %dma_start3A_687, %dma_start3A_688] : memref<2x80x128xf32, #tpu.memory_space<vmem>> -> memref<1x80x128xf32, #tpu.memory_space<vmem>>
        %dma_start3A_690 = tpu.memref_squeeze %dma_start3A_689 : memref<1x80x128xf32, #tpu.memory_space<vmem>> -> memref<80x128xf32, #tpu.memory_space<vmem>>
        %dma_start3A_691 = arith.constant 0 : i32
        %dma_start3A_692 = tpu.memref_slice %arg11[%run_scoped3A_671, %add3A_669, %dma_start3A_691] : memref<2x25x80xi32, #tpu.memory_space<vmem>> -> memref<1x1x80xi32, #tpu.memory_space<vmem>>
        %dma_start3A_693 = tpu.memref_squeeze %dma_start3A_692 : memref<1x1x80xi32, #tpu.memory_space<vmem>> -> memref<80xi32, #tpu.memory_space<vmem>>
        %dma_start3A_694 = arith.constant 0 : i32
        %dma_start3A_695 = arith.constant 0 : i32
        %dma_start3A_696 = tpu.memref_slice %arg13[%dma_start3A_694, %dma_start3A_695] : memref<10240x128xf32, #tpu.memory_space<vmem_shared>> -> memref<10240x128xf32, #tpu.memory_space<vmem_shared>>
        tpu.enqueue_indirect_dma source(%dma_start3A_690 : memref<80x128xf32, #tpu.memory_space<vmem>>) target(%dma_start3A_696 : memref<10240x128xf32, #tpu.memory_space<vmem_shared>>) offsets(%dma_start3A_693 : memref<80xi32, #tpu.memory_space<vmem>>) semaphore(%run_scoped3A_686 : memref<!tpu.dma_semaphore, #tpu.memory_space<semaphore_mem>>) {add = true}
        %dma_wait3A_697 = arith.constant 0 : i32
        %dma_wait3A_698 = arith.constant 0 : i32
        %dma_wait3A_699 = tpu.memref_slice %arg12[%run_scoped3A_670, %dma_wait3A_697, %dma_wait3A_698] : memref<2x80x128xf32, #tpu.memory_space<vmem>> -> memref<1x80x128xf32, #tpu.memory_space<vmem>>
        %dma_wait3A_700 = tpu.memref_squeeze %dma_wait3A_699 : memref<1x80x128xf32, #tpu.memory_space<vmem>> -> memref<80x128xf32, #tpu.memory_space<vmem>>
        %dma_wait3A_701 = arith.constant 0 : i32
        %dma_wait3A_702 = tpu.memref_slice %arg11[%run_scoped3A_671, %add3A_669, %dma_wait3A_701] : memref<2x25x80xi32, #tpu.memory_space<vmem>> -> memref<1x1x80xi32, #tpu.memory_space<vmem>>
        %dma_wait3A_703 = tpu.memref_squeeze %dma_wait3A_702 : memref<1x1x80xi32, #tpu.memory_space<vmem>> -> memref<80xi32, #tpu.memory_space<vmem>>
        %dma_wait3A_704 = arith.constant 0 : i32
        %dma_wait3A_705 = arith.constant 0 : i32
        %dma_wait3A_706 = tpu.memref_slice %arg13[%dma_wait3A_704, %dma_wait3A_705] : memref<10240x128xf32, #tpu.memory_space<vmem_shared>> -> memref<10240x128xf32, #tpu.memory_space<vmem_shared>>
        tpu.wait_indirect_dma semaphore(%run_scoped3A_686 : memref<!tpu.dma_semaphore, #tpu.memory_space<semaphore_mem>>) src(%dma_wait3A_700 : memref<80x128xf32, #tpu.memory_space<vmem>>) dst(%dma_wait3A_706 : memref<10240x128xf32, #tpu.memory_space<vmem_shared>>)
        tpu.yield
      }) : () -> ()
      %dma_wait3A_672 = arith.constant 0 : i32
      %dma_wait3A_673 = arith.constant 0 : i32
      %dma_wait3A_674 = arith.constant 0 : i32
      %dma_wait3A_675 = tpu.memref_slice %arg11[%dma_wait3A_672, %dma_wait3A_673, %dma_wait3A_674] : memref<2x25x80xi32, #tpu.memory_space<vmem>> -> memref<1x1x80xi32, #tpu.memory_space<vmem>>
      %dma_wait3A_676 = tpu.memref_squeeze %dma_wait3A_675 : memref<1x1x80xi32, #tpu.memory_space<vmem>> -> memref<80xi32, #tpu.memory_space<vmem>>
      %dma_wait3A_677 = arith.constant 0 : i32
      %dma_wait3A_678 = tpu.memref_slice %arg18[%dma_wait3A_677] : memref<10240xf32, #tpu.memory_space<vmem_shared>> -> memref<10240xf32, #tpu.memory_space<vmem_shared>>
      tpu.wait_indirect_dma semaphore(%arg19 : memref<!tpu.dma_semaphore, #tpu.memory_space<semaphore_mem>>) src(%arg17 : memref<80xf32, #tpu.memory_space<vmem>>) dst(%dma_wait3A_678 : memref<10240xf32, #tpu.memory_space<vmem_shared>>)
      %dma_wait3A_679 = arith.constant 0 : i32
      %dma_wait3A_680 = arith.constant 0 : i32
      %dma_wait3A_681 = arith.constant 0 : i32
      %dma_wait3A_682 = tpu.memref_slice %arg11[%dma_wait3A_679, %dma_wait3A_680, %dma_wait3A_681] : memref<2x25x80xi32, #tpu.memory_space<vmem>> -> memref<1x1x80xi32, #tpu.memory_space<vmem>>
      %dma_wait3A_683 = tpu.memref_squeeze %dma_wait3A_682 : memref<1x1x80xi32, #tpu.memory_space<vmem>> -> memref<80xi32, #tpu.memory_space<vmem>>
      %dma_wait3A_684 = arith.constant 0 : i32
      %dma_wait3A_685 = tpu.memref_slice %arg18[%dma_wait3A_684] : memref<10240xf32, #tpu.memory_space<vmem_shared>> -> memref<10240xf32, #tpu.memory_space<vmem_shared>>
      tpu.wait_indirect_dma semaphore(%arg19 : memref<!tpu.dma_semaphore, #tpu.memory_space<semaphore_mem>>) src(%arg17 : memref<80xf32, #tpu.memory_space<vmem>>) dst(%dma_wait3A_685 : memref<10240xf32, #tpu.memory_space<vmem_shared>>)
    }
    %scan3A_126 = arith.constant 12 : i32
    %dma_start3A_127 = arith.constant 0 : i32
    %dma_start3A_128 = arith.constant 24 : i32
    %dma_start3A_129 = arith.constant 0 : i32
    %dma_start3A_130 = tpu.memref_slice %arg11[%dma_start3A_127, %dma_start3A_128, %dma_start3A_129] : memref<2x25x80xi32, #tpu.memory_space<vmem>> -> memref<1x1x80xi32, #tpu.memory_space<vmem>>
    %dma_start3A_131 = tpu.memref_squeeze %dma_start3A_130 : memref<1x1x80xi32, #tpu.memory_space<vmem>> -> memref<80xi32, #tpu.memory_space<vmem>>
    %dma_start3A_132 = arith.constant 0 : i32
    %dma_start3A_133 = tpu.memref_slice %arg18[%dma_start3A_132] : memref<10240xf32, #tpu.memory_space<vmem_shared>> -> memref<10240xf32, #tpu.memory_space<vmem_shared>>
    tpu.enqueue_indirect_dma source(%arg17 : memref<80xf32, #tpu.memory_space<vmem>>) target(%dma_start3A_133 : memref<10240xf32, #tpu.memory_space<vmem_shared>>) offsets(%dma_start3A_131 : memref<80xi32, #tpu.memory_space<vmem>>) semaphore(%arg19 : memref<!tpu.dma_semaphore, #tpu.memory_space<semaphore_mem>>) {add = true}
    %dma_wait3A_134 = arith.constant 0 : i32
    %dma_wait3A_135 = arith.constant 24 : i32
    %dma_wait3A_136 = arith.constant 0 : i32
    %dma_wait3A_137 = arith.constant 0 : i32
    %dma_wait3A_138 = arith.constant 0 : i32
    %dma_wait3A_139 = tpu.memref_slice %arg12[%dma_wait3A_136, %dma_wait3A_137, %dma_wait3A_138] : memref<2x80x128xf32, #tpu.memory_space<vmem>> -> memref<1x80x128xf32, #tpu.memory_space<vmem>>
    %dma_wait3A_140 = tpu.memref_squeeze %dma_wait3A_139 : memref<1x80x128xf32, #tpu.memory_space<vmem>> -> memref<80x128xf32, #tpu.memory_space<vmem>>
    %dma_wait3A_141 = arith.constant 0 : i32
    %dma_wait3A_142 = tpu.memref_slice %arg10[%dma_wait3A_134, %dma_wait3A_135, %dma_wait3A_141] : memref<2x25x80xi32, #tpu.memory_space<vmem>> -> memref<1x1x80xi32, #tpu.memory_space<vmem>>
    %dma_wait3A_143 = tpu.memref_squeeze %dma_wait3A_142 : memref<1x1x80xi32, #tpu.memory_space<vmem>> -> memref<80xi32, #tpu.memory_space<vmem>>
    %dma_wait3A_144 = arith.constant 0 : i32
    %dma_wait3A_145 = arith.constant 0 : i32
    %dma_wait3A_146 = tpu.memref_slice %arg2[%dma_wait3A_144, %dma_wait3A_145] : memref<10000x128xf32, #tpu.memory_space<hbm>> -> memref<10000x128xf32, #tpu.memory_space<hbm>>
    tpu.wait_indirect_dma semaphore(%arg14 : memref<!tpu.dma_semaphore, #tpu.memory_space<semaphore_mem>>) src(%dma_wait3A_146 : memref<10000x128xf32, #tpu.memory_space<hbm>>) dst(%dma_wait3A_140 : memref<80x128xf32, #tpu.memory_space<vmem>>)
    %run_scoped3A = arith.constant 0 : i32
    %run_scoped3A_147 = arith.constant 0 : i32
    %run_scoped3A_148 = arith.constant 24 : i32
    "tpu.region"() ({
      %run_scoped3A_605 = tpu.sem_alloc : memref<!tpu.dma_semaphore, #tpu.memory_space<semaphore_mem>>
      %dma_start3A_606 = arith.constant 0 : i32
      %dma_start3A_607 = arith.constant 0 : i32
      %dma_start3A_608 = tpu.memref_slice %arg12[%run_scoped3A, %dma_start3A_606, %dma_start3A_607] : memref<2x80x128xf32, #tpu.memory_space<vmem>> -> memref<1x80x128xf32, #tpu.memory_space<vmem>>
      %dma_start3A_609 = tpu.memref_squeeze %dma_start3A_608 : memref<1x80x128xf32, #tpu.memory_space<vmem>> -> memref<80x128xf32, #tpu.memory_space<vmem>>
      %dma_start3A_610 = arith.constant 0 : i32
      %dma_start3A_611 = tpu.memref_slice %arg11[%run_scoped3A_147, %run_scoped3A_148, %dma_start3A_610] : memref<2x25x80xi32, #tpu.memory_space<vmem>> -> memref<1x1x80xi32, #tpu.memory_space<vmem>>
      %dma_start3A_612 = tpu.memref_squeeze %dma_start3A_611 : memref<1x1x80xi32, #tpu.memory_space<vmem>> -> memref<80xi32, #tpu.memory_space<vmem>>
      %dma_start3A_613 = arith.constant 0 : i32
      %dma_start3A_614 = arith.constant 0 : i32
      %dma_start3A_615 = tpu.memref_slice %arg13[%dma_start3A_613, %dma_start3A_614] : memref<10240x128xf32, #tpu.memory_space<vmem_shared>> -> memref<10240x128xf32, #tpu.memory_space<vmem_shared>>
      tpu.enqueue_indirect_dma source(%dma_start3A_609 : memref<80x128xf32, #tpu.memory_space<vmem>>) target(%dma_start3A_615 : memref<10240x128xf32, #tpu.memory_space<vmem_shared>>) offsets(%dma_start3A_612 : memref<80xi32, #tpu.memory_space<vmem>>) semaphore(%run_scoped3A_605 : memref<!tpu.dma_semaphore, #tpu.memory_space<semaphore_mem>>) {add = true}
      %dma_wait3A_616 = arith.constant 0 : i32
      %dma_wait3A_617 = arith.constant 0 : i32
      %dma_wait3A_618 = tpu.memref_slice %arg12[%run_scoped3A, %dma_wait3A_616, %dma_wait3A_617] : memref<2x80x128xf32, #tpu.memory_space<vmem>> -> memref<1x80x128xf32, #tpu.memory_space<vmem>>
      %dma_wait3A_619 = tpu.memref_squeeze %dma_wait3A_618 : memref<1x80x128xf32, #tpu.memory_space<vmem>> -> memref<80x128xf32, #tpu.memory_space<vmem>>
      %dma_wait3A_620 = arith.constant 0 : i32
      %dma_wait3A_621 = tpu.memref_slice %arg11[%run_scoped3A_147, %run_scoped3A_148, %dma_wait3A_620] : memref<2x25x80xi32, #tpu.memory_space<vmem>> -> memref<1x1x80xi32, #tpu.memory_space<vmem>>
      %dma_wait3A_622 = tpu.memref_squeeze %dma_wait3A_621 : memref<1x1x80xi32, #tpu.memory_space<vmem>> -> memref<80xi32, #tpu.memory_space<vmem>>
      %dma_wait3A_623 = arith.constant 0 : i32
      %dma_wait3A_624 = arith.constant 0 : i32
      %dma_wait3A_625 = tpu.memref_slice %arg13[%dma_wait3A_623, %dma_wait3A_624] : memref<10240x128xf32, #tpu.memory_space<vmem_shared>> -> memref<10240x128xf32, #tpu.memory_space<vmem_shared>>
      tpu.wait_indirect_dma semaphore(%run_scoped3A_605 : memref<!tpu.dma_semaphore, #tpu.memory_space<semaphore_mem>>) src(%dma_wait3A_619 : memref<80x128xf32, #tpu.memory_space<vmem>>) dst(%dma_wait3A_625 : memref<10240x128xf32, #tpu.memory_space<vmem_shared>>)
      tpu.yield
    }) : () -> ()
    %dma_wait3A_149 = arith.constant 0 : i32
    %dma_wait3A_150 = arith.constant 0 : i32
    %dma_wait3A_151 = arith.constant 0 : i32
    %dma_wait3A_152 = tpu.memref_slice %arg11[%dma_wait3A_149, %dma_wait3A_150, %dma_wait3A_151] : memref<2x25x80xi32, #tpu.memory_space<vmem>> -> memref<1x1x80xi32, #tpu.memory_space<vmem>>
    %dma_wait3A_153 = tpu.memref_squeeze %dma_wait3A_152 : memref<1x1x80xi32, #tpu.memory_space<vmem>> -> memref<80xi32, #tpu.memory_space<vmem>>
    %dma_wait3A_154 = arith.constant 0 : i32
    %dma_wait3A_155 = tpu.memref_slice %arg18[%dma_wait3A_154] : memref<10240xf32, #tpu.memory_space<vmem_shared>> -> memref<10240xf32, #tpu.memory_space<vmem_shared>>
    tpu.wait_indirect_dma semaphore(%arg19 : memref<!tpu.dma_semaphore, #tpu.memory_space<semaphore_mem>>) src(%arg17 : memref<80xf32, #tpu.memory_space<vmem>>) dst(%dma_wait3A_155 : memref<10240xf32, #tpu.memory_space<vmem_shared>>)
    %dma_wait3A_156 = arith.constant 1 : i32
    %dma_wait3A_157 = arith.constant 1 : i32
    %dma_wait3A_158 = arith.constant 0 : i32
    %dma_wait3A_159 = arith.constant 0 : i32
    %dma_wait3A_160 = tpu.memref_slice %arg10[%dma_wait3A_157, %dma_wait3A_158, %dma_wait3A_159] : memref<2x25x80xi32, #tpu.memory_space<vmem>> -> memref<1x25x80xi32, #tpu.memory_space<vmem>>
    %dma_wait3A_161 = tpu.memref_squeeze %dma_wait3A_160 : memref<1x25x80xi32, #tpu.memory_space<vmem>> -> memref<25x80xi32, #tpu.memory_space<vmem>>
    %dma_wait3A_162 = arith.constant 0 : i32
    %dma_wait3A_163 = arith.constant 0 : i32
    %dma_wait3A_164 = tpu.memref_slice %arg3[%add3A, %dma_wait3A_156, %dma_wait3A_162, %dma_wait3A_163] : memref<32x5x25x80xi32, #tpu.memory_space<hbm>> -> memref<1x1x25x80xi32, #tpu.memory_space<hbm>>
    %dma_wait3A_165 = tpu.memref_squeeze %dma_wait3A_164 : memref<1x1x25x80xi32, #tpu.memory_space<hbm>> -> memref<25x80xi32, #tpu.memory_space<hbm>>
    %dma_wait3A_166 = arith.constant 0 : i32
    %dma_wait3A_167 = arith.constant 0 : i32
    %dma_wait3A_168 = tpu.memref_slice %arg10[%dma_wait3A_157, %dma_wait3A_166, %dma_wait3A_167] : memref<2x25x80xi32, #tpu.memory_space<vmem>> -> memref<1x25x80xi32, #tpu.memory_space<vmem>>
    %dma_wait3A_169 = tpu.memref_squeeze %dma_wait3A_168 : memref<1x25x80xi32, #tpu.memory_space<vmem>> -> memref<25x80xi32, #tpu.memory_space<vmem>>
    %dma_wait3A_170 = arith.constant 0 : i32
    %dma_wait3A_171 = arith.constant 0 : i32
    %dma_wait3A_172 = tpu.memref_slice %arg3[%add3A, %dma_wait3A_156, %dma_wait3A_170, %dma_wait3A_171] : memref<32x5x25x80xi32, #tpu.memory_space<hbm>> -> memref<1x1x25x80xi32, #tpu.memory_space<hbm>>
    %dma_wait3A_173 = tpu.memref_squeeze %dma_wait3A_172 : memref<1x1x25x80xi32, #tpu.memory_space<hbm>> -> memref<25x80xi32, #tpu.memory_space<hbm>>
    tpu.wait_dma2 semaphore(%arg16 : memref<!tpu.dma_semaphore, #tpu.memory_space<semaphore_mem>>) src(%dma_wait3A_173 : memref<25x80xi32, #tpu.memory_space<hbm>>) dst(%dma_wait3A_169 : memref<25x80xi32, #tpu.memory_space<vmem>>)
    %dma_wait3A_174 = arith.constant 1 : i32
    %dma_wait3A_175 = arith.constant 1 : i32
    %dma_wait3A_176 = arith.constant 0 : i32
    %dma_wait3A_177 = arith.constant 0 : i32
    %dma_wait3A_178 = tpu.memref_slice %arg11[%dma_wait3A_175, %dma_wait3A_176, %dma_wait3A_177] : memref<2x25x80xi32, #tpu.memory_space<vmem>> -> memref<1x25x80xi32, #tpu.memory_space<vmem>>
    %dma_wait3A_179 = tpu.memref_squeeze %dma_wait3A_178 : memref<1x25x80xi32, #tpu.memory_space<vmem>> -> memref<25x80xi32, #tpu.memory_space<vmem>>
    %dma_wait3A_180 = arith.constant 0 : i32
    %dma_wait3A_181 = arith.constant 0 : i32
    %dma_wait3A_182 = tpu.memref_slice %arg4[%add3A, %dma_wait3A_174, %dma_wait3A_180, %dma_wait3A_181] : memref<32x5x25x80xi32, #tpu.memory_space<hbm>> -> memref<1x1x25x80xi32, #tpu.memory_space<hbm>>
    %dma_wait3A_183 = tpu.memref_squeeze %dma_wait3A_182 : memref<1x1x25x80xi32, #tpu.memory_space<hbm>> -> memref<25x80xi32, #tpu.memory_space<hbm>>
    %dma_wait3A_184 = arith.constant 0 : i32
    %dma_wait3A_185 = arith.constant 0 : i32
    %dma_wait3A_186 = tpu.memref_slice %arg11[%dma_wait3A_175, %dma_wait3A_184, %dma_wait3A_185] : memref<2x25x80xi32, #tpu.memory_space<vmem>> -> memref<1x25x80xi32, #tpu.memory_space<vmem>>
    %dma_wait3A_187 = tpu.memref_squeeze %dma_wait3A_186 : memref<1x25x80xi32, #tpu.memory_space<vmem>> -> memref<25x80xi32, #tpu.memory_space<vmem>>
    %dma_wait3A_188 = arith.constant 0 : i32
    %dma_wait3A_189 = arith.constant 0 : i32
    %dma_wait3A_190 = tpu.memref_slice %arg4[%add3A, %dma_wait3A_174, %dma_wait3A_188, %dma_wait3A_189] : memref<32x5x25x80xi32, #tpu.memory_space<hbm>> -> memref<1x1x25x80xi32, #tpu.memory_space<hbm>>
    %dma_wait3A_191 = tpu.memref_squeeze %dma_wait3A_190 : memref<1x1x25x80xi32, #tpu.memory_space<hbm>> -> memref<25x80xi32, #tpu.memory_space<hbm>>
    tpu.wait_dma2 semaphore(%arg16 : memref<!tpu.dma_semaphore, #tpu.memory_space<semaphore_mem>>) src(%dma_wait3A_191 : memref<25x80xi32, #tpu.memory_space<hbm>>) dst(%dma_wait3A_187 : memref<25x80xi32, #tpu.memory_space<vmem>>)
    %dma_start3A_192 = arith.constant 2 : i32
    %dma_start3A_193 = arith.constant 0 : i32
    %dma_start3A_194 = arith.constant 0 : i32
    %dma_start3A_195 = arith.constant 0 : i32
    %dma_start3A_196 = tpu.memref_slice %arg10[%dma_start3A_193, %dma_start3A_194, %dma_start3A_195] : memref<2x25x80xi32, #tpu.memory_space<vmem>> -> memref<1x25x80xi32, #tpu.memory_space<vmem>>
    %dma_start3A_197 = tpu.memref_squeeze %dma_start3A_196 : memref<1x25x80xi32, #tpu.memory_space<vmem>> -> memref<25x80xi32, #tpu.memory_space<vmem>>
    %dma_start3A_198 = arith.constant 0 : i32
    %dma_start3A_199 = arith.constant 0 : i32
    %dma_start3A_200 = tpu.memref_slice %arg3[%add3A, %dma_start3A_192, %dma_start3A_198, %dma_start3A_199] : memref<32x5x25x80xi32, #tpu.memory_space<hbm>> -> memref<1x1x25x80xi32, #tpu.memory_space<hbm>>
    %dma_start3A_201 = tpu.memref_squeeze %dma_start3A_200 : memref<1x1x25x80xi32, #tpu.memory_space<hbm>> -> memref<25x80xi32, #tpu.memory_space<hbm>>
    %dma_start3A_202 = arith.constant 0 : i32
    %dma_start3A_203 = arith.constant 0 : i32
    %dma_start3A_204 = tpu.memref_slice %arg10[%dma_start3A_193, %dma_start3A_202, %dma_start3A_203] : memref<2x25x80xi32, #tpu.memory_space<vmem>> -> memref<1x25x80xi32, #tpu.memory_space<vmem>>
    %dma_start3A_205 = tpu.memref_squeeze %dma_start3A_204 : memref<1x25x80xi32, #tpu.memory_space<vmem>> -> memref<25x80xi32, #tpu.memory_space<vmem>>
    %dma_start3A_206 = arith.constant 0 : i32
    %dma_start3A_207 = arith.constant 0 : i32
    %dma_start3A_208 = tpu.memref_slice %arg3[%add3A, %dma_start3A_192, %dma_start3A_206, %dma_start3A_207] : memref<32x5x25x80xi32, #tpu.memory_space<hbm>> -> memref<1x1x25x80xi32, #tpu.memory_space<hbm>>
    %dma_start3A_209 = tpu.memref_squeeze %dma_start3A_208 : memref<1x1x25x80xi32, #tpu.memory_space<hbm>> -> memref<25x80xi32, #tpu.memory_space<hbm>>
    tpu.enqueue_dma source(%dma_start3A_209 : memref<25x80xi32, #tpu.memory_space<hbm>>) target(%dma_start3A_205 : memref<25x80xi32, #tpu.memory_space<vmem>>) target_semaphore(%arg16 : memref<!tpu.dma_semaphore, #tpu.memory_space<semaphore_mem>>)
    %dma_start3A_210 = arith.constant 2 : i32
    %dma_start3A_211 = arith.constant 0 : i32
    %dma_start3A_212 = arith.constant 0 : i32
    %dma_start3A_213 = arith.constant 0 : i32
    %dma_start3A_214 = tpu.memref_slice %arg11[%dma_start3A_211, %dma_start3A_212, %dma_start3A_213] : memref<2x25x80xi32, #tpu.memory_space<vmem>> -> memref<1x25x80xi32, #tpu.memory_space<vmem>>
    %dma_start3A_215 = tpu.memref_squeeze %dma_start3A_214 : memref<1x25x80xi32, #tpu.memory_space<vmem>> -> memref<25x80xi32, #tpu.memory_space<vmem>>
    %dma_start3A_216 = arith.constant 0 : i32
    %dma_start3A_217 = arith.constant 0 : i32
    %dma_start3A_218 = tpu.memref_slice %arg4[%add3A, %dma_start3A_210, %dma_start3A_216, %dma_start3A_217] : memref<32x5x25x80xi32, #tpu.memory_space<hbm>> -> memref<1x1x25x80xi32, #tpu.memory_space<hbm>>
    %dma_start3A_219 = tpu.memref_squeeze %dma_start3A_218 : memref<1x1x25x80xi32, #tpu.memory_space<hbm>> -> memref<25x80xi32, #tpu.memory_space<hbm>>
    %dma_start3A_220 = arith.constant 0 : i32
    %dma_start3A_221 = arith.constant 0 : i32
    %dma_start3A_222 = tpu.memref_slice %arg11[%dma_start3A_211, %dma_start3A_220, %dma_start3A_221] : memref<2x25x80xi32, #tpu.memory_space<vmem>> -> memref<1x25x80xi32, #tpu.memory_space<vmem>>
    %dma_start3A_223 = tpu.memref_squeeze %dma_start3A_222 : memref<1x25x80xi32, #tpu.memory_space<vmem>> -> memref<25x80xi32, #tpu.memory_space<vmem>>
    %dma_start3A_224 = arith.constant 0 : i32
    %dma_start3A_225 = arith.constant 0 : i32
    %dma_start3A_226 = tpu.memref_slice %arg4[%add3A, %dma_start3A_210, %dma_start3A_224, %dma_start3A_225] : memref<32x5x25x80xi32, #tpu.memory_space<hbm>> -> memref<1x1x25x80xi32, #tpu.memory_space<hbm>>
    %dma_start3A_227 = tpu.memref_squeeze %dma_start3A_226 : memref<1x1x25x80xi32, #tpu.memory_space<hbm>> -> memref<25x80xi32, #tpu.memory_space<hbm>>
    tpu.enqueue_dma source(%dma_start3A_227 : memref<25x80xi32, #tpu.memory_space<hbm>>) target(%dma_start3A_223 : memref<25x80xi32, #tpu.memory_space<vmem>>) target_semaphore(%arg16 : memref<!tpu.dma_semaphore, #tpu.memory_space<semaphore_mem>>)
    %dma_start3A_228 = arith.constant 1 : i32
    %dma_start3A_229 = arith.constant 0 : i32
    %dma_start3A_230 = arith.constant 0 : i32
    %dma_start3A_231 = arith.constant 0 : i32
    %dma_start3A_232 = arith.constant 0 : i32
    %dma_start3A_233 = tpu.memref_slice %arg12[%dma_start3A_230, %dma_start3A_231, %dma_start3A_232] : memref<2x80x128xf32, #tpu.memory_space<vmem>> -> memref<1x80x128xf32, #tpu.memory_space<vmem>>
    %dma_start3A_234 = tpu.memref_squeeze %dma_start3A_233 : memref<1x80x128xf32, #tpu.memory_space<vmem>> -> memref<80x128xf32, #tpu.memory_space<vmem>>
    %dma_start3A_235 = arith.constant 0 : i32
    %dma_start3A_236 = tpu.memref_slice %arg10[%dma_start3A_228, %dma_start3A_229, %dma_start3A_235] : memref<2x25x80xi32, #tpu.memory_space<vmem>> -> memref<1x1x80xi32, #tpu.memory_space<vmem>>
    %dma_start3A_237 = tpu.memref_squeeze %dma_start3A_236 : memref<1x1x80xi32, #tpu.memory_space<vmem>> -> memref<80xi32, #tpu.memory_space<vmem>>
    %dma_start3A_238 = arith.constant 0 : i32
    %dma_start3A_239 = arith.constant 0 : i32
    %dma_start3A_240 = tpu.memref_slice %arg2[%dma_start3A_238, %dma_start3A_239] : memref<10000x128xf32, #tpu.memory_space<hbm>> -> memref<10000x128xf32, #tpu.memory_space<hbm>>
    tpu.enqueue_indirect_dma source(%dma_start3A_240 : memref<10000x128xf32, #tpu.memory_space<hbm>>) target(%dma_start3A_234 : memref<80x128xf32, #tpu.memory_space<vmem>>) offsets(%dma_start3A_237 : memref<80xi32, #tpu.memory_space<vmem>>) semaphore(%arg14 : memref<!tpu.dma_semaphore, #tpu.memory_space<semaphore_mem>>)
    %scan3A_241 = arith.constant 0 : i32
    %scan3A_242 = arith.constant 0 : i32
    %scan3A_243 = arith.constant 12 : i32
    %scan3A_244 = arith.addi %scan3A_242, %scan3A_243 : i32
    %scan3A_245 = arith.constant 1 : i32
    scf.for %scan3A_605 = %scan3A_242 to %scan3A_244 step %scan3A_245  : i32 {
      %mul3A_606 = arith.constant 2 : i32
      %mul3A_607 = arith.muli %mul3A_606, %scan3A_605 : i32
      %add3A_608 = arith.constant 1 : i32
      %add3A_609 = arith.addi %mul3A_607, %add3A_608 : i32
      %dma_start3A_610 = arith.constant 1 : i32
      %dma_start3A_611 = arith.constant 1 : i32
      %dma_start3A_612 = arith.constant 0 : i32
      %dma_start3A_613 = arith.constant 0 : i32
      %dma_start3A_614 = tpu.memref_slice %arg12[%dma_start3A_611, %dma_start3A_612, %dma_start3A_613] : memref<2x80x128xf32, #tpu.memory_space<vmem>> -> memref<1x80x128xf32, #tpu.memory_space<vmem>>
      %dma_start3A_615 = tpu.memref_squeeze %dma_start3A_614 : memref<1x80x128xf32, #tpu.memory_space<vmem>> -> memref<80x128xf32, #tpu.memory_space<vmem>>
      %dma_start3A_616 = arith.constant 0 : i32
      %dma_start3A_617 = tpu.memref_slice %arg10[%dma_start3A_610, %add3A_609, %dma_start3A_616] : memref<2x25x80xi32, #tpu.memory_space<vmem>> -> memref<1x1x80xi32, #tpu.memory_space<vmem>>
      %dma_start3A_618 = tpu.memref_squeeze %dma_start3A_617 : memref<1x1x80xi32, #tpu.memory_space<vmem>> -> memref<80xi32, #tpu.memory_space<vmem>>
      %dma_start3A_619 = arith.constant 0 : i32
      %dma_start3A_620 = arith.constant 0 : i32
      %dma_start3A_621 = tpu.memref_slice %arg2[%dma_start3A_619, %dma_start3A_620] : memref<10000x128xf32, #tpu.memory_space<hbm>> -> memref<10000x128xf32, #tpu.memory_space<hbm>>
      tpu.enqueue_indirect_dma source(%dma_start3A_621 : memref<10000x128xf32, #tpu.memory_space<hbm>>) target(%dma_start3A_615 : memref<80x128xf32, #tpu.memory_space<vmem>>) offsets(%dma_start3A_618 : memref<80xi32, #tpu.memory_space<vmem>>) semaphore(%arg15 : memref<!tpu.dma_semaphore, #tpu.memory_space<semaphore_mem>>)
      %dma_start3A_622 = arith.constant 1 : i32
      %dma_start3A_623 = arith.constant 0 : i32
      %dma_start3A_624 = tpu.memref_slice %arg11[%dma_start3A_622, %mul3A_607, %dma_start3A_623] : memref<2x25x80xi32, #tpu.memory_space<vmem>> -> memref<1x1x80xi32, #tpu.memory_space<vmem>>
      %dma_start3A_625 = tpu.memref_squeeze %dma_start3A_624 : memref<1x1x80xi32, #tpu.memory_space<vmem>> -> memref<80xi32, #tpu.memory_space<vmem>>
      %dma_start3A_626 = arith.constant 0 : i32
      %dma_start3A_627 = tpu.memref_slice %arg18[%dma_start3A_626] : memref<10240xf32, #tpu.memory_space<vmem_shared>> -> memref<10240xf32, #tpu.memory_space<vmem_shared>>
      tpu.enqueue_indirect_dma source(%arg17 : memref<80xf32, #tpu.memory_space<vmem>>) target(%dma_start3A_627 : memref<10240xf32, #tpu.memory_space<vmem_shared>>) offsets(%dma_start3A_625 : memref<80xi32, #tpu.memory_space<vmem>>) semaphore(%arg19 : memref<!tpu.dma_semaphore, #tpu.memory_space<semaphore_mem>>) {add = true}
      %dma_wait3A_628 = arith.constant 1 : i32
      %dma_wait3A_629 = arith.constant 0 : i32
      %dma_wait3A_630 = arith.constant 0 : i32
      %dma_wait3A_631 = arith.constant 0 : i32
      %dma_wait3A_632 = tpu.memref_slice %arg12[%dma_wait3A_629, %dma_wait3A_630, %dma_wait3A_631] : memref<2x80x128xf32, #tpu.memory_space<vmem>> -> memref<1x80x128xf32, #tpu.memory_space<vmem>>
      %dma_wait3A_633 = tpu.memref_squeeze %dma_wait3A_632 : memref<1x80x128xf32, #tpu.memory_space<vmem>> -> memref<80x128xf32, #tpu.memory_space<vmem>>
      %dma_wait3A_634 = arith.constant 0 : i32
      %dma_wait3A_635 = tpu.memref_slice %arg10[%dma_wait3A_628, %mul3A_607, %dma_wait3A_634] : memref<2x25x80xi32, #tpu.memory_space<vmem>> -> memref<1x1x80xi32, #tpu.memory_space<vmem>>
      %dma_wait3A_636 = tpu.memref_squeeze %dma_wait3A_635 : memref<1x1x80xi32, #tpu.memory_space<vmem>> -> memref<80xi32, #tpu.memory_space<vmem>>
      %dma_wait3A_637 = arith.constant 0 : i32
      %dma_wait3A_638 = arith.constant 0 : i32
      %dma_wait3A_639 = tpu.memref_slice %arg2[%dma_wait3A_637, %dma_wait3A_638] : memref<10000x128xf32, #tpu.memory_space<hbm>> -> memref<10000x128xf32, #tpu.memory_space<hbm>>
      tpu.wait_indirect_dma semaphore(%arg14 : memref<!tpu.dma_semaphore, #tpu.memory_space<semaphore_mem>>) src(%dma_wait3A_639 : memref<10000x128xf32, #tpu.memory_space<hbm>>) dst(%dma_wait3A_633 : memref<80x128xf32, #tpu.memory_space<vmem>>)
      %run_scoped3A_640 = arith.constant 0 : i32
      %run_scoped3A_641 = arith.constant 1 : i32
      "tpu.region"() ({
        %run_scoped3A_686 = tpu.sem_alloc : memref<!tpu.dma_semaphore, #tpu.memory_space<semaphore_mem>>
        %dma_start3A_687 = arith.constant 0 : i32
        %dma_start3A_688 = arith.constant 0 : i32
        %dma_start3A_689 = tpu.memref_slice %arg12[%run_scoped3A_640, %dma_start3A_687, %dma_start3A_688] : memref<2x80x128xf32, #tpu.memory_space<vmem>> -> memref<1x80x128xf32, #tpu.memory_space<vmem>>
        %dma_start3A_690 = tpu.memref_squeeze %dma_start3A_689 : memref<1x80x128xf32, #tpu.memory_space<vmem>> -> memref<80x128xf32, #tpu.memory_space<vmem>>
        %dma_start3A_691 = arith.constant 0 : i32
        %dma_start3A_692 = tpu.memref_slice %arg11[%run_scoped3A_641, %mul3A_607, %dma_start3A_691] : memref<2x25x80xi32, #tpu.memory_space<vmem>> -> memref<1x1x80xi32, #tpu.memory_space<vmem>>
        %dma_start3A_693 = tpu.memref_squeeze %dma_start3A_692 : memref<1x1x80xi32, #tpu.memory_space<vmem>> -> memref<80xi32, #tpu.memory_space<vmem>>
        %dma_start3A_694 = arith.constant 0 : i32
        %dma_start3A_695 = arith.constant 0 : i32
        %dma_start3A_696 = tpu.memref_slice %arg13[%dma_start3A_694, %dma_start3A_695] : memref<10240x128xf32, #tpu.memory_space<vmem_shared>> -> memref<10240x128xf32, #tpu.memory_space<vmem_shared>>
        tpu.enqueue_indirect_dma source(%dma_start3A_690 : memref<80x128xf32, #tpu.memory_space<vmem>>) target(%dma_start3A_696 : memref<10240x128xf32, #tpu.memory_space<vmem_shared>>) offsets(%dma_start3A_693 : memref<80xi32, #tpu.memory_space<vmem>>) semaphore(%run_scoped3A_686 : memref<!tpu.dma_semaphore, #tpu.memory_space<semaphore_mem>>) {add = true}
        %dma_wait3A_697 = arith.constant 0 : i32
        %dma_wait3A_698 = arith.constant 0 : i32
        %dma_wait3A_699 = tpu.memref_slice %arg12[%run_scoped3A_640, %dma_wait3A_697, %dma_wait3A_698] : memref<2x80x128xf32, #tpu.memory_space<vmem>> -> memref<1x80x128xf32, #tpu.memory_space<vmem>>
        %dma_wait3A_700 = tpu.memref_squeeze %dma_wait3A_699 : memref<1x80x128xf32, #tpu.memory_space<vmem>> -> memref<80x128xf32, #tpu.memory_space<vmem>>
        %dma_wait3A_701 = arith.constant 0 : i32
        %dma_wait3A_702 = tpu.memref_slice %arg11[%run_scoped3A_641, %mul3A_607, %dma_wait3A_701] : memref<2x25x80xi32, #tpu.memory_space<vmem>> -> memref<1x1x80xi32, #tpu.memory_space<vmem>>
        %dma_wait3A_703 = tpu.memref_squeeze %dma_wait3A_702 : memref<1x1x80xi32, #tpu.memory_space<vmem>> -> memref<80xi32, #tpu.memory_space<vmem>>
        %dma_wait3A_704 = arith.constant 0 : i32
        %dma_wait3A_705 = arith.constant 0 : i32
        %dma_wait3A_706 = tpu.memref_slice %arg13[%dma_wait3A_704, %dma_wait3A_705] : memref<10240x128xf32, #tpu.memory_space<vmem_shared>> -> memref<10240x128xf32, #tpu.memory_space<vmem_shared>>
        tpu.wait_indirect_dma semaphore(%run_scoped3A_686 : memref<!tpu.dma_semaphore, #tpu.memory_space<semaphore_mem>>) src(%dma_wait3A_700 : memref<80x128xf32, #tpu.memory_space<vmem>>) dst(%dma_wait3A_706 : memref<10240x128xf32, #tpu.memory_space<vmem_shared>>)
        tpu.yield
      }) : () -> ()
      %add3A_642 = arith.constant 2 : i32
      %add3A_643 = arith.addi %mul3A_607, %add3A_642 : i32
      %lt3A = arith.constant 25 : i32
      %lt3A_644 = arith.cmpi slt, %add3A_643, %lt3A : i32
      %convert_element_type3A = arith.extui %lt3A_644 : i1 to i32
      %cond3A = arith.constant 0 : i32
      %cond3A_645 = arith.cmpi ne, %convert_element_type3A, %cond3A : i32
      scf.if %cond3A_645 {
        %add3A_686 = arith.constant 2 : i32
        %add3A_687 = arith.addi %mul3A_607, %add3A_686 : i32
        %dma_start3A_688 = arith.constant 1 : i32
        %dma_start3A_689 = arith.constant 0 : i32
        %dma_start3A_690 = arith.constant 0 : i32
        %dma_start3A_691 = arith.constant 0 : i32
        %dma_start3A_692 = tpu.memref_slice %arg12[%dma_start3A_689, %dma_start3A_690, %dma_start3A_691] : memref<2x80x128xf32, #tpu.memory_space<vmem>> -> memref<1x80x128xf32, #tpu.memory_space<vmem>>
        %dma_start3A_693 = tpu.memref_squeeze %dma_start3A_692 : memref<1x80x128xf32, #tpu.memory_space<vmem>> -> memref<80x128xf32, #tpu.memory_space<vmem>>
        %dma_start3A_694 = arith.constant 0 : i32
        %dma_start3A_695 = tpu.memref_slice %arg10[%dma_start3A_688, %add3A_687, %dma_start3A_694] : memref<2x25x80xi32, #tpu.memory_space<vmem>> -> memref<1x1x80xi32, #tpu.memory_space<vmem>>
        %dma_start3A_696 = tpu.memref_squeeze %dma_start3A_695 : memref<1x1x80xi32, #tpu.memory_space<vmem>> -> memref<80xi32, #tpu.memory_space<vmem>>
        %dma_start3A_697 = arith.constant 0 : i32
        %dma_start3A_698 = arith.constant 0 : i32
        %dma_start3A_699 = tpu.memref_slice %arg2[%dma_start3A_697, %dma_start3A_698] : memref<10000x128xf32, #tpu.memory_space<hbm>> -> memref<10000x128xf32, #tpu.memory_space<hbm>>
        tpu.enqueue_indirect_dma source(%dma_start3A_699 : memref<10000x128xf32, #tpu.memory_space<hbm>>) target(%dma_start3A_693 : memref<80x128xf32, #tpu.memory_space<vmem>>) offsets(%dma_start3A_696 : memref<80xi32, #tpu.memory_space<vmem>>) semaphore(%arg14 : memref<!tpu.dma_semaphore, #tpu.memory_space<semaphore_mem>>)
      } else {
      }
      %add3A_646 = arith.constant 1 : i32
      %add3A_647 = arith.addi %mul3A_607, %add3A_646 : i32
      %dma_start3A_648 = arith.constant 1 : i32
      %dma_start3A_649 = arith.constant 0 : i32
      %dma_start3A_650 = tpu.memref_slice %arg11[%dma_start3A_648, %add3A_647, %dma_start3A_649] : memref<2x25x80xi32, #tpu.memory_space<vmem>> -> memref<1x1x80xi32, #tpu.memory_space<vmem>>
      %dma_start3A_651 = tpu.memref_squeeze %dma_start3A_650 : memref<1x1x80xi32, #tpu.memory_space<vmem>> -> memref<80xi32, #tpu.memory_space<vmem>>
      %dma_start3A_652 = arith.constant 0 : i32
      %dma_start3A_653 = tpu.memref_slice %arg18[%dma_start3A_652] : memref<10240xf32, #tpu.memory_space<vmem_shared>> -> memref<10240xf32, #tpu.memory_space<vmem_shared>>
      tpu.enqueue_indirect_dma source(%arg17 : memref<80xf32, #tpu.memory_space<vmem>>) target(%dma_start3A_653 : memref<10240xf32, #tpu.memory_space<vmem_shared>>) offsets(%dma_start3A_651 : memref<80xi32, #tpu.memory_space<vmem>>) semaphore(%arg19 : memref<!tpu.dma_semaphore, #tpu.memory_space<semaphore_mem>>) {add = true}
      %add3A_654 = arith.constant 1 : i32
      %add3A_655 = arith.addi %mul3A_607, %add3A_654 : i32
      %dma_wait3A_656 = arith.constant 1 : i32
      %dma_wait3A_657 = arith.constant 1 : i32
      %dma_wait3A_658 = arith.constant 0 : i32
      %dma_wait3A_659 = arith.constant 0 : i32
      %dma_wait3A_660 = tpu.memref_slice %arg12[%dma_wait3A_657, %dma_wait3A_658, %dma_wait3A_659] : memref<2x80x128xf32, #tpu.memory_space<vmem>> -> memref<1x80x128xf32, #tpu.memory_space<vmem>>
      %dma_wait3A_661 = tpu.memref_squeeze %dma_wait3A_660 : memref<1x80x128xf32, #tpu.memory_space<vmem>> -> memref<80x128xf32, #tpu.memory_space<vmem>>
      %dma_wait3A_662 = arith.constant 0 : i32
      %dma_wait3A_663 = tpu.memref_slice %arg10[%dma_wait3A_656, %add3A_655, %dma_wait3A_662] : memref<2x25x80xi32, #tpu.memory_space<vmem>> -> memref<1x1x80xi32, #tpu.memory_space<vmem>>
      %dma_wait3A_664 = tpu.memref_squeeze %dma_wait3A_663 : memref<1x1x80xi32, #tpu.memory_space<vmem>> -> memref<80xi32, #tpu.memory_space<vmem>>
      %dma_wait3A_665 = arith.constant 0 : i32
      %dma_wait3A_666 = arith.constant 0 : i32
      %dma_wait3A_667 = tpu.memref_slice %arg2[%dma_wait3A_665, %dma_wait3A_666] : memref<10000x128xf32, #tpu.memory_space<hbm>> -> memref<10000x128xf32, #tpu.memory_space<hbm>>
      tpu.wait_indirect_dma semaphore(%arg15 : memref<!tpu.dma_semaphore, #tpu.memory_space<semaphore_mem>>) src(%dma_wait3A_667 : memref<10000x128xf32, #tpu.memory_space<hbm>>) dst(%dma_wait3A_661 : memref<80x128xf32, #tpu.memory_space<vmem>>)
      %add3A_668 = arith.constant 1 : i32
      %add3A_669 = arith.addi %mul3A_607, %add3A_668 : i32
      %run_scoped3A_670 = arith.constant 1 : i32
      %run_scoped3A_671 = arith.constant 1 : i32
      "tpu.region"() ({
        %run_scoped3A_686 = tpu.sem_alloc : memref<!tpu.dma_semaphore, #tpu.memory_space<semaphore_mem>>
        %dma_start3A_687 = arith.constant 0 : i32
        %dma_start3A_688 = arith.constant 0 : i32
        %dma_start3A_689 = tpu.memref_slice %arg12[%run_scoped3A_670, %dma_start3A_687, %dma_start3A_688] : memref<2x80x128xf32, #tpu.memory_space<vmem>> -> memref<1x80x128xf32, #tpu.memory_space<vmem>>
        %dma_start3A_690 = tpu.memref_squeeze %dma_start3A_689 : memref<1x80x128xf32, #tpu.memory_space<vmem>> -> memref<80x128xf32, #tpu.memory_space<vmem>>
        %dma_start3A_691 = arith.constant 0 : i32
        %dma_start3A_692 = tpu.memref_slice %arg11[%run_scoped3A_671, %add3A_669, %dma_start3A_691] : memref<2x25x80xi32, #tpu.memory_space<vmem>> -> memref<1x1x80xi32, #tpu.memory_space<vmem>>
        %dma_start3A_693 = tpu.memref_squeeze %dma_start3A_692 : memref<1x1x80xi32, #tpu.memory_space<vmem>> -> memref<80xi32, #tpu.memory_space<vmem>>
        %dma_start3A_694 = arith.constant 0 : i32
        %dma_start3A_695 = arith.constant 0 : i32
        %dma_start3A_696 = tpu.memref_slice %arg13[%dma_start3A_694, %dma_start3A_695] : memref<10240x128xf32, #tpu.memory_space<vmem_shared>> -> memref<10240x128xf32, #tpu.memory_space<vmem_shared>>
        tpu.enqueue_indirect_dma source(%dma_start3A_690 : memref<80x128xf32, #tpu.memory_space<vmem>>) target(%dma_start3A_696 : memref<10240x128xf32, #tpu.memory_space<vmem_shared>>) offsets(%dma_start3A_693 : memref<80xi32, #tpu.memory_space<vmem>>) semaphore(%run_scoped3A_686 : memref<!tpu.dma_semaphore, #tpu.memory_space<semaphore_mem>>) {add = true}
        %dma_wait3A_697 = arith.constant 0 : i32
        %dma_wait3A_698 = arith.constant 0 : i32
        %dma_wait3A_699 = tpu.memref_slice %arg12[%run_scoped3A_670, %dma_wait3A_697, %dma_wait3A_698] : memref<2x80x128xf32, #tpu.memory_space<vmem>> -> memref<1x80x128xf32, #tpu.memory_space<vmem>>
        %dma_wait3A_700 = tpu.memref_squeeze %dma_wait3A_699 : memref<1x80x128xf32, #tpu.memory_space<vmem>> -> memref<80x128xf32, #tpu.memory_space<vmem>>
        %dma_wait3A_701 = arith.constant 0 : i32
        %dma_wait3A_702 = tpu.memref_slice %arg11[%run_scoped3A_671, %add3A_669, %dma_wait3A_701] : memref<2x25x80xi32, #tpu.memory_space<vmem>> -> memref<1x1x80xi32, #tpu.memory_space<vmem>>
        %dma_wait3A_703 = tpu.memref_squeeze %dma_wait3A_702 : memref<1x1x80xi32, #tpu.memory_space<vmem>> -> memref<80xi32, #tpu.memory_space<vmem>>
        %dma_wait3A_704 = arith.constant 0 : i32
        %dma_wait3A_705 = arith.constant 0 : i32
        %dma_wait3A_706 = tpu.memref_slice %arg13[%dma_wait3A_704, %dma_wait3A_705] : memref<10240x128xf32, #tpu.memory_space<vmem_shared>> -> memref<10240x128xf32, #tpu.memory_space<vmem_shared>>
        tpu.wait_indirect_dma semaphore(%run_scoped3A_686 : memref<!tpu.dma_semaphore, #tpu.memory_space<semaphore_mem>>) src(%dma_wait3A_700 : memref<80x128xf32, #tpu.memory_space<vmem>>) dst(%dma_wait3A_706 : memref<10240x128xf32, #tpu.memory_space<vmem_shared>>)
        tpu.yield
      }) : () -> ()
      %dma_wait3A_672 = arith.constant 1 : i32
      %dma_wait3A_673 = arith.constant 0 : i32
      %dma_wait3A_674 = arith.constant 0 : i32
      %dma_wait3A_675 = tpu.memref_slice %arg11[%dma_wait3A_672, %dma_wait3A_673, %dma_wait3A_674] : memref<2x25x80xi32, #tpu.memory_space<vmem>> -> memref<1x1x80xi32, #tpu.memory_space<vmem>>
      %dma_wait3A_676 = tpu.memref_squeeze %dma_wait3A_675 : memref<1x1x80xi32, #tpu.memory_space<vmem>> -> memref<80xi32, #tpu.memory_space<vmem>>
      %dma_wait3A_677 = arith.constant 0 : i32
      %dma_wait3A_678 = tpu.memref_slice %arg18[%dma_wait3A_677] : memref<10240xf32, #tpu.memory_space<vmem_shared>> -> memref<10240xf32, #tpu.memory_space<vmem_shared>>
      tpu.wait_indirect_dma semaphore(%arg19 : memref<!tpu.dma_semaphore, #tpu.memory_space<semaphore_mem>>) src(%arg17 : memref<80xf32, #tpu.memory_space<vmem>>) dst(%dma_wait3A_678 : memref<10240xf32, #tpu.memory_space<vmem_shared>>)
      %dma_wait3A_679 = arith.constant 1 : i32
      %dma_wait3A_680 = arith.constant 0 : i32
      %dma_wait3A_681 = arith.constant 0 : i32
      %dma_wait3A_682 = tpu.memref_slice %arg11[%dma_wait3A_679, %dma_wait3A_680, %dma_wait3A_681] : memref<2x25x80xi32, #tpu.memory_space<vmem>> -> memref<1x1x80xi32, #tpu.memory_space<vmem>>
      %dma_wait3A_683 = tpu.memref_squeeze %dma_wait3A_682 : memref<1x1x80xi32, #tpu.memory_space<vmem>> -> memref<80xi32, #tpu.memory_space<vmem>>
      %dma_wait3A_684 = arith.constant 0 : i32
      %dma_wait3A_685 = tpu.memref_slice %arg18[%dma_wait3A_684] : memref<10240xf32, #tpu.memory_space<vmem_shared>> -> memref<10240xf32, #tpu.memory_space<vmem_shared>>
      tpu.wait_indirect_dma semaphore(%arg19 : memref<!tpu.dma_semaphore, #tpu.memory_space<semaphore_mem>>) src(%arg17 : memref<80xf32, #tpu.memory_space<vmem>>) dst(%dma_wait3A_685 : memref<10240xf32, #tpu.memory_space<vmem_shared>>)
    }
    %scan3A_246 = arith.constant 12 : i32
    %dma_start3A_247 = arith.constant 1 : i32
    %dma_start3A_248 = arith.constant 24 : i32
    %dma_start3A_249 = arith.constant 0 : i32
    %dma_start3A_250 = tpu.memref_slice %arg11[%dma_start3A_247, %dma_start3A_248, %dma_start3A_249] : memref<2x25x80xi32, #tpu.memory_space<vmem>> -> memref<1x1x80xi32, #tpu.memory_space<vmem>>
    %dma_start3A_251 = tpu.memref_squeeze %dma_start3A_250 : memref<1x1x80xi32, #tpu.memory_space<vmem>> -> memref<80xi32, #tpu.memory_space<vmem>>
    %dma_start3A_252 = arith.constant 0 : i32
    %dma_start3A_253 = tpu.memref_slice %arg18[%dma_start3A_252] : memref<10240xf32, #tpu.memory_space<vmem_shared>> -> memref<10240xf32, #tpu.memory_space<vmem_shared>>
    tpu.enqueue_indirect_dma source(%arg17 : memref<80xf32, #tpu.memory_space<vmem>>) target(%dma_start3A_253 : memref<10240xf32, #tpu.memory_space<vmem_shared>>) offsets(%dma_start3A_251 : memref<80xi32, #tpu.memory_space<vmem>>) semaphore(%arg19 : memref<!tpu.dma_semaphore, #tpu.memory_space<semaphore_mem>>) {add = true}
    %dma_wait3A_254 = arith.constant 1 : i32
    %dma_wait3A_255 = arith.constant 24 : i32
    %dma_wait3A_256 = arith.constant 0 : i32
    %dma_wait3A_257 = arith.constant 0 : i32
    %dma_wait3A_258 = arith.constant 0 : i32
    %dma_wait3A_259 = tpu.memref_slice %arg12[%dma_wait3A_256, %dma_wait3A_257, %dma_wait3A_258] : memref<2x80x128xf32, #tpu.memory_space<vmem>> -> memref<1x80x128xf32, #tpu.memory_space<vmem>>
    %dma_wait3A_260 = tpu.memref_squeeze %dma_wait3A_259 : memref<1x80x128xf32, #tpu.memory_space<vmem>> -> memref<80x128xf32, #tpu.memory_space<vmem>>
    %dma_wait3A_261 = arith.constant 0 : i32
    %dma_wait3A_262 = tpu.memref_slice %arg10[%dma_wait3A_254, %dma_wait3A_255, %dma_wait3A_261] : memref<2x25x80xi32, #tpu.memory_space<vmem>> -> memref<1x1x80xi32, #tpu.memory_space<vmem>>
    %dma_wait3A_263 = tpu.memref_squeeze %dma_wait3A_262 : memref<1x1x80xi32, #tpu.memory_space<vmem>> -> memref<80xi32, #tpu.memory_space<vmem>>
    %dma_wait3A_264 = arith.constant 0 : i32
    %dma_wait3A_265 = arith.constant 0 : i32
    %dma_wait3A_266 = tpu.memref_slice %arg2[%dma_wait3A_264, %dma_wait3A_265] : memref<10000x128xf32, #tpu.memory_space<hbm>> -> memref<10000x128xf32, #tpu.memory_space<hbm>>
    tpu.wait_indirect_dma semaphore(%arg14 : memref<!tpu.dma_semaphore, #tpu.memory_space<semaphore_mem>>) src(%dma_wait3A_266 : memref<10000x128xf32, #tpu.memory_space<hbm>>) dst(%dma_wait3A_260 : memref<80x128xf32, #tpu.memory_space<vmem>>)
    %run_scoped3A_267 = arith.constant 0 : i32
    %run_scoped3A_268 = arith.constant 1 : i32
    %run_scoped3A_269 = arith.constant 24 : i32
    "tpu.region"() ({
      %run_scoped3A_605 = tpu.sem_alloc : memref<!tpu.dma_semaphore, #tpu.memory_space<semaphore_mem>>
      %dma_start3A_606 = arith.constant 0 : i32
      %dma_start3A_607 = arith.constant 0 : i32
      %dma_start3A_608 = tpu.memref_slice %arg12[%run_scoped3A_267, %dma_start3A_606, %dma_start3A_607] : memref<2x80x128xf32, #tpu.memory_space<vmem>> -> memref<1x80x128xf32, #tpu.memory_space<vmem>>
      %dma_start3A_609 = tpu.memref_squeeze %dma_start3A_608 : memref<1x80x128xf32, #tpu.memory_space<vmem>> -> memref<80x128xf32, #tpu.memory_space<vmem>>
      %dma_start3A_610 = arith.constant 0 : i32
      %dma_start3A_611 = tpu.memref_slice %arg11[%run_scoped3A_268, %run_scoped3A_269, %dma_start3A_610] : memref<2x25x80xi32, #tpu.memory_space<vmem>> -> memref<1x1x80xi32, #tpu.memory_space<vmem>>
      %dma_start3A_612 = tpu.memref_squeeze %dma_start3A_611 : memref<1x1x80xi32, #tpu.memory_space<vmem>> -> memref<80xi32, #tpu.memory_space<vmem>>
      %dma_start3A_613 = arith.constant 0 : i32
      %dma_start3A_614 = arith.constant 0 : i32
      %dma_start3A_615 = tpu.memref_slice %arg13[%dma_start3A_613, %dma_start3A_614] : memref<10240x128xf32, #tpu.memory_space<vmem_shared>> -> memref<10240x128xf32, #tpu.memory_space<vmem_shared>>
      tpu.enqueue_indirect_dma source(%dma_start3A_609 : memref<80x128xf32, #tpu.memory_space<vmem>>) target(%dma_start3A_615 : memref<10240x128xf32, #tpu.memory_space<vmem_shared>>) offsets(%dma_start3A_612 : memref<80xi32, #tpu.memory_space<vmem>>) semaphore(%run_scoped3A_605 : memref<!tpu.dma_semaphore, #tpu.memory_space<semaphore_mem>>) {add = true}
      %dma_wait3A_616 = arith.constant 0 : i32
      %dma_wait3A_617 = arith.constant 0 : i32
      %dma_wait3A_618 = tpu.memref_slice %arg12[%run_scoped3A_267, %dma_wait3A_616, %dma_wait3A_617] : memref<2x80x128xf32, #tpu.memory_space<vmem>> -> memref<1x80x128xf32, #tpu.memory_space<vmem>>
      %dma_wait3A_619 = tpu.memref_squeeze %dma_wait3A_618 : memref<1x80x128xf32, #tpu.memory_space<vmem>> -> memref<80x128xf32, #tpu.memory_space<vmem>>
      %dma_wait3A_620 = arith.constant 0 : i32
      %dma_wait3A_621 = tpu.memref_slice %arg11[%run_scoped3A_268, %run_scoped3A_269, %dma_wait3A_620] : memref<2x25x80xi32, #tpu.memory_space<vmem>> -> memref<1x1x80xi32, #tpu.memory_space<vmem>>
      %dma_wait3A_622 = tpu.memref_squeeze %dma_wait3A_621 : memref<1x1x80xi32, #tpu.memory_space<vmem>> -> memref<80xi32, #tpu.memory_space<vmem>>
      %dma_wait3A_623 = arith.constant 0 : i32
      %dma_wait3A_624 = arith.constant 0 : i32
      %dma_wait3A_625 = tpu.memref_slice %arg13[%dma_wait3A_623, %dma_wait3A_624] : memref<10240x128xf32, #tpu.memory_space<vmem_shared>> -> memref<10240x128xf32, #tpu.memory_space<vmem_shared>>
      tpu.wait_indirect_dma semaphore(%run_scoped3A_605 : memref<!tpu.dma_semaphore, #tpu.memory_space<semaphore_mem>>) src(%dma_wait3A_619 : memref<80x128xf32, #tpu.memory_space<vmem>>) dst(%dma_wait3A_625 : memref<10240x128xf32, #tpu.memory_space<vmem_shared>>)
      tpu.yield
    }) : () -> ()
    %dma_wait3A_270 = arith.constant 1 : i32
    %dma_wait3A_271 = arith.constant 0 : i32
    %dma_wait3A_272 = arith.constant 0 : i32
    %dma_wait3A_273 = tpu.memref_slice %arg11[%dma_wait3A_270, %dma_wait3A_271, %dma_wait3A_272] : memref<2x25x80xi32, #tpu.memory_space<vmem>> -> memref<1x1x80xi32, #tpu.memory_space<vmem>>
    %dma_wait3A_274 = tpu.memref_squeeze %dma_wait3A_273 : memref<1x1x80xi32, #tpu.memory_space<vmem>> -> memref<80xi32, #tpu.memory_space<vmem>>
    %dma_wait3A_275 = arith.constant 0 : i32
    %dma_wait3A_276 = tpu.memref_slice %arg18[%dma_wait3A_275] : memref<10240xf32, #tpu.memory_space<vmem_shared>> -> memref<10240xf32, #tpu.memory_space<vmem_shared>>
    tpu.wait_indirect_dma semaphore(%arg19 : memref<!tpu.dma_semaphore, #tpu.memory_space<semaphore_mem>>) src(%arg17 : memref<80xf32, #tpu.memory_space<vmem>>) dst(%dma_wait3A_276 : memref<10240xf32, #tpu.memory_space<vmem_shared>>)
    %dma_wait3A_277 = arith.constant 2 : i32
    %dma_wait3A_278 = arith.constant 0 : i32
    %dma_wait3A_279 = arith.constant 0 : i32
    %dma_wait3A_280 = arith.constant 0 : i32
    %dma_wait3A_281 = tpu.memref_slice %arg10[%dma_wait3A_278, %dma_wait3A_279, %dma_wait3A_280] : memref<2x25x80xi32, #tpu.memory_space<vmem>> -> memref<1x25x80xi32, #tpu.memory_space<vmem>>
    %dma_wait3A_282 = tpu.memref_squeeze %dma_wait3A_281 : memref<1x25x80xi32, #tpu.memory_space<vmem>> -> memref<25x80xi32, #tpu.memory_space<vmem>>
    %dma_wait3A_283 = arith.constant 0 : i32
    %dma_wait3A_284 = arith.constant 0 : i32
    %dma_wait3A_285 = tpu.memref_slice %arg3[%add3A, %dma_wait3A_277, %dma_wait3A_283, %dma_wait3A_284] : memref<32x5x25x80xi32, #tpu.memory_space<hbm>> -> memref<1x1x25x80xi32, #tpu.memory_space<hbm>>
    %dma_wait3A_286 = tpu.memref_squeeze %dma_wait3A_285 : memref<1x1x25x80xi32, #tpu.memory_space<hbm>> -> memref<25x80xi32, #tpu.memory_space<hbm>>
    %dma_wait3A_287 = arith.constant 0 : i32
    %dma_wait3A_288 = arith.constant 0 : i32
    %dma_wait3A_289 = tpu.memref_slice %arg10[%dma_wait3A_278, %dma_wait3A_287, %dma_wait3A_288] : memref<2x25x80xi32, #tpu.memory_space<vmem>> -> memref<1x25x80xi32, #tpu.memory_space<vmem>>
    %dma_wait3A_290 = tpu.memref_squeeze %dma_wait3A_289 : memref<1x25x80xi32, #tpu.memory_space<vmem>> -> memref<25x80xi32, #tpu.memory_space<vmem>>
    %dma_wait3A_291 = arith.constant 0 : i32
    %dma_wait3A_292 = arith.constant 0 : i32
    %dma_wait3A_293 = tpu.memref_slice %arg3[%add3A, %dma_wait3A_277, %dma_wait3A_291, %dma_wait3A_292] : memref<32x5x25x80xi32, #tpu.memory_space<hbm>> -> memref<1x1x25x80xi32, #tpu.memory_space<hbm>>
    %dma_wait3A_294 = tpu.memref_squeeze %dma_wait3A_293 : memref<1x1x25x80xi32, #tpu.memory_space<hbm>> -> memref<25x80xi32, #tpu.memory_space<hbm>>
    tpu.wait_dma2 semaphore(%arg16 : memref<!tpu.dma_semaphore, #tpu.memory_space<semaphore_mem>>) src(%dma_wait3A_294 : memref<25x80xi32, #tpu.memory_space<hbm>>) dst(%dma_wait3A_290 : memref<25x80xi32, #tpu.memory_space<vmem>>)
    %dma_wait3A_295 = arith.constant 2 : i32
    %dma_wait3A_296 = arith.constant 0 : i32
    %dma_wait3A_297 = arith.constant 0 : i32
    %dma_wait3A_298 = arith.constant 0 : i32
    %dma_wait3A_299 = tpu.memref_slice %arg11[%dma_wait3A_296, %dma_wait3A_297, %dma_wait3A_298] : memref<2x25x80xi32, #tpu.memory_space<vmem>> -> memref<1x25x80xi32, #tpu.memory_space<vmem>>
    %dma_wait3A_300 = tpu.memref_squeeze %dma_wait3A_299 : memref<1x25x80xi32, #tpu.memory_space<vmem>> -> memref<25x80xi32, #tpu.memory_space<vmem>>
    %dma_wait3A_301 = arith.constant 0 : i32
    %dma_wait3A_302 = arith.constant 0 : i32
    %dma_wait3A_303 = tpu.memref_slice %arg4[%add3A, %dma_wait3A_295, %dma_wait3A_301, %dma_wait3A_302] : memref<32x5x25x80xi32, #tpu.memory_space<hbm>> -> memref<1x1x25x80xi32, #tpu.memory_space<hbm>>
    %dma_wait3A_304 = tpu.memref_squeeze %dma_wait3A_303 : memref<1x1x25x80xi32, #tpu.memory_space<hbm>> -> memref<25x80xi32, #tpu.memory_space<hbm>>
    %dma_wait3A_305 = arith.constant 0 : i32
    %dma_wait3A_306 = arith.constant 0 : i32
    %dma_wait3A_307 = tpu.memref_slice %arg11[%dma_wait3A_296, %dma_wait3A_305, %dma_wait3A_306] : memref<2x25x80xi32, #tpu.memory_space<vmem>> -> memref<1x25x80xi32, #tpu.memory_space<vmem>>
    %dma_wait3A_308 = tpu.memref_squeeze %dma_wait3A_307 : memref<1x25x80xi32, #tpu.memory_space<vmem>> -> memref<25x80xi32, #tpu.memory_space<vmem>>
    %dma_wait3A_309 = arith.constant 0 : i32
    %dma_wait3A_310 = arith.constant 0 : i32
    %dma_wait3A_311 = tpu.memref_slice %arg4[%add3A, %dma_wait3A_295, %dma_wait3A_309, %dma_wait3A_310] : memref<32x5x25x80xi32, #tpu.memory_space<hbm>> -> memref<1x1x25x80xi32, #tpu.memory_space<hbm>>
    %dma_wait3A_312 = tpu.memref_squeeze %dma_wait3A_311 : memref<1x1x25x80xi32, #tpu.memory_space<hbm>> -> memref<25x80xi32, #tpu.memory_space<hbm>>
    tpu.wait_dma2 semaphore(%arg16 : memref<!tpu.dma_semaphore, #tpu.memory_space<semaphore_mem>>) src(%dma_wait3A_312 : memref<25x80xi32, #tpu.memory_space<hbm>>) dst(%dma_wait3A_308 : memref<25x80xi32, #tpu.memory_space<vmem>>)
    %dma_start3A_313 = arith.constant 3 : i32
    %dma_start3A_314 = arith.constant 1 : i32
    %dma_start3A_315 = arith.constant 0 : i32
    %dma_start3A_316 = arith.constant 0 : i32
    %dma_start3A_317 = tpu.memref_slice %arg10[%dma_start3A_314, %dma_start3A_315, %dma_start3A_316] : memref<2x25x80xi32, #tpu.memory_space<vmem>> -> memref<1x25x80xi32, #tpu.memory_space<vmem>>
    %dma_start3A_318 = tpu.memref_squeeze %dma_start3A_317 : memref<1x25x80xi32, #tpu.memory_space<vmem>> -> memref<25x80xi32, #tpu.memory_space<vmem>>
    %dma_start3A_319 = arith.constant 0 : i32
    %dma_start3A_320 = arith.constant 0 : i32
    %dma_start3A_321 = tpu.memref_slice %arg3[%add3A, %dma_start3A_313, %dma_start3A_319, %dma_start3A_320] : memref<32x5x25x80xi32, #tpu.memory_space<hbm>> -> memref<1x1x25x80xi32, #tpu.memory_space<hbm>>
    %dma_start3A_322 = tpu.memref_squeeze %dma_start3A_321 : memref<1x1x25x80xi32, #tpu.memory_space<hbm>> -> memref<25x80xi32, #tpu.memory_space<hbm>>
    %dma_start3A_323 = arith.constant 0 : i32
    %dma_start3A_324 = arith.constant 0 : i32
    %dma_start3A_325 = tpu.memref_slice %arg10[%dma_start3A_314, %dma_start3A_323, %dma_start3A_324] : memref<2x25x80xi32, #tpu.memory_space<vmem>> -> memref<1x25x80xi32, #tpu.memory_space<vmem>>
    %dma_start3A_326 = tpu.memref_squeeze %dma_start3A_325 : memref<1x25x80xi32, #tpu.memory_space<vmem>> -> memref<25x80xi32, #tpu.memory_space<vmem>>
    %dma_start3A_327 = arith.constant 0 : i32
    %dma_start3A_328 = arith.constant 0 : i32
    %dma_start3A_329 = tpu.memref_slice %arg3[%add3A, %dma_start3A_313, %dma_start3A_327, %dma_start3A_328] : memref<32x5x25x80xi32, #tpu.memory_space<hbm>> -> memref<1x1x25x80xi32, #tpu.memory_space<hbm>>
    %dma_start3A_330 = tpu.memref_squeeze %dma_start3A_329 : memref<1x1x25x80xi32, #tpu.memory_space<hbm>> -> memref<25x80xi32, #tpu.memory_space<hbm>>
    tpu.enqueue_dma source(%dma_start3A_330 : memref<25x80xi32, #tpu.memory_space<hbm>>) target(%dma_start3A_326 : memref<25x80xi32, #tpu.memory_space<vmem>>) target_semaphore(%arg16 : memref<!tpu.dma_semaphore, #tpu.memory_space<semaphore_mem>>)
    %dma_start3A_331 = arith.constant 3 : i32
    %dma_start3A_332 = arith.constant 1 : i32
    %dma_start3A_333 = arith.constant 0 : i32
    %dma_start3A_334 = arith.constant 0 : i32
    %dma_start3A_335 = tpu.memref_slice %arg11[%dma_start3A_332, %dma_start3A_333, %dma_start3A_334] : memref<2x25x80xi32, #tpu.memory_space<vmem>> -> memref<1x25x80xi32, #tpu.memory_space<vmem>>
    %dma_start3A_336 = tpu.memref_squeeze %dma_start3A_335 : memref<1x25x80xi32, #tpu.memory_space<vmem>> -> memref<25x80xi32, #tpu.memory_space<vmem>>
    %dma_start3A_337 = arith.constant 0 : i32
    %dma_start3A_338 = arith.constant 0 : i32
    %dma_start3A_339 = tpu.memref_slice %arg4[%add3A, %dma_start3A_331, %dma_start3A_337, %dma_start3A_338] : memref<32x5x25x80xi32, #tpu.memory_space<hbm>> -> memref<1x1x25x80xi32, #tpu.memory_space<hbm>>
    %dma_start3A_340 = tpu.memref_squeeze %dma_start3A_339 : memref<1x1x25x80xi32, #tpu.memory_space<hbm>> -> memref<25x80xi32, #tpu.memory_space<hbm>>
    %dma_start3A_341 = arith.constant 0 : i32
    %dma_start3A_342 = arith.constant 0 : i32
    %dma_start3A_343 = tpu.memref_slice %arg11[%dma_start3A_332, %dma_start3A_341, %dma_start3A_342] : memref<2x25x80xi32, #tpu.memory_space<vmem>> -> memref<1x25x80xi32, #tpu.memory_space<vmem>>
    %dma_start3A_344 = tpu.memref_squeeze %dma_start3A_343 : memref<1x25x80xi32, #tpu.memory_space<vmem>> -> memref<25x80xi32, #tpu.memory_space<vmem>>
    %dma_start3A_345 = arith.constant 0 : i32
    %dma_start3A_346 = arith.constant 0 : i32
    %dma_start3A_347 = tpu.memref_slice %arg4[%add3A, %dma_start3A_331, %dma_start3A_345, %dma_start3A_346] : memref<32x5x25x80xi32, #tpu.memory_space<hbm>> -> memref<1x1x25x80xi32, #tpu.memory_space<hbm>>
    %dma_start3A_348 = tpu.memref_squeeze %dma_start3A_347 : memref<1x1x25x80xi32, #tpu.memory_space<hbm>> -> memref<25x80xi32, #tpu.memory_space<hbm>>
    tpu.enqueue_dma source(%dma_start3A_348 : memref<25x80xi32, #tpu.memory_space<hbm>>) target(%dma_start3A_344 : memref<25x80xi32, #tpu.memory_space<vmem>>) target_semaphore(%arg16 : memref<!tpu.dma_semaphore, #tpu.memory_space<semaphore_mem>>)
    %dma_start3A_349 = arith.constant 0 : i32
    %dma_start3A_350 = arith.constant 0 : i32
    %dma_start3A_351 = arith.constant 0 : i32
    %dma_start3A_352 = arith.constant 0 : i32
    %dma_start3A_353 = arith.constant 0 : i32
    %dma_start3A_354 = tpu.memref_slice %arg12[%dma_start3A_351, %dma_start3A_352, %dma_start3A_353] : memref<2x80x128xf32, #tpu.memory_space<vmem>> -> memref<1x80x128xf32, #tpu.memory_space<vmem>>
    %dma_start3A_355 = tpu.memref_squeeze %dma_start3A_354 : memref<1x80x128xf32, #tpu.memory_space<vmem>> -> memref<80x128xf32, #tpu.memory_space<vmem>>
    %dma_start3A_356 = arith.constant 0 : i32
    %dma_start3A_357 = tpu.memref_slice %arg10[%dma_start3A_349, %dma_start3A_350, %dma_start3A_356] : memref<2x25x80xi32, #tpu.memory_space<vmem>> -> memref<1x1x80xi32, #tpu.memory_space<vmem>>
    %dma_start3A_358 = tpu.memref_squeeze %dma_start3A_357 : memref<1x1x80xi32, #tpu.memory_space<vmem>> -> memref<80xi32, #tpu.memory_space<vmem>>
    %dma_start3A_359 = arith.constant 0 : i32
    %dma_start3A_360 = arith.constant 0 : i32
    %dma_start3A_361 = tpu.memref_slice %arg2[%dma_start3A_359, %dma_start3A_360] : memref<10000x128xf32, #tpu.memory_space<hbm>> -> memref<10000x128xf32, #tpu.memory_space<hbm>>
    tpu.enqueue_indirect_dma source(%dma_start3A_361 : memref<10000x128xf32, #tpu.memory_space<hbm>>) target(%dma_start3A_355 : memref<80x128xf32, #tpu.memory_space<vmem>>) offsets(%dma_start3A_358 : memref<80xi32, #tpu.memory_space<vmem>>) semaphore(%arg14 : memref<!tpu.dma_semaphore, #tpu.memory_space<semaphore_mem>>)
    %scan3A_362 = arith.constant 0 : i32
    %scan3A_363 = arith.constant 0 : i32
    %scan3A_364 = arith.constant 12 : i32
    %scan3A_365 = arith.addi %scan3A_363, %scan3A_364 : i32
    %scan3A_366 = arith.constant 1 : i32
    scf.for %scan3A_605 = %scan3A_363 to %scan3A_365 step %scan3A_366  : i32 {
      %mul3A_606 = arith.constant 2 : i32
      %mul3A_607 = arith.muli %mul3A_606, %scan3A_605 : i32
      %add3A_608 = arith.constant 1 : i32
      %add3A_609 = arith.addi %mul3A_607, %add3A_608 : i32
      %dma_start3A_610 = arith.constant 0 : i32
      %dma_start3A_611 = arith.constant 1 : i32
      %dma_start3A_612 = arith.constant 0 : i32
      %dma_start3A_613 = arith.constant 0 : i32
      %dma_start3A_614 = tpu.memref_slice %arg12[%dma_start3A_611, %dma_start3A_612, %dma_start3A_613] : memref<2x80x128xf32, #tpu.memory_space<vmem>> -> memref<1x80x128xf32, #tpu.memory_space<vmem>>
      %dma_start3A_615 = tpu.memref_squeeze %dma_start3A_614 : memref<1x80x128xf32, #tpu.memory_space<vmem>> -> memref<80x128xf32, #tpu.memory_space<vmem>>
      %dma_start3A_616 = arith.constant 0 : i32
      %dma_start3A_617 = tpu.memref_slice %arg10[%dma_start3A_610, %add3A_609, %dma_start3A_616] : memref<2x25x80xi32, #tpu.memory_space<vmem>> -> memref<1x1x80xi32, #tpu.memory_space<vmem>>
      %dma_start3A_618 = tpu.memref_squeeze %dma_start3A_617 : memref<1x1x80xi32, #tpu.memory_space<vmem>> -> memref<80xi32, #tpu.memory_space<vmem>>
      %dma_start3A_619 = arith.constant 0 : i32
      %dma_start3A_620 = arith.constant 0 : i32
      %dma_start3A_621 = tpu.memref_slice %arg2[%dma_start3A_619, %dma_start3A_620] : memref<10000x128xf32, #tpu.memory_space<hbm>> -> memref<10000x128xf32, #tpu.memory_space<hbm>>
      tpu.enqueue_indirect_dma source(%dma_start3A_621 : memref<10000x128xf32, #tpu.memory_space<hbm>>) target(%dma_start3A_615 : memref<80x128xf32, #tpu.memory_space<vmem>>) offsets(%dma_start3A_618 : memref<80xi32, #tpu.memory_space<vmem>>) semaphore(%arg15 : memref<!tpu.dma_semaphore, #tpu.memory_space<semaphore_mem>>)
      %dma_start3A_622 = arith.constant 0 : i32
      %dma_start3A_623 = arith.constant 0 : i32
      %dma_start3A_624 = tpu.memref_slice %arg11[%dma_start3A_622, %mul3A_607, %dma_start3A_623] : memref<2x25x80xi32, #tpu.memory_space<vmem>> -> memref<1x1x80xi32, #tpu.memory_space<vmem>>
      %dma_start3A_625 = tpu.memref_squeeze %dma_start3A_624 : memref<1x1x80xi32, #tpu.memory_space<vmem>> -> memref<80xi32, #tpu.memory_space<vmem>>
      %dma_start3A_626 = arith.constant 0 : i32
      %dma_start3A_627 = tpu.memref_slice %arg18[%dma_start3A_626] : memref<10240xf32, #tpu.memory_space<vmem_shared>> -> memref<10240xf32, #tpu.memory_space<vmem_shared>>
      tpu.enqueue_indirect_dma source(%arg17 : memref<80xf32, #tpu.memory_space<vmem>>) target(%dma_start3A_627 : memref<10240xf32, #tpu.memory_space<vmem_shared>>) offsets(%dma_start3A_625 : memref<80xi32, #tpu.memory_space<vmem>>) semaphore(%arg19 : memref<!tpu.dma_semaphore, #tpu.memory_space<semaphore_mem>>) {add = true}
      %dma_wait3A_628 = arith.constant 0 : i32
      %dma_wait3A_629 = arith.constant 0 : i32
      %dma_wait3A_630 = arith.constant 0 : i32
      %dma_wait3A_631 = arith.constant 0 : i32
      %dma_wait3A_632 = tpu.memref_slice %arg12[%dma_wait3A_629, %dma_wait3A_630, %dma_wait3A_631] : memref<2x80x128xf32, #tpu.memory_space<vmem>> -> memref<1x80x128xf32, #tpu.memory_space<vmem>>
      %dma_wait3A_633 = tpu.memref_squeeze %dma_wait3A_632 : memref<1x80x128xf32, #tpu.memory_space<vmem>> -> memref<80x128xf32, #tpu.memory_space<vmem>>
      %dma_wait3A_634 = arith.constant 0 : i32
      %dma_wait3A_635 = tpu.memref_slice %arg10[%dma_wait3A_628, %mul3A_607, %dma_wait3A_634] : memref<2x25x80xi32, #tpu.memory_space<vmem>> -> memref<1x1x80xi32, #tpu.memory_space<vmem>>
      %dma_wait3A_636 = tpu.memref_squeeze %dma_wait3A_635 : memref<1x1x80xi32, #tpu.memory_space<vmem>> -> memref<80xi32, #tpu.memory_space<vmem>>
      %dma_wait3A_637 = arith.constant 0 : i32
      %dma_wait3A_638 = arith.constant 0 : i32
      %dma_wait3A_639 = tpu.memref_slice %arg2[%dma_wait3A_637, %dma_wait3A_638] : memref<10000x128xf32, #tpu.memory_space<hbm>> -> memref<10000x128xf32, #tpu.memory_space<hbm>>
      tpu.wait_indirect_dma semaphore(%arg14 : memref<!tpu.dma_semaphore, #tpu.memory_space<semaphore_mem>>) src(%dma_wait3A_639 : memref<10000x128xf32, #tpu.memory_space<hbm>>) dst(%dma_wait3A_633 : memref<80x128xf32, #tpu.memory_space<vmem>>)
      %run_scoped3A_640 = arith.constant 0 : i32
      %run_scoped3A_641 = arith.constant 0 : i32
      "tpu.region"() ({
        %run_scoped3A_686 = tpu.sem_alloc : memref<!tpu.dma_semaphore, #tpu.memory_space<semaphore_mem>>
        %dma_start3A_687 = arith.constant 0 : i32
        %dma_start3A_688 = arith.constant 0 : i32
        %dma_start3A_689 = tpu.memref_slice %arg12[%run_scoped3A_640, %dma_start3A_687, %dma_start3A_688] : memref<2x80x128xf32, #tpu.memory_space<vmem>> -> memref<1x80x128xf32, #tpu.memory_space<vmem>>
        %dma_start3A_690 = tpu.memref_squeeze %dma_start3A_689 : memref<1x80x128xf32, #tpu.memory_space<vmem>> -> memref<80x128xf32, #tpu.memory_space<vmem>>
        %dma_start3A_691 = arith.constant 0 : i32
        %dma_start3A_692 = tpu.memref_slice %arg11[%run_scoped3A_641, %mul3A_607, %dma_start3A_691] : memref<2x25x80xi32, #tpu.memory_space<vmem>> -> memref<1x1x80xi32, #tpu.memory_space<vmem>>
        %dma_start3A_693 = tpu.memref_squeeze %dma_start3A_692 : memref<1x1x80xi32, #tpu.memory_space<vmem>> -> memref<80xi32, #tpu.memory_space<vmem>>
        %dma_start3A_694 = arith.constant 0 : i32
        %dma_start3A_695 = arith.constant 0 : i32
        %dma_start3A_696 = tpu.memref_slice %arg13[%dma_start3A_694, %dma_start3A_695] : memref<10240x128xf32, #tpu.memory_space<vmem_shared>> -> memref<10240x128xf32, #tpu.memory_space<vmem_shared>>
        tpu.enqueue_indirect_dma source(%dma_start3A_690 : memref<80x128xf32, #tpu.memory_space<vmem>>) target(%dma_start3A_696 : memref<10240x128xf32, #tpu.memory_space<vmem_shared>>) offsets(%dma_start3A_693 : memref<80xi32, #tpu.memory_space<vmem>>) semaphore(%run_scoped3A_686 : memref<!tpu.dma_semaphore, #tpu.memory_space<semaphore_mem>>) {add = true}
        %dma_wait3A_697 = arith.constant 0 : i32
        %dma_wait3A_698 = arith.constant 0 : i32
        %dma_wait3A_699 = tpu.memref_slice %arg12[%run_scoped3A_640, %dma_wait3A_697, %dma_wait3A_698] : memref<2x80x128xf32, #tpu.memory_space<vmem>> -> memref<1x80x128xf32, #tpu.memory_space<vmem>>
        %dma_wait3A_700 = tpu.memref_squeeze %dma_wait3A_699 : memref<1x80x128xf32, #tpu.memory_space<vmem>> -> memref<80x128xf32, #tpu.memory_space<vmem>>
        %dma_wait3A_701 = arith.constant 0 : i32
        %dma_wait3A_702 = tpu.memref_slice %arg11[%run_scoped3A_641, %mul3A_607, %dma_wait3A_701] : memref<2x25x80xi32, #tpu.memory_space<vmem>> -> memref<1x1x80xi32, #tpu.memory_space<vmem>>
        %dma_wait3A_703 = tpu.memref_squeeze %dma_wait3A_702 : memref<1x1x80xi32, #tpu.memory_space<vmem>> -> memref<80xi32, #tpu.memory_space<vmem>>
        %dma_wait3A_704 = arith.constant 0 : i32
        %dma_wait3A_705 = arith.constant 0 : i32
        %dma_wait3A_706 = tpu.memref_slice %arg13[%dma_wait3A_704, %dma_wait3A_705] : memref<10240x128xf32, #tpu.memory_space<vmem_shared>> -> memref<10240x128xf32, #tpu.memory_space<vmem_shared>>
        tpu.wait_indirect_dma semaphore(%run_scoped3A_686 : memref<!tpu.dma_semaphore, #tpu.memory_space<semaphore_mem>>) src(%dma_wait3A_700 : memref<80x128xf32, #tpu.memory_space<vmem>>) dst(%dma_wait3A_706 : memref<10240x128xf32, #tpu.memory_space<vmem_shared>>)
        tpu.yield
      }) : () -> ()
      %add3A_642 = arith.constant 2 : i32
      %add3A_643 = arith.addi %mul3A_607, %add3A_642 : i32
      %lt3A = arith.constant 25 : i32
      %lt3A_644 = arith.cmpi slt, %add3A_643, %lt3A : i32
      %convert_element_type3A = arith.extui %lt3A_644 : i1 to i32
      %cond3A = arith.constant 0 : i32
      %cond3A_645 = arith.cmpi ne, %convert_element_type3A, %cond3A : i32
      scf.if %cond3A_645 {
        %add3A_686 = arith.constant 2 : i32
        %add3A_687 = arith.addi %mul3A_607, %add3A_686 : i32
        %dma_start3A_688 = arith.constant 0 : i32
        %dma_start3A_689 = arith.constant 0 : i32
        %dma_start3A_690 = arith.constant 0 : i32
        %dma_start3A_691 = arith.constant 0 : i32
        %dma_start3A_692 = tpu.memref_slice %arg12[%dma_start3A_689, %dma_start3A_690, %dma_start3A_691] : memref<2x80x128xf32, #tpu.memory_space<vmem>> -> memref<1x80x128xf32, #tpu.memory_space<vmem>>
        %dma_start3A_693 = tpu.memref_squeeze %dma_start3A_692 : memref<1x80x128xf32, #tpu.memory_space<vmem>> -> memref<80x128xf32, #tpu.memory_space<vmem>>
        %dma_start3A_694 = arith.constant 0 : i32
        %dma_start3A_695 = tpu.memref_slice %arg10[%dma_start3A_688, %add3A_687, %dma_start3A_694] : memref<2x25x80xi32, #tpu.memory_space<vmem>> -> memref<1x1x80xi32, #tpu.memory_space<vmem>>
        %dma_start3A_696 = tpu.memref_squeeze %dma_start3A_695 : memref<1x1x80xi32, #tpu.memory_space<vmem>> -> memref<80xi32, #tpu.memory_space<vmem>>
        %dma_start3A_697 = arith.constant 0 : i32
        %dma_start3A_698 = arith.constant 0 : i32
        %dma_start3A_699 = tpu.memref_slice %arg2[%dma_start3A_697, %dma_start3A_698] : memref<10000x128xf32, #tpu.memory_space<hbm>> -> memref<10000x128xf32, #tpu.memory_space<hbm>>
        tpu.enqueue_indirect_dma source(%dma_start3A_699 : memref<10000x128xf32, #tpu.memory_space<hbm>>) target(%dma_start3A_693 : memref<80x128xf32, #tpu.memory_space<vmem>>) offsets(%dma_start3A_696 : memref<80xi32, #tpu.memory_space<vmem>>) semaphore(%arg14 : memref<!tpu.dma_semaphore, #tpu.memory_space<semaphore_mem>>)
      } else {
      }
      %add3A_646 = arith.constant 1 : i32
      %add3A_647 = arith.addi %mul3A_607, %add3A_646 : i32
      %dma_start3A_648 = arith.constant 0 : i32
      %dma_start3A_649 = arith.constant 0 : i32
      %dma_start3A_650 = tpu.memref_slice %arg11[%dma_start3A_648, %add3A_647, %dma_start3A_649] : memref<2x25x80xi32, #tpu.memory_space<vmem>> -> memref<1x1x80xi32, #tpu.memory_space<vmem>>
      %dma_start3A_651 = tpu.memref_squeeze %dma_start3A_650 : memref<1x1x80xi32, #tpu.memory_space<vmem>> -> memref<80xi32, #tpu.memory_space<vmem>>
      %dma_start3A_652 = arith.constant 0 : i32
      %dma_start3A_653 = tpu.memref_slice %arg18[%dma_start3A_652] : memref<10240xf32, #tpu.memory_space<vmem_shared>> -> memref<10240xf32, #tpu.memory_space<vmem_shared>>
      tpu.enqueue_indirect_dma source(%arg17 : memref<80xf32, #tpu.memory_space<vmem>>) target(%dma_start3A_653 : memref<10240xf32, #tpu.memory_space<vmem_shared>>) offsets(%dma_start3A_651 : memref<80xi32, #tpu.memory_space<vmem>>) semaphore(%arg19 : memref<!tpu.dma_semaphore, #tpu.memory_space<semaphore_mem>>) {add = true}
      %add3A_654 = arith.constant 1 : i32
      %add3A_655 = arith.addi %mul3A_607, %add3A_654 : i32
      %dma_wait3A_656 = arith.constant 0 : i32
      %dma_wait3A_657 = arith.constant 1 : i32
      %dma_wait3A_658 = arith.constant 0 : i32
      %dma_wait3A_659 = arith.constant 0 : i32
      %dma_wait3A_660 = tpu.memref_slice %arg12[%dma_wait3A_657, %dma_wait3A_658, %dma_wait3A_659] : memref<2x80x128xf32, #tpu.memory_space<vmem>> -> memref<1x80x128xf32, #tpu.memory_space<vmem>>
      %dma_wait3A_661 = tpu.memref_squeeze %dma_wait3A_660 : memref<1x80x128xf32, #tpu.memory_space<vmem>> -> memref<80x128xf32, #tpu.memory_space<vmem>>
      %dma_wait3A_662 = arith.constant 0 : i32
      %dma_wait3A_663 = tpu.memref_slice %arg10[%dma_wait3A_656, %add3A_655, %dma_wait3A_662] : memref<2x25x80xi32, #tpu.memory_space<vmem>> -> memref<1x1x80xi32, #tpu.memory_space<vmem>>
      %dma_wait3A_664 = tpu.memref_squeeze %dma_wait3A_663 : memref<1x1x80xi32, #tpu.memory_space<vmem>> -> memref<80xi32, #tpu.memory_space<vmem>>
      %dma_wait3A_665 = arith.constant 0 : i32
      %dma_wait3A_666 = arith.constant 0 : i32
      %dma_wait3A_667 = tpu.memref_slice %arg2[%dma_wait3A_665, %dma_wait3A_666] : memref<10000x128xf32, #tpu.memory_space<hbm>> -> memref<10000x128xf32, #tpu.memory_space<hbm>>
      tpu.wait_indirect_dma semaphore(%arg15 : memref<!tpu.dma_semaphore, #tpu.memory_space<semaphore_mem>>) src(%dma_wait3A_667 : memref<10000x128xf32, #tpu.memory_space<hbm>>) dst(%dma_wait3A_661 : memref<80x128xf32, #tpu.memory_space<vmem>>)
      %add3A_668 = arith.constant 1 : i32
      %add3A_669 = arith.addi %mul3A_607, %add3A_668 : i32
      %run_scoped3A_670 = arith.constant 1 : i32
      %run_scoped3A_671 = arith.constant 0 : i32
      "tpu.region"() ({
        %run_scoped3A_686 = tpu.sem_alloc : memref<!tpu.dma_semaphore, #tpu.memory_space<semaphore_mem>>
        %dma_start3A_687 = arith.constant 0 : i32
        %dma_start3A_688 = arith.constant 0 : i32
        %dma_start3A_689 = tpu.memref_slice %arg12[%run_scoped3A_670, %dma_start3A_687, %dma_start3A_688] : memref<2x80x128xf32, #tpu.memory_space<vmem>> -> memref<1x80x128xf32, #tpu.memory_space<vmem>>
        %dma_start3A_690 = tpu.memref_squeeze %dma_start3A_689 : memref<1x80x128xf32, #tpu.memory_space<vmem>> -> memref<80x128xf32, #tpu.memory_space<vmem>>
        %dma_start3A_691 = arith.constant 0 : i32
        %dma_start3A_692 = tpu.memref_slice %arg11[%run_scoped3A_671, %add3A_669, %dma_start3A_691] : memref<2x25x80xi32, #tpu.memory_space<vmem>> -> memref<1x1x80xi32, #tpu.memory_space<vmem>>
        %dma_start3A_693 = tpu.memref_squeeze %dma_start3A_692 : memref<1x1x80xi32, #tpu.memory_space<vmem>> -> memref<80xi32, #tpu.memory_space<vmem>>
        %dma_start3A_694 = arith.constant 0 : i32
        %dma_start3A_695 = arith.constant 0 : i32
        %dma_start3A_696 = tpu.memref_slice %arg13[%dma_start3A_694, %dma_start3A_695] : memref<10240x128xf32, #tpu.memory_space<vmem_shared>> -> memref<10240x128xf32, #tpu.memory_space<vmem_shared>>
        tpu.enqueue_indirect_dma source(%dma_start3A_690 : memref<80x128xf32, #tpu.memory_space<vmem>>) target(%dma_start3A_696 : memref<10240x128xf32, #tpu.memory_space<vmem_shared>>) offsets(%dma_start3A_693 : memref<80xi32, #tpu.memory_space<vmem>>) semaphore(%run_scoped3A_686 : memref<!tpu.dma_semaphore, #tpu.memory_space<semaphore_mem>>) {add = true}
        %dma_wait3A_697 = arith.constant 0 : i32
        %dma_wait3A_698 = arith.constant 0 : i32
        %dma_wait3A_699 = tpu.memref_slice %arg12[%run_scoped3A_670, %dma_wait3A_697, %dma_wait3A_698] : memref<2x80x128xf32, #tpu.memory_space<vmem>> -> memref<1x80x128xf32, #tpu.memory_space<vmem>>
        %dma_wait3A_700 = tpu.memref_squeeze %dma_wait3A_699 : memref<1x80x128xf32, #tpu.memory_space<vmem>> -> memref<80x128xf32, #tpu.memory_space<vmem>>
        %dma_wait3A_701 = arith.constant 0 : i32
        %dma_wait3A_702 = tpu.memref_slice %arg11[%run_scoped3A_671, %add3A_669, %dma_wait3A_701] : memref<2x25x80xi32, #tpu.memory_space<vmem>> -> memref<1x1x80xi32, #tpu.memory_space<vmem>>
        %dma_wait3A_703 = tpu.memref_squeeze %dma_wait3A_702 : memref<1x1x80xi32, #tpu.memory_space<vmem>> -> memref<80xi32, #tpu.memory_space<vmem>>
        %dma_wait3A_704 = arith.constant 0 : i32
        %dma_wait3A_705 = arith.constant 0 : i32
        %dma_wait3A_706 = tpu.memref_slice %arg13[%dma_wait3A_704, %dma_wait3A_705] : memref<10240x128xf32, #tpu.memory_space<vmem_shared>> -> memref<10240x128xf32, #tpu.memory_space<vmem_shared>>
        tpu.wait_indirect_dma semaphore(%run_scoped3A_686 : memref<!tpu.dma_semaphore, #tpu.memory_space<semaphore_mem>>) src(%dma_wait3A_700 : memref<80x128xf32, #tpu.memory_space<vmem>>) dst(%dma_wait3A_706 : memref<10240x128xf32, #tpu.memory_space<vmem_shared>>)
        tpu.yield
      }) : () -> ()
      %dma_wait3A_672 = arith.constant 0 : i32
      %dma_wait3A_673 = arith.constant 0 : i32
      %dma_wait3A_674 = arith.constant 0 : i32
      %dma_wait3A_675 = tpu.memref_slice %arg11[%dma_wait3A_672, %dma_wait3A_673, %dma_wait3A_674] : memref<2x25x80xi32, #tpu.memory_space<vmem>> -> memref<1x1x80xi32, #tpu.memory_space<vmem>>
      %dma_wait3A_676 = tpu.memref_squeeze %dma_wait3A_675 : memref<1x1x80xi32, #tpu.memory_space<vmem>> -> memref<80xi32, #tpu.memory_space<vmem>>
      %dma_wait3A_677 = arith.constant 0 : i32
      %dma_wait3A_678 = tpu.memref_slice %arg18[%dma_wait3A_677] : memref<10240xf32, #tpu.memory_space<vmem_shared>> -> memref<10240xf32, #tpu.memory_space<vmem_shared>>
      tpu.wait_indirect_dma semaphore(%arg19 : memref<!tpu.dma_semaphore, #tpu.memory_space<semaphore_mem>>) src(%arg17 : memref<80xf32, #tpu.memory_space<vmem>>) dst(%dma_wait3A_678 : memref<10240xf32, #tpu.memory_space<vmem_shared>>)
      %dma_wait3A_679 = arith.constant 0 : i32
      %dma_wait3A_680 = arith.constant 0 : i32
      %dma_wait3A_681 = arith.constant 0 : i32
      %dma_wait3A_682 = tpu.memref_slice %arg11[%dma_wait3A_679, %dma_wait3A_680, %dma_wait3A_681] : memref<2x25x80xi32, #tpu.memory_space<vmem>> -> memref<1x1x80xi32, #tpu.memory_space<vmem>>
      %dma_wait3A_683 = tpu.memref_squeeze %dma_wait3A_682 : memref<1x1x80xi32, #tpu.memory_space<vmem>> -> memref<80xi32, #tpu.memory_space<vmem>>
      %dma_wait3A_684 = arith.constant 0 : i32
      %dma_wait3A_685 = tpu.memref_slice %arg18[%dma_wait3A_684] : memref<10240xf32, #tpu.memory_space<vmem_shared>> -> memref<10240xf32, #tpu.memory_space<vmem_shared>>
      tpu.wait_indirect_dma semaphore(%arg19 : memref<!tpu.dma_semaphore, #tpu.memory_space<semaphore_mem>>) src(%arg17 : memref<80xf32, #tpu.memory_space<vmem>>) dst(%dma_wait3A_685 : memref<10240xf32, #tpu.memory_space<vmem_shared>>)
    }
    %scan3A_367 = arith.constant 12 : i32
    %dma_start3A_368 = arith.constant 0 : i32
    %dma_start3A_369 = arith.constant 24 : i32
    %dma_start3A_370 = arith.constant 0 : i32
    %dma_start3A_371 = tpu.memref_slice %arg11[%dma_start3A_368, %dma_start3A_369, %dma_start3A_370] : memref<2x25x80xi32, #tpu.memory_space<vmem>> -> memref<1x1x80xi32, #tpu.memory_space<vmem>>
    %dma_start3A_372 = tpu.memref_squeeze %dma_start3A_371 : memref<1x1x80xi32, #tpu.memory_space<vmem>> -> memref<80xi32, #tpu.memory_space<vmem>>
    %dma_start3A_373 = arith.constant 0 : i32
    %dma_start3A_374 = tpu.memref_slice %arg18[%dma_start3A_373] : memref<10240xf32, #tpu.memory_space<vmem_shared>> -> memref<10240xf32, #tpu.memory_space<vmem_shared>>
    tpu.enqueue_indirect_dma source(%arg17 : memref<80xf32, #tpu.memory_space<vmem>>) target(%dma_start3A_374 : memref<10240xf32, #tpu.memory_space<vmem_shared>>) offsets(%dma_start3A_372 : memref<80xi32, #tpu.memory_space<vmem>>) semaphore(%arg19 : memref<!tpu.dma_semaphore, #tpu.memory_space<semaphore_mem>>) {add = true}
    %dma_wait3A_375 = arith.constant 0 : i32
    %dma_wait3A_376 = arith.constant 24 : i32
    %dma_wait3A_377 = arith.constant 0 : i32
    %dma_wait3A_378 = arith.constant 0 : i32
    %dma_wait3A_379 = arith.constant 0 : i32
    %dma_wait3A_380 = tpu.memref_slice %arg12[%dma_wait3A_377, %dma_wait3A_378, %dma_wait3A_379] : memref<2x80x128xf32, #tpu.memory_space<vmem>> -> memref<1x80x128xf32, #tpu.memory_space<vmem>>
    %dma_wait3A_381 = tpu.memref_squeeze %dma_wait3A_380 : memref<1x80x128xf32, #tpu.memory_space<vmem>> -> memref<80x128xf32, #tpu.memory_space<vmem>>
    %dma_wait3A_382 = arith.constant 0 : i32
    %dma_wait3A_383 = tpu.memref_slice %arg10[%dma_wait3A_375, %dma_wait3A_376, %dma_wait3A_382] : memref<2x25x80xi32, #tpu.memory_space<vmem>> -> memref<1x1x80xi32, #tpu.memory_space<vmem>>
    %dma_wait3A_384 = tpu.memref_squeeze %dma_wait3A_383 : memref<1x1x80xi32, #tpu.memory_space<vmem>> -> memref<80xi32, #tpu.memory_space<vmem>>
    %dma_wait3A_385 = arith.constant 0 : i32
    %dma_wait3A_386 = arith.constant 0 : i32
    %dma_wait3A_387 = tpu.memref_slice %arg2[%dma_wait3A_385, %dma_wait3A_386] : memref<10000x128xf32, #tpu.memory_space<hbm>> -> memref<10000x128xf32, #tpu.memory_space<hbm>>
    tpu.wait_indirect_dma semaphore(%arg14 : memref<!tpu.dma_semaphore, #tpu.memory_space<semaphore_mem>>) src(%dma_wait3A_387 : memref<10000x128xf32, #tpu.memory_space<hbm>>) dst(%dma_wait3A_381 : memref<80x128xf32, #tpu.memory_space<vmem>>)
    %run_scoped3A_388 = arith.constant 0 : i32
    %run_scoped3A_389 = arith.constant 0 : i32
    %run_scoped3A_390 = arith.constant 24 : i32
    "tpu.region"() ({
      %run_scoped3A_605 = tpu.sem_alloc : memref<!tpu.dma_semaphore, #tpu.memory_space<semaphore_mem>>
      %dma_start3A_606 = arith.constant 0 : i32
      %dma_start3A_607 = arith.constant 0 : i32
      %dma_start3A_608 = tpu.memref_slice %arg12[%run_scoped3A_388, %dma_start3A_606, %dma_start3A_607] : memref<2x80x128xf32, #tpu.memory_space<vmem>> -> memref<1x80x128xf32, #tpu.memory_space<vmem>>
      %dma_start3A_609 = tpu.memref_squeeze %dma_start3A_608 : memref<1x80x128xf32, #tpu.memory_space<vmem>> -> memref<80x128xf32, #tpu.memory_space<vmem>>
      %dma_start3A_610 = arith.constant 0 : i32
      %dma_start3A_611 = tpu.memref_slice %arg11[%run_scoped3A_389, %run_scoped3A_390, %dma_start3A_610] : memref<2x25x80xi32, #tpu.memory_space<vmem>> -> memref<1x1x80xi32, #tpu.memory_space<vmem>>
      %dma_start3A_612 = tpu.memref_squeeze %dma_start3A_611 : memref<1x1x80xi32, #tpu.memory_space<vmem>> -> memref<80xi32, #tpu.memory_space<vmem>>
      %dma_start3A_613 = arith.constant 0 : i32
      %dma_start3A_614 = arith.constant 0 : i32
      %dma_start3A_615 = tpu.memref_slice %arg13[%dma_start3A_613, %dma_start3A_614] : memref<10240x128xf32, #tpu.memory_space<vmem_shared>> -> memref<10240x128xf32, #tpu.memory_space<vmem_shared>>
      tpu.enqueue_indirect_dma source(%dma_start3A_609 : memref<80x128xf32, #tpu.memory_space<vmem>>) target(%dma_start3A_615 : memref<10240x128xf32, #tpu.memory_space<vmem_shared>>) offsets(%dma_start3A_612 : memref<80xi32, #tpu.memory_space<vmem>>) semaphore(%run_scoped3A_605 : memref<!tpu.dma_semaphore, #tpu.memory_space<semaphore_mem>>) {add = true}
      %dma_wait3A_616 = arith.constant 0 : i32
      %dma_wait3A_617 = arith.constant 0 : i32
      %dma_wait3A_618 = tpu.memref_slice %arg12[%run_scoped3A_388, %dma_wait3A_616, %dma_wait3A_617] : memref<2x80x128xf32, #tpu.memory_space<vmem>> -> memref<1x80x128xf32, #tpu.memory_space<vmem>>
      %dma_wait3A_619 = tpu.memref_squeeze %dma_wait3A_618 : memref<1x80x128xf32, #tpu.memory_space<vmem>> -> memref<80x128xf32, #tpu.memory_space<vmem>>
      %dma_wait3A_620 = arith.constant 0 : i32
      %dma_wait3A_621 = tpu.memref_slice %arg11[%run_scoped3A_389, %run_scoped3A_390, %dma_wait3A_620] : memref<2x25x80xi32, #tpu.memory_space<vmem>> -> memref<1x1x80xi32, #tpu.memory_space<vmem>>
      %dma_wait3A_622 = tpu.memref_squeeze %dma_wait3A_621 : memref<1x1x80xi32, #tpu.memory_space<vmem>> -> memref<80xi32, #tpu.memory_space<vmem>>
      %dma_wait3A_623 = arith.constant 0 : i32
      %dma_wait3A_624 = arith.constant 0 : i32
      %dma_wait3A_625 = tpu.memref_slice %arg13[%dma_wait3A_623, %dma_wait3A_624] : memref<10240x128xf32, #tpu.memory_space<vmem_shared>> -> memref<10240x128xf32, #tpu.memory_space<vmem_shared>>
      tpu.wait_indirect_dma semaphore(%run_scoped3A_605 : memref<!tpu.dma_semaphore, #tpu.memory_space<semaphore_mem>>) src(%dma_wait3A_619 : memref<80x128xf32, #tpu.memory_space<vmem>>) dst(%dma_wait3A_625 : memref<10240x128xf32, #tpu.memory_space<vmem_shared>>)
      tpu.yield
    }) : () -> ()
    %dma_wait3A_391 = arith.constant 0 : i32
    %dma_wait3A_392 = arith.constant 0 : i32
    %dma_wait3A_393 = arith.constant 0 : i32
    %dma_wait3A_394 = tpu.memref_slice %arg11[%dma_wait3A_391, %dma_wait3A_392, %dma_wait3A_393] : memref<2x25x80xi32, #tpu.memory_space<vmem>> -> memref<1x1x80xi32, #tpu.memory_space<vmem>>
    %dma_wait3A_395 = tpu.memref_squeeze %dma_wait3A_394 : memref<1x1x80xi32, #tpu.memory_space<vmem>> -> memref<80xi32, #tpu.memory_space<vmem>>
    %dma_wait3A_396 = arith.constant 0 : i32
    %dma_wait3A_397 = tpu.memref_slice %arg18[%dma_wait3A_396] : memref<10240xf32, #tpu.memory_space<vmem_shared>> -> memref<10240xf32, #tpu.memory_space<vmem_shared>>
    tpu.wait_indirect_dma semaphore(%arg19 : memref<!tpu.dma_semaphore, #tpu.memory_space<semaphore_mem>>) src(%arg17 : memref<80xf32, #tpu.memory_space<vmem>>) dst(%dma_wait3A_397 : memref<10240xf32, #tpu.memory_space<vmem_shared>>)
    %dma_wait3A_398 = arith.constant 3 : i32
    %dma_wait3A_399 = arith.constant 1 : i32
    %dma_wait3A_400 = arith.constant 0 : i32
    %dma_wait3A_401 = arith.constant 0 : i32
    %dma_wait3A_402 = tpu.memref_slice %arg10[%dma_wait3A_399, %dma_wait3A_400, %dma_wait3A_401] : memref<2x25x80xi32, #tpu.memory_space<vmem>> -> memref<1x25x80xi32, #tpu.memory_space<vmem>>
    %dma_wait3A_403 = tpu.memref_squeeze %dma_wait3A_402 : memref<1x25x80xi32, #tpu.memory_space<vmem>> -> memref<25x80xi32, #tpu.memory_space<vmem>>
    %dma_wait3A_404 = arith.constant 0 : i32
    %dma_wait3A_405 = arith.constant 0 : i32
    %dma_wait3A_406 = tpu.memref_slice %arg3[%add3A, %dma_wait3A_398, %dma_wait3A_404, %dma_wait3A_405] : memref<32x5x25x80xi32, #tpu.memory_space<hbm>> -> memref<1x1x25x80xi32, #tpu.memory_space<hbm>>
    %dma_wait3A_407 = tpu.memref_squeeze %dma_wait3A_406 : memref<1x1x25x80xi32, #tpu.memory_space<hbm>> -> memref<25x80xi32, #tpu.memory_space<hbm>>
    %dma_wait3A_408 = arith.constant 0 : i32
    %dma_wait3A_409 = arith.constant 0 : i32
    %dma_wait3A_410 = tpu.memref_slice %arg10[%dma_wait3A_399, %dma_wait3A_408, %dma_wait3A_409] : memref<2x25x80xi32, #tpu.memory_space<vmem>> -> memref<1x25x80xi32, #tpu.memory_space<vmem>>
    %dma_wait3A_411 = tpu.memref_squeeze %dma_wait3A_410 : memref<1x25x80xi32, #tpu.memory_space<vmem>> -> memref<25x80xi32, #tpu.memory_space<vmem>>
    %dma_wait3A_412 = arith.constant 0 : i32
    %dma_wait3A_413 = arith.constant 0 : i32
    %dma_wait3A_414 = tpu.memref_slice %arg3[%add3A, %dma_wait3A_398, %dma_wait3A_412, %dma_wait3A_413] : memref<32x5x25x80xi32, #tpu.memory_space<hbm>> -> memref<1x1x25x80xi32, #tpu.memory_space<hbm>>
    %dma_wait3A_415 = tpu.memref_squeeze %dma_wait3A_414 : memref<1x1x25x80xi32, #tpu.memory_space<hbm>> -> memref<25x80xi32, #tpu.memory_space<hbm>>
    tpu.wait_dma2 semaphore(%arg16 : memref<!tpu.dma_semaphore, #tpu.memory_space<semaphore_mem>>) src(%dma_wait3A_415 : memref<25x80xi32, #tpu.memory_space<hbm>>) dst(%dma_wait3A_411 : memref<25x80xi32, #tpu.memory_space<vmem>>)
    %dma_wait3A_416 = arith.constant 3 : i32
    %dma_wait3A_417 = arith.constant 1 : i32
    %dma_wait3A_418 = arith.constant 0 : i32
    %dma_wait3A_419 = arith.constant 0 : i32
    %dma_wait3A_420 = tpu.memref_slice %arg11[%dma_wait3A_417, %dma_wait3A_418, %dma_wait3A_419] : memref<2x25x80xi32, #tpu.memory_space<vmem>> -> memref<1x25x80xi32, #tpu.memory_space<vmem>>
    %dma_wait3A_421 = tpu.memref_squeeze %dma_wait3A_420 : memref<1x25x80xi32, #tpu.memory_space<vmem>> -> memref<25x80xi32, #tpu.memory_space<vmem>>
    %dma_wait3A_422 = arith.constant 0 : i32
    %dma_wait3A_423 = arith.constant 0 : i32
    %dma_wait3A_424 = tpu.memref_slice %arg4[%add3A, %dma_wait3A_416, %dma_wait3A_422, %dma_wait3A_423] : memref<32x5x25x80xi32, #tpu.memory_space<hbm>> -> memref<1x1x25x80xi32, #tpu.memory_space<hbm>>
    %dma_wait3A_425 = tpu.memref_squeeze %dma_wait3A_424 : memref<1x1x25x80xi32, #tpu.memory_space<hbm>> -> memref<25x80xi32, #tpu.memory_space<hbm>>
    %dma_wait3A_426 = arith.constant 0 : i32
    %dma_wait3A_427 = arith.constant 0 : i32
    %dma_wait3A_428 = tpu.memref_slice %arg11[%dma_wait3A_417, %dma_wait3A_426, %dma_wait3A_427] : memref<2x25x80xi32, #tpu.memory_space<vmem>> -> memref<1x25x80xi32, #tpu.memory_space<vmem>>
    %dma_wait3A_429 = tpu.memref_squeeze %dma_wait3A_428 : memref<1x25x80xi32, #tpu.memory_space<vmem>> -> memref<25x80xi32, #tpu.memory_space<vmem>>
    %dma_wait3A_430 = arith.constant 0 : i32
    %dma_wait3A_431 = arith.constant 0 : i32
    %dma_wait3A_432 = tpu.memref_slice %arg4[%add3A, %dma_wait3A_416, %dma_wait3A_430, %dma_wait3A_431] : memref<32x5x25x80xi32, #tpu.memory_space<hbm>> -> memref<1x1x25x80xi32, #tpu.memory_space<hbm>>
    %dma_wait3A_433 = tpu.memref_squeeze %dma_wait3A_432 : memref<1x1x25x80xi32, #tpu.memory_space<hbm>> -> memref<25x80xi32, #tpu.memory_space<hbm>>
    tpu.wait_dma2 semaphore(%arg16 : memref<!tpu.dma_semaphore, #tpu.memory_space<semaphore_mem>>) src(%dma_wait3A_433 : memref<25x80xi32, #tpu.memory_space<hbm>>) dst(%dma_wait3A_429 : memref<25x80xi32, #tpu.memory_space<vmem>>)
    %dma_start3A_434 = arith.constant 4 : i32
    %dma_start3A_435 = arith.constant 0 : i32
    %dma_start3A_436 = arith.constant 0 : i32
    %dma_start3A_437 = arith.constant 0 : i32
    %dma_start3A_438 = tpu.memref_slice %arg10[%dma_start3A_435, %dma_start3A_436, %dma_start3A_437] : memref<2x25x80xi32, #tpu.memory_space<vmem>> -> memref<1x25x80xi32, #tpu.memory_space<vmem>>
    %dma_start3A_439 = tpu.memref_squeeze %dma_start3A_438 : memref<1x25x80xi32, #tpu.memory_space<vmem>> -> memref<25x80xi32, #tpu.memory_space<vmem>>
    %dma_start3A_440 = arith.constant 0 : i32
    %dma_start3A_441 = arith.constant 0 : i32
    %dma_start3A_442 = tpu.memref_slice %arg3[%add3A, %dma_start3A_434, %dma_start3A_440, %dma_start3A_441] : memref<32x5x25x80xi32, #tpu.memory_space<hbm>> -> memref<1x1x25x80xi32, #tpu.memory_space<hbm>>
    %dma_start3A_443 = tpu.memref_squeeze %dma_start3A_442 : memref<1x1x25x80xi32, #tpu.memory_space<hbm>> -> memref<25x80xi32, #tpu.memory_space<hbm>>
    %dma_start3A_444 = arith.constant 0 : i32
    %dma_start3A_445 = arith.constant 0 : i32
    %dma_start3A_446 = tpu.memref_slice %arg10[%dma_start3A_435, %dma_start3A_444, %dma_start3A_445] : memref<2x25x80xi32, #tpu.memory_space<vmem>> -> memref<1x25x80xi32, #tpu.memory_space<vmem>>
    %dma_start3A_447 = tpu.memref_squeeze %dma_start3A_446 : memref<1x25x80xi32, #tpu.memory_space<vmem>> -> memref<25x80xi32, #tpu.memory_space<vmem>>
    %dma_start3A_448 = arith.constant 0 : i32
    %dma_start3A_449 = arith.constant 0 : i32
    %dma_start3A_450 = tpu.memref_slice %arg3[%add3A, %dma_start3A_434, %dma_start3A_448, %dma_start3A_449] : memref<32x5x25x80xi32, #tpu.memory_space<hbm>> -> memref<1x1x25x80xi32, #tpu.memory_space<hbm>>
    %dma_start3A_451 = tpu.memref_squeeze %dma_start3A_450 : memref<1x1x25x80xi32, #tpu.memory_space<hbm>> -> memref<25x80xi32, #tpu.memory_space<hbm>>
    tpu.enqueue_dma source(%dma_start3A_451 : memref<25x80xi32, #tpu.memory_space<hbm>>) target(%dma_start3A_447 : memref<25x80xi32, #tpu.memory_space<vmem>>) target_semaphore(%arg16 : memref<!tpu.dma_semaphore, #tpu.memory_space<semaphore_mem>>)
    %dma_start3A_452 = arith.constant 4 : i32
    %dma_start3A_453 = arith.constant 0 : i32
    %dma_start3A_454 = arith.constant 0 : i32
    %dma_start3A_455 = arith.constant 0 : i32
    %dma_start3A_456 = tpu.memref_slice %arg11[%dma_start3A_453, %dma_start3A_454, %dma_start3A_455] : memref<2x25x80xi32, #tpu.memory_space<vmem>> -> memref<1x25x80xi32, #tpu.memory_space<vmem>>
    %dma_start3A_457 = tpu.memref_squeeze %dma_start3A_456 : memref<1x25x80xi32, #tpu.memory_space<vmem>> -> memref<25x80xi32, #tpu.memory_space<vmem>>
    %dma_start3A_458 = arith.constant 0 : i32
    %dma_start3A_459 = arith.constant 0 : i32
    %dma_start3A_460 = tpu.memref_slice %arg4[%add3A, %dma_start3A_452, %dma_start3A_458, %dma_start3A_459] : memref<32x5x25x80xi32, #tpu.memory_space<hbm>> -> memref<1x1x25x80xi32, #tpu.memory_space<hbm>>
    %dma_start3A_461 = tpu.memref_squeeze %dma_start3A_460 : memref<1x1x25x80xi32, #tpu.memory_space<hbm>> -> memref<25x80xi32, #tpu.memory_space<hbm>>
    %dma_start3A_462 = arith.constant 0 : i32
    %dma_start3A_463 = arith.constant 0 : i32
    %dma_start3A_464 = tpu.memref_slice %arg11[%dma_start3A_453, %dma_start3A_462, %dma_start3A_463] : memref<2x25x80xi32, #tpu.memory_space<vmem>> -> memref<1x25x80xi32, #tpu.memory_space<vmem>>
    %dma_start3A_465 = tpu.memref_squeeze %dma_start3A_464 : memref<1x25x80xi32, #tpu.memory_space<vmem>> -> memref<25x80xi32, #tpu.memory_space<vmem>>
    %dma_start3A_466 = arith.constant 0 : i32
    %dma_start3A_467 = arith.constant 0 : i32
    %dma_start3A_468 = tpu.memref_slice %arg4[%add3A, %dma_start3A_452, %dma_start3A_466, %dma_start3A_467] : memref<32x5x25x80xi32, #tpu.memory_space<hbm>> -> memref<1x1x25x80xi32, #tpu.memory_space<hbm>>
    %dma_start3A_469 = tpu.memref_squeeze %dma_start3A_468 : memref<1x1x25x80xi32, #tpu.memory_space<hbm>> -> memref<25x80xi32, #tpu.memory_space<hbm>>
    tpu.enqueue_dma source(%dma_start3A_469 : memref<25x80xi32, #tpu.memory_space<hbm>>) target(%dma_start3A_465 : memref<25x80xi32, #tpu.memory_space<vmem>>) target_semaphore(%arg16 : memref<!tpu.dma_semaphore, #tpu.memory_space<semaphore_mem>>)
    %dma_start3A_470 = arith.constant 1 : i32
    %dma_start3A_471 = arith.constant 0 : i32
    %dma_start3A_472 = arith.constant 0 : i32
    %dma_start3A_473 = arith.constant 0 : i32
    %dma_start3A_474 = arith.constant 0 : i32
    %dma_start3A_475 = tpu.memref_slice %arg12[%dma_start3A_472, %dma_start3A_473, %dma_start3A_474] : memref<2x80x128xf32, #tpu.memory_space<vmem>> -> memref<1x80x128xf32, #tpu.memory_space<vmem>>
    %dma_start3A_476 = tpu.memref_squeeze %dma_start3A_475 : memref<1x80x128xf32, #tpu.memory_space<vmem>> -> memref<80x128xf32, #tpu.memory_space<vmem>>
    %dma_start3A_477 = arith.constant 0 : i32
    %dma_start3A_478 = tpu.memref_slice %arg10[%dma_start3A_470, %dma_start3A_471, %dma_start3A_477] : memref<2x25x80xi32, #tpu.memory_space<vmem>> -> memref<1x1x80xi32, #tpu.memory_space<vmem>>
    %dma_start3A_479 = tpu.memref_squeeze %dma_start3A_478 : memref<1x1x80xi32, #tpu.memory_space<vmem>> -> memref<80xi32, #tpu.memory_space<vmem>>
    %dma_start3A_480 = arith.constant 0 : i32
    %dma_start3A_481 = arith.constant 0 : i32
    %dma_start3A_482 = tpu.memref_slice %arg2[%dma_start3A_480, %dma_start3A_481] : memref<10000x128xf32, #tpu.memory_space<hbm>> -> memref<10000x128xf32, #tpu.memory_space<hbm>>
    tpu.enqueue_indirect_dma source(%dma_start3A_482 : memref<10000x128xf32, #tpu.memory_space<hbm>>) target(%dma_start3A_476 : memref<80x128xf32, #tpu.memory_space<vmem>>) offsets(%dma_start3A_479 : memref<80xi32, #tpu.memory_space<vmem>>) semaphore(%arg14 : memref<!tpu.dma_semaphore, #tpu.memory_space<semaphore_mem>>)
    %scan3A_483 = arith.constant 0 : i32
    %scan3A_484 = arith.constant 0 : i32
    %scan3A_485 = arith.constant 12 : i32
    %scan3A_486 = arith.addi %scan3A_484, %scan3A_485 : i32
    %scan3A_487 = arith.constant 1 : i32
    scf.for %scan3A_605 = %scan3A_484 to %scan3A_486 step %scan3A_487  : i32 {
      %mul3A_606 = arith.constant 2 : i32
      %mul3A_607 = arith.muli %mul3A_606, %scan3A_605 : i32
      %add3A_608 = arith.constant 1 : i32
      %add3A_609 = arith.addi %mul3A_607, %add3A_608 : i32
      %dma_start3A_610 = arith.constant 1 : i32
      %dma_start3A_611 = arith.constant 1 : i32
      %dma_start3A_612 = arith.constant 0 : i32
      %dma_start3A_613 = arith.constant 0 : i32
      %dma_start3A_614 = tpu.memref_slice %arg12[%dma_start3A_611, %dma_start3A_612, %dma_start3A_613] : memref<2x80x128xf32, #tpu.memory_space<vmem>> -> memref<1x80x128xf32, #tpu.memory_space<vmem>>
      %dma_start3A_615 = tpu.memref_squeeze %dma_start3A_614 : memref<1x80x128xf32, #tpu.memory_space<vmem>> -> memref<80x128xf32, #tpu.memory_space<vmem>>
      %dma_start3A_616 = arith.constant 0 : i32
      %dma_start3A_617 = tpu.memref_slice %arg10[%dma_start3A_610, %add3A_609, %dma_start3A_616] : memref<2x25x80xi32, #tpu.memory_space<vmem>> -> memref<1x1x80xi32, #tpu.memory_space<vmem>>
      %dma_start3A_618 = tpu.memref_squeeze %dma_start3A_617 : memref<1x1x80xi32, #tpu.memory_space<vmem>> -> memref<80xi32, #tpu.memory_space<vmem>>
      %dma_start3A_619 = arith.constant 0 : i32
      %dma_start3A_620 = arith.constant 0 : i32
      %dma_start3A_621 = tpu.memref_slice %arg2[%dma_start3A_619, %dma_start3A_620] : memref<10000x128xf32, #tpu.memory_space<hbm>> -> memref<10000x128xf32, #tpu.memory_space<hbm>>
      tpu.enqueue_indirect_dma source(%dma_start3A_621 : memref<10000x128xf32, #tpu.memory_space<hbm>>) target(%dma_start3A_615 : memref<80x128xf32, #tpu.memory_space<vmem>>) offsets(%dma_start3A_618 : memref<80xi32, #tpu.memory_space<vmem>>) semaphore(%arg15 : memref<!tpu.dma_semaphore, #tpu.memory_space<semaphore_mem>>)
      %dma_start3A_622 = arith.constant 1 : i32
      %dma_start3A_623 = arith.constant 0 : i32
      %dma_start3A_624 = tpu.memref_slice %arg11[%dma_start3A_622, %mul3A_607, %dma_start3A_623] : memref<2x25x80xi32, #tpu.memory_space<vmem>> -> memref<1x1x80xi32, #tpu.memory_space<vmem>>
      %dma_start3A_625 = tpu.memref_squeeze %dma_start3A_624 : memref<1x1x80xi32, #tpu.memory_space<vmem>> -> memref<80xi32, #tpu.memory_space<vmem>>
      %dma_start3A_626 = arith.constant 0 : i32
      %dma_start3A_627 = tpu.memref_slice %arg18[%dma_start3A_626] : memref<10240xf32, #tpu.memory_space<vmem_shared>> -> memref<10240xf32, #tpu.memory_space<vmem_shared>>
      tpu.enqueue_indirect_dma source(%arg17 : memref<80xf32, #tpu.memory_space<vmem>>) target(%dma_start3A_627 : memref<10240xf32, #tpu.memory_space<vmem_shared>>) offsets(%dma_start3A_625 : memref<80xi32, #tpu.memory_space<vmem>>) semaphore(%arg19 : memref<!tpu.dma_semaphore, #tpu.memory_space<semaphore_mem>>) {add = true}
      %dma_wait3A_628 = arith.constant 1 : i32
      %dma_wait3A_629 = arith.constant 0 : i32
      %dma_wait3A_630 = arith.constant 0 : i32
      %dma_wait3A_631 = arith.constant 0 : i32
      %dma_wait3A_632 = tpu.memref_slice %arg12[%dma_wait3A_629, %dma_wait3A_630, %dma_wait3A_631] : memref<2x80x128xf32, #tpu.memory_space<vmem>> -> memref<1x80x128xf32, #tpu.memory_space<vmem>>
      %dma_wait3A_633 = tpu.memref_squeeze %dma_wait3A_632 : memref<1x80x128xf32, #tpu.memory_space<vmem>> -> memref<80x128xf32, #tpu.memory_space<vmem>>
      %dma_wait3A_634 = arith.constant 0 : i32
      %dma_wait3A_635 = tpu.memref_slice %arg10[%dma_wait3A_628, %mul3A_607, %dma_wait3A_634] : memref<2x25x80xi32, #tpu.memory_space<vmem>> -> memref<1x1x80xi32, #tpu.memory_space<vmem>>
      %dma_wait3A_636 = tpu.memref_squeeze %dma_wait3A_635 : memref<1x1x80xi32, #tpu.memory_space<vmem>> -> memref<80xi32, #tpu.memory_space<vmem>>
      %dma_wait3A_637 = arith.constant 0 : i32
      %dma_wait3A_638 = arith.constant 0 : i32
      %dma_wait3A_639 = tpu.memref_slice %arg2[%dma_wait3A_637, %dma_wait3A_638] : memref<10000x128xf32, #tpu.memory_space<hbm>> -> memref<10000x128xf32, #tpu.memory_space<hbm>>
      tpu.wait_indirect_dma semaphore(%arg14 : memref<!tpu.dma_semaphore, #tpu.memory_space<semaphore_mem>>) src(%dma_wait3A_639 : memref<10000x128xf32, #tpu.memory_space<hbm>>) dst(%dma_wait3A_633 : memref<80x128xf32, #tpu.memory_space<vmem>>)
      %run_scoped3A_640 = arith.constant 0 : i32
      %run_scoped3A_641 = arith.constant 1 : i32
      "tpu.region"() ({
        %run_scoped3A_686 = tpu.sem_alloc : memref<!tpu.dma_semaphore, #tpu.memory_space<semaphore_mem>>
        %dma_start3A_687 = arith.constant 0 : i32
        %dma_start3A_688 = arith.constant 0 : i32
        %dma_start3A_689 = tpu.memref_slice %arg12[%run_scoped3A_640, %dma_start3A_687, %dma_start3A_688] : memref<2x80x128xf32, #tpu.memory_space<vmem>> -> memref<1x80x128xf32, #tpu.memory_space<vmem>>
        %dma_start3A_690 = tpu.memref_squeeze %dma_start3A_689 : memref<1x80x128xf32, #tpu.memory_space<vmem>> -> memref<80x128xf32, #tpu.memory_space<vmem>>
        %dma_start3A_691 = arith.constant 0 : i32
        %dma_start3A_692 = tpu.memref_slice %arg11[%run_scoped3A_641, %mul3A_607, %dma_start3A_691] : memref<2x25x80xi32, #tpu.memory_space<vmem>> -> memref<1x1x80xi32, #tpu.memory_space<vmem>>
        %dma_start3A_693 = tpu.memref_squeeze %dma_start3A_692 : memref<1x1x80xi32, #tpu.memory_space<vmem>> -> memref<80xi32, #tpu.memory_space<vmem>>
        %dma_start3A_694 = arith.constant 0 : i32
        %dma_start3A_695 = arith.constant 0 : i32
        %dma_start3A_696 = tpu.memref_slice %arg13[%dma_start3A_694, %dma_start3A_695] : memref<10240x128xf32, #tpu.memory_space<vmem_shared>> -> memref<10240x128xf32, #tpu.memory_space<vmem_shared>>
        tpu.enqueue_indirect_dma source(%dma_start3A_690 : memref<80x128xf32, #tpu.memory_space<vmem>>) target(%dma_start3A_696 : memref<10240x128xf32, #tpu.memory_space<vmem_shared>>) offsets(%dma_start3A_693 : memref<80xi32, #tpu.memory_space<vmem>>) semaphore(%run_scoped3A_686 : memref<!tpu.dma_semaphore, #tpu.memory_space<semaphore_mem>>) {add = true}
        %dma_wait3A_697 = arith.constant 0 : i32
        %dma_wait3A_698 = arith.constant 0 : i32
        %dma_wait3A_699 = tpu.memref_slice %arg12[%run_scoped3A_640, %dma_wait3A_697, %dma_wait3A_698] : memref<2x80x128xf32, #tpu.memory_space<vmem>> -> memref<1x80x128xf32, #tpu.memory_space<vmem>>
        %dma_wait3A_700 = tpu.memref_squeeze %dma_wait3A_699 : memref<1x80x128xf32, #tpu.memory_space<vmem>> -> memref<80x128xf32, #tpu.memory_space<vmem>>
        %dma_wait3A_701 = arith.constant 0 : i32
        %dma_wait3A_702 = tpu.memref_slice %arg11[%run_scoped3A_641, %mul3A_607, %dma_wait3A_701] : memref<2x25x80xi32, #tpu.memory_space<vmem>> -> memref<1x1x80xi32, #tpu.memory_space<vmem>>
        %dma_wait3A_703 = tpu.memref_squeeze %dma_wait3A_702 : memref<1x1x80xi32, #tpu.memory_space<vmem>> -> memref<80xi32, #tpu.memory_space<vmem>>
        %dma_wait3A_704 = arith.constant 0 : i32
        %dma_wait3A_705 = arith.constant 0 : i32
        %dma_wait3A_706 = tpu.memref_slice %arg13[%dma_wait3A_704, %dma_wait3A_705] : memref<10240x128xf32, #tpu.memory_space<vmem_shared>> -> memref<10240x128xf32, #tpu.memory_space<vmem_shared>>
        tpu.wait_indirect_dma semaphore(%run_scoped3A_686 : memref<!tpu.dma_semaphore, #tpu.memory_space<semaphore_mem>>) src(%dma_wait3A_700 : memref<80x128xf32, #tpu.memory_space<vmem>>) dst(%dma_wait3A_706 : memref<10240x128xf32, #tpu.memory_space<vmem_shared>>)
        tpu.yield
      }) : () -> ()
      %add3A_642 = arith.constant 2 : i32
      %add3A_643 = arith.addi %mul3A_607, %add3A_642 : i32
      %lt3A = arith.constant 25 : i32
      %lt3A_644 = arith.cmpi slt, %add3A_643, %lt3A : i32
      %convert_element_type3A = arith.extui %lt3A_644 : i1 to i32
      %cond3A = arith.constant 0 : i32
      %cond3A_645 = arith.cmpi ne, %convert_element_type3A, %cond3A : i32
      scf.if %cond3A_645 {
        %add3A_686 = arith.constant 2 : i32
        %add3A_687 = arith.addi %mul3A_607, %add3A_686 : i32
        %dma_start3A_688 = arith.constant 1 : i32
        %dma_start3A_689 = arith.constant 0 : i32
        %dma_start3A_690 = arith.constant 0 : i32
        %dma_start3A_691 = arith.constant 0 : i32
        %dma_start3A_692 = tpu.memref_slice %arg12[%dma_start3A_689, %dma_start3A_690, %dma_start3A_691] : memref<2x80x128xf32, #tpu.memory_space<vmem>> -> memref<1x80x128xf32, #tpu.memory_space<vmem>>
        %dma_start3A_693 = tpu.memref_squeeze %dma_start3A_692 : memref<1x80x128xf32, #tpu.memory_space<vmem>> -> memref<80x128xf32, #tpu.memory_space<vmem>>
        %dma_start3A_694 = arith.constant 0 : i32
        %dma_start3A_695 = tpu.memref_slice %arg10[%dma_start3A_688, %add3A_687, %dma_start3A_694] : memref<2x25x80xi32, #tpu.memory_space<vmem>> -> memref<1x1x80xi32, #tpu.memory_space<vmem>>
        %dma_start3A_696 = tpu.memref_squeeze %dma_start3A_695 : memref<1x1x80xi32, #tpu.memory_space<vmem>> -> memref<80xi32, #tpu.memory_space<vmem>>
        %dma_start3A_697 = arith.constant 0 : i32
        %dma_start3A_698 = arith.constant 0 : i32
        %dma_start3A_699 = tpu.memref_slice %arg2[%dma_start3A_697, %dma_start3A_698] : memref<10000x128xf32, #tpu.memory_space<hbm>> -> memref<10000x128xf32, #tpu.memory_space<hbm>>
        tpu.enqueue_indirect_dma source(%dma_start3A_699 : memref<10000x128xf32, #tpu.memory_space<hbm>>) target(%dma_start3A_693 : memref<80x128xf32, #tpu.memory_space<vmem>>) offsets(%dma_start3A_696 : memref<80xi32, #tpu.memory_space<vmem>>) semaphore(%arg14 : memref<!tpu.dma_semaphore, #tpu.memory_space<semaphore_mem>>)
      } else {
      }
      %add3A_646 = arith.constant 1 : i32
      %add3A_647 = arith.addi %mul3A_607, %add3A_646 : i32
      %dma_start3A_648 = arith.constant 1 : i32
      %dma_start3A_649 = arith.constant 0 : i32
      %dma_start3A_650 = tpu.memref_slice %arg11[%dma_start3A_648, %add3A_647, %dma_start3A_649] : memref<2x25x80xi32, #tpu.memory_space<vmem>> -> memref<1x1x80xi32, #tpu.memory_space<vmem>>
      %dma_start3A_651 = tpu.memref_squeeze %dma_start3A_650 : memref<1x1x80xi32, #tpu.memory_space<vmem>> -> memref<80xi32, #tpu.memory_space<vmem>>
      %dma_start3A_652 = arith.constant 0 : i32
      %dma_start3A_653 = tpu.memref_slice %arg18[%dma_start3A_652] : memref<10240xf32, #tpu.memory_space<vmem_shared>> -> memref<10240xf32, #tpu.memory_space<vmem_shared>>
      tpu.enqueue_indirect_dma source(%arg17 : memref<80xf32, #tpu.memory_space<vmem>>) target(%dma_start3A_653 : memref<10240xf32, #tpu.memory_space<vmem_shared>>) offsets(%dma_start3A_651 : memref<80xi32, #tpu.memory_space<vmem>>) semaphore(%arg19 : memref<!tpu.dma_semaphore, #tpu.memory_space<semaphore_mem>>) {add = true}
      %add3A_654 = arith.constant 1 : i32
      %add3A_655 = arith.addi %mul3A_607, %add3A_654 : i32
      %dma_wait3A_656 = arith.constant 1 : i32
      %dma_wait3A_657 = arith.constant 1 : i32
      %dma_wait3A_658 = arith.constant 0 : i32
      %dma_wait3A_659 = arith.constant 0 : i32
      %dma_wait3A_660 = tpu.memref_slice %arg12[%dma_wait3A_657, %dma_wait3A_658, %dma_wait3A_659] : memref<2x80x128xf32, #tpu.memory_space<vmem>> -> memref<1x80x128xf32, #tpu.memory_space<vmem>>
      %dma_wait3A_661 = tpu.memref_squeeze %dma_wait3A_660 : memref<1x80x128xf32, #tpu.memory_space<vmem>> -> memref<80x128xf32, #tpu.memory_space<vmem>>
      %dma_wait3A_662 = arith.constant 0 : i32
      %dma_wait3A_663 = tpu.memref_slice %arg10[%dma_wait3A_656, %add3A_655, %dma_wait3A_662] : memref<2x25x80xi32, #tpu.memory_space<vmem>> -> memref<1x1x80xi32, #tpu.memory_space<vmem>>
      %dma_wait3A_664 = tpu.memref_squeeze %dma_wait3A_663 : memref<1x1x80xi32, #tpu.memory_space<vmem>> -> memref<80xi32, #tpu.memory_space<vmem>>
      %dma_wait3A_665 = arith.constant 0 : i32
      %dma_wait3A_666 = arith.constant 0 : i32
      %dma_wait3A_667 = tpu.memref_slice %arg2[%dma_wait3A_665, %dma_wait3A_666] : memref<10000x128xf32, #tpu.memory_space<hbm>> -> memref<10000x128xf32, #tpu.memory_space<hbm>>
      tpu.wait_indirect_dma semaphore(%arg15 : memref<!tpu.dma_semaphore, #tpu.memory_space<semaphore_mem>>) src(%dma_wait3A_667 : memref<10000x128xf32, #tpu.memory_space<hbm>>) dst(%dma_wait3A_661 : memref<80x128xf32, #tpu.memory_space<vmem>>)
      %add3A_668 = arith.constant 1 : i32
      %add3A_669 = arith.addi %mul3A_607, %add3A_668 : i32
      %run_scoped3A_670 = arith.constant 1 : i32
      %run_scoped3A_671 = arith.constant 1 : i32
      "tpu.region"() ({
        %run_scoped3A_686 = tpu.sem_alloc : memref<!tpu.dma_semaphore, #tpu.memory_space<semaphore_mem>>
        %dma_start3A_687 = arith.constant 0 : i32
        %dma_start3A_688 = arith.constant 0 : i32
        %dma_start3A_689 = tpu.memref_slice %arg12[%run_scoped3A_670, %dma_start3A_687, %dma_start3A_688] : memref<2x80x128xf32, #tpu.memory_space<vmem>> -> memref<1x80x128xf32, #tpu.memory_space<vmem>>
        %dma_start3A_690 = tpu.memref_squeeze %dma_start3A_689 : memref<1x80x128xf32, #tpu.memory_space<vmem>> -> memref<80x128xf32, #tpu.memory_space<vmem>>
        %dma_start3A_691 = arith.constant 0 : i32
        %dma_start3A_692 = tpu.memref_slice %arg11[%run_scoped3A_671, %add3A_669, %dma_start3A_691] : memref<2x25x80xi32, #tpu.memory_space<vmem>> -> memref<1x1x80xi32, #tpu.memory_space<vmem>>
        %dma_start3A_693 = tpu.memref_squeeze %dma_start3A_692 : memref<1x1x80xi32, #tpu.memory_space<vmem>> -> memref<80xi32, #tpu.memory_space<vmem>>
        %dma_start3A_694 = arith.constant 0 : i32
        %dma_start3A_695 = arith.constant 0 : i32
        %dma_start3A_696 = tpu.memref_slice %arg13[%dma_start3A_694, %dma_start3A_695] : memref<10240x128xf32, #tpu.memory_space<vmem_shared>> -> memref<10240x128xf32, #tpu.memory_space<vmem_shared>>
        tpu.enqueue_indirect_dma source(%dma_start3A_690 : memref<80x128xf32, #tpu.memory_space<vmem>>) target(%dma_start3A_696 : memref<10240x128xf32, #tpu.memory_space<vmem_shared>>) offsets(%dma_start3A_693 : memref<80xi32, #tpu.memory_space<vmem>>) semaphore(%run_scoped3A_686 : memref<!tpu.dma_semaphore, #tpu.memory_space<semaphore_mem>>) {add = true}
        %dma_wait3A_697 = arith.constant 0 : i32
        %dma_wait3A_698 = arith.constant 0 : i32
        %dma_wait3A_699 = tpu.memref_slice %arg12[%run_scoped3A_670, %dma_wait3A_697, %dma_wait3A_698] : memref<2x80x128xf32, #tpu.memory_space<vmem>> -> memref<1x80x128xf32, #tpu.memory_space<vmem>>
        %dma_wait3A_700 = tpu.memref_squeeze %dma_wait3A_699 : memref<1x80x128xf32, #tpu.memory_space<vmem>> -> memref<80x128xf32, #tpu.memory_space<vmem>>
        %dma_wait3A_701 = arith.constant 0 : i32
        %dma_wait3A_702 = tpu.memref_slice %arg11[%run_scoped3A_671, %add3A_669, %dma_wait3A_701] : memref<2x25x80xi32, #tpu.memory_space<vmem>> -> memref<1x1x80xi32, #tpu.memory_space<vmem>>
        %dma_wait3A_703 = tpu.memref_squeeze %dma_wait3A_702 : memref<1x1x80xi32, #tpu.memory_space<vmem>> -> memref<80xi32, #tpu.memory_space<vmem>>
        %dma_wait3A_704 = arith.constant 0 : i32
        %dma_wait3A_705 = arith.constant 0 : i32
        %dma_wait3A_706 = tpu.memref_slice %arg13[%dma_wait3A_704, %dma_wait3A_705] : memref<10240x128xf32, #tpu.memory_space<vmem_shared>> -> memref<10240x128xf32, #tpu.memory_space<vmem_shared>>
        tpu.wait_indirect_dma semaphore(%run_scoped3A_686 : memref<!tpu.dma_semaphore, #tpu.memory_space<semaphore_mem>>) src(%dma_wait3A_700 : memref<80x128xf32, #tpu.memory_space<vmem>>) dst(%dma_wait3A_706 : memref<10240x128xf32, #tpu.memory_space<vmem_shared>>)
        tpu.yield
      }) : () -> ()
      %dma_wait3A_672 = arith.constant 1 : i32
      %dma_wait3A_673 = arith.constant 0 : i32
      %dma_wait3A_674 = arith.constant 0 : i32
      %dma_wait3A_675 = tpu.memref_slice %arg11[%dma_wait3A_672, %dma_wait3A_673, %dma_wait3A_674] : memref<2x25x80xi32, #tpu.memory_space<vmem>> -> memref<1x1x80xi32, #tpu.memory_space<vmem>>
      %dma_wait3A_676 = tpu.memref_squeeze %dma_wait3A_675 : memref<1x1x80xi32, #tpu.memory_space<vmem>> -> memref<80xi32, #tpu.memory_space<vmem>>
      %dma_wait3A_677 = arith.constant 0 : i32
      %dma_wait3A_678 = tpu.memref_slice %arg18[%dma_wait3A_677] : memref<10240xf32, #tpu.memory_space<vmem_shared>> -> memref<10240xf32, #tpu.memory_space<vmem_shared>>
      tpu.wait_indirect_dma semaphore(%arg19 : memref<!tpu.dma_semaphore, #tpu.memory_space<semaphore_mem>>) src(%arg17 : memref<80xf32, #tpu.memory_space<vmem>>) dst(%dma_wait3A_678 : memref<10240xf32, #tpu.memory_space<vmem_shared>>)
      %dma_wait3A_679 = arith.constant 1 : i32
      %dma_wait3A_680 = arith.constant 0 : i32
      %dma_wait3A_681 = arith.constant 0 : i32
      %dma_wait3A_682 = tpu.memref_slice %arg11[%dma_wait3A_679, %dma_wait3A_680, %dma_wait3A_681] : memref<2x25x80xi32, #tpu.memory_space<vmem>> -> memref<1x1x80xi32, #tpu.memory_space<vmem>>
      %dma_wait3A_683 = tpu.memref_squeeze %dma_wait3A_682 : memref<1x1x80xi32, #tpu.memory_space<vmem>> -> memref<80xi32, #tpu.memory_space<vmem>>
      %dma_wait3A_684 = arith.constant 0 : i32
      %dma_wait3A_685 = tpu.memref_slice %arg18[%dma_wait3A_684] : memref<10240xf32, #tpu.memory_space<vmem_shared>> -> memref<10240xf32, #tpu.memory_space<vmem_shared>>
      tpu.wait_indirect_dma semaphore(%arg19 : memref<!tpu.dma_semaphore, #tpu.memory_space<semaphore_mem>>) src(%arg17 : memref<80xf32, #tpu.memory_space<vmem>>) dst(%dma_wait3A_685 : memref<10240xf32, #tpu.memory_space<vmem_shared>>)
    }
    %scan3A_488 = arith.constant 12 : i32
    %dma_start3A_489 = arith.constant 1 : i32
    %dma_start3A_490 = arith.constant 24 : i32
    %dma_start3A_491 = arith.constant 0 : i32
    %dma_start3A_492 = tpu.memref_slice %arg11[%dma_start3A_489, %dma_start3A_490, %dma_start3A_491] : memref<2x25x80xi32, #tpu.memory_space<vmem>> -> memref<1x1x80xi32, #tpu.memory_space<vmem>>
    %dma_start3A_493 = tpu.memref_squeeze %dma_start3A_492 : memref<1x1x80xi32, #tpu.memory_space<vmem>> -> memref<80xi32, #tpu.memory_space<vmem>>
    %dma_start3A_494 = arith.constant 0 : i32
    %dma_start3A_495 = tpu.memref_slice %arg18[%dma_start3A_494] : memref<10240xf32, #tpu.memory_space<vmem_shared>> -> memref<10240xf32, #tpu.memory_space<vmem_shared>>
    tpu.enqueue_indirect_dma source(%arg17 : memref<80xf32, #tpu.memory_space<vmem>>) target(%dma_start3A_495 : memref<10240xf32, #tpu.memory_space<vmem_shared>>) offsets(%dma_start3A_493 : memref<80xi32, #tpu.memory_space<vmem>>) semaphore(%arg19 : memref<!tpu.dma_semaphore, #tpu.memory_space<semaphore_mem>>) {add = true}
    %dma_wait3A_496 = arith.constant 1 : i32
    %dma_wait3A_497 = arith.constant 24 : i32
    %dma_wait3A_498 = arith.constant 0 : i32
    %dma_wait3A_499 = arith.constant 0 : i32
    %dma_wait3A_500 = arith.constant 0 : i32
    %dma_wait3A_501 = tpu.memref_slice %arg12[%dma_wait3A_498, %dma_wait3A_499, %dma_wait3A_500] : memref<2x80x128xf32, #tpu.memory_space<vmem>> -> memref<1x80x128xf32, #tpu.memory_space<vmem>>
    %dma_wait3A_502 = tpu.memref_squeeze %dma_wait3A_501 : memref<1x80x128xf32, #tpu.memory_space<vmem>> -> memref<80x128xf32, #tpu.memory_space<vmem>>
    %dma_wait3A_503 = arith.constant 0 : i32
    %dma_wait3A_504 = tpu.memref_slice %arg10[%dma_wait3A_496, %dma_wait3A_497, %dma_wait3A_503] : memref<2x25x80xi32, #tpu.memory_space<vmem>> -> memref<1x1x80xi32, #tpu.memory_space<vmem>>
    %dma_wait3A_505 = tpu.memref_squeeze %dma_wait3A_504 : memref<1x1x80xi32, #tpu.memory_space<vmem>> -> memref<80xi32, #tpu.memory_space<vmem>>
    %dma_wait3A_506 = arith.constant 0 : i32
    %dma_wait3A_507 = arith.constant 0 : i32
    %dma_wait3A_508 = tpu.memref_slice %arg2[%dma_wait3A_506, %dma_wait3A_507] : memref<10000x128xf32, #tpu.memory_space<hbm>> -> memref<10000x128xf32, #tpu.memory_space<hbm>>
    tpu.wait_indirect_dma semaphore(%arg14 : memref<!tpu.dma_semaphore, #tpu.memory_space<semaphore_mem>>) src(%dma_wait3A_508 : memref<10000x128xf32, #tpu.memory_space<hbm>>) dst(%dma_wait3A_502 : memref<80x128xf32, #tpu.memory_space<vmem>>)
    %run_scoped3A_509 = arith.constant 0 : i32
    %run_scoped3A_510 = arith.constant 1 : i32
    %run_scoped3A_511 = arith.constant 24 : i32
    "tpu.region"() ({
      %run_scoped3A_605 = tpu.sem_alloc : memref<!tpu.dma_semaphore, #tpu.memory_space<semaphore_mem>>
      %dma_start3A_606 = arith.constant 0 : i32
      %dma_start3A_607 = arith.constant 0 : i32
      %dma_start3A_608 = tpu.memref_slice %arg12[%run_scoped3A_509, %dma_start3A_606, %dma_start3A_607] : memref<2x80x128xf32, #tpu.memory_space<vmem>> -> memref<1x80x128xf32, #tpu.memory_space<vmem>>
      %dma_start3A_609 = tpu.memref_squeeze %dma_start3A_608 : memref<1x80x128xf32, #tpu.memory_space<vmem>> -> memref<80x128xf32, #tpu.memory_space<vmem>>
      %dma_start3A_610 = arith.constant 0 : i32
      %dma_start3A_611 = tpu.memref_slice %arg11[%run_scoped3A_510, %run_scoped3A_511, %dma_start3A_610] : memref<2x25x80xi32, #tpu.memory_space<vmem>> -> memref<1x1x80xi32, #tpu.memory_space<vmem>>
      %dma_start3A_612 = tpu.memref_squeeze %dma_start3A_611 : memref<1x1x80xi32, #tpu.memory_space<vmem>> -> memref<80xi32, #tpu.memory_space<vmem>>
      %dma_start3A_613 = arith.constant 0 : i32
      %dma_start3A_614 = arith.constant 0 : i32
      %dma_start3A_615 = tpu.memref_slice %arg13[%dma_start3A_613, %dma_start3A_614] : memref<10240x128xf32, #tpu.memory_space<vmem_shared>> -> memref<10240x128xf32, #tpu.memory_space<vmem_shared>>
      tpu.enqueue_indirect_dma source(%dma_start3A_609 : memref<80x128xf32, #tpu.memory_space<vmem>>) target(%dma_start3A_615 : memref<10240x128xf32, #tpu.memory_space<vmem_shared>>) offsets(%dma_start3A_612 : memref<80xi32, #tpu.memory_space<vmem>>) semaphore(%run_scoped3A_605 : memref<!tpu.dma_semaphore, #tpu.memory_space<semaphore_mem>>) {add = true}
      %dma_wait3A_616 = arith.constant 0 : i32
      %dma_wait3A_617 = arith.constant 0 : i32
      %dma_wait3A_618 = tpu.memref_slice %arg12[%run_scoped3A_509, %dma_wait3A_616, %dma_wait3A_617] : memref<2x80x128xf32, #tpu.memory_space<vmem>> -> memref<1x80x128xf32, #tpu.memory_space<vmem>>
      %dma_wait3A_619 = tpu.memref_squeeze %dma_wait3A_618 : memref<1x80x128xf32, #tpu.memory_space<vmem>> -> memref<80x128xf32, #tpu.memory_space<vmem>>
      %dma_wait3A_620 = arith.constant 0 : i32
      %dma_wait3A_621 = tpu.memref_slice %arg11[%run_scoped3A_510, %run_scoped3A_511, %dma_wait3A_620] : memref<2x25x80xi32, #tpu.memory_space<vmem>> -> memref<1x1x80xi32, #tpu.memory_space<vmem>>
      %dma_wait3A_622 = tpu.memref_squeeze %dma_wait3A_621 : memref<1x1x80xi32, #tpu.memory_space<vmem>> -> memref<80xi32, #tpu.memory_space<vmem>>
      %dma_wait3A_623 = arith.constant 0 : i32
      %dma_wait3A_624 = arith.constant 0 : i32
      %dma_wait3A_625 = tpu.memref_slice %arg13[%dma_wait3A_623, %dma_wait3A_624] : memref<10240x128xf32, #tpu.memory_space<vmem_shared>> -> memref<10240x128xf32, #tpu.memory_space<vmem_shared>>
      tpu.wait_indirect_dma semaphore(%run_scoped3A_605 : memref<!tpu.dma_semaphore, #tpu.memory_space<semaphore_mem>>) src(%dma_wait3A_619 : memref<80x128xf32, #tpu.memory_space<vmem>>) dst(%dma_wait3A_625 : memref<10240x128xf32, #tpu.memory_space<vmem_shared>>)
      tpu.yield
    }) : () -> ()
    %dma_wait3A_512 = arith.constant 1 : i32
    %dma_wait3A_513 = arith.constant 0 : i32
    %dma_wait3A_514 = arith.constant 0 : i32
    %dma_wait3A_515 = tpu.memref_slice %arg11[%dma_wait3A_512, %dma_wait3A_513, %dma_wait3A_514] : memref<2x25x80xi32, #tpu.memory_space<vmem>> -> memref<1x1x80xi32, #tpu.memory_space<vmem>>
    %dma_wait3A_516 = tpu.memref_squeeze %dma_wait3A_515 : memref<1x1x80xi32, #tpu.memory_space<vmem>> -> memref<80xi32, #tpu.memory_space<vmem>>
    %dma_wait3A_517 = arith.constant 0 : i32
    %dma_wait3A_518 = tpu.memref_slice %arg18[%dma_wait3A_517] : memref<10240xf32, #tpu.memory_space<vmem_shared>> -> memref<10240xf32, #tpu.memory_space<vmem_shared>>
    tpu.wait_indirect_dma semaphore(%arg19 : memref<!tpu.dma_semaphore, #tpu.memory_space<semaphore_mem>>) src(%arg17 : memref<80xf32, #tpu.memory_space<vmem>>) dst(%dma_wait3A_518 : memref<10240xf32, #tpu.memory_space<vmem_shared>>)
    %dma_wait3A_519 = arith.constant 4 : i32
    %dma_wait3A_520 = arith.constant 0 : i32
    %dma_wait3A_521 = arith.constant 0 : i32
    %dma_wait3A_522 = arith.constant 0 : i32
    %dma_wait3A_523 = tpu.memref_slice %arg10[%dma_wait3A_520, %dma_wait3A_521, %dma_wait3A_522] : memref<2x25x80xi32, #tpu.memory_space<vmem>> -> memref<1x25x80xi32, #tpu.memory_space<vmem>>
    %dma_wait3A_524 = tpu.memref_squeeze %dma_wait3A_523 : memref<1x25x80xi32, #tpu.memory_space<vmem>> -> memref<25x80xi32, #tpu.memory_space<vmem>>
    %dma_wait3A_525 = arith.constant 0 : i32
    %dma_wait3A_526 = arith.constant 0 : i32
    %dma_wait3A_527 = tpu.memref_slice %arg3[%add3A, %dma_wait3A_519, %dma_wait3A_525, %dma_wait3A_526] : memref<32x5x25x80xi32, #tpu.memory_space<hbm>> -> memref<1x1x25x80xi32, #tpu.memory_space<hbm>>
    %dma_wait3A_528 = tpu.memref_squeeze %dma_wait3A_527 : memref<1x1x25x80xi32, #tpu.memory_space<hbm>> -> memref<25x80xi32, #tpu.memory_space<hbm>>
    %dma_wait3A_529 = arith.constant 0 : i32
    %dma_wait3A_530 = arith.constant 0 : i32
    %dma_wait3A_531 = tpu.memref_slice %arg10[%dma_wait3A_520, %dma_wait3A_529, %dma_wait3A_530] : memref<2x25x80xi32, #tpu.memory_space<vmem>> -> memref<1x25x80xi32, #tpu.memory_space<vmem>>
    %dma_wait3A_532 = tpu.memref_squeeze %dma_wait3A_531 : memref<1x25x80xi32, #tpu.memory_space<vmem>> -> memref<25x80xi32, #tpu.memory_space<vmem>>
    %dma_wait3A_533 = arith.constant 0 : i32
    %dma_wait3A_534 = arith.constant 0 : i32
    %dma_wait3A_535 = tpu.memref_slice %arg3[%add3A, %dma_wait3A_519, %dma_wait3A_533, %dma_wait3A_534] : memref<32x5x25x80xi32, #tpu.memory_space<hbm>> -> memref<1x1x25x80xi32, #tpu.memory_space<hbm>>
    %dma_wait3A_536 = tpu.memref_squeeze %dma_wait3A_535 : memref<1x1x25x80xi32, #tpu.memory_space<hbm>> -> memref<25x80xi32, #tpu.memory_space<hbm>>
    tpu.wait_dma2 semaphore(%arg16 : memref<!tpu.dma_semaphore, #tpu.memory_space<semaphore_mem>>) src(%dma_wait3A_536 : memref<25x80xi32, #tpu.memory_space<hbm>>) dst(%dma_wait3A_532 : memref<25x80xi32, #tpu.memory_space<vmem>>)
    %dma_wait3A_537 = arith.constant 4 : i32
    %dma_wait3A_538 = arith.constant 0 : i32
    %dma_wait3A_539 = arith.constant 0 : i32
    %dma_wait3A_540 = arith.constant 0 : i32
    %dma_wait3A_541 = tpu.memref_slice %arg11[%dma_wait3A_538, %dma_wait3A_539, %dma_wait3A_540] : memref<2x25x80xi32, #tpu.memory_space<vmem>> -> memref<1x25x80xi32, #tpu.memory_space<vmem>>
    %dma_wait3A_542 = tpu.memref_squeeze %dma_wait3A_541 : memref<1x25x80xi32, #tpu.memory_space<vmem>> -> memref<25x80xi32, #tpu.memory_space<vmem>>
    %dma_wait3A_543 = arith.constant 0 : i32
    %dma_wait3A_544 = arith.constant 0 : i32
    %dma_wait3A_545 = tpu.memref_slice %arg4[%add3A, %dma_wait3A_537, %dma_wait3A_543, %dma_wait3A_544] : memref<32x5x25x80xi32, #tpu.memory_space<hbm>> -> memref<1x1x25x80xi32, #tpu.memory_space<hbm>>
    %dma_wait3A_546 = tpu.memref_squeeze %dma_wait3A_545 : memref<1x1x25x80xi32, #tpu.memory_space<hbm>> -> memref<25x80xi32, #tpu.memory_space<hbm>>
    %dma_wait3A_547 = arith.constant 0 : i32
    %dma_wait3A_548 = arith.constant 0 : i32
    %dma_wait3A_549 = tpu.memref_slice %arg11[%dma_wait3A_538, %dma_wait3A_547, %dma_wait3A_548] : memref<2x25x80xi32, #tpu.memory_space<vmem>> -> memref<1x25x80xi32, #tpu.memory_space<vmem>>
    %dma_wait3A_550 = tpu.memref_squeeze %dma_wait3A_549 : memref<1x25x80xi32, #tpu.memory_space<vmem>> -> memref<25x80xi32, #tpu.memory_space<vmem>>
    %dma_wait3A_551 = arith.constant 0 : i32
    %dma_wait3A_552 = arith.constant 0 : i32
    %dma_wait3A_553 = tpu.memref_slice %arg4[%add3A, %dma_wait3A_537, %dma_wait3A_551, %dma_wait3A_552] : memref<32x5x25x80xi32, #tpu.memory_space<hbm>> -> memref<1x1x25x80xi32, #tpu.memory_space<hbm>>
    %dma_wait3A_554 = tpu.memref_squeeze %dma_wait3A_553 : memref<1x1x25x80xi32, #tpu.memory_space<hbm>> -> memref<25x80xi32, #tpu.memory_space<hbm>>
    tpu.wait_dma2 semaphore(%arg16 : memref<!tpu.dma_semaphore, #tpu.memory_space<semaphore_mem>>) src(%dma_wait3A_554 : memref<25x80xi32, #tpu.memory_space<hbm>>) dst(%dma_wait3A_550 : memref<25x80xi32, #tpu.memory_space<vmem>>)
    %dma_start3A_555 = arith.constant 0 : i32
    %dma_start3A_556 = arith.constant 0 : i32
    %dma_start3A_557 = arith.constant 0 : i32
    %dma_start3A_558 = arith.constant 0 : i32
    %dma_start3A_559 = arith.constant 0 : i32
    %dma_start3A_560 = tpu.memref_slice %arg12[%dma_start3A_557, %dma_start3A_558, %dma_start3A_559] : memref<2x80x128xf32, #tpu.memory_space<vmem>> -> memref<1x80x128xf32, #tpu.memory_space<vmem>>
    %dma_start3A_561 = tpu.memref_squeeze %dma_start3A_560 : memref<1x80x128xf32, #tpu.memory_space<vmem>> -> memref<80x128xf32, #tpu.memory_space<vmem>>
    %dma_start3A_562 = arith.constant 0 : i32
    %dma_start3A_563 = tpu.memref_slice %arg10[%dma_start3A_555, %dma_start3A_556, %dma_start3A_562] : memref<2x25x80xi32, #tpu.memory_space<vmem>> -> memref<1x1x80xi32, #tpu.memory_space<vmem>>
    %dma_start3A_564 = tpu.memref_squeeze %dma_start3A_563 : memref<1x1x80xi32, #tpu.memory_space<vmem>> -> memref<80xi32, #tpu.memory_space<vmem>>
    %dma_start3A_565 = arith.constant 0 : i32
    %dma_start3A_566 = arith.constant 0 : i32
    %dma_start3A_567 = tpu.memref_slice %arg2[%dma_start3A_565, %dma_start3A_566] : memref<10000x128xf32, #tpu.memory_space<hbm>> -> memref<10000x128xf32, #tpu.memory_space<hbm>>
    tpu.enqueue_indirect_dma source(%dma_start3A_567 : memref<10000x128xf32, #tpu.memory_space<hbm>>) target(%dma_start3A_561 : memref<80x128xf32, #tpu.memory_space<vmem>>) offsets(%dma_start3A_564 : memref<80xi32, #tpu.memory_space<vmem>>) semaphore(%arg14 : memref<!tpu.dma_semaphore, #tpu.memory_space<semaphore_mem>>)
    %scan3A_568 = arith.constant 0 : i32
    %scan3A_569 = arith.constant 0 : i32
    %scan3A_570 = arith.constant 12 : i32
    %scan3A_571 = arith.addi %scan3A_569, %scan3A_570 : i32
    %scan3A_572 = arith.constant 1 : i32
    scf.for %scan3A_605 = %scan3A_569 to %scan3A_571 step %scan3A_572  : i32 {
      %mul3A_606 = arith.constant 2 : i32
      %mul3A_607 = arith.muli %mul3A_606, %scan3A_605 : i32
      %add3A_608 = arith.constant 1 : i32
      %add3A_609 = arith.addi %mul3A_607, %add3A_608 : i32
      %dma_start3A_610 = arith.constant 0 : i32
      %dma_start3A_611 = arith.constant 1 : i32
      %dma_start3A_612 = arith.constant 0 : i32
      %dma_start3A_613 = arith.constant 0 : i32
      %dma_start3A_614 = tpu.memref_slice %arg12[%dma_start3A_611, %dma_start3A_612, %dma_start3A_613] : memref<2x80x128xf32, #tpu.memory_space<vmem>> -> memref<1x80x128xf32, #tpu.memory_space<vmem>>
      %dma_start3A_615 = tpu.memref_squeeze %dma_start3A_614 : memref<1x80x128xf32, #tpu.memory_space<vmem>> -> memref<80x128xf32, #tpu.memory_space<vmem>>
      %dma_start3A_616 = arith.constant 0 : i32
      %dma_start3A_617 = tpu.memref_slice %arg10[%dma_start3A_610, %add3A_609, %dma_start3A_616] : memref<2x25x80xi32, #tpu.memory_space<vmem>> -> memref<1x1x80xi32, #tpu.memory_space<vmem>>
      %dma_start3A_618 = tpu.memref_squeeze %dma_start3A_617 : memref<1x1x80xi32, #tpu.memory_space<vmem>> -> memref<80xi32, #tpu.memory_space<vmem>>
      %dma_start3A_619 = arith.constant 0 : i32
      %dma_start3A_620 = arith.constant 0 : i32
      %dma_start3A_621 = tpu.memref_slice %arg2[%dma_start3A_619, %dma_start3A_620] : memref<10000x128xf32, #tpu.memory_space<hbm>> -> memref<10000x128xf32, #tpu.memory_space<hbm>>
      tpu.enqueue_indirect_dma source(%dma_start3A_621 : memref<10000x128xf32, #tpu.memory_space<hbm>>) target(%dma_start3A_615 : memref<80x128xf32, #tpu.memory_space<vmem>>) offsets(%dma_start3A_618 : memref<80xi32, #tpu.memory_space<vmem>>) semaphore(%arg15 : memref<!tpu.dma_semaphore, #tpu.memory_space<semaphore_mem>>)
      %dma_start3A_622 = arith.constant 0 : i32
      %dma_start3A_623 = arith.constant 0 : i32
      %dma_start3A_624 = tpu.memref_slice %arg11[%dma_start3A_622, %mul3A_607, %dma_start3A_623] : memref<2x25x80xi32, #tpu.memory_space<vmem>> -> memref<1x1x80xi32, #tpu.memory_space<vmem>>
      %dma_start3A_625 = tpu.memref_squeeze %dma_start3A_624 : memref<1x1x80xi32, #tpu.memory_space<vmem>> -> memref<80xi32, #tpu.memory_space<vmem>>
      %dma_start3A_626 = arith.constant 0 : i32
      %dma_start3A_627 = tpu.memref_slice %arg18[%dma_start3A_626] : memref<10240xf32, #tpu.memory_space<vmem_shared>> -> memref<10240xf32, #tpu.memory_space<vmem_shared>>
      tpu.enqueue_indirect_dma source(%arg17 : memref<80xf32, #tpu.memory_space<vmem>>) target(%dma_start3A_627 : memref<10240xf32, #tpu.memory_space<vmem_shared>>) offsets(%dma_start3A_625 : memref<80xi32, #tpu.memory_space<vmem>>) semaphore(%arg19 : memref<!tpu.dma_semaphore, #tpu.memory_space<semaphore_mem>>) {add = true}
      %dma_wait3A_628 = arith.constant 0 : i32
      %dma_wait3A_629 = arith.constant 0 : i32
      %dma_wait3A_630 = arith.constant 0 : i32
      %dma_wait3A_631 = arith.constant 0 : i32
      %dma_wait3A_632 = tpu.memref_slice %arg12[%dma_wait3A_629, %dma_wait3A_630, %dma_wait3A_631] : memref<2x80x128xf32, #tpu.memory_space<vmem>> -> memref<1x80x128xf32, #tpu.memory_space<vmem>>
      %dma_wait3A_633 = tpu.memref_squeeze %dma_wait3A_632 : memref<1x80x128xf32, #tpu.memory_space<vmem>> -> memref<80x128xf32, #tpu.memory_space<vmem>>
      %dma_wait3A_634 = arith.constant 0 : i32
      %dma_wait3A_635 = tpu.memref_slice %arg10[%dma_wait3A_628, %mul3A_607, %dma_wait3A_634] : memref<2x25x80xi32, #tpu.memory_space<vmem>> -> memref<1x1x80xi32, #tpu.memory_space<vmem>>
      %dma_wait3A_636 = tpu.memref_squeeze %dma_wait3A_635 : memref<1x1x80xi32, #tpu.memory_space<vmem>> -> memref<80xi32, #tpu.memory_space<vmem>>
      %dma_wait3A_637 = arith.constant 0 : i32
      %dma_wait3A_638 = arith.constant 0 : i32
      %dma_wait3A_639 = tpu.memref_slice %arg2[%dma_wait3A_637, %dma_wait3A_638] : memref<10000x128xf32, #tpu.memory_space<hbm>> -> memref<10000x128xf32, #tpu.memory_space<hbm>>
      tpu.wait_indirect_dma semaphore(%arg14 : memref<!tpu.dma_semaphore, #tpu.memory_space<semaphore_mem>>) src(%dma_wait3A_639 : memref<10000x128xf32, #tpu.memory_space<hbm>>) dst(%dma_wait3A_633 : memref<80x128xf32, #tpu.memory_space<vmem>>)
      %run_scoped3A_640 = arith.constant 0 : i32
      %run_scoped3A_641 = arith.constant 0 : i32
      "tpu.region"() ({
        %run_scoped3A_686 = tpu.sem_alloc : memref<!tpu.dma_semaphore, #tpu.memory_space<semaphore_mem>>
        %dma_start3A_687 = arith.constant 0 : i32
        %dma_start3A_688 = arith.constant 0 : i32
        %dma_start3A_689 = tpu.memref_slice %arg12[%run_scoped3A_640, %dma_start3A_687, %dma_start3A_688] : memref<2x80x128xf32, #tpu.memory_space<vmem>> -> memref<1x80x128xf32, #tpu.memory_space<vmem>>
        %dma_start3A_690 = tpu.memref_squeeze %dma_start3A_689 : memref<1x80x128xf32, #tpu.memory_space<vmem>> -> memref<80x128xf32, #tpu.memory_space<vmem>>
        %dma_start3A_691 = arith.constant 0 : i32
        %dma_start3A_692 = tpu.memref_slice %arg11[%run_scoped3A_641, %mul3A_607, %dma_start3A_691] : memref<2x25x80xi32, #tpu.memory_space<vmem>> -> memref<1x1x80xi32, #tpu.memory_space<vmem>>
        %dma_start3A_693 = tpu.memref_squeeze %dma_start3A_692 : memref<1x1x80xi32, #tpu.memory_space<vmem>> -> memref<80xi32, #tpu.memory_space<vmem>>
        %dma_start3A_694 = arith.constant 0 : i32
        %dma_start3A_695 = arith.constant 0 : i32
        %dma_start3A_696 = tpu.memref_slice %arg13[%dma_start3A_694, %dma_start3A_695] : memref<10240x128xf32, #tpu.memory_space<vmem_shared>> -> memref<10240x128xf32, #tpu.memory_space<vmem_shared>>
        tpu.enqueue_indirect_dma source(%dma_start3A_690 : memref<80x128xf32, #tpu.memory_space<vmem>>) target(%dma_start3A_696 : memref<10240x128xf32, #tpu.memory_space<vmem_shared>>) offsets(%dma_start3A_693 : memref<80xi32, #tpu.memory_space<vmem>>) semaphore(%run_scoped3A_686 : memref<!tpu.dma_semaphore, #tpu.memory_space<semaphore_mem>>) {add = true}
        %dma_wait3A_697 = arith.constant 0 : i32
        %dma_wait3A_698 = arith.constant 0 : i32
        %dma_wait3A_699 = tpu.memref_slice %arg12[%run_scoped3A_640, %dma_wait3A_697, %dma_wait3A_698] : memref<2x80x128xf32, #tpu.memory_space<vmem>> -> memref<1x80x128xf32, #tpu.memory_space<vmem>>
        %dma_wait3A_700 = tpu.memref_squeeze %dma_wait3A_699 : memref<1x80x128xf32, #tpu.memory_space<vmem>> -> memref<80x128xf32, #tpu.memory_space<vmem>>
        %dma_wait3A_701 = arith.constant 0 : i32
        %dma_wait3A_702 = tpu.memref_slice %arg11[%run_scoped3A_641, %mul3A_607, %dma_wait3A_701] : memref<2x25x80xi32, #tpu.memory_space<vmem>> -> memref<1x1x80xi32, #tpu.memory_space<vmem>>
        %dma_wait3A_703 = tpu.memref_squeeze %dma_wait3A_702 : memref<1x1x80xi32, #tpu.memory_space<vmem>> -> memref<80xi32, #tpu.memory_space<vmem>>
        %dma_wait3A_704 = arith.constant 0 : i32
        %dma_wait3A_705 = arith.constant 0 : i32
        %dma_wait3A_706 = tpu.memref_slice %arg13[%dma_wait3A_704, %dma_wait3A_705] : memref<10240x128xf32, #tpu.memory_space<vmem_shared>> -> memref<10240x128xf32, #tpu.memory_space<vmem_shared>>
        tpu.wait_indirect_dma semaphore(%run_scoped3A_686 : memref<!tpu.dma_semaphore, #tpu.memory_space<semaphore_mem>>) src(%dma_wait3A_700 : memref<80x128xf32, #tpu.memory_space<vmem>>) dst(%dma_wait3A_706 : memref<10240x128xf32, #tpu.memory_space<vmem_shared>>)
        tpu.yield
      }) : () -> ()
      %add3A_642 = arith.constant 2 : i32
      %add3A_643 = arith.addi %mul3A_607, %add3A_642 : i32
      %lt3A = arith.constant 25 : i32
      %lt3A_644 = arith.cmpi slt, %add3A_643, %lt3A : i32
      %convert_element_type3A = arith.extui %lt3A_644 : i1 to i32
      %cond3A = arith.constant 0 : i32
      %cond3A_645 = arith.cmpi ne, %convert_element_type3A, %cond3A : i32
      scf.if %cond3A_645 {
        %add3A_686 = arith.constant 2 : i32
        %add3A_687 = arith.addi %mul3A_607, %add3A_686 : i32
        %dma_start3A_688 = arith.constant 0 : i32
        %dma_start3A_689 = arith.constant 0 : i32
        %dma_start3A_690 = arith.constant 0 : i32
        %dma_start3A_691 = arith.constant 0 : i32
        %dma_start3A_692 = tpu.memref_slice %arg12[%dma_start3A_689, %dma_start3A_690, %dma_start3A_691] : memref<2x80x128xf32, #tpu.memory_space<vmem>> -> memref<1x80x128xf32, #tpu.memory_space<vmem>>
        %dma_start3A_693 = tpu.memref_squeeze %dma_start3A_692 : memref<1x80x128xf32, #tpu.memory_space<vmem>> -> memref<80x128xf32, #tpu.memory_space<vmem>>
        %dma_start3A_694 = arith.constant 0 : i32
        %dma_start3A_695 = tpu.memref_slice %arg10[%dma_start3A_688, %add3A_687, %dma_start3A_694] : memref<2x25x80xi32, #tpu.memory_space<vmem>> -> memref<1x1x80xi32, #tpu.memory_space<vmem>>
        %dma_start3A_696 = tpu.memref_squeeze %dma_start3A_695 : memref<1x1x80xi32, #tpu.memory_space<vmem>> -> memref<80xi32, #tpu.memory_space<vmem>>
        %dma_start3A_697 = arith.constant 0 : i32
        %dma_start3A_698 = arith.constant 0 : i32
        %dma_start3A_699 = tpu.memref_slice %arg2[%dma_start3A_697, %dma_start3A_698] : memref<10000x128xf32, #tpu.memory_space<hbm>> -> memref<10000x128xf32, #tpu.memory_space<hbm>>
        tpu.enqueue_indirect_dma source(%dma_start3A_699 : memref<10000x128xf32, #tpu.memory_space<hbm>>) target(%dma_start3A_693 : memref<80x128xf32, #tpu.memory_space<vmem>>) offsets(%dma_start3A_696 : memref<80xi32, #tpu.memory_space<vmem>>) semaphore(%arg14 : memref<!tpu.dma_semaphore, #tpu.memory_space<semaphore_mem>>)
      } else {
      }
      %add3A_646 = arith.constant 1 : i32
      %add3A_647 = arith.addi %mul3A_607, %add3A_646 : i32
      %dma_start3A_648 = arith.constant 0 : i32
      %dma_start3A_649 = arith.constant 0 : i32
      %dma_start3A_650 = tpu.memref_slice %arg11[%dma_start3A_648, %add3A_647, %dma_start3A_649] : memref<2x25x80xi32, #tpu.memory_space<vmem>> -> memref<1x1x80xi32, #tpu.memory_space<vmem>>
      %dma_start3A_651 = tpu.memref_squeeze %dma_start3A_650 : memref<1x1x80xi32, #tpu.memory_space<vmem>> -> memref<80xi32, #tpu.memory_space<vmem>>
      %dma_start3A_652 = arith.constant 0 : i32
      %dma_start3A_653 = tpu.memref_slice %arg18[%dma_start3A_652] : memref<10240xf32, #tpu.memory_space<vmem_shared>> -> memref<10240xf32, #tpu.memory_space<vmem_shared>>
      tpu.enqueue_indirect_dma source(%arg17 : memref<80xf32, #tpu.memory_space<vmem>>) target(%dma_start3A_653 : memref<10240xf32, #tpu.memory_space<vmem_shared>>) offsets(%dma_start3A_651 : memref<80xi32, #tpu.memory_space<vmem>>) semaphore(%arg19 : memref<!tpu.dma_semaphore, #tpu.memory_space<semaphore_mem>>) {add = true}
      %add3A_654 = arith.constant 1 : i32
      %add3A_655 = arith.addi %mul3A_607, %add3A_654 : i32
      %dma_wait3A_656 = arith.constant 0 : i32
      %dma_wait3A_657 = arith.constant 1 : i32
      %dma_wait3A_658 = arith.constant 0 : i32
      %dma_wait3A_659 = arith.constant 0 : i32
      %dma_wait3A_660 = tpu.memref_slice %arg12[%dma_wait3A_657, %dma_wait3A_658, %dma_wait3A_659] : memref<2x80x128xf32, #tpu.memory_space<vmem>> -> memref<1x80x128xf32, #tpu.memory_space<vmem>>
      %dma_wait3A_661 = tpu.memref_squeeze %dma_wait3A_660 : memref<1x80x128xf32, #tpu.memory_space<vmem>> -> memref<80x128xf32, #tpu.memory_space<vmem>>
      %dma_wait3A_662 = arith.constant 0 : i32
      %dma_wait3A_663 = tpu.memref_slice %arg10[%dma_wait3A_656, %add3A_655, %dma_wait3A_662] : memref<2x25x80xi32, #tpu.memory_space<vmem>> -> memref<1x1x80xi32, #tpu.memory_space<vmem>>
      %dma_wait3A_664 = tpu.memref_squeeze %dma_wait3A_663 : memref<1x1x80xi32, #tpu.memory_space<vmem>> -> memref<80xi32, #tpu.memory_space<vmem>>
      %dma_wait3A_665 = arith.constant 0 : i32
      %dma_wait3A_666 = arith.constant 0 : i32
      %dma_wait3A_667 = tpu.memref_slice %arg2[%dma_wait3A_665, %dma_wait3A_666] : memref<10000x128xf32, #tpu.memory_space<hbm>> -> memref<10000x128xf32, #tpu.memory_space<hbm>>
      tpu.wait_indirect_dma semaphore(%arg15 : memref<!tpu.dma_semaphore, #tpu.memory_space<semaphore_mem>>) src(%dma_wait3A_667 : memref<10000x128xf32, #tpu.memory_space<hbm>>) dst(%dma_wait3A_661 : memref<80x128xf32, #tpu.memory_space<vmem>>)
      %add3A_668 = arith.constant 1 : i32
      %add3A_669 = arith.addi %mul3A_607, %add3A_668 : i32
      %run_scoped3A_670 = arith.constant 1 : i32
      %run_scoped3A_671 = arith.constant 0 : i32
      "tpu.region"() ({
        %run_scoped3A_686 = tpu.sem_alloc : memref<!tpu.dma_semaphore, #tpu.memory_space<semaphore_mem>>
        %dma_start3A_687 = arith.constant 0 : i32
        %dma_start3A_688 = arith.constant 0 : i32
        %dma_start3A_689 = tpu.memref_slice %arg12[%run_scoped3A_670, %dma_start3A_687, %dma_start3A_688] : memref<2x80x128xf32, #tpu.memory_space<vmem>> -> memref<1x80x128xf32, #tpu.memory_space<vmem>>
        %dma_start3A_690 = tpu.memref_squeeze %dma_start3A_689 : memref<1x80x128xf32, #tpu.memory_space<vmem>> -> memref<80x128xf32, #tpu.memory_space<vmem>>
        %dma_start3A_691 = arith.constant 0 : i32
        %dma_start3A_692 = tpu.memref_slice %arg11[%run_scoped3A_671, %add3A_669, %dma_start3A_691] : memref<2x25x80xi32, #tpu.memory_space<vmem>> -> memref<1x1x80xi32, #tpu.memory_space<vmem>>
        %dma_start3A_693 = tpu.memref_squeeze %dma_start3A_692 : memref<1x1x80xi32, #tpu.memory_space<vmem>> -> memref<80xi32, #tpu.memory_space<vmem>>
        %dma_start3A_694 = arith.constant 0 : i32
        %dma_start3A_695 = arith.constant 0 : i32
        %dma_start3A_696 = tpu.memref_slice %arg13[%dma_start3A_694, %dma_start3A_695] : memref<10240x128xf32, #tpu.memory_space<vmem_shared>> -> memref<10240x128xf32, #tpu.memory_space<vmem_shared>>
        tpu.enqueue_indirect_dma source(%dma_start3A_690 : memref<80x128xf32, #tpu.memory_space<vmem>>) target(%dma_start3A_696 : memref<10240x128xf32, #tpu.memory_space<vmem_shared>>) offsets(%dma_start3A_693 : memref<80xi32, #tpu.memory_space<vmem>>) semaphore(%run_scoped3A_686 : memref<!tpu.dma_semaphore, #tpu.memory_space<semaphore_mem>>) {add = true}
        %dma_wait3A_697 = arith.constant 0 : i32
        %dma_wait3A_698 = arith.constant 0 : i32
        %dma_wait3A_699 = tpu.memref_slice %arg12[%run_scoped3A_670, %dma_wait3A_697, %dma_wait3A_698] : memref<2x80x128xf32, #tpu.memory_space<vmem>> -> memref<1x80x128xf32, #tpu.memory_space<vmem>>
        %dma_wait3A_700 = tpu.memref_squeeze %dma_wait3A_699 : memref<1x80x128xf32, #tpu.memory_space<vmem>> -> memref<80x128xf32, #tpu.memory_space<vmem>>
        %dma_wait3A_701 = arith.constant 0 : i32
        %dma_wait3A_702 = tpu.memref_slice %arg11[%run_scoped3A_671, %add3A_669, %dma_wait3A_701] : memref<2x25x80xi32, #tpu.memory_space<vmem>> -> memref<1x1x80xi32, #tpu.memory_space<vmem>>
        %dma_wait3A_703 = tpu.memref_squeeze %dma_wait3A_702 : memref<1x1x80xi32, #tpu.memory_space<vmem>> -> memref<80xi32, #tpu.memory_space<vmem>>
        %dma_wait3A_704 = arith.constant 0 : i32
        %dma_wait3A_705 = arith.constant 0 : i32
        %dma_wait3A_706 = tpu.memref_slice %arg13[%dma_wait3A_704, %dma_wait3A_705] : memref<10240x128xf32, #tpu.memory_space<vmem_shared>> -> memref<10240x128xf32, #tpu.memory_space<vmem_shared>>
        tpu.wait_indirect_dma semaphore(%run_scoped3A_686 : memref<!tpu.dma_semaphore, #tpu.memory_space<semaphore_mem>>) src(%dma_wait3A_700 : memref<80x128xf32, #tpu.memory_space<vmem>>) dst(%dma_wait3A_706 : memref<10240x128xf32, #tpu.memory_space<vmem_shared>>)
        tpu.yield
      }) : () -> ()
      %dma_wait3A_672 = arith.constant 0 : i32
      %dma_wait3A_673 = arith.constant 0 : i32
      %dma_wait3A_674 = arith.constant 0 : i32
      %dma_wait3A_675 = tpu.memref_slice %arg11[%dma_wait3A_672, %dma_wait3A_673, %dma_wait3A_674] : memref<2x25x80xi32, #tpu.memory_space<vmem>> -> memref<1x1x80xi32, #tpu.memory_space<vmem>>
      %dma_wait3A_676 = tpu.memref_squeeze %dma_wait3A_675 : memref<1x1x80xi32, #tpu.memory_space<vmem>> -> memref<80xi32, #tpu.memory_space<vmem>>
      %dma_wait3A_677 = arith.constant 0 : i32
      %dma_wait3A_678 = tpu.memref_slice %arg18[%dma_wait3A_677] : memref<10240xf32, #tpu.memory_space<vmem_shared>> -> memref<10240xf32, #tpu.memory_space<vmem_shared>>
      tpu.wait_indirect_dma semaphore(%arg19 : memref<!tpu.dma_semaphore, #tpu.memory_space<semaphore_mem>>) src(%arg17 : memref<80xf32, #tpu.memory_space<vmem>>) dst(%dma_wait3A_678 : memref<10240xf32, #tpu.memory_space<vmem_shared>>)
      %dma_wait3A_679 = arith.constant 0 : i32
      %dma_wait3A_680 = arith.constant 0 : i32
      %dma_wait3A_681 = arith.constant 0 : i32
      %dma_wait3A_682 = tpu.memref_slice %arg11[%dma_wait3A_679, %dma_wait3A_680, %dma_wait3A_681] : memref<2x25x80xi32, #tpu.memory_space<vmem>> -> memref<1x1x80xi32, #tpu.memory_space<vmem>>
      %dma_wait3A_683 = tpu.memref_squeeze %dma_wait3A_682 : memref<1x1x80xi32, #tpu.memory_space<vmem>> -> memref<80xi32, #tpu.memory_space<vmem>>
      %dma_wait3A_684 = arith.constant 0 : i32
      %dma_wait3A_685 = tpu.memref_slice %arg18[%dma_wait3A_684] : memref<10240xf32, #tpu.memory_space<vmem_shared>> -> memref<10240xf32, #tpu.memory_space<vmem_shared>>
      tpu.wait_indirect_dma semaphore(%arg19 : memref<!tpu.dma_semaphore, #tpu.memory_space<semaphore_mem>>) src(%arg17 : memref<80xf32, #tpu.memory_space<vmem>>) dst(%dma_wait3A_685 : memref<10240xf32, #tpu.memory_space<vmem_shared>>)
    }
    %scan3A_573 = arith.constant 12 : i32
    %dma_start3A_574 = arith.constant 0 : i32
    %dma_start3A_575 = arith.constant 24 : i32
    %dma_start3A_576 = arith.constant 0 : i32
    %dma_start3A_577 = tpu.memref_slice %arg11[%dma_start3A_574, %dma_start3A_575, %dma_start3A_576] : memref<2x25x80xi32, #tpu.memory_space<vmem>> -> memref<1x1x80xi32, #tpu.memory_space<vmem>>
    %dma_start3A_578 = tpu.memref_squeeze %dma_start3A_577 : memref<1x1x80xi32, #tpu.memory_space<vmem>> -> memref<80xi32, #tpu.memory_space<vmem>>
    %dma_start3A_579 = arith.constant 0 : i32
    %dma_start3A_580 = tpu.memref_slice %arg18[%dma_start3A_579] : memref<10240xf32, #tpu.memory_space<vmem_shared>> -> memref<10240xf32, #tpu.memory_space<vmem_shared>>
    tpu.enqueue_indirect_dma source(%arg17 : memref<80xf32, #tpu.memory_space<vmem>>) target(%dma_start3A_580 : memref<10240xf32, #tpu.memory_space<vmem_shared>>) offsets(%dma_start3A_578 : memref<80xi32, #tpu.memory_space<vmem>>) semaphore(%arg19 : memref<!tpu.dma_semaphore, #tpu.memory_space<semaphore_mem>>) {add = true}
    %dma_wait3A_581 = arith.constant 0 : i32
    %dma_wait3A_582 = arith.constant 24 : i32
    %dma_wait3A_583 = arith.constant 0 : i32
    %dma_wait3A_584 = arith.constant 0 : i32
    %dma_wait3A_585 = arith.constant 0 : i32
    %dma_wait3A_586 = tpu.memref_slice %arg12[%dma_wait3A_583, %dma_wait3A_584, %dma_wait3A_585] : memref<2x80x128xf32, #tpu.memory_space<vmem>> -> memref<1x80x128xf32, #tpu.memory_space<vmem>>
    %dma_wait3A_587 = tpu.memref_squeeze %dma_wait3A_586 : memref<1x80x128xf32, #tpu.memory_space<vmem>> -> memref<80x128xf32, #tpu.memory_space<vmem>>
    %dma_wait3A_588 = arith.constant 0 : i32
    %dma_wait3A_589 = tpu.memref_slice %arg10[%dma_wait3A_581, %dma_wait3A_582, %dma_wait3A_588] : memref<2x25x80xi32, #tpu.memory_space<vmem>> -> memref<1x1x80xi32, #tpu.memory_space<vmem>>
    %dma_wait3A_590 = tpu.memref_squeeze %dma_wait3A_589 : memref<1x1x80xi32, #tpu.memory_space<vmem>> -> memref<80xi32, #tpu.memory_space<vmem>>
    %dma_wait3A_591 = arith.constant 0 : i32
    %dma_wait3A_592 = arith.constant 0 : i32
    %dma_wait3A_593 = tpu.memref_slice %arg2[%dma_wait3A_591, %dma_wait3A_592] : memref<10000x128xf32, #tpu.memory_space<hbm>> -> memref<10000x128xf32, #tpu.memory_space<hbm>>
    tpu.wait_indirect_dma semaphore(%arg14 : memref<!tpu.dma_semaphore, #tpu.memory_space<semaphore_mem>>) src(%dma_wait3A_593 : memref<10000x128xf32, #tpu.memory_space<hbm>>) dst(%dma_wait3A_587 : memref<80x128xf32, #tpu.memory_space<vmem>>)
    %run_scoped3A_594 = arith.constant 0 : i32
    %run_scoped3A_595 = arith.constant 0 : i32
    %run_scoped3A_596 = arith.constant 24 : i32
    "tpu.region"() ({
      %run_scoped3A_605 = tpu.sem_alloc : memref<!tpu.dma_semaphore, #tpu.memory_space<semaphore_mem>>
      %dma_start3A_606 = arith.constant 0 : i32
      %dma_start3A_607 = arith.constant 0 : i32
      %dma_start3A_608 = tpu.memref_slice %arg12[%run_scoped3A_594, %dma_start3A_606, %dma_start3A_607] : memref<2x80x128xf32, #tpu.memory_space<vmem>> -> memref<1x80x128xf32, #tpu.memory_space<vmem>>
      %dma_start3A_609 = tpu.memref_squeeze %dma_start3A_608 : memref<1x80x128xf32, #tpu.memory_space<vmem>> -> memref<80x128xf32, #tpu.memory_space<vmem>>
      %dma_start3A_610 = arith.constant 0 : i32
      %dma_start3A_611 = tpu.memref_slice %arg11[%run_scoped3A_595, %run_scoped3A_596, %dma_start3A_610] : memref<2x25x80xi32, #tpu.memory_space<vmem>> -> memref<1x1x80xi32, #tpu.memory_space<vmem>>
      %dma_start3A_612 = tpu.memref_squeeze %dma_start3A_611 : memref<1x1x80xi32, #tpu.memory_space<vmem>> -> memref<80xi32, #tpu.memory_space<vmem>>
      %dma_start3A_613 = arith.constant 0 : i32
      %dma_start3A_614 = arith.constant 0 : i32
      %dma_start3A_615 = tpu.memref_slice %arg13[%dma_start3A_613, %dma_start3A_614] : memref<10240x128xf32, #tpu.memory_space<vmem_shared>> -> memref<10240x128xf32, #tpu.memory_space<vmem_shared>>
      tpu.enqueue_indirect_dma source(%dma_start3A_609 : memref<80x128xf32, #tpu.memory_space<vmem>>) target(%dma_start3A_615 : memref<10240x128xf32, #tpu.memory_space<vmem_shared>>) offsets(%dma_start3A_612 : memref<80xi32, #tpu.memory_space<vmem>>) semaphore(%run_scoped3A_605 : memref<!tpu.dma_semaphore, #tpu.memory_space<semaphore_mem>>) {add = true}
      %dma_wait3A_616 = arith.constant 0 : i32
      %dma_wait3A_617 = arith.constant 0 : i32
      %dma_wait3A_618 = tpu.memref_slice %arg12[%run_scoped3A_594, %dma_wait3A_616, %dma_wait3A_617] : memref<2x80x128xf32, #tpu.memory_space<vmem>> -> memref<1x80x128xf32, #tpu.memory_space<vmem>>
      %dma_wait3A_619 = tpu.memref_squeeze %dma_wait3A_618 : memref<1x80x128xf32, #tpu.memory_space<vmem>> -> memref<80x128xf32, #tpu.memory_space<vmem>>
      %dma_wait3A_620 = arith.constant 0 : i32
      %dma_wait3A_621 = tpu.memref_slice %arg11[%run_scoped3A_595, %run_scoped3A_596, %dma_wait3A_620] : memref<2x25x80xi32, #tpu.memory_space<vmem>> -> memref<1x1x80xi32, #tpu.memory_space<vmem>>
      %dma_wait3A_622 = tpu.memref_squeeze %dma_wait3A_621 : memref<1x1x80xi32, #tpu.memory_space<vmem>> -> memref<80xi32, #tpu.memory_space<vmem>>
      %dma_wait3A_623 = arith.constant 0 : i32
      %dma_wait3A_624 = arith.constant 0 : i32
      %dma_wait3A_625 = tpu.memref_slice %arg13[%dma_wait3A_623, %dma_wait3A_624] : memref<10240x128xf32, #tpu.memory_space<vmem_shared>> -> memref<10240x128xf32, #tpu.memory_space<vmem_shared>>
      tpu.wait_indirect_dma semaphore(%run_scoped3A_605 : memref<!tpu.dma_semaphore, #tpu.memory_space<semaphore_mem>>) src(%dma_wait3A_619 : memref<80x128xf32, #tpu.memory_space<vmem>>) dst(%dma_wait3A_625 : memref<10240x128xf32, #tpu.memory_space<vmem_shared>>)
      tpu.yield
    }) : () -> ()
    %dma_wait3A_597 = arith.constant 0 : i32
    %dma_wait3A_598 = arith.constant 0 : i32
    %dma_wait3A_599 = arith.constant 0 : i32
    %dma_wait3A_600 = tpu.memref_slice %arg11[%dma_wait3A_597, %dma_wait3A_598, %dma_wait3A_599] : memref<2x25x80xi32, #tpu.memory_space<vmem>> -> memref<1x1x80xi32, #tpu.memory_space<vmem>>
    %dma_wait3A_601 = tpu.memref_squeeze %dma_wait3A_600 : memref<1x1x80xi32, #tpu.memory_space<vmem>> -> memref<80xi32, #tpu.memory_space<vmem>>
    %dma_wait3A_602 = arith.constant 0 : i32
    %dma_wait3A_603 = tpu.memref_slice %arg18[%dma_wait3A_602] : memref<10240xf32, #tpu.memory_space<vmem_shared>> -> memref<10240xf32, #tpu.memory_space<vmem_shared>>
    tpu.wait_indirect_dma semaphore(%arg19 : memref<!tpu.dma_semaphore, #tpu.memory_space<semaphore_mem>>) src(%arg17 : memref<80xf32, #tpu.memory_space<vmem>>) dst(%dma_wait3A_603 : memref<10240xf32, #tpu.memory_space<vmem_shared>>)
    %barrier3A_604 = arith.constant 0 : index
    tpu.barrier barrier_id(%barrier3A_604)
    "tpu.region"() ({
      %run_scoped3A_605 = tpu.sem_alloc : memref<!tpu.dma_semaphore, #tpu.memory_space<semaphore_mem>>
      %dma_start3A_606 = arith.constant 0 : i32
      %dma_start3A_607 = tpu.memref_slice %arg8[%arg0, %mul3A_2, %dma_start3A_606] : memref<2x10240x128xf32, #tpu.memory_space<hbm>> -> memref<1x640x128xf32, #tpu.memory_space<hbm>>
      %dma_start3A_608 = tpu.memref_squeeze %dma_start3A_607 : memref<1x640x128xf32, #tpu.memory_space<hbm>> -> memref<640x128xf32, #tpu.memory_space<hbm>>
      %dma_start3A_609 = arith.constant 0 : i32
      %dma_start3A_610 = tpu.memref_slice %arg13[%mul3A_2, %dma_start3A_609] : memref<10240x128xf32, #tpu.memory_space<vmem_shared>> -> memref<640x128xf32, #tpu.memory_space<vmem_shared>>
      tpu.enqueue_dma source(%dma_start3A_610 : memref<640x128xf32, #tpu.memory_space<vmem_shared>>) target(%dma_start3A_608 : memref<640x128xf32, #tpu.memory_space<hbm>>) target_semaphore(%run_scoped3A_605 : memref<!tpu.dma_semaphore, #tpu.memory_space<semaphore_mem>>)
      %dma_wait3A_611 = arith.constant 0 : i32
      %dma_wait3A_612 = tpu.memref_slice %arg8[%arg0, %mul3A_2, %dma_wait3A_611] : memref<2x10240x128xf32, #tpu.memory_space<hbm>> -> memref<1x640x128xf32, #tpu.memory_space<hbm>>
      %dma_wait3A_613 = tpu.memref_squeeze %dma_wait3A_612 : memref<1x640x128xf32, #tpu.memory_space<hbm>> -> memref<640x128xf32, #tpu.memory_space<hbm>>
      %dma_wait3A_614 = arith.constant 0 : i32
      %dma_wait3A_615 = tpu.memref_slice %arg13[%mul3A_2, %dma_wait3A_614] : memref<10240x128xf32, #tpu.memory_space<vmem_shared>> -> memref<640x128xf32, #tpu.memory_space<vmem_shared>>
      tpu.wait_dma2 semaphore(%run_scoped3A_605 : memref<!tpu.dma_semaphore, #tpu.memory_space<semaphore_mem>>) src(%dma_wait3A_615 : memref<640x128xf32, #tpu.memory_space<vmem_shared>>) dst(%dma_wait3A_613 : memref<640x128xf32, #tpu.memory_space<hbm>>)
      tpu.yield
    }) : () -> ()
    "tpu.region"() ({
      %run_scoped3A_605 = tpu.sem_alloc : memref<!tpu.dma_semaphore, #tpu.memory_space<semaphore_mem>>
      %dma_start3A_606 = tpu.memref_slice %arg9[%arg0, %mul3A_2] : memref<2x10240xf32, #tpu.memory_space<hbm>> -> memref<1x640xf32, #tpu.memory_space<hbm>>
      %dma_start3A_607 = tpu.memref_squeeze %dma_start3A_606 : memref<1x640xf32, #tpu.memory_space<hbm>> -> memref<640xf32, #tpu.memory_space<hbm>>
      %dma_start3A_608 = tpu.memref_slice %arg18[%mul3A_2] : memref<10240xf32, #tpu.memory_space<vmem_shared>> -> memref<640xf32, #tpu.memory_space<vmem_shared>>
      tpu.enqueue_dma source(%dma_start3A_608 : memref<640xf32, #tpu.memory_space<vmem_shared>>) target(%dma_start3A_607 : memref<640xf32, #tpu.memory_space<hbm>>) target_semaphore(%run_scoped3A_605 : memref<!tpu.dma_semaphore, #tpu.memory_space<semaphore_mem>>)
      %dma_wait3A_609 = tpu.memref_slice %arg9[%arg0, %mul3A_2] : memref<2x10240xf32, #tpu.memory_space<hbm>> -> memref<1x640xf32, #tpu.memory_space<hbm>>
      %dma_wait3A_610 = tpu.memref_squeeze %dma_wait3A_609 : memref<1x640xf32, #tpu.memory_space<hbm>> -> memref<640xf32, #tpu.memory_space<hbm>>
      %dma_wait3A_611 = tpu.memref_slice %arg18[%mul3A_2] : memref<10240xf32, #tpu.memory_space<vmem_shared>> -> memref<640xf32, #tpu.memory_space<vmem_shared>>
      tpu.wait_dma2 semaphore(%run_scoped3A_605 : memref<!tpu.dma_semaphore, #tpu.memory_space<semaphore_mem>>) src(%dma_wait3A_611 : memref<640xf32, #tpu.memory_space<vmem_shared>>) dst(%dma_wait3A_610 : memref<640xf32, #tpu.memory_space<hbm>>)
      tpu.yield
    }) : () -> ()
    return
  }
}

#map = affine_map<(d0, d1) -> (0, 0)>
#map1 = affine_map<(d0, d1) -> (0, 0, 0, 0)>
#map2 = affine_map<(d0, d1) -> (0)>
#map3 = affine_map<(d0, d1) -> (0, 0, 0)>
module attributes {stable_mosaic.version = 14 : i64} {
  func.func @body(%arg0: i32, %arg1: i32, %arg2: memref<10000x128xf32, #tpu.memory_space<hbm>>, %arg3: memref<32x5x25x80xi32, #tpu.memory_space<hbm>>, %arg4: memref<32x5x25x80xi32, #tpu.memory_space<hbm>>, %arg5: memref<640x128xf32, #tpu.memory_space<hbm>>, %arg6: memref<640xf32, #tpu.memory_space<hbm>>, %arg7: memref<80xf32, #tpu.memory_space<hbm>>, %arg8: memref<2x10240x128xf32, #tpu.memory_space<hbm>>, %arg9: memref<2x25x80xi32, #tpu.memory_space<vmem>>, %arg10: memref<2x25x80xi32, #tpu.memory_space<vmem>>, %arg11: memref<2x80x128xf32, #tpu.memory_space<vmem>>, %arg12: memref<10240x128xf32, #tpu.memory_space<vmem_shared>>, %arg13: memref<!tpu.dma_semaphore, #tpu.memory_space<semaphore_mem>>, %arg14: memref<!tpu.dma_semaphore, #tpu.memory_space<semaphore_mem>>, %arg15: memref<!tpu.dma_semaphore, #tpu.memory_space<semaphore_mem>>) attributes {dimension_semantics = [#tpu.dimension_semantics<core_parallel>, #tpu.dimension_semantics<subcore_parallel>], iteration_bounds = array<i64: 2, 16>, scalar_prefetch = 0 : i64, scratch_operands = 7 : i64, tpu.core_type = #tpu.core_type<sc_vector_subcore>, window_params = [{transform_indices = #map}, {transform_indices = #map1}, {transform_indices = #map1}, {transform_indices = #map}, {transform_indices = #map2}, {transform_indices = #map2}, {transform_indices = #map3}]} {
    %mul3A = arith.constant 2 : i32
    %mul3A_0 = arith.muli %arg1, %mul3A : i32
    %add3A = arith.addi %mul3A_0, %arg0 : i32
    %mul3A_1 = arith.constant 640 : i32
    %mul3A_2 = arith.muli %arg1, %mul3A_1 : i32
    "tpu.region"() ({
      %run_scoped3A_535 = tpu.sem_alloc : memref<!tpu.dma_semaphore, #tpu.memory_space<semaphore_mem>>
      %dma_start3A_536 = arith.constant 0 : i32
      %dma_start3A_537 = tpu.memref_slice %arg12[%mul3A_2, %dma_start3A_536] : memref<10240x128xf32, #tpu.memory_space<vmem_shared>> -> memref<640x128xf32, #tpu.memory_space<vmem_shared>>
      tpu.enqueue_dma source(%arg5 : memref<640x128xf32, #tpu.memory_space<hbm>>) target(%dma_start3A_537 : memref<640x128xf32, #tpu.memory_space<vmem_shared>>) target_semaphore(%run_scoped3A_535 : memref<!tpu.dma_semaphore, #tpu.memory_space<semaphore_mem>>)
      %dma_wait3A_538 = arith.constant 0 : i32
      %dma_wait3A_539 = tpu.memref_slice %arg12[%mul3A_2, %dma_wait3A_538] : memref<10240x128xf32, #tpu.memory_space<vmem_shared>> -> memref<640x128xf32, #tpu.memory_space<vmem_shared>>
      tpu.wait_dma2 semaphore(%run_scoped3A_535 : memref<!tpu.dma_semaphore, #tpu.memory_space<semaphore_mem>>) src(%arg5 : memref<640x128xf32, #tpu.memory_space<hbm>>) dst(%dma_wait3A_539 : memref<640x128xf32, #tpu.memory_space<vmem_shared>>)
      tpu.yield
    }) : () -> ()
    %barrier3A = arith.constant 0 : index
    tpu.barrier barrier_id(%barrier3A)
    %dma_start3A = arith.constant 0 : i32
    %dma_start3A_3 = arith.constant 0 : i32
    %dma_start3A_4 = arith.constant 0 : i32
    %dma_start3A_5 = arith.constant 0 : i32
    %dma_start3A_6 = tpu.memref_slice %arg9[%dma_start3A_3, %dma_start3A_4, %dma_start3A_5] : memref<2x25x80xi32, #tpu.memory_space<vmem>> -> memref<1x25x80xi32, #tpu.memory_space<vmem>>
    %dma_start3A_7 = tpu.memref_squeeze %dma_start3A_6 : memref<1x25x80xi32, #tpu.memory_space<vmem>> -> memref<25x80xi32, #tpu.memory_space<vmem>>
    %dma_start3A_8 = arith.constant 0 : i32
    %dma_start3A_9 = arith.constant 0 : i32
    %dma_start3A_10 = tpu.memref_slice %arg3[%add3A, %dma_start3A, %dma_start3A_8, %dma_start3A_9] : memref<32x5x25x80xi32, #tpu.memory_space<hbm>> -> memref<1x1x25x80xi32, #tpu.memory_space<hbm>>
    %dma_start3A_11 = tpu.memref_squeeze %dma_start3A_10 : memref<1x1x25x80xi32, #tpu.memory_space<hbm>> -> memref<25x80xi32, #tpu.memory_space<hbm>>
    %dma_start3A_12 = arith.constant 0 : i32
    %dma_start3A_13 = arith.constant 0 : i32
    %dma_start3A_14 = tpu.memref_slice %arg9[%dma_start3A_3, %dma_start3A_12, %dma_start3A_13] : memref<2x25x80xi32, #tpu.memory_space<vmem>> -> memref<1x25x80xi32, #tpu.memory_space<vmem>>
    %dma_start3A_15 = tpu.memref_squeeze %dma_start3A_14 : memref<1x25x80xi32, #tpu.memory_space<vmem>> -> memref<25x80xi32, #tpu.memory_space<vmem>>
    %dma_start3A_16 = arith.constant 0 : i32
    %dma_start3A_17 = arith.constant 0 : i32
    %dma_start3A_18 = tpu.memref_slice %arg3[%add3A, %dma_start3A, %dma_start3A_16, %dma_start3A_17] : memref<32x5x25x80xi32, #tpu.memory_space<hbm>> -> memref<1x1x25x80xi32, #tpu.memory_space<hbm>>
    %dma_start3A_19 = tpu.memref_squeeze %dma_start3A_18 : memref<1x1x25x80xi32, #tpu.memory_space<hbm>> -> memref<25x80xi32, #tpu.memory_space<hbm>>
    tpu.enqueue_dma source(%dma_start3A_19 : memref<25x80xi32, #tpu.memory_space<hbm>>) target(%dma_start3A_15 : memref<25x80xi32, #tpu.memory_space<vmem>>) target_semaphore(%arg15 : memref<!tpu.dma_semaphore, #tpu.memory_space<semaphore_mem>>)
    %dma_start3A_20 = arith.constant 0 : i32
    %dma_start3A_21 = arith.constant 0 : i32
    %dma_start3A_22 = arith.constant 0 : i32
    %dma_start3A_23 = arith.constant 0 : i32
    %dma_start3A_24 = tpu.memref_slice %arg10[%dma_start3A_21, %dma_start3A_22, %dma_start3A_23] : memref<2x25x80xi32, #tpu.memory_space<vmem>> -> memref<1x25x80xi32, #tpu.memory_space<vmem>>
    %dma_start3A_25 = tpu.memref_squeeze %dma_start3A_24 : memref<1x25x80xi32, #tpu.memory_space<vmem>> -> memref<25x80xi32, #tpu.memory_space<vmem>>
    %dma_start3A_26 = arith.constant 0 : i32
    %dma_start3A_27 = arith.constant 0 : i32
    %dma_start3A_28 = tpu.memref_slice %arg4[%add3A, %dma_start3A_20, %dma_start3A_26, %dma_start3A_27] : memref<32x5x25x80xi32, #tpu.memory_space<hbm>> -> memref<1x1x25x80xi32, #tpu.memory_space<hbm>>
    %dma_start3A_29 = tpu.memref_squeeze %dma_start3A_28 : memref<1x1x25x80xi32, #tpu.memory_space<hbm>> -> memref<25x80xi32, #tpu.memory_space<hbm>>
    %dma_start3A_30 = arith.constant 0 : i32
    %dma_start3A_31 = arith.constant 0 : i32
    %dma_start3A_32 = tpu.memref_slice %arg10[%dma_start3A_21, %dma_start3A_30, %dma_start3A_31] : memref<2x25x80xi32, #tpu.memory_space<vmem>> -> memref<1x25x80xi32, #tpu.memory_space<vmem>>
    %dma_start3A_33 = tpu.memref_squeeze %dma_start3A_32 : memref<1x25x80xi32, #tpu.memory_space<vmem>> -> memref<25x80xi32, #tpu.memory_space<vmem>>
    %dma_start3A_34 = arith.constant 0 : i32
    %dma_start3A_35 = arith.constant 0 : i32
    %dma_start3A_36 = tpu.memref_slice %arg4[%add3A, %dma_start3A_20, %dma_start3A_34, %dma_start3A_35] : memref<32x5x25x80xi32, #tpu.memory_space<hbm>> -> memref<1x1x25x80xi32, #tpu.memory_space<hbm>>
    %dma_start3A_37 = tpu.memref_squeeze %dma_start3A_36 : memref<1x1x25x80xi32, #tpu.memory_space<hbm>> -> memref<25x80xi32, #tpu.memory_space<hbm>>
    tpu.enqueue_dma source(%dma_start3A_37 : memref<25x80xi32, #tpu.memory_space<hbm>>) target(%dma_start3A_33 : memref<25x80xi32, #tpu.memory_space<vmem>>) target_semaphore(%arg15 : memref<!tpu.dma_semaphore, #tpu.memory_space<semaphore_mem>>)
    %dma_wait3A = arith.constant 0 : i32
    %dma_wait3A_38 = arith.constant 0 : i32
    %dma_wait3A_39 = arith.constant 0 : i32
    %dma_wait3A_40 = arith.constant 0 : i32
    %dma_wait3A_41 = tpu.memref_slice %arg9[%dma_wait3A_38, %dma_wait3A_39, %dma_wait3A_40] : memref<2x25x80xi32, #tpu.memory_space<vmem>> -> memref<1x25x80xi32, #tpu.memory_space<vmem>>
    %dma_wait3A_42 = tpu.memref_squeeze %dma_wait3A_41 : memref<1x25x80xi32, #tpu.memory_space<vmem>> -> memref<25x80xi32, #tpu.memory_space<vmem>>
    %dma_wait3A_43 = arith.constant 0 : i32
    %dma_wait3A_44 = arith.constant 0 : i32
    %dma_wait3A_45 = tpu.memref_slice %arg3[%add3A, %dma_wait3A, %dma_wait3A_43, %dma_wait3A_44] : memref<32x5x25x80xi32, #tpu.memory_space<hbm>> -> memref<1x1x25x80xi32, #tpu.memory_space<hbm>>
    %dma_wait3A_46 = tpu.memref_squeeze %dma_wait3A_45 : memref<1x1x25x80xi32, #tpu.memory_space<hbm>> -> memref<25x80xi32, #tpu.memory_space<hbm>>
    %dma_wait3A_47 = arith.constant 0 : i32
    %dma_wait3A_48 = arith.constant 0 : i32
    %dma_wait3A_49 = tpu.memref_slice %arg9[%dma_wait3A_38, %dma_wait3A_47, %dma_wait3A_48] : memref<2x25x80xi32, #tpu.memory_space<vmem>> -> memref<1x25x80xi32, #tpu.memory_space<vmem>>
    %dma_wait3A_50 = tpu.memref_squeeze %dma_wait3A_49 : memref<1x25x80xi32, #tpu.memory_space<vmem>> -> memref<25x80xi32, #tpu.memory_space<vmem>>
    %dma_wait3A_51 = arith.constant 0 : i32
    %dma_wait3A_52 = arith.constant 0 : i32
    %dma_wait3A_53 = tpu.memref_slice %arg3[%add3A, %dma_wait3A, %dma_wait3A_51, %dma_wait3A_52] : memref<32x5x25x80xi32, #tpu.memory_space<hbm>> -> memref<1x1x25x80xi32, #tpu.memory_space<hbm>>
    %dma_wait3A_54 = tpu.memref_squeeze %dma_wait3A_53 : memref<1x1x25x80xi32, #tpu.memory_space<hbm>> -> memref<25x80xi32, #tpu.memory_space<hbm>>
    tpu.wait_dma2 semaphore(%arg15 : memref<!tpu.dma_semaphore, #tpu.memory_space<semaphore_mem>>) src(%dma_wait3A_54 : memref<25x80xi32, #tpu.memory_space<hbm>>) dst(%dma_wait3A_50 : memref<25x80xi32, #tpu.memory_space<vmem>>)
    %dma_wait3A_55 = arith.constant 0 : i32
    %dma_wait3A_56 = arith.constant 0 : i32
    %dma_wait3A_57 = arith.constant 0 : i32
    %dma_wait3A_58 = arith.constant 0 : i32
    %dma_wait3A_59 = tpu.memref_slice %arg10[%dma_wait3A_56, %dma_wait3A_57, %dma_wait3A_58] : memref<2x25x80xi32, #tpu.memory_space<vmem>> -> memref<1x25x80xi32, #tpu.memory_space<vmem>>
    %dma_wait3A_60 = tpu.memref_squeeze %dma_wait3A_59 : memref<1x25x80xi32, #tpu.memory_space<vmem>> -> memref<25x80xi32, #tpu.memory_space<vmem>>
    %dma_wait3A_61 = arith.constant 0 : i32
    %dma_wait3A_62 = arith.constant 0 : i32
    %dma_wait3A_63 = tpu.memref_slice %arg4[%add3A, %dma_wait3A_55, %dma_wait3A_61, %dma_wait3A_62] : memref<32x5x25x80xi32, #tpu.memory_space<hbm>> -> memref<1x1x25x80xi32, #tpu.memory_space<hbm>>
    %dma_wait3A_64 = tpu.memref_squeeze %dma_wait3A_63 : memref<1x1x25x80xi32, #tpu.memory_space<hbm>> -> memref<25x80xi32, #tpu.memory_space<hbm>>
    %dma_wait3A_65 = arith.constant 0 : i32
    %dma_wait3A_66 = arith.constant 0 : i32
    %dma_wait3A_67 = tpu.memref_slice %arg10[%dma_wait3A_56, %dma_wait3A_65, %dma_wait3A_66] : memref<2x25x80xi32, #tpu.memory_space<vmem>> -> memref<1x25x80xi32, #tpu.memory_space<vmem>>
    %dma_wait3A_68 = tpu.memref_squeeze %dma_wait3A_67 : memref<1x25x80xi32, #tpu.memory_space<vmem>> -> memref<25x80xi32, #tpu.memory_space<vmem>>
    %dma_wait3A_69 = arith.constant 0 : i32
    %dma_wait3A_70 = arith.constant 0 : i32
    %dma_wait3A_71 = tpu.memref_slice %arg4[%add3A, %dma_wait3A_55, %dma_wait3A_69, %dma_wait3A_70] : memref<32x5x25x80xi32, #tpu.memory_space<hbm>> -> memref<1x1x25x80xi32, #tpu.memory_space<hbm>>
    %dma_wait3A_72 = tpu.memref_squeeze %dma_wait3A_71 : memref<1x1x25x80xi32, #tpu.memory_space<hbm>> -> memref<25x80xi32, #tpu.memory_space<hbm>>
    tpu.wait_dma2 semaphore(%arg15 : memref<!tpu.dma_semaphore, #tpu.memory_space<semaphore_mem>>) src(%dma_wait3A_72 : memref<25x80xi32, #tpu.memory_space<hbm>>) dst(%dma_wait3A_68 : memref<25x80xi32, #tpu.memory_space<vmem>>)
    %dma_start3A_73 = arith.constant 1 : i32
    %dma_start3A_74 = arith.constant 1 : i32
    %dma_start3A_75 = arith.constant 0 : i32
    %dma_start3A_76 = arith.constant 0 : i32
    %dma_start3A_77 = tpu.memref_slice %arg9[%dma_start3A_74, %dma_start3A_75, %dma_start3A_76] : memref<2x25x80xi32, #tpu.memory_space<vmem>> -> memref<1x25x80xi32, #tpu.memory_space<vmem>>
    %dma_start3A_78 = tpu.memref_squeeze %dma_start3A_77 : memref<1x25x80xi32, #tpu.memory_space<vmem>> -> memref<25x80xi32, #tpu.memory_space<vmem>>
    %dma_start3A_79 = arith.constant 0 : i32
    %dma_start3A_80 = arith.constant 0 : i32
    %dma_start3A_81 = tpu.memref_slice %arg3[%add3A, %dma_start3A_73, %dma_start3A_79, %dma_start3A_80] : memref<32x5x25x80xi32, #tpu.memory_space<hbm>> -> memref<1x1x25x80xi32, #tpu.memory_space<hbm>>
    %dma_start3A_82 = tpu.memref_squeeze %dma_start3A_81 : memref<1x1x25x80xi32, #tpu.memory_space<hbm>> -> memref<25x80xi32, #tpu.memory_space<hbm>>
    %dma_start3A_83 = arith.constant 0 : i32
    %dma_start3A_84 = arith.constant 0 : i32
    %dma_start3A_85 = tpu.memref_slice %arg9[%dma_start3A_74, %dma_start3A_83, %dma_start3A_84] : memref<2x25x80xi32, #tpu.memory_space<vmem>> -> memref<1x25x80xi32, #tpu.memory_space<vmem>>
    %dma_start3A_86 = tpu.memref_squeeze %dma_start3A_85 : memref<1x25x80xi32, #tpu.memory_space<vmem>> -> memref<25x80xi32, #tpu.memory_space<vmem>>
    %dma_start3A_87 = arith.constant 0 : i32
    %dma_start3A_88 = arith.constant 0 : i32
    %dma_start3A_89 = tpu.memref_slice %arg3[%add3A, %dma_start3A_73, %dma_start3A_87, %dma_start3A_88] : memref<32x5x25x80xi32, #tpu.memory_space<hbm>> -> memref<1x1x25x80xi32, #tpu.memory_space<hbm>>
    %dma_start3A_90 = tpu.memref_squeeze %dma_start3A_89 : memref<1x1x25x80xi32, #tpu.memory_space<hbm>> -> memref<25x80xi32, #tpu.memory_space<hbm>>
    tpu.enqueue_dma source(%dma_start3A_90 : memref<25x80xi32, #tpu.memory_space<hbm>>) target(%dma_start3A_86 : memref<25x80xi32, #tpu.memory_space<vmem>>) target_semaphore(%arg15 : memref<!tpu.dma_semaphore, #tpu.memory_space<semaphore_mem>>)
    %dma_start3A_91 = arith.constant 1 : i32
    %dma_start3A_92 = arith.constant 1 : i32
    %dma_start3A_93 = arith.constant 0 : i32
    %dma_start3A_94 = arith.constant 0 : i32
    %dma_start3A_95 = tpu.memref_slice %arg10[%dma_start3A_92, %dma_start3A_93, %dma_start3A_94] : memref<2x25x80xi32, #tpu.memory_space<vmem>> -> memref<1x25x80xi32, #tpu.memory_space<vmem>>
    %dma_start3A_96 = tpu.memref_squeeze %dma_start3A_95 : memref<1x25x80xi32, #tpu.memory_space<vmem>> -> memref<25x80xi32, #tpu.memory_space<vmem>>
    %dma_start3A_97 = arith.constant 0 : i32
    %dma_start3A_98 = arith.constant 0 : i32
    %dma_start3A_99 = tpu.memref_slice %arg4[%add3A, %dma_start3A_91, %dma_start3A_97, %dma_start3A_98] : memref<32x5x25x80xi32, #tpu.memory_space<hbm>> -> memref<1x1x25x80xi32, #tpu.memory_space<hbm>>
    %dma_start3A_100 = tpu.memref_squeeze %dma_start3A_99 : memref<1x1x25x80xi32, #tpu.memory_space<hbm>> -> memref<25x80xi32, #tpu.memory_space<hbm>>
    %dma_start3A_101 = arith.constant 0 : i32
    %dma_start3A_102 = arith.constant 0 : i32
    %dma_start3A_103 = tpu.memref_slice %arg10[%dma_start3A_92, %dma_start3A_101, %dma_start3A_102] : memref<2x25x80xi32, #tpu.memory_space<vmem>> -> memref<1x25x80xi32, #tpu.memory_space<vmem>>
    %dma_start3A_104 = tpu.memref_squeeze %dma_start3A_103 : memref<1x25x80xi32, #tpu.memory_space<vmem>> -> memref<25x80xi32, #tpu.memory_space<vmem>>
    %dma_start3A_105 = arith.constant 0 : i32
    %dma_start3A_106 = arith.constant 0 : i32
    %dma_start3A_107 = tpu.memref_slice %arg4[%add3A, %dma_start3A_91, %dma_start3A_105, %dma_start3A_106] : memref<32x5x25x80xi32, #tpu.memory_space<hbm>> -> memref<1x1x25x80xi32, #tpu.memory_space<hbm>>
    %dma_start3A_108 = tpu.memref_squeeze %dma_start3A_107 : memref<1x1x25x80xi32, #tpu.memory_space<hbm>> -> memref<25x80xi32, #tpu.memory_space<hbm>>
    tpu.enqueue_dma source(%dma_start3A_108 : memref<25x80xi32, #tpu.memory_space<hbm>>) target(%dma_start3A_104 : memref<25x80xi32, #tpu.memory_space<vmem>>) target_semaphore(%arg15 : memref<!tpu.dma_semaphore, #tpu.memory_space<semaphore_mem>>)
    %dma_start3A_109 = arith.constant 0 : i32
    %dma_start3A_110 = arith.constant 0 : i32
    %dma_start3A_111 = arith.constant 0 : i32
    %dma_start3A_112 = arith.constant 0 : i32
    %dma_start3A_113 = arith.constant 0 : i32
    %dma_start3A_114 = tpu.memref_slice %arg11[%dma_start3A_111, %dma_start3A_112, %dma_start3A_113] : memref<2x80x128xf32, #tpu.memory_space<vmem>> -> memref<1x80x128xf32, #tpu.memory_space<vmem>>
    %dma_start3A_115 = tpu.memref_squeeze %dma_start3A_114 : memref<1x80x128xf32, #tpu.memory_space<vmem>> -> memref<80x128xf32, #tpu.memory_space<vmem>>
    %dma_start3A_116 = arith.constant 0 : i32
    %dma_start3A_117 = tpu.memref_slice %arg9[%dma_start3A_109, %dma_start3A_110, %dma_start3A_116] : memref<2x25x80xi32, #tpu.memory_space<vmem>> -> memref<1x1x80xi32, #tpu.memory_space<vmem>>
    %dma_start3A_118 = tpu.memref_squeeze %dma_start3A_117 : memref<1x1x80xi32, #tpu.memory_space<vmem>> -> memref<80xi32, #tpu.memory_space<vmem>>
    %dma_start3A_119 = arith.constant 0 : i32
    %dma_start3A_120 = arith.constant 0 : i32
    %dma_start3A_121 = tpu.memref_slice %arg2[%dma_start3A_119, %dma_start3A_120] : memref<10000x128xf32, #tpu.memory_space<hbm>> -> memref<10000x128xf32, #tpu.memory_space<hbm>>
    tpu.enqueue_indirect_dma source(%dma_start3A_121 : memref<10000x128xf32, #tpu.memory_space<hbm>>) target(%dma_start3A_115 : memref<80x128xf32, #tpu.memory_space<vmem>>) offsets(%dma_start3A_118 : memref<80xi32, #tpu.memory_space<vmem>>) semaphore(%arg13 : memref<!tpu.dma_semaphore, #tpu.memory_space<semaphore_mem>>)
    %scan3A = arith.constant 0 : i32
    %scan3A_122 = arith.constant 0 : i32
    %scan3A_123 = arith.constant 12 : i32
    %scan3A_124 = arith.addi %scan3A_122, %scan3A_123 : i32
    %scan3A_125 = arith.constant 1 : i32
    scf.for %scan3A_535 = %scan3A_122 to %scan3A_124 step %scan3A_125  : i32 {
      %mul3A_536 = arith.constant 2 : i32
      %mul3A_537 = arith.muli %mul3A_536, %scan3A_535 : i32
      %add3A_538 = arith.constant 1 : i32
      %add3A_539 = arith.addi %mul3A_537, %add3A_538 : i32
      %dma_start3A_540 = arith.constant 0 : i32
      %dma_start3A_541 = arith.constant 1 : i32
      %dma_start3A_542 = arith.constant 0 : i32
      %dma_start3A_543 = arith.constant 0 : i32
      %dma_start3A_544 = tpu.memref_slice %arg11[%dma_start3A_541, %dma_start3A_542, %dma_start3A_543] : memref<2x80x128xf32, #tpu.memory_space<vmem>> -> memref<1x80x128xf32, #tpu.memory_space<vmem>>
      %dma_start3A_545 = tpu.memref_squeeze %dma_start3A_544 : memref<1x80x128xf32, #tpu.memory_space<vmem>> -> memref<80x128xf32, #tpu.memory_space<vmem>>
      %dma_start3A_546 = arith.constant 0 : i32
      %dma_start3A_547 = tpu.memref_slice %arg9[%dma_start3A_540, %add3A_539, %dma_start3A_546] : memref<2x25x80xi32, #tpu.memory_space<vmem>> -> memref<1x1x80xi32, #tpu.memory_space<vmem>>
      %dma_start3A_548 = tpu.memref_squeeze %dma_start3A_547 : memref<1x1x80xi32, #tpu.memory_space<vmem>> -> memref<80xi32, #tpu.memory_space<vmem>>
      %dma_start3A_549 = arith.constant 0 : i32
      %dma_start3A_550 = arith.constant 0 : i32
      %dma_start3A_551 = tpu.memref_slice %arg2[%dma_start3A_549, %dma_start3A_550] : memref<10000x128xf32, #tpu.memory_space<hbm>> -> memref<10000x128xf32, #tpu.memory_space<hbm>>
      tpu.enqueue_indirect_dma source(%dma_start3A_551 : memref<10000x128xf32, #tpu.memory_space<hbm>>) target(%dma_start3A_545 : memref<80x128xf32, #tpu.memory_space<vmem>>) offsets(%dma_start3A_548 : memref<80xi32, #tpu.memory_space<vmem>>) semaphore(%arg14 : memref<!tpu.dma_semaphore, #tpu.memory_space<semaphore_mem>>)
      %dma_wait3A_552 = arith.constant 0 : i32
      %dma_wait3A_553 = arith.constant 0 : i32
      %dma_wait3A_554 = arith.constant 0 : i32
      %dma_wait3A_555 = arith.constant 0 : i32
      %dma_wait3A_556 = tpu.memref_slice %arg11[%dma_wait3A_553, %dma_wait3A_554, %dma_wait3A_555] : memref<2x80x128xf32, #tpu.memory_space<vmem>> -> memref<1x80x128xf32, #tpu.memory_space<vmem>>
      %dma_wait3A_557 = tpu.memref_squeeze %dma_wait3A_556 : memref<1x80x128xf32, #tpu.memory_space<vmem>> -> memref<80x128xf32, #tpu.memory_space<vmem>>
      %dma_wait3A_558 = arith.constant 0 : i32
      %dma_wait3A_559 = tpu.memref_slice %arg9[%dma_wait3A_552, %mul3A_537, %dma_wait3A_558] : memref<2x25x80xi32, #tpu.memory_space<vmem>> -> memref<1x1x80xi32, #tpu.memory_space<vmem>>
      %dma_wait3A_560 = tpu.memref_squeeze %dma_wait3A_559 : memref<1x1x80xi32, #tpu.memory_space<vmem>> -> memref<80xi32, #tpu.memory_space<vmem>>
      %dma_wait3A_561 = arith.constant 0 : i32
      %dma_wait3A_562 = arith.constant 0 : i32
      %dma_wait3A_563 = tpu.memref_slice %arg2[%dma_wait3A_561, %dma_wait3A_562] : memref<10000x128xf32, #tpu.memory_space<hbm>> -> memref<10000x128xf32, #tpu.memory_space<hbm>>
      tpu.wait_indirect_dma semaphore(%arg13 : memref<!tpu.dma_semaphore, #tpu.memory_space<semaphore_mem>>) src(%dma_wait3A_563 : memref<10000x128xf32, #tpu.memory_space<hbm>>) dst(%dma_wait3A_557 : memref<80x128xf32, #tpu.memory_space<vmem>>)
      %run_scoped3A_564 = arith.constant 0 : i32
      %run_scoped3A_565 = arith.constant 0 : i32
      "tpu.region"() ({
        %run_scoped3A_590 = tpu.sem_alloc : memref<!tpu.dma_semaphore, #tpu.memory_space<semaphore_mem>>
        %dma_start3A_591 = arith.constant 0 : i32
        %dma_start3A_592 = arith.constant 0 : i32
        %dma_start3A_593 = tpu.memref_slice %arg11[%run_scoped3A_564, %dma_start3A_591, %dma_start3A_592] : memref<2x80x128xf32, #tpu.memory_space<vmem>> -> memref<1x80x128xf32, #tpu.memory_space<vmem>>
        %dma_start3A_594 = tpu.memref_squeeze %dma_start3A_593 : memref<1x80x128xf32, #tpu.memory_space<vmem>> -> memref<80x128xf32, #tpu.memory_space<vmem>>
        %dma_start3A_595 = arith.constant 0 : i32
        %dma_start3A_596 = tpu.memref_slice %arg10[%run_scoped3A_565, %mul3A_537, %dma_start3A_595] : memref<2x25x80xi32, #tpu.memory_space<vmem>> -> memref<1x1x80xi32, #tpu.memory_space<vmem>>
        %dma_start3A_597 = tpu.memref_squeeze %dma_start3A_596 : memref<1x1x80xi32, #tpu.memory_space<vmem>> -> memref<80xi32, #tpu.memory_space<vmem>>
        %dma_start3A_598 = arith.constant 0 : i32
        %dma_start3A_599 = arith.constant 0 : i32
        %dma_start3A_600 = tpu.memref_slice %arg12[%dma_start3A_598, %dma_start3A_599] : memref<10240x128xf32, #tpu.memory_space<vmem_shared>> -> memref<10240x128xf32, #tpu.memory_space<vmem_shared>>
        tpu.enqueue_indirect_dma source(%dma_start3A_594 : memref<80x128xf32, #tpu.memory_space<vmem>>) target(%dma_start3A_600 : memref<10240x128xf32, #tpu.memory_space<vmem_shared>>) offsets(%dma_start3A_597 : memref<80xi32, #tpu.memory_space<vmem>>) semaphore(%run_scoped3A_590 : memref<!tpu.dma_semaphore, #tpu.memory_space<semaphore_mem>>) {add = true}
        %dma_wait3A_601 = arith.constant 0 : i32
        %dma_wait3A_602 = arith.constant 0 : i32
        %dma_wait3A_603 = tpu.memref_slice %arg11[%run_scoped3A_564, %dma_wait3A_601, %dma_wait3A_602] : memref<2x80x128xf32, #tpu.memory_space<vmem>> -> memref<1x80x128xf32, #tpu.memory_space<vmem>>
        %dma_wait3A_604 = tpu.memref_squeeze %dma_wait3A_603 : memref<1x80x128xf32, #tpu.memory_space<vmem>> -> memref<80x128xf32, #tpu.memory_space<vmem>>
        %dma_wait3A_605 = arith.constant 0 : i32
        %dma_wait3A_606 = tpu.memref_slice %arg10[%run_scoped3A_565, %mul3A_537, %dma_wait3A_605] : memref<2x25x80xi32, #tpu.memory_space<vmem>> -> memref<1x1x80xi32, #tpu.memory_space<vmem>>
        %dma_wait3A_607 = tpu.memref_squeeze %dma_wait3A_606 : memref<1x1x80xi32, #tpu.memory_space<vmem>> -> memref<80xi32, #tpu.memory_space<vmem>>
        %dma_wait3A_608 = arith.constant 0 : i32
        %dma_wait3A_609 = arith.constant 0 : i32
        %dma_wait3A_610 = tpu.memref_slice %arg12[%dma_wait3A_608, %dma_wait3A_609] : memref<10240x128xf32, #tpu.memory_space<vmem_shared>> -> memref<10240x128xf32, #tpu.memory_space<vmem_shared>>
        tpu.wait_indirect_dma semaphore(%run_scoped3A_590 : memref<!tpu.dma_semaphore, #tpu.memory_space<semaphore_mem>>) src(%dma_wait3A_604 : memref<80x128xf32, #tpu.memory_space<vmem>>) dst(%dma_wait3A_610 : memref<10240x128xf32, #tpu.memory_space<vmem_shared>>)
        tpu.yield
      }) : () -> ()
      %add3A_566 = arith.constant 2 : i32
      %add3A_567 = arith.addi %mul3A_537, %add3A_566 : i32
      %lt3A = arith.constant 25 : i32
      %lt3A_568 = arith.cmpi slt, %add3A_567, %lt3A : i32
      %convert_element_type3A = arith.extui %lt3A_568 : i1 to i32
      %cond3A = arith.constant 0 : i32
      %cond3A_569 = arith.cmpi ne, %convert_element_type3A, %cond3A : i32
      scf.if %cond3A_569 {
        %add3A_590 = arith.constant 2 : i32
        %add3A_591 = arith.addi %mul3A_537, %add3A_590 : i32
        %dma_start3A_592 = arith.constant 0 : i32
        %dma_start3A_593 = arith.constant 0 : i32
        %dma_start3A_594 = arith.constant 0 : i32
        %dma_start3A_595 = arith.constant 0 : i32
        %dma_start3A_596 = tpu.memref_slice %arg11[%dma_start3A_593, %dma_start3A_594, %dma_start3A_595] : memref<2x80x128xf32, #tpu.memory_space<vmem>> -> memref<1x80x128xf32, #tpu.memory_space<vmem>>
        %dma_start3A_597 = tpu.memref_squeeze %dma_start3A_596 : memref<1x80x128xf32, #tpu.memory_space<vmem>> -> memref<80x128xf32, #tpu.memory_space<vmem>>
        %dma_start3A_598 = arith.constant 0 : i32
        %dma_start3A_599 = tpu.memref_slice %arg9[%dma_start3A_592, %add3A_591, %dma_start3A_598] : memref<2x25x80xi32, #tpu.memory_space<vmem>> -> memref<1x1x80xi32, #tpu.memory_space<vmem>>
        %dma_start3A_600 = tpu.memref_squeeze %dma_start3A_599 : memref<1x1x80xi32, #tpu.memory_space<vmem>> -> memref<80xi32, #tpu.memory_space<vmem>>
        %dma_start3A_601 = arith.constant 0 : i32
        %dma_start3A_602 = arith.constant 0 : i32
        %dma_start3A_603 = tpu.memref_slice %arg2[%dma_start3A_601, %dma_start3A_602] : memref<10000x128xf32, #tpu.memory_space<hbm>> -> memref<10000x128xf32, #tpu.memory_space<hbm>>
        tpu.enqueue_indirect_dma source(%dma_start3A_603 : memref<10000x128xf32, #tpu.memory_space<hbm>>) target(%dma_start3A_597 : memref<80x128xf32, #tpu.memory_space<vmem>>) offsets(%dma_start3A_600 : memref<80xi32, #tpu.memory_space<vmem>>) semaphore(%arg13 : memref<!tpu.dma_semaphore, #tpu.memory_space<semaphore_mem>>)
      } else {
      }
      %add3A_570 = arith.constant 1 : i32
      %add3A_571 = arith.addi %mul3A_537, %add3A_570 : i32
      %add3A_572 = arith.constant 1 : i32
      %add3A_573 = arith.addi %mul3A_537, %add3A_572 : i32
      %dma_wait3A_574 = arith.constant 0 : i32
      %dma_wait3A_575 = arith.constant 1 : i32
      %dma_wait3A_576 = arith.constant 0 : i32
      %dma_wait3A_577 = arith.constant 0 : i32
      %dma_wait3A_578 = tpu.memref_slice %arg11[%dma_wait3A_575, %dma_wait3A_576, %dma_wait3A_577] : memref<2x80x128xf32, #tpu.memory_space<vmem>> -> memref<1x80x128xf32, #tpu.memory_space<vmem>>
      %dma_wait3A_579 = tpu.memref_squeeze %dma_wait3A_578 : memref<1x80x128xf32, #tpu.memory_space<vmem>> -> memref<80x128xf32, #tpu.memory_space<vmem>>
      %dma_wait3A_580 = arith.constant 0 : i32
      %dma_wait3A_581 = tpu.memref_slice %arg9[%dma_wait3A_574, %add3A_573, %dma_wait3A_580] : memref<2x25x80xi32, #tpu.memory_space<vmem>> -> memref<1x1x80xi32, #tpu.memory_space<vmem>>
      %dma_wait3A_582 = tpu.memref_squeeze %dma_wait3A_581 : memref<1x1x80xi32, #tpu.memory_space<vmem>> -> memref<80xi32, #tpu.memory_space<vmem>>
      %dma_wait3A_583 = arith.constant 0 : i32
      %dma_wait3A_584 = arith.constant 0 : i32
      %dma_wait3A_585 = tpu.memref_slice %arg2[%dma_wait3A_583, %dma_wait3A_584] : memref<10000x128xf32, #tpu.memory_space<hbm>> -> memref<10000x128xf32, #tpu.memory_space<hbm>>
      tpu.wait_indirect_dma semaphore(%arg14 : memref<!tpu.dma_semaphore, #tpu.memory_space<semaphore_mem>>) src(%dma_wait3A_585 : memref<10000x128xf32, #tpu.memory_space<hbm>>) dst(%dma_wait3A_579 : memref<80x128xf32, #tpu.memory_space<vmem>>)
      %add3A_586 = arith.constant 1 : i32
      %add3A_587 = arith.addi %mul3A_537, %add3A_586 : i32
      %run_scoped3A_588 = arith.constant 1 : i32
      %run_scoped3A_589 = arith.constant 0 : i32
      "tpu.region"() ({
        %run_scoped3A_590 = tpu.sem_alloc : memref<!tpu.dma_semaphore, #tpu.memory_space<semaphore_mem>>
        %dma_start3A_591 = arith.constant 0 : i32
        %dma_start3A_592 = arith.constant 0 : i32
        %dma_start3A_593 = tpu.memref_slice %arg11[%run_scoped3A_588, %dma_start3A_591, %dma_start3A_592] : memref<2x80x128xf32, #tpu.memory_space<vmem>> -> memref<1x80x128xf32, #tpu.memory_space<vmem>>
        %dma_start3A_594 = tpu.memref_squeeze %dma_start3A_593 : memref<1x80x128xf32, #tpu.memory_space<vmem>> -> memref<80x128xf32, #tpu.memory_space<vmem>>
        %dma_start3A_595 = arith.constant 0 : i32
        %dma_start3A_596 = tpu.memref_slice %arg10[%run_scoped3A_589, %add3A_587, %dma_start3A_595] : memref<2x25x80xi32, #tpu.memory_space<vmem>> -> memref<1x1x80xi32, #tpu.memory_space<vmem>>
        %dma_start3A_597 = tpu.memref_squeeze %dma_start3A_596 : memref<1x1x80xi32, #tpu.memory_space<vmem>> -> memref<80xi32, #tpu.memory_space<vmem>>
        %dma_start3A_598 = arith.constant 0 : i32
        %dma_start3A_599 = arith.constant 0 : i32
        %dma_start3A_600 = tpu.memref_slice %arg12[%dma_start3A_598, %dma_start3A_599] : memref<10240x128xf32, #tpu.memory_space<vmem_shared>> -> memref<10240x128xf32, #tpu.memory_space<vmem_shared>>
        tpu.enqueue_indirect_dma source(%dma_start3A_594 : memref<80x128xf32, #tpu.memory_space<vmem>>) target(%dma_start3A_600 : memref<10240x128xf32, #tpu.memory_space<vmem_shared>>) offsets(%dma_start3A_597 : memref<80xi32, #tpu.memory_space<vmem>>) semaphore(%run_scoped3A_590 : memref<!tpu.dma_semaphore, #tpu.memory_space<semaphore_mem>>) {add = true}
        %dma_wait3A_601 = arith.constant 0 : i32
        %dma_wait3A_602 = arith.constant 0 : i32
        %dma_wait3A_603 = tpu.memref_slice %arg11[%run_scoped3A_588, %dma_wait3A_601, %dma_wait3A_602] : memref<2x80x128xf32, #tpu.memory_space<vmem>> -> memref<1x80x128xf32, #tpu.memory_space<vmem>>
        %dma_wait3A_604 = tpu.memref_squeeze %dma_wait3A_603 : memref<1x80x128xf32, #tpu.memory_space<vmem>> -> memref<80x128xf32, #tpu.memory_space<vmem>>
        %dma_wait3A_605 = arith.constant 0 : i32
        %dma_wait3A_606 = tpu.memref_slice %arg10[%run_scoped3A_589, %add3A_587, %dma_wait3A_605] : memref<2x25x80xi32, #tpu.memory_space<vmem>> -> memref<1x1x80xi32, #tpu.memory_space<vmem>>
        %dma_wait3A_607 = tpu.memref_squeeze %dma_wait3A_606 : memref<1x1x80xi32, #tpu.memory_space<vmem>> -> memref<80xi32, #tpu.memory_space<vmem>>
        %dma_wait3A_608 = arith.constant 0 : i32
        %dma_wait3A_609 = arith.constant 0 : i32
        %dma_wait3A_610 = tpu.memref_slice %arg12[%dma_wait3A_608, %dma_wait3A_609] : memref<10240x128xf32, #tpu.memory_space<vmem_shared>> -> memref<10240x128xf32, #tpu.memory_space<vmem_shared>>
        tpu.wait_indirect_dma semaphore(%run_scoped3A_590 : memref<!tpu.dma_semaphore, #tpu.memory_space<semaphore_mem>>) src(%dma_wait3A_604 : memref<80x128xf32, #tpu.memory_space<vmem>>) dst(%dma_wait3A_610 : memref<10240x128xf32, #tpu.memory_space<vmem_shared>>)
        tpu.yield
      }) : () -> ()
    }
    %scan3A_126 = arith.constant 12 : i32
    %dma_wait3A_127 = arith.constant 0 : i32
    %dma_wait3A_128 = arith.constant 24 : i32
    %dma_wait3A_129 = arith.constant 0 : i32
    %dma_wait3A_130 = arith.constant 0 : i32
    %dma_wait3A_131 = arith.constant 0 : i32
    %dma_wait3A_132 = tpu.memref_slice %arg11[%dma_wait3A_129, %dma_wait3A_130, %dma_wait3A_131] : memref<2x80x128xf32, #tpu.memory_space<vmem>> -> memref<1x80x128xf32, #tpu.memory_space<vmem>>
    %dma_wait3A_133 = tpu.memref_squeeze %dma_wait3A_132 : memref<1x80x128xf32, #tpu.memory_space<vmem>> -> memref<80x128xf32, #tpu.memory_space<vmem>>
    %dma_wait3A_134 = arith.constant 0 : i32
    %dma_wait3A_135 = tpu.memref_slice %arg9[%dma_wait3A_127, %dma_wait3A_128, %dma_wait3A_134] : memref<2x25x80xi32, #tpu.memory_space<vmem>> -> memref<1x1x80xi32, #tpu.memory_space<vmem>>
    %dma_wait3A_136 = tpu.memref_squeeze %dma_wait3A_135 : memref<1x1x80xi32, #tpu.memory_space<vmem>> -> memref<80xi32, #tpu.memory_space<vmem>>
    %dma_wait3A_137 = arith.constant 0 : i32
    %dma_wait3A_138 = arith.constant 0 : i32
    %dma_wait3A_139 = tpu.memref_slice %arg2[%dma_wait3A_137, %dma_wait3A_138] : memref<10000x128xf32, #tpu.memory_space<hbm>> -> memref<10000x128xf32, #tpu.memory_space<hbm>>
    tpu.wait_indirect_dma semaphore(%arg13 : memref<!tpu.dma_semaphore, #tpu.memory_space<semaphore_mem>>) src(%dma_wait3A_139 : memref<10000x128xf32, #tpu.memory_space<hbm>>) dst(%dma_wait3A_133 : memref<80x128xf32, #tpu.memory_space<vmem>>)
    %run_scoped3A = arith.constant 0 : i32
    %run_scoped3A_140 = arith.constant 0 : i32
    %run_scoped3A_141 = arith.constant 24 : i32
    "tpu.region"() ({
      %run_scoped3A_535 = tpu.sem_alloc : memref<!tpu.dma_semaphore, #tpu.memory_space<semaphore_mem>>
      %dma_start3A_536 = arith.constant 0 : i32
      %dma_start3A_537 = arith.constant 0 : i32
      %dma_start3A_538 = tpu.memref_slice %arg11[%run_scoped3A, %dma_start3A_536, %dma_start3A_537] : memref<2x80x128xf32, #tpu.memory_space<vmem>> -> memref<1x80x128xf32, #tpu.memory_space<vmem>>
      %dma_start3A_539 = tpu.memref_squeeze %dma_start3A_538 : memref<1x80x128xf32, #tpu.memory_space<vmem>> -> memref<80x128xf32, #tpu.memory_space<vmem>>
      %dma_start3A_540 = arith.constant 0 : i32
      %dma_start3A_541 = tpu.memref_slice %arg10[%run_scoped3A_140, %run_scoped3A_141, %dma_start3A_540] : memref<2x25x80xi32, #tpu.memory_space<vmem>> -> memref<1x1x80xi32, #tpu.memory_space<vmem>>
      %dma_start3A_542 = tpu.memref_squeeze %dma_start3A_541 : memref<1x1x80xi32, #tpu.memory_space<vmem>> -> memref<80xi32, #tpu.memory_space<vmem>>
      %dma_start3A_543 = arith.constant 0 : i32
      %dma_start3A_544 = arith.constant 0 : i32
      %dma_start3A_545 = tpu.memref_slice %arg12[%dma_start3A_543, %dma_start3A_544] : memref<10240x128xf32, #tpu.memory_space<vmem_shared>> -> memref<10240x128xf32, #tpu.memory_space<vmem_shared>>
      tpu.enqueue_indirect_dma source(%dma_start3A_539 : memref<80x128xf32, #tpu.memory_space<vmem>>) target(%dma_start3A_545 : memref<10240x128xf32, #tpu.memory_space<vmem_shared>>) offsets(%dma_start3A_542 : memref<80xi32, #tpu.memory_space<vmem>>) semaphore(%run_scoped3A_535 : memref<!tpu.dma_semaphore, #tpu.memory_space<semaphore_mem>>) {add = true}
      %dma_wait3A_546 = arith.constant 0 : i32
      %dma_wait3A_547 = arith.constant 0 : i32
      %dma_wait3A_548 = tpu.memref_slice %arg11[%run_scoped3A, %dma_wait3A_546, %dma_wait3A_547] : memref<2x80x128xf32, #tpu.memory_space<vmem>> -> memref<1x80x128xf32, #tpu.memory_space<vmem>>
      %dma_wait3A_549 = tpu.memref_squeeze %dma_wait3A_548 : memref<1x80x128xf32, #tpu.memory_space<vmem>> -> memref<80x128xf32, #tpu.memory_space<vmem>>
      %dma_wait3A_550 = arith.constant 0 : i32
      %dma_wait3A_551 = tpu.memref_slice %arg10[%run_scoped3A_140, %run_scoped3A_141, %dma_wait3A_550] : memref<2x25x80xi32, #tpu.memory_space<vmem>> -> memref<1x1x80xi32, #tpu.memory_space<vmem>>
      %dma_wait3A_552 = tpu.memref_squeeze %dma_wait3A_551 : memref<1x1x80xi32, #tpu.memory_space<vmem>> -> memref<80xi32, #tpu.memory_space<vmem>>
      %dma_wait3A_553 = arith.constant 0 : i32
      %dma_wait3A_554 = arith.constant 0 : i32
      %dma_wait3A_555 = tpu.memref_slice %arg12[%dma_wait3A_553, %dma_wait3A_554] : memref<10240x128xf32, #tpu.memory_space<vmem_shared>> -> memref<10240x128xf32, #tpu.memory_space<vmem_shared>>
      tpu.wait_indirect_dma semaphore(%run_scoped3A_535 : memref<!tpu.dma_semaphore, #tpu.memory_space<semaphore_mem>>) src(%dma_wait3A_549 : memref<80x128xf32, #tpu.memory_space<vmem>>) dst(%dma_wait3A_555 : memref<10240x128xf32, #tpu.memory_space<vmem_shared>>)
      tpu.yield
    }) : () -> ()
    %dma_wait3A_142 = arith.constant 1 : i32
    %dma_wait3A_143 = arith.constant 1 : i32
    %dma_wait3A_144 = arith.constant 0 : i32
    %dma_wait3A_145 = arith.constant 0 : i32
    %dma_wait3A_146 = tpu.memref_slice %arg9[%dma_wait3A_143, %dma_wait3A_144, %dma_wait3A_145] : memref<2x25x80xi32, #tpu.memory_space<vmem>> -> memref<1x25x80xi32, #tpu.memory_space<vmem>>
    %dma_wait3A_147 = tpu.memref_squeeze %dma_wait3A_146 : memref<1x25x80xi32, #tpu.memory_space<vmem>> -> memref<25x80xi32, #tpu.memory_space<vmem>>
    %dma_wait3A_148 = arith.constant 0 : i32
    %dma_wait3A_149 = arith.constant 0 : i32
    %dma_wait3A_150 = tpu.memref_slice %arg3[%add3A, %dma_wait3A_142, %dma_wait3A_148, %dma_wait3A_149] : memref<32x5x25x80xi32, #tpu.memory_space<hbm>> -> memref<1x1x25x80xi32, #tpu.memory_space<hbm>>
    %dma_wait3A_151 = tpu.memref_squeeze %dma_wait3A_150 : memref<1x1x25x80xi32, #tpu.memory_space<hbm>> -> memref<25x80xi32, #tpu.memory_space<hbm>>
    %dma_wait3A_152 = arith.constant 0 : i32
    %dma_wait3A_153 = arith.constant 0 : i32
    %dma_wait3A_154 = tpu.memref_slice %arg9[%dma_wait3A_143, %dma_wait3A_152, %dma_wait3A_153] : memref<2x25x80xi32, #tpu.memory_space<vmem>> -> memref<1x25x80xi32, #tpu.memory_space<vmem>>
    %dma_wait3A_155 = tpu.memref_squeeze %dma_wait3A_154 : memref<1x25x80xi32, #tpu.memory_space<vmem>> -> memref<25x80xi32, #tpu.memory_space<vmem>>
    %dma_wait3A_156 = arith.constant 0 : i32
    %dma_wait3A_157 = arith.constant 0 : i32
    %dma_wait3A_158 = tpu.memref_slice %arg3[%add3A, %dma_wait3A_142, %dma_wait3A_156, %dma_wait3A_157] : memref<32x5x25x80xi32, #tpu.memory_space<hbm>> -> memref<1x1x25x80xi32, #tpu.memory_space<hbm>>
    %dma_wait3A_159 = tpu.memref_squeeze %dma_wait3A_158 : memref<1x1x25x80xi32, #tpu.memory_space<hbm>> -> memref<25x80xi32, #tpu.memory_space<hbm>>
    tpu.wait_dma2 semaphore(%arg15 : memref<!tpu.dma_semaphore, #tpu.memory_space<semaphore_mem>>) src(%dma_wait3A_159 : memref<25x80xi32, #tpu.memory_space<hbm>>) dst(%dma_wait3A_155 : memref<25x80xi32, #tpu.memory_space<vmem>>)
    %dma_wait3A_160 = arith.constant 1 : i32
    %dma_wait3A_161 = arith.constant 1 : i32
    %dma_wait3A_162 = arith.constant 0 : i32
    %dma_wait3A_163 = arith.constant 0 : i32
    %dma_wait3A_164 = tpu.memref_slice %arg10[%dma_wait3A_161, %dma_wait3A_162, %dma_wait3A_163] : memref<2x25x80xi32, #tpu.memory_space<vmem>> -> memref<1x25x80xi32, #tpu.memory_space<vmem>>
    %dma_wait3A_165 = tpu.memref_squeeze %dma_wait3A_164 : memref<1x25x80xi32, #tpu.memory_space<vmem>> -> memref<25x80xi32, #tpu.memory_space<vmem>>
    %dma_wait3A_166 = arith.constant 0 : i32
    %dma_wait3A_167 = arith.constant 0 : i32
    %dma_wait3A_168 = tpu.memref_slice %arg4[%add3A, %dma_wait3A_160, %dma_wait3A_166, %dma_wait3A_167] : memref<32x5x25x80xi32, #tpu.memory_space<hbm>> -> memref<1x1x25x80xi32, #tpu.memory_space<hbm>>
    %dma_wait3A_169 = tpu.memref_squeeze %dma_wait3A_168 : memref<1x1x25x80xi32, #tpu.memory_space<hbm>> -> memref<25x80xi32, #tpu.memory_space<hbm>>
    %dma_wait3A_170 = arith.constant 0 : i32
    %dma_wait3A_171 = arith.constant 0 : i32
    %dma_wait3A_172 = tpu.memref_slice %arg10[%dma_wait3A_161, %dma_wait3A_170, %dma_wait3A_171] : memref<2x25x80xi32, #tpu.memory_space<vmem>> -> memref<1x25x80xi32, #tpu.memory_space<vmem>>
    %dma_wait3A_173 = tpu.memref_squeeze %dma_wait3A_172 : memref<1x25x80xi32, #tpu.memory_space<vmem>> -> memref<25x80xi32, #tpu.memory_space<vmem>>
    %dma_wait3A_174 = arith.constant 0 : i32
    %dma_wait3A_175 = arith.constant 0 : i32
    %dma_wait3A_176 = tpu.memref_slice %arg4[%add3A, %dma_wait3A_160, %dma_wait3A_174, %dma_wait3A_175] : memref<32x5x25x80xi32, #tpu.memory_space<hbm>> -> memref<1x1x25x80xi32, #tpu.memory_space<hbm>>
    %dma_wait3A_177 = tpu.memref_squeeze %dma_wait3A_176 : memref<1x1x25x80xi32, #tpu.memory_space<hbm>> -> memref<25x80xi32, #tpu.memory_space<hbm>>
    tpu.wait_dma2 semaphore(%arg15 : memref<!tpu.dma_semaphore, #tpu.memory_space<semaphore_mem>>) src(%dma_wait3A_177 : memref<25x80xi32, #tpu.memory_space<hbm>>) dst(%dma_wait3A_173 : memref<25x80xi32, #tpu.memory_space<vmem>>)
    %dma_start3A_178 = arith.constant 2 : i32
    %dma_start3A_179 = arith.constant 0 : i32
    %dma_start3A_180 = arith.constant 0 : i32
    %dma_start3A_181 = arith.constant 0 : i32
    %dma_start3A_182 = tpu.memref_slice %arg9[%dma_start3A_179, %dma_start3A_180, %dma_start3A_181] : memref<2x25x80xi32, #tpu.memory_space<vmem>> -> memref<1x25x80xi32, #tpu.memory_space<vmem>>
    %dma_start3A_183 = tpu.memref_squeeze %dma_start3A_182 : memref<1x25x80xi32, #tpu.memory_space<vmem>> -> memref<25x80xi32, #tpu.memory_space<vmem>>
    %dma_start3A_184 = arith.constant 0 : i32
    %dma_start3A_185 = arith.constant 0 : i32
    %dma_start3A_186 = tpu.memref_slice %arg3[%add3A, %dma_start3A_178, %dma_start3A_184, %dma_start3A_185] : memref<32x5x25x80xi32, #tpu.memory_space<hbm>> -> memref<1x1x25x80xi32, #tpu.memory_space<hbm>>
    %dma_start3A_187 = tpu.memref_squeeze %dma_start3A_186 : memref<1x1x25x80xi32, #tpu.memory_space<hbm>> -> memref<25x80xi32, #tpu.memory_space<hbm>>
    %dma_start3A_188 = arith.constant 0 : i32
    %dma_start3A_189 = arith.constant 0 : i32
    %dma_start3A_190 = tpu.memref_slice %arg9[%dma_start3A_179, %dma_start3A_188, %dma_start3A_189] : memref<2x25x80xi32, #tpu.memory_space<vmem>> -> memref<1x25x80xi32, #tpu.memory_space<vmem>>
    %dma_start3A_191 = tpu.memref_squeeze %dma_start3A_190 : memref<1x25x80xi32, #tpu.memory_space<vmem>> -> memref<25x80xi32, #tpu.memory_space<vmem>>
    %dma_start3A_192 = arith.constant 0 : i32
    %dma_start3A_193 = arith.constant 0 : i32
    %dma_start3A_194 = tpu.memref_slice %arg3[%add3A, %dma_start3A_178, %dma_start3A_192, %dma_start3A_193] : memref<32x5x25x80xi32, #tpu.memory_space<hbm>> -> memref<1x1x25x80xi32, #tpu.memory_space<hbm>>
    %dma_start3A_195 = tpu.memref_squeeze %dma_start3A_194 : memref<1x1x25x80xi32, #tpu.memory_space<hbm>> -> memref<25x80xi32, #tpu.memory_space<hbm>>
    tpu.enqueue_dma source(%dma_start3A_195 : memref<25x80xi32, #tpu.memory_space<hbm>>) target(%dma_start3A_191 : memref<25x80xi32, #tpu.memory_space<vmem>>) target_semaphore(%arg15 : memref<!tpu.dma_semaphore, #tpu.memory_space<semaphore_mem>>)
    %dma_start3A_196 = arith.constant 2 : i32
    %dma_start3A_197 = arith.constant 0 : i32
    %dma_start3A_198 = arith.constant 0 : i32
    %dma_start3A_199 = arith.constant 0 : i32
    %dma_start3A_200 = tpu.memref_slice %arg10[%dma_start3A_197, %dma_start3A_198, %dma_start3A_199] : memref<2x25x80xi32, #tpu.memory_space<vmem>> -> memref<1x25x80xi32, #tpu.memory_space<vmem>>
    %dma_start3A_201 = tpu.memref_squeeze %dma_start3A_200 : memref<1x25x80xi32, #tpu.memory_space<vmem>> -> memref<25x80xi32, #tpu.memory_space<vmem>>
    %dma_start3A_202 = arith.constant 0 : i32
    %dma_start3A_203 = arith.constant 0 : i32
    %dma_start3A_204 = tpu.memref_slice %arg4[%add3A, %dma_start3A_196, %dma_start3A_202, %dma_start3A_203] : memref<32x5x25x80xi32, #tpu.memory_space<hbm>> -> memref<1x1x25x80xi32, #tpu.memory_space<hbm>>
    %dma_start3A_205 = tpu.memref_squeeze %dma_start3A_204 : memref<1x1x25x80xi32, #tpu.memory_space<hbm>> -> memref<25x80xi32, #tpu.memory_space<hbm>>
    %dma_start3A_206 = arith.constant 0 : i32
    %dma_start3A_207 = arith.constant 0 : i32
    %dma_start3A_208 = tpu.memref_slice %arg10[%dma_start3A_197, %dma_start3A_206, %dma_start3A_207] : memref<2x25x80xi32, #tpu.memory_space<vmem>> -> memref<1x25x80xi32, #tpu.memory_space<vmem>>
    %dma_start3A_209 = tpu.memref_squeeze %dma_start3A_208 : memref<1x25x80xi32, #tpu.memory_space<vmem>> -> memref<25x80xi32, #tpu.memory_space<vmem>>
    %dma_start3A_210 = arith.constant 0 : i32
    %dma_start3A_211 = arith.constant 0 : i32
    %dma_start3A_212 = tpu.memref_slice %arg4[%add3A, %dma_start3A_196, %dma_start3A_210, %dma_start3A_211] : memref<32x5x25x80xi32, #tpu.memory_space<hbm>> -> memref<1x1x25x80xi32, #tpu.memory_space<hbm>>
    %dma_start3A_213 = tpu.memref_squeeze %dma_start3A_212 : memref<1x1x25x80xi32, #tpu.memory_space<hbm>> -> memref<25x80xi32, #tpu.memory_space<hbm>>
    tpu.enqueue_dma source(%dma_start3A_213 : memref<25x80xi32, #tpu.memory_space<hbm>>) target(%dma_start3A_209 : memref<25x80xi32, #tpu.memory_space<vmem>>) target_semaphore(%arg15 : memref<!tpu.dma_semaphore, #tpu.memory_space<semaphore_mem>>)
    %dma_start3A_214 = arith.constant 1 : i32
    %dma_start3A_215 = arith.constant 0 : i32
    %dma_start3A_216 = arith.constant 0 : i32
    %dma_start3A_217 = arith.constant 0 : i32
    %dma_start3A_218 = arith.constant 0 : i32
    %dma_start3A_219 = tpu.memref_slice %arg11[%dma_start3A_216, %dma_start3A_217, %dma_start3A_218] : memref<2x80x128xf32, #tpu.memory_space<vmem>> -> memref<1x80x128xf32, #tpu.memory_space<vmem>>
    %dma_start3A_220 = tpu.memref_squeeze %dma_start3A_219 : memref<1x80x128xf32, #tpu.memory_space<vmem>> -> memref<80x128xf32, #tpu.memory_space<vmem>>
    %dma_start3A_221 = arith.constant 0 : i32
    %dma_start3A_222 = tpu.memref_slice %arg9[%dma_start3A_214, %dma_start3A_215, %dma_start3A_221] : memref<2x25x80xi32, #tpu.memory_space<vmem>> -> memref<1x1x80xi32, #tpu.memory_space<vmem>>
    %dma_start3A_223 = tpu.memref_squeeze %dma_start3A_222 : memref<1x1x80xi32, #tpu.memory_space<vmem>> -> memref<80xi32, #tpu.memory_space<vmem>>
    %dma_start3A_224 = arith.constant 0 : i32
    %dma_start3A_225 = arith.constant 0 : i32
    %dma_start3A_226 = tpu.memref_slice %arg2[%dma_start3A_224, %dma_start3A_225] : memref<10000x128xf32, #tpu.memory_space<hbm>> -> memref<10000x128xf32, #tpu.memory_space<hbm>>
    tpu.enqueue_indirect_dma source(%dma_start3A_226 : memref<10000x128xf32, #tpu.memory_space<hbm>>) target(%dma_start3A_220 : memref<80x128xf32, #tpu.memory_space<vmem>>) offsets(%dma_start3A_223 : memref<80xi32, #tpu.memory_space<vmem>>) semaphore(%arg13 : memref<!tpu.dma_semaphore, #tpu.memory_space<semaphore_mem>>)
    %scan3A_227 = arith.constant 0 : i32
    %scan3A_228 = arith.constant 0 : i32
    %scan3A_229 = arith.constant 12 : i32
    %scan3A_230 = arith.addi %scan3A_228, %scan3A_229 : i32
    %scan3A_231 = arith.constant 1 : i32
    scf.for %scan3A_535 = %scan3A_228 to %scan3A_230 step %scan3A_231  : i32 {
      %mul3A_536 = arith.constant 2 : i32
      %mul3A_537 = arith.muli %mul3A_536, %scan3A_535 : i32
      %add3A_538 = arith.constant 1 : i32
      %add3A_539 = arith.addi %mul3A_537, %add3A_538 : i32
      %dma_start3A_540 = arith.constant 1 : i32
      %dma_start3A_541 = arith.constant 1 : i32
      %dma_start3A_542 = arith.constant 0 : i32
      %dma_start3A_543 = arith.constant 0 : i32
      %dma_start3A_544 = tpu.memref_slice %arg11[%dma_start3A_541, %dma_start3A_542, %dma_start3A_543] : memref<2x80x128xf32, #tpu.memory_space<vmem>> -> memref<1x80x128xf32, #tpu.memory_space<vmem>>
      %dma_start3A_545 = tpu.memref_squeeze %dma_start3A_544 : memref<1x80x128xf32, #tpu.memory_space<vmem>> -> memref<80x128xf32, #tpu.memory_space<vmem>>
      %dma_start3A_546 = arith.constant 0 : i32
      %dma_start3A_547 = tpu.memref_slice %arg9[%dma_start3A_540, %add3A_539, %dma_start3A_546] : memref<2x25x80xi32, #tpu.memory_space<vmem>> -> memref<1x1x80xi32, #tpu.memory_space<vmem>>
      %dma_start3A_548 = tpu.memref_squeeze %dma_start3A_547 : memref<1x1x80xi32, #tpu.memory_space<vmem>> -> memref<80xi32, #tpu.memory_space<vmem>>
      %dma_start3A_549 = arith.constant 0 : i32
      %dma_start3A_550 = arith.constant 0 : i32
      %dma_start3A_551 = tpu.memref_slice %arg2[%dma_start3A_549, %dma_start3A_550] : memref<10000x128xf32, #tpu.memory_space<hbm>> -> memref<10000x128xf32, #tpu.memory_space<hbm>>
      tpu.enqueue_indirect_dma source(%dma_start3A_551 : memref<10000x128xf32, #tpu.memory_space<hbm>>) target(%dma_start3A_545 : memref<80x128xf32, #tpu.memory_space<vmem>>) offsets(%dma_start3A_548 : memref<80xi32, #tpu.memory_space<vmem>>) semaphore(%arg14 : memref<!tpu.dma_semaphore, #tpu.memory_space<semaphore_mem>>)
      %dma_wait3A_552 = arith.constant 1 : i32
      %dma_wait3A_553 = arith.constant 0 : i32
      %dma_wait3A_554 = arith.constant 0 : i32
      %dma_wait3A_555 = arith.constant 0 : i32
      %dma_wait3A_556 = tpu.memref_slice %arg11[%dma_wait3A_553, %dma_wait3A_554, %dma_wait3A_555] : memref<2x80x128xf32, #tpu.memory_space<vmem>> -> memref<1x80x128xf32, #tpu.memory_space<vmem>>
      %dma_wait3A_557 = tpu.memref_squeeze %dma_wait3A_556 : memref<1x80x128xf32, #tpu.memory_space<vmem>> -> memref<80x128xf32, #tpu.memory_space<vmem>>
      %dma_wait3A_558 = arith.constant 0 : i32
      %dma_wait3A_559 = tpu.memref_slice %arg9[%dma_wait3A_552, %mul3A_537, %dma_wait3A_558] : memref<2x25x80xi32, #tpu.memory_space<vmem>> -> memref<1x1x80xi32, #tpu.memory_space<vmem>>
      %dma_wait3A_560 = tpu.memref_squeeze %dma_wait3A_559 : memref<1x1x80xi32, #tpu.memory_space<vmem>> -> memref<80xi32, #tpu.memory_space<vmem>>
      %dma_wait3A_561 = arith.constant 0 : i32
      %dma_wait3A_562 = arith.constant 0 : i32
      %dma_wait3A_563 = tpu.memref_slice %arg2[%dma_wait3A_561, %dma_wait3A_562] : memref<10000x128xf32, #tpu.memory_space<hbm>> -> memref<10000x128xf32, #tpu.memory_space<hbm>>
      tpu.wait_indirect_dma semaphore(%arg13 : memref<!tpu.dma_semaphore, #tpu.memory_space<semaphore_mem>>) src(%dma_wait3A_563 : memref<10000x128xf32, #tpu.memory_space<hbm>>) dst(%dma_wait3A_557 : memref<80x128xf32, #tpu.memory_space<vmem>>)
      %run_scoped3A_564 = arith.constant 0 : i32
      %run_scoped3A_565 = arith.constant 1 : i32
      "tpu.region"() ({
        %run_scoped3A_590 = tpu.sem_alloc : memref<!tpu.dma_semaphore, #tpu.memory_space<semaphore_mem>>
        %dma_start3A_591 = arith.constant 0 : i32
        %dma_start3A_592 = arith.constant 0 : i32
        %dma_start3A_593 = tpu.memref_slice %arg11[%run_scoped3A_564, %dma_start3A_591, %dma_start3A_592] : memref<2x80x128xf32, #tpu.memory_space<vmem>> -> memref<1x80x128xf32, #tpu.memory_space<vmem>>
        %dma_start3A_594 = tpu.memref_squeeze %dma_start3A_593 : memref<1x80x128xf32, #tpu.memory_space<vmem>> -> memref<80x128xf32, #tpu.memory_space<vmem>>
        %dma_start3A_595 = arith.constant 0 : i32
        %dma_start3A_596 = tpu.memref_slice %arg10[%run_scoped3A_565, %mul3A_537, %dma_start3A_595] : memref<2x25x80xi32, #tpu.memory_space<vmem>> -> memref<1x1x80xi32, #tpu.memory_space<vmem>>
        %dma_start3A_597 = tpu.memref_squeeze %dma_start3A_596 : memref<1x1x80xi32, #tpu.memory_space<vmem>> -> memref<80xi32, #tpu.memory_space<vmem>>
        %dma_start3A_598 = arith.constant 0 : i32
        %dma_start3A_599 = arith.constant 0 : i32
        %dma_start3A_600 = tpu.memref_slice %arg12[%dma_start3A_598, %dma_start3A_599] : memref<10240x128xf32, #tpu.memory_space<vmem_shared>> -> memref<10240x128xf32, #tpu.memory_space<vmem_shared>>
        tpu.enqueue_indirect_dma source(%dma_start3A_594 : memref<80x128xf32, #tpu.memory_space<vmem>>) target(%dma_start3A_600 : memref<10240x128xf32, #tpu.memory_space<vmem_shared>>) offsets(%dma_start3A_597 : memref<80xi32, #tpu.memory_space<vmem>>) semaphore(%run_scoped3A_590 : memref<!tpu.dma_semaphore, #tpu.memory_space<semaphore_mem>>) {add = true}
        %dma_wait3A_601 = arith.constant 0 : i32
        %dma_wait3A_602 = arith.constant 0 : i32
        %dma_wait3A_603 = tpu.memref_slice %arg11[%run_scoped3A_564, %dma_wait3A_601, %dma_wait3A_602] : memref<2x80x128xf32, #tpu.memory_space<vmem>> -> memref<1x80x128xf32, #tpu.memory_space<vmem>>
        %dma_wait3A_604 = tpu.memref_squeeze %dma_wait3A_603 : memref<1x80x128xf32, #tpu.memory_space<vmem>> -> memref<80x128xf32, #tpu.memory_space<vmem>>
        %dma_wait3A_605 = arith.constant 0 : i32
        %dma_wait3A_606 = tpu.memref_slice %arg10[%run_scoped3A_565, %mul3A_537, %dma_wait3A_605] : memref<2x25x80xi32, #tpu.memory_space<vmem>> -> memref<1x1x80xi32, #tpu.memory_space<vmem>>
        %dma_wait3A_607 = tpu.memref_squeeze %dma_wait3A_606 : memref<1x1x80xi32, #tpu.memory_space<vmem>> -> memref<80xi32, #tpu.memory_space<vmem>>
        %dma_wait3A_608 = arith.constant 0 : i32
        %dma_wait3A_609 = arith.constant 0 : i32
        %dma_wait3A_610 = tpu.memref_slice %arg12[%dma_wait3A_608, %dma_wait3A_609] : memref<10240x128xf32, #tpu.memory_space<vmem_shared>> -> memref<10240x128xf32, #tpu.memory_space<vmem_shared>>
        tpu.wait_indirect_dma semaphore(%run_scoped3A_590 : memref<!tpu.dma_semaphore, #tpu.memory_space<semaphore_mem>>) src(%dma_wait3A_604 : memref<80x128xf32, #tpu.memory_space<vmem>>) dst(%dma_wait3A_610 : memref<10240x128xf32, #tpu.memory_space<vmem_shared>>)
        tpu.yield
      }) : () -> ()
      %add3A_566 = arith.constant 2 : i32
      %add3A_567 = arith.addi %mul3A_537, %add3A_566 : i32
      %lt3A = arith.constant 25 : i32
      %lt3A_568 = arith.cmpi slt, %add3A_567, %lt3A : i32
      %convert_element_type3A = arith.extui %lt3A_568 : i1 to i32
      %cond3A = arith.constant 0 : i32
      %cond3A_569 = arith.cmpi ne, %convert_element_type3A, %cond3A : i32
      scf.if %cond3A_569 {
        %add3A_590 = arith.constant 2 : i32
        %add3A_591 = arith.addi %mul3A_537, %add3A_590 : i32
        %dma_start3A_592 = arith.constant 1 : i32
        %dma_start3A_593 = arith.constant 0 : i32
        %dma_start3A_594 = arith.constant 0 : i32
        %dma_start3A_595 = arith.constant 0 : i32
        %dma_start3A_596 = tpu.memref_slice %arg11[%dma_start3A_593, %dma_start3A_594, %dma_start3A_595] : memref<2x80x128xf32, #tpu.memory_space<vmem>> -> memref<1x80x128xf32, #tpu.memory_space<vmem>>
        %dma_start3A_597 = tpu.memref_squeeze %dma_start3A_596 : memref<1x80x128xf32, #tpu.memory_space<vmem>> -> memref<80x128xf32, #tpu.memory_space<vmem>>
        %dma_start3A_598 = arith.constant 0 : i32
        %dma_start3A_599 = tpu.memref_slice %arg9[%dma_start3A_592, %add3A_591, %dma_start3A_598] : memref<2x25x80xi32, #tpu.memory_space<vmem>> -> memref<1x1x80xi32, #tpu.memory_space<vmem>>
        %dma_start3A_600 = tpu.memref_squeeze %dma_start3A_599 : memref<1x1x80xi32, #tpu.memory_space<vmem>> -> memref<80xi32, #tpu.memory_space<vmem>>
        %dma_start3A_601 = arith.constant 0 : i32
        %dma_start3A_602 = arith.constant 0 : i32
        %dma_start3A_603 = tpu.memref_slice %arg2[%dma_start3A_601, %dma_start3A_602] : memref<10000x128xf32, #tpu.memory_space<hbm>> -> memref<10000x128xf32, #tpu.memory_space<hbm>>
        tpu.enqueue_indirect_dma source(%dma_start3A_603 : memref<10000x128xf32, #tpu.memory_space<hbm>>) target(%dma_start3A_597 : memref<80x128xf32, #tpu.memory_space<vmem>>) offsets(%dma_start3A_600 : memref<80xi32, #tpu.memory_space<vmem>>) semaphore(%arg13 : memref<!tpu.dma_semaphore, #tpu.memory_space<semaphore_mem>>)
      } else {
      }
      %add3A_570 = arith.constant 1 : i32
      %add3A_571 = arith.addi %mul3A_537, %add3A_570 : i32
      %add3A_572 = arith.constant 1 : i32
      %add3A_573 = arith.addi %mul3A_537, %add3A_572 : i32
      %dma_wait3A_574 = arith.constant 1 : i32
      %dma_wait3A_575 = arith.constant 1 : i32
      %dma_wait3A_576 = arith.constant 0 : i32
      %dma_wait3A_577 = arith.constant 0 : i32
      %dma_wait3A_578 = tpu.memref_slice %arg11[%dma_wait3A_575, %dma_wait3A_576, %dma_wait3A_577] : memref<2x80x128xf32, #tpu.memory_space<vmem>> -> memref<1x80x128xf32, #tpu.memory_space<vmem>>
      %dma_wait3A_579 = tpu.memref_squeeze %dma_wait3A_578 : memref<1x80x128xf32, #tpu.memory_space<vmem>> -> memref<80x128xf32, #tpu.memory_space<vmem>>
      %dma_wait3A_580 = arith.constant 0 : i32
      %dma_wait3A_581 = tpu.memref_slice %arg9[%dma_wait3A_574, %add3A_573, %dma_wait3A_580] : memref<2x25x80xi32, #tpu.memory_space<vmem>> -> memref<1x1x80xi32, #tpu.memory_space<vmem>>
      %dma_wait3A_582 = tpu.memref_squeeze %dma_wait3A_581 : memref<1x1x80xi32, #tpu.memory_space<vmem>> -> memref<80xi32, #tpu.memory_space<vmem>>
      %dma_wait3A_583 = arith.constant 0 : i32
      %dma_wait3A_584 = arith.constant 0 : i32
      %dma_wait3A_585 = tpu.memref_slice %arg2[%dma_wait3A_583, %dma_wait3A_584] : memref<10000x128xf32, #tpu.memory_space<hbm>> -> memref<10000x128xf32, #tpu.memory_space<hbm>>
      tpu.wait_indirect_dma semaphore(%arg14 : memref<!tpu.dma_semaphore, #tpu.memory_space<semaphore_mem>>) src(%dma_wait3A_585 : memref<10000x128xf32, #tpu.memory_space<hbm>>) dst(%dma_wait3A_579 : memref<80x128xf32, #tpu.memory_space<vmem>>)
      %add3A_586 = arith.constant 1 : i32
      %add3A_587 = arith.addi %mul3A_537, %add3A_586 : i32
      %run_scoped3A_588 = arith.constant 1 : i32
      %run_scoped3A_589 = arith.constant 1 : i32
      "tpu.region"() ({
        %run_scoped3A_590 = tpu.sem_alloc : memref<!tpu.dma_semaphore, #tpu.memory_space<semaphore_mem>>
        %dma_start3A_591 = arith.constant 0 : i32
        %dma_start3A_592 = arith.constant 0 : i32
        %dma_start3A_593 = tpu.memref_slice %arg11[%run_scoped3A_588, %dma_start3A_591, %dma_start3A_592] : memref<2x80x128xf32, #tpu.memory_space<vmem>> -> memref<1x80x128xf32, #tpu.memory_space<vmem>>
        %dma_start3A_594 = tpu.memref_squeeze %dma_start3A_593 : memref<1x80x128xf32, #tpu.memory_space<vmem>> -> memref<80x128xf32, #tpu.memory_space<vmem>>
        %dma_start3A_595 = arith.constant 0 : i32
        %dma_start3A_596 = tpu.memref_slice %arg10[%run_scoped3A_589, %add3A_587, %dma_start3A_595] : memref<2x25x80xi32, #tpu.memory_space<vmem>> -> memref<1x1x80xi32, #tpu.memory_space<vmem>>
        %dma_start3A_597 = tpu.memref_squeeze %dma_start3A_596 : memref<1x1x80xi32, #tpu.memory_space<vmem>> -> memref<80xi32, #tpu.memory_space<vmem>>
        %dma_start3A_598 = arith.constant 0 : i32
        %dma_start3A_599 = arith.constant 0 : i32
        %dma_start3A_600 = tpu.memref_slice %arg12[%dma_start3A_598, %dma_start3A_599] : memref<10240x128xf32, #tpu.memory_space<vmem_shared>> -> memref<10240x128xf32, #tpu.memory_space<vmem_shared>>
        tpu.enqueue_indirect_dma source(%dma_start3A_594 : memref<80x128xf32, #tpu.memory_space<vmem>>) target(%dma_start3A_600 : memref<10240x128xf32, #tpu.memory_space<vmem_shared>>) offsets(%dma_start3A_597 : memref<80xi32, #tpu.memory_space<vmem>>) semaphore(%run_scoped3A_590 : memref<!tpu.dma_semaphore, #tpu.memory_space<semaphore_mem>>) {add = true}
        %dma_wait3A_601 = arith.constant 0 : i32
        %dma_wait3A_602 = arith.constant 0 : i32
        %dma_wait3A_603 = tpu.memref_slice %arg11[%run_scoped3A_588, %dma_wait3A_601, %dma_wait3A_602] : memref<2x80x128xf32, #tpu.memory_space<vmem>> -> memref<1x80x128xf32, #tpu.memory_space<vmem>>
        %dma_wait3A_604 = tpu.memref_squeeze %dma_wait3A_603 : memref<1x80x128xf32, #tpu.memory_space<vmem>> -> memref<80x128xf32, #tpu.memory_space<vmem>>
        %dma_wait3A_605 = arith.constant 0 : i32
        %dma_wait3A_606 = tpu.memref_slice %arg10[%run_scoped3A_589, %add3A_587, %dma_wait3A_605] : memref<2x25x80xi32, #tpu.memory_space<vmem>> -> memref<1x1x80xi32, #tpu.memory_space<vmem>>
        %dma_wait3A_607 = tpu.memref_squeeze %dma_wait3A_606 : memref<1x1x80xi32, #tpu.memory_space<vmem>> -> memref<80xi32, #tpu.memory_space<vmem>>
        %dma_wait3A_608 = arith.constant 0 : i32
        %dma_wait3A_609 = arith.constant 0 : i32
        %dma_wait3A_610 = tpu.memref_slice %arg12[%dma_wait3A_608, %dma_wait3A_609] : memref<10240x128xf32, #tpu.memory_space<vmem_shared>> -> memref<10240x128xf32, #tpu.memory_space<vmem_shared>>
        tpu.wait_indirect_dma semaphore(%run_scoped3A_590 : memref<!tpu.dma_semaphore, #tpu.memory_space<semaphore_mem>>) src(%dma_wait3A_604 : memref<80x128xf32, #tpu.memory_space<vmem>>) dst(%dma_wait3A_610 : memref<10240x128xf32, #tpu.memory_space<vmem_shared>>)
        tpu.yield
      }) : () -> ()
    }
    %scan3A_232 = arith.constant 12 : i32
    %dma_wait3A_233 = arith.constant 1 : i32
    %dma_wait3A_234 = arith.constant 24 : i32
    %dma_wait3A_235 = arith.constant 0 : i32
    %dma_wait3A_236 = arith.constant 0 : i32
    %dma_wait3A_237 = arith.constant 0 : i32
    %dma_wait3A_238 = tpu.memref_slice %arg11[%dma_wait3A_235, %dma_wait3A_236, %dma_wait3A_237] : memref<2x80x128xf32, #tpu.memory_space<vmem>> -> memref<1x80x128xf32, #tpu.memory_space<vmem>>
    %dma_wait3A_239 = tpu.memref_squeeze %dma_wait3A_238 : memref<1x80x128xf32, #tpu.memory_space<vmem>> -> memref<80x128xf32, #tpu.memory_space<vmem>>
    %dma_wait3A_240 = arith.constant 0 : i32
    %dma_wait3A_241 = tpu.memref_slice %arg9[%dma_wait3A_233, %dma_wait3A_234, %dma_wait3A_240] : memref<2x25x80xi32, #tpu.memory_space<vmem>> -> memref<1x1x80xi32, #tpu.memory_space<vmem>>
    %dma_wait3A_242 = tpu.memref_squeeze %dma_wait3A_241 : memref<1x1x80xi32, #tpu.memory_space<vmem>> -> memref<80xi32, #tpu.memory_space<vmem>>
    %dma_wait3A_243 = arith.constant 0 : i32
    %dma_wait3A_244 = arith.constant 0 : i32
    %dma_wait3A_245 = tpu.memref_slice %arg2[%dma_wait3A_243, %dma_wait3A_244] : memref<10000x128xf32, #tpu.memory_space<hbm>> -> memref<10000x128xf32, #tpu.memory_space<hbm>>
    tpu.wait_indirect_dma semaphore(%arg13 : memref<!tpu.dma_semaphore, #tpu.memory_space<semaphore_mem>>) src(%dma_wait3A_245 : memref<10000x128xf32, #tpu.memory_space<hbm>>) dst(%dma_wait3A_239 : memref<80x128xf32, #tpu.memory_space<vmem>>)
    %run_scoped3A_246 = arith.constant 0 : i32
    %run_scoped3A_247 = arith.constant 1 : i32
    %run_scoped3A_248 = arith.constant 24 : i32
    "tpu.region"() ({
      %run_scoped3A_535 = tpu.sem_alloc : memref<!tpu.dma_semaphore, #tpu.memory_space<semaphore_mem>>
      %dma_start3A_536 = arith.constant 0 : i32
      %dma_start3A_537 = arith.constant 0 : i32
      %dma_start3A_538 = tpu.memref_slice %arg11[%run_scoped3A_246, %dma_start3A_536, %dma_start3A_537] : memref<2x80x128xf32, #tpu.memory_space<vmem>> -> memref<1x80x128xf32, #tpu.memory_space<vmem>>
      %dma_start3A_539 = tpu.memref_squeeze %dma_start3A_538 : memref<1x80x128xf32, #tpu.memory_space<vmem>> -> memref<80x128xf32, #tpu.memory_space<vmem>>
      %dma_start3A_540 = arith.constant 0 : i32
      %dma_start3A_541 = tpu.memref_slice %arg10[%run_scoped3A_247, %run_scoped3A_248, %dma_start3A_540] : memref<2x25x80xi32, #tpu.memory_space<vmem>> -> memref<1x1x80xi32, #tpu.memory_space<vmem>>
      %dma_start3A_542 = tpu.memref_squeeze %dma_start3A_541 : memref<1x1x80xi32, #tpu.memory_space<vmem>> -> memref<80xi32, #tpu.memory_space<vmem>>
      %dma_start3A_543 = arith.constant 0 : i32
      %dma_start3A_544 = arith.constant 0 : i32
      %dma_start3A_545 = tpu.memref_slice %arg12[%dma_start3A_543, %dma_start3A_544] : memref<10240x128xf32, #tpu.memory_space<vmem_shared>> -> memref<10240x128xf32, #tpu.memory_space<vmem_shared>>
      tpu.enqueue_indirect_dma source(%dma_start3A_539 : memref<80x128xf32, #tpu.memory_space<vmem>>) target(%dma_start3A_545 : memref<10240x128xf32, #tpu.memory_space<vmem_shared>>) offsets(%dma_start3A_542 : memref<80xi32, #tpu.memory_space<vmem>>) semaphore(%run_scoped3A_535 : memref<!tpu.dma_semaphore, #tpu.memory_space<semaphore_mem>>) {add = true}
      %dma_wait3A_546 = arith.constant 0 : i32
      %dma_wait3A_547 = arith.constant 0 : i32
      %dma_wait3A_548 = tpu.memref_slice %arg11[%run_scoped3A_246, %dma_wait3A_546, %dma_wait3A_547] : memref<2x80x128xf32, #tpu.memory_space<vmem>> -> memref<1x80x128xf32, #tpu.memory_space<vmem>>
      %dma_wait3A_549 = tpu.memref_squeeze %dma_wait3A_548 : memref<1x80x128xf32, #tpu.memory_space<vmem>> -> memref<80x128xf32, #tpu.memory_space<vmem>>
      %dma_wait3A_550 = arith.constant 0 : i32
      %dma_wait3A_551 = tpu.memref_slice %arg10[%run_scoped3A_247, %run_scoped3A_248, %dma_wait3A_550] : memref<2x25x80xi32, #tpu.memory_space<vmem>> -> memref<1x1x80xi32, #tpu.memory_space<vmem>>
      %dma_wait3A_552 = tpu.memref_squeeze %dma_wait3A_551 : memref<1x1x80xi32, #tpu.memory_space<vmem>> -> memref<80xi32, #tpu.memory_space<vmem>>
      %dma_wait3A_553 = arith.constant 0 : i32
      %dma_wait3A_554 = arith.constant 0 : i32
      %dma_wait3A_555 = tpu.memref_slice %arg12[%dma_wait3A_553, %dma_wait3A_554] : memref<10240x128xf32, #tpu.memory_space<vmem_shared>> -> memref<10240x128xf32, #tpu.memory_space<vmem_shared>>
      tpu.wait_indirect_dma semaphore(%run_scoped3A_535 : memref<!tpu.dma_semaphore, #tpu.memory_space<semaphore_mem>>) src(%dma_wait3A_549 : memref<80x128xf32, #tpu.memory_space<vmem>>) dst(%dma_wait3A_555 : memref<10240x128xf32, #tpu.memory_space<vmem_shared>>)
      tpu.yield
    }) : () -> ()
    %dma_wait3A_249 = arith.constant 2 : i32
    %dma_wait3A_250 = arith.constant 0 : i32
    %dma_wait3A_251 = arith.constant 0 : i32
    %dma_wait3A_252 = arith.constant 0 : i32
    %dma_wait3A_253 = tpu.memref_slice %arg9[%dma_wait3A_250, %dma_wait3A_251, %dma_wait3A_252] : memref<2x25x80xi32, #tpu.memory_space<vmem>> -> memref<1x25x80xi32, #tpu.memory_space<vmem>>
    %dma_wait3A_254 = tpu.memref_squeeze %dma_wait3A_253 : memref<1x25x80xi32, #tpu.memory_space<vmem>> -> memref<25x80xi32, #tpu.memory_space<vmem>>
    %dma_wait3A_255 = arith.constant 0 : i32
    %dma_wait3A_256 = arith.constant 0 : i32
    %dma_wait3A_257 = tpu.memref_slice %arg3[%add3A, %dma_wait3A_249, %dma_wait3A_255, %dma_wait3A_256] : memref<32x5x25x80xi32, #tpu.memory_space<hbm>> -> memref<1x1x25x80xi32, #tpu.memory_space<hbm>>
    %dma_wait3A_258 = tpu.memref_squeeze %dma_wait3A_257 : memref<1x1x25x80xi32, #tpu.memory_space<hbm>> -> memref<25x80xi32, #tpu.memory_space<hbm>>
    %dma_wait3A_259 = arith.constant 0 : i32
    %dma_wait3A_260 = arith.constant 0 : i32
    %dma_wait3A_261 = tpu.memref_slice %arg9[%dma_wait3A_250, %dma_wait3A_259, %dma_wait3A_260] : memref<2x25x80xi32, #tpu.memory_space<vmem>> -> memref<1x25x80xi32, #tpu.memory_space<vmem>>
    %dma_wait3A_262 = tpu.memref_squeeze %dma_wait3A_261 : memref<1x25x80xi32, #tpu.memory_space<vmem>> -> memref<25x80xi32, #tpu.memory_space<vmem>>
    %dma_wait3A_263 = arith.constant 0 : i32
    %dma_wait3A_264 = arith.constant 0 : i32
    %dma_wait3A_265 = tpu.memref_slice %arg3[%add3A, %dma_wait3A_249, %dma_wait3A_263, %dma_wait3A_264] : memref<32x5x25x80xi32, #tpu.memory_space<hbm>> -> memref<1x1x25x80xi32, #tpu.memory_space<hbm>>
    %dma_wait3A_266 = tpu.memref_squeeze %dma_wait3A_265 : memref<1x1x25x80xi32, #tpu.memory_space<hbm>> -> memref<25x80xi32, #tpu.memory_space<hbm>>
    tpu.wait_dma2 semaphore(%arg15 : memref<!tpu.dma_semaphore, #tpu.memory_space<semaphore_mem>>) src(%dma_wait3A_266 : memref<25x80xi32, #tpu.memory_space<hbm>>) dst(%dma_wait3A_262 : memref<25x80xi32, #tpu.memory_space<vmem>>)
    %dma_wait3A_267 = arith.constant 2 : i32
    %dma_wait3A_268 = arith.constant 0 : i32
    %dma_wait3A_269 = arith.constant 0 : i32
    %dma_wait3A_270 = arith.constant 0 : i32
    %dma_wait3A_271 = tpu.memref_slice %arg10[%dma_wait3A_268, %dma_wait3A_269, %dma_wait3A_270] : memref<2x25x80xi32, #tpu.memory_space<vmem>> -> memref<1x25x80xi32, #tpu.memory_space<vmem>>
    %dma_wait3A_272 = tpu.memref_squeeze %dma_wait3A_271 : memref<1x25x80xi32, #tpu.memory_space<vmem>> -> memref<25x80xi32, #tpu.memory_space<vmem>>
    %dma_wait3A_273 = arith.constant 0 : i32
    %dma_wait3A_274 = arith.constant 0 : i32
    %dma_wait3A_275 = tpu.memref_slice %arg4[%add3A, %dma_wait3A_267, %dma_wait3A_273, %dma_wait3A_274] : memref<32x5x25x80xi32, #tpu.memory_space<hbm>> -> memref<1x1x25x80xi32, #tpu.memory_space<hbm>>
    %dma_wait3A_276 = tpu.memref_squeeze %dma_wait3A_275 : memref<1x1x25x80xi32, #tpu.memory_space<hbm>> -> memref<25x80xi32, #tpu.memory_space<hbm>>
    %dma_wait3A_277 = arith.constant 0 : i32
    %dma_wait3A_278 = arith.constant 0 : i32
    %dma_wait3A_279 = tpu.memref_slice %arg10[%dma_wait3A_268, %dma_wait3A_277, %dma_wait3A_278] : memref<2x25x80xi32, #tpu.memory_space<vmem>> -> memref<1x25x80xi32, #tpu.memory_space<vmem>>
    %dma_wait3A_280 = tpu.memref_squeeze %dma_wait3A_279 : memref<1x25x80xi32, #tpu.memory_space<vmem>> -> memref<25x80xi32, #tpu.memory_space<vmem>>
    %dma_wait3A_281 = arith.constant 0 : i32
    %dma_wait3A_282 = arith.constant 0 : i32
    %dma_wait3A_283 = tpu.memref_slice %arg4[%add3A, %dma_wait3A_267, %dma_wait3A_281, %dma_wait3A_282] : memref<32x5x25x80xi32, #tpu.memory_space<hbm>> -> memref<1x1x25x80xi32, #tpu.memory_space<hbm>>
    %dma_wait3A_284 = tpu.memref_squeeze %dma_wait3A_283 : memref<1x1x25x80xi32, #tpu.memory_space<hbm>> -> memref<25x80xi32, #tpu.memory_space<hbm>>
    tpu.wait_dma2 semaphore(%arg15 : memref<!tpu.dma_semaphore, #tpu.memory_space<semaphore_mem>>) src(%dma_wait3A_284 : memref<25x80xi32, #tpu.memory_space<hbm>>) dst(%dma_wait3A_280 : memref<25x80xi32, #tpu.memory_space<vmem>>)
    %dma_start3A_285 = arith.constant 3 : i32
    %dma_start3A_286 = arith.constant 1 : i32
    %dma_start3A_287 = arith.constant 0 : i32
    %dma_start3A_288 = arith.constant 0 : i32
    %dma_start3A_289 = tpu.memref_slice %arg9[%dma_start3A_286, %dma_start3A_287, %dma_start3A_288] : memref<2x25x80xi32, #tpu.memory_space<vmem>> -> memref<1x25x80xi32, #tpu.memory_space<vmem>>
    %dma_start3A_290 = tpu.memref_squeeze %dma_start3A_289 : memref<1x25x80xi32, #tpu.memory_space<vmem>> -> memref<25x80xi32, #tpu.memory_space<vmem>>
    %dma_start3A_291 = arith.constant 0 : i32
    %dma_start3A_292 = arith.constant 0 : i32
    %dma_start3A_293 = tpu.memref_slice %arg3[%add3A, %dma_start3A_285, %dma_start3A_291, %dma_start3A_292] : memref<32x5x25x80xi32, #tpu.memory_space<hbm>> -> memref<1x1x25x80xi32, #tpu.memory_space<hbm>>
    %dma_start3A_294 = tpu.memref_squeeze %dma_start3A_293 : memref<1x1x25x80xi32, #tpu.memory_space<hbm>> -> memref<25x80xi32, #tpu.memory_space<hbm>>
    %dma_start3A_295 = arith.constant 0 : i32
    %dma_start3A_296 = arith.constant 0 : i32
    %dma_start3A_297 = tpu.memref_slice %arg9[%dma_start3A_286, %dma_start3A_295, %dma_start3A_296] : memref<2x25x80xi32, #tpu.memory_space<vmem>> -> memref<1x25x80xi32, #tpu.memory_space<vmem>>
    %dma_start3A_298 = tpu.memref_squeeze %dma_start3A_297 : memref<1x25x80xi32, #tpu.memory_space<vmem>> -> memref<25x80xi32, #tpu.memory_space<vmem>>
    %dma_start3A_299 = arith.constant 0 : i32
    %dma_start3A_300 = arith.constant 0 : i32
    %dma_start3A_301 = tpu.memref_slice %arg3[%add3A, %dma_start3A_285, %dma_start3A_299, %dma_start3A_300] : memref<32x5x25x80xi32, #tpu.memory_space<hbm>> -> memref<1x1x25x80xi32, #tpu.memory_space<hbm>>
    %dma_start3A_302 = tpu.memref_squeeze %dma_start3A_301 : memref<1x1x25x80xi32, #tpu.memory_space<hbm>> -> memref<25x80xi32, #tpu.memory_space<hbm>>
    tpu.enqueue_dma source(%dma_start3A_302 : memref<25x80xi32, #tpu.memory_space<hbm>>) target(%dma_start3A_298 : memref<25x80xi32, #tpu.memory_space<vmem>>) target_semaphore(%arg15 : memref<!tpu.dma_semaphore, #tpu.memory_space<semaphore_mem>>)
    %dma_start3A_303 = arith.constant 3 : i32
    %dma_start3A_304 = arith.constant 1 : i32
    %dma_start3A_305 = arith.constant 0 : i32
    %dma_start3A_306 = arith.constant 0 : i32
    %dma_start3A_307 = tpu.memref_slice %arg10[%dma_start3A_304, %dma_start3A_305, %dma_start3A_306] : memref<2x25x80xi32, #tpu.memory_space<vmem>> -> memref<1x25x80xi32, #tpu.memory_space<vmem>>
    %dma_start3A_308 = tpu.memref_squeeze %dma_start3A_307 : memref<1x25x80xi32, #tpu.memory_space<vmem>> -> memref<25x80xi32, #tpu.memory_space<vmem>>
    %dma_start3A_309 = arith.constant 0 : i32
    %dma_start3A_310 = arith.constant 0 : i32
    %dma_start3A_311 = tpu.memref_slice %arg4[%add3A, %dma_start3A_303, %dma_start3A_309, %dma_start3A_310] : memref<32x5x25x80xi32, #tpu.memory_space<hbm>> -> memref<1x1x25x80xi32, #tpu.memory_space<hbm>>
    %dma_start3A_312 = tpu.memref_squeeze %dma_start3A_311 : memref<1x1x25x80xi32, #tpu.memory_space<hbm>> -> memref<25x80xi32, #tpu.memory_space<hbm>>
    %dma_start3A_313 = arith.constant 0 : i32
    %dma_start3A_314 = arith.constant 0 : i32
    %dma_start3A_315 = tpu.memref_slice %arg10[%dma_start3A_304, %dma_start3A_313, %dma_start3A_314] : memref<2x25x80xi32, #tpu.memory_space<vmem>> -> memref<1x25x80xi32, #tpu.memory_space<vmem>>
    %dma_start3A_316 = tpu.memref_squeeze %dma_start3A_315 : memref<1x25x80xi32, #tpu.memory_space<vmem>> -> memref<25x80xi32, #tpu.memory_space<vmem>>
    %dma_start3A_317 = arith.constant 0 : i32
    %dma_start3A_318 = arith.constant 0 : i32
    %dma_start3A_319 = tpu.memref_slice %arg4[%add3A, %dma_start3A_303, %dma_start3A_317, %dma_start3A_318] : memref<32x5x25x80xi32, #tpu.memory_space<hbm>> -> memref<1x1x25x80xi32, #tpu.memory_space<hbm>>
    %dma_start3A_320 = tpu.memref_squeeze %dma_start3A_319 : memref<1x1x25x80xi32, #tpu.memory_space<hbm>> -> memref<25x80xi32, #tpu.memory_space<hbm>>
    tpu.enqueue_dma source(%dma_start3A_320 : memref<25x80xi32, #tpu.memory_space<hbm>>) target(%dma_start3A_316 : memref<25x80xi32, #tpu.memory_space<vmem>>) target_semaphore(%arg15 : memref<!tpu.dma_semaphore, #tpu.memory_space<semaphore_mem>>)
    %dma_start3A_321 = arith.constant 0 : i32
    %dma_start3A_322 = arith.constant 0 : i32
    %dma_start3A_323 = arith.constant 0 : i32
    %dma_start3A_324 = arith.constant 0 : i32
    %dma_start3A_325 = arith.constant 0 : i32
    %dma_start3A_326 = tpu.memref_slice %arg11[%dma_start3A_323, %dma_start3A_324, %dma_start3A_325] : memref<2x80x128xf32, #tpu.memory_space<vmem>> -> memref<1x80x128xf32, #tpu.memory_space<vmem>>
    %dma_start3A_327 = tpu.memref_squeeze %dma_start3A_326 : memref<1x80x128xf32, #tpu.memory_space<vmem>> -> memref<80x128xf32, #tpu.memory_space<vmem>>
    %dma_start3A_328 = arith.constant 0 : i32
    %dma_start3A_329 = tpu.memref_slice %arg9[%dma_start3A_321, %dma_start3A_322, %dma_start3A_328] : memref<2x25x80xi32, #tpu.memory_space<vmem>> -> memref<1x1x80xi32, #tpu.memory_space<vmem>>
    %dma_start3A_330 = tpu.memref_squeeze %dma_start3A_329 : memref<1x1x80xi32, #tpu.memory_space<vmem>> -> memref<80xi32, #tpu.memory_space<vmem>>
    %dma_start3A_331 = arith.constant 0 : i32
    %dma_start3A_332 = arith.constant 0 : i32
    %dma_start3A_333 = tpu.memref_slice %arg2[%dma_start3A_331, %dma_start3A_332] : memref<10000x128xf32, #tpu.memory_space<hbm>> -> memref<10000x128xf32, #tpu.memory_space<hbm>>
    tpu.enqueue_indirect_dma source(%dma_start3A_333 : memref<10000x128xf32, #tpu.memory_space<hbm>>) target(%dma_start3A_327 : memref<80x128xf32, #tpu.memory_space<vmem>>) offsets(%dma_start3A_330 : memref<80xi32, #tpu.memory_space<vmem>>) semaphore(%arg13 : memref<!tpu.dma_semaphore, #tpu.memory_space<semaphore_mem>>)
    %scan3A_334 = arith.constant 0 : i32
    %scan3A_335 = arith.constant 0 : i32
    %scan3A_336 = arith.constant 12 : i32
    %scan3A_337 = arith.addi %scan3A_335, %scan3A_336 : i32
    %scan3A_338 = arith.constant 1 : i32
    scf.for %scan3A_535 = %scan3A_335 to %scan3A_337 step %scan3A_338  : i32 {
      %mul3A_536 = arith.constant 2 : i32
      %mul3A_537 = arith.muli %mul3A_536, %scan3A_535 : i32
      %add3A_538 = arith.constant 1 : i32
      %add3A_539 = arith.addi %mul3A_537, %add3A_538 : i32
      %dma_start3A_540 = arith.constant 0 : i32
      %dma_start3A_541 = arith.constant 1 : i32
      %dma_start3A_542 = arith.constant 0 : i32
      %dma_start3A_543 = arith.constant 0 : i32
      %dma_start3A_544 = tpu.memref_slice %arg11[%dma_start3A_541, %dma_start3A_542, %dma_start3A_543] : memref<2x80x128xf32, #tpu.memory_space<vmem>> -> memref<1x80x128xf32, #tpu.memory_space<vmem>>
      %dma_start3A_545 = tpu.memref_squeeze %dma_start3A_544 : memref<1x80x128xf32, #tpu.memory_space<vmem>> -> memref<80x128xf32, #tpu.memory_space<vmem>>
      %dma_start3A_546 = arith.constant 0 : i32
      %dma_start3A_547 = tpu.memref_slice %arg9[%dma_start3A_540, %add3A_539, %dma_start3A_546] : memref<2x25x80xi32, #tpu.memory_space<vmem>> -> memref<1x1x80xi32, #tpu.memory_space<vmem>>
      %dma_start3A_548 = tpu.memref_squeeze %dma_start3A_547 : memref<1x1x80xi32, #tpu.memory_space<vmem>> -> memref<80xi32, #tpu.memory_space<vmem>>
      %dma_start3A_549 = arith.constant 0 : i32
      %dma_start3A_550 = arith.constant 0 : i32
      %dma_start3A_551 = tpu.memref_slice %arg2[%dma_start3A_549, %dma_start3A_550] : memref<10000x128xf32, #tpu.memory_space<hbm>> -> memref<10000x128xf32, #tpu.memory_space<hbm>>
      tpu.enqueue_indirect_dma source(%dma_start3A_551 : memref<10000x128xf32, #tpu.memory_space<hbm>>) target(%dma_start3A_545 : memref<80x128xf32, #tpu.memory_space<vmem>>) offsets(%dma_start3A_548 : memref<80xi32, #tpu.memory_space<vmem>>) semaphore(%arg14 : memref<!tpu.dma_semaphore, #tpu.memory_space<semaphore_mem>>)
      %dma_wait3A_552 = arith.constant 0 : i32
      %dma_wait3A_553 = arith.constant 0 : i32
      %dma_wait3A_554 = arith.constant 0 : i32
      %dma_wait3A_555 = arith.constant 0 : i32
      %dma_wait3A_556 = tpu.memref_slice %arg11[%dma_wait3A_553, %dma_wait3A_554, %dma_wait3A_555] : memref<2x80x128xf32, #tpu.memory_space<vmem>> -> memref<1x80x128xf32, #tpu.memory_space<vmem>>
      %dma_wait3A_557 = tpu.memref_squeeze %dma_wait3A_556 : memref<1x80x128xf32, #tpu.memory_space<vmem>> -> memref<80x128xf32, #tpu.memory_space<vmem>>
      %dma_wait3A_558 = arith.constant 0 : i32
      %dma_wait3A_559 = tpu.memref_slice %arg9[%dma_wait3A_552, %mul3A_537, %dma_wait3A_558] : memref<2x25x80xi32, #tpu.memory_space<vmem>> -> memref<1x1x80xi32, #tpu.memory_space<vmem>>
      %dma_wait3A_560 = tpu.memref_squeeze %dma_wait3A_559 : memref<1x1x80xi32, #tpu.memory_space<vmem>> -> memref<80xi32, #tpu.memory_space<vmem>>
      %dma_wait3A_561 = arith.constant 0 : i32
      %dma_wait3A_562 = arith.constant 0 : i32
      %dma_wait3A_563 = tpu.memref_slice %arg2[%dma_wait3A_561, %dma_wait3A_562] : memref<10000x128xf32, #tpu.memory_space<hbm>> -> memref<10000x128xf32, #tpu.memory_space<hbm>>
      tpu.wait_indirect_dma semaphore(%arg13 : memref<!tpu.dma_semaphore, #tpu.memory_space<semaphore_mem>>) src(%dma_wait3A_563 : memref<10000x128xf32, #tpu.memory_space<hbm>>) dst(%dma_wait3A_557 : memref<80x128xf32, #tpu.memory_space<vmem>>)
      %run_scoped3A_564 = arith.constant 0 : i32
      %run_scoped3A_565 = arith.constant 0 : i32
      "tpu.region"() ({
        %run_scoped3A_590 = tpu.sem_alloc : memref<!tpu.dma_semaphore, #tpu.memory_space<semaphore_mem>>
        %dma_start3A_591 = arith.constant 0 : i32
        %dma_start3A_592 = arith.constant 0 : i32
        %dma_start3A_593 = tpu.memref_slice %arg11[%run_scoped3A_564, %dma_start3A_591, %dma_start3A_592] : memref<2x80x128xf32, #tpu.memory_space<vmem>> -> memref<1x80x128xf32, #tpu.memory_space<vmem>>
        %dma_start3A_594 = tpu.memref_squeeze %dma_start3A_593 : memref<1x80x128xf32, #tpu.memory_space<vmem>> -> memref<80x128xf32, #tpu.memory_space<vmem>>
        %dma_start3A_595 = arith.constant 0 : i32
        %dma_start3A_596 = tpu.memref_slice %arg10[%run_scoped3A_565, %mul3A_537, %dma_start3A_595] : memref<2x25x80xi32, #tpu.memory_space<vmem>> -> memref<1x1x80xi32, #tpu.memory_space<vmem>>
        %dma_start3A_597 = tpu.memref_squeeze %dma_start3A_596 : memref<1x1x80xi32, #tpu.memory_space<vmem>> -> memref<80xi32, #tpu.memory_space<vmem>>
        %dma_start3A_598 = arith.constant 0 : i32
        %dma_start3A_599 = arith.constant 0 : i32
        %dma_start3A_600 = tpu.memref_slice %arg12[%dma_start3A_598, %dma_start3A_599] : memref<10240x128xf32, #tpu.memory_space<vmem_shared>> -> memref<10240x128xf32, #tpu.memory_space<vmem_shared>>
        tpu.enqueue_indirect_dma source(%dma_start3A_594 : memref<80x128xf32, #tpu.memory_space<vmem>>) target(%dma_start3A_600 : memref<10240x128xf32, #tpu.memory_space<vmem_shared>>) offsets(%dma_start3A_597 : memref<80xi32, #tpu.memory_space<vmem>>) semaphore(%run_scoped3A_590 : memref<!tpu.dma_semaphore, #tpu.memory_space<semaphore_mem>>) {add = true}
        %dma_wait3A_601 = arith.constant 0 : i32
        %dma_wait3A_602 = arith.constant 0 : i32
        %dma_wait3A_603 = tpu.memref_slice %arg11[%run_scoped3A_564, %dma_wait3A_601, %dma_wait3A_602] : memref<2x80x128xf32, #tpu.memory_space<vmem>> -> memref<1x80x128xf32, #tpu.memory_space<vmem>>
        %dma_wait3A_604 = tpu.memref_squeeze %dma_wait3A_603 : memref<1x80x128xf32, #tpu.memory_space<vmem>> -> memref<80x128xf32, #tpu.memory_space<vmem>>
        %dma_wait3A_605 = arith.constant 0 : i32
        %dma_wait3A_606 = tpu.memref_slice %arg10[%run_scoped3A_565, %mul3A_537, %dma_wait3A_605] : memref<2x25x80xi32, #tpu.memory_space<vmem>> -> memref<1x1x80xi32, #tpu.memory_space<vmem>>
        %dma_wait3A_607 = tpu.memref_squeeze %dma_wait3A_606 : memref<1x1x80xi32, #tpu.memory_space<vmem>> -> memref<80xi32, #tpu.memory_space<vmem>>
        %dma_wait3A_608 = arith.constant 0 : i32
        %dma_wait3A_609 = arith.constant 0 : i32
        %dma_wait3A_610 = tpu.memref_slice %arg12[%dma_wait3A_608, %dma_wait3A_609] : memref<10240x128xf32, #tpu.memory_space<vmem_shared>> -> memref<10240x128xf32, #tpu.memory_space<vmem_shared>>
        tpu.wait_indirect_dma semaphore(%run_scoped3A_590 : memref<!tpu.dma_semaphore, #tpu.memory_space<semaphore_mem>>) src(%dma_wait3A_604 : memref<80x128xf32, #tpu.memory_space<vmem>>) dst(%dma_wait3A_610 : memref<10240x128xf32, #tpu.memory_space<vmem_shared>>)
        tpu.yield
      }) : () -> ()
      %add3A_566 = arith.constant 2 : i32
      %add3A_567 = arith.addi %mul3A_537, %add3A_566 : i32
      %lt3A = arith.constant 25 : i32
      %lt3A_568 = arith.cmpi slt, %add3A_567, %lt3A : i32
      %convert_element_type3A = arith.extui %lt3A_568 : i1 to i32
      %cond3A = arith.constant 0 : i32
      %cond3A_569 = arith.cmpi ne, %convert_element_type3A, %cond3A : i32
      scf.if %cond3A_569 {
        %add3A_590 = arith.constant 2 : i32
        %add3A_591 = arith.addi %mul3A_537, %add3A_590 : i32
        %dma_start3A_592 = arith.constant 0 : i32
        %dma_start3A_593 = arith.constant 0 : i32
        %dma_start3A_594 = arith.constant 0 : i32
        %dma_start3A_595 = arith.constant 0 : i32
        %dma_start3A_596 = tpu.memref_slice %arg11[%dma_start3A_593, %dma_start3A_594, %dma_start3A_595] : memref<2x80x128xf32, #tpu.memory_space<vmem>> -> memref<1x80x128xf32, #tpu.memory_space<vmem>>
        %dma_start3A_597 = tpu.memref_squeeze %dma_start3A_596 : memref<1x80x128xf32, #tpu.memory_space<vmem>> -> memref<80x128xf32, #tpu.memory_space<vmem>>
        %dma_start3A_598 = arith.constant 0 : i32
        %dma_start3A_599 = tpu.memref_slice %arg9[%dma_start3A_592, %add3A_591, %dma_start3A_598] : memref<2x25x80xi32, #tpu.memory_space<vmem>> -> memref<1x1x80xi32, #tpu.memory_space<vmem>>
        %dma_start3A_600 = tpu.memref_squeeze %dma_start3A_599 : memref<1x1x80xi32, #tpu.memory_space<vmem>> -> memref<80xi32, #tpu.memory_space<vmem>>
        %dma_start3A_601 = arith.constant 0 : i32
        %dma_start3A_602 = arith.constant 0 : i32
        %dma_start3A_603 = tpu.memref_slice %arg2[%dma_start3A_601, %dma_start3A_602] : memref<10000x128xf32, #tpu.memory_space<hbm>> -> memref<10000x128xf32, #tpu.memory_space<hbm>>
        tpu.enqueue_indirect_dma source(%dma_start3A_603 : memref<10000x128xf32, #tpu.memory_space<hbm>>) target(%dma_start3A_597 : memref<80x128xf32, #tpu.memory_space<vmem>>) offsets(%dma_start3A_600 : memref<80xi32, #tpu.memory_space<vmem>>) semaphore(%arg13 : memref<!tpu.dma_semaphore, #tpu.memory_space<semaphore_mem>>)
      } else {
      }
      %add3A_570 = arith.constant 1 : i32
      %add3A_571 = arith.addi %mul3A_537, %add3A_570 : i32
      %add3A_572 = arith.constant 1 : i32
      %add3A_573 = arith.addi %mul3A_537, %add3A_572 : i32
      %dma_wait3A_574 = arith.constant 0 : i32
      %dma_wait3A_575 = arith.constant 1 : i32
      %dma_wait3A_576 = arith.constant 0 : i32
      %dma_wait3A_577 = arith.constant 0 : i32
      %dma_wait3A_578 = tpu.memref_slice %arg11[%dma_wait3A_575, %dma_wait3A_576, %dma_wait3A_577] : memref<2x80x128xf32, #tpu.memory_space<vmem>> -> memref<1x80x128xf32, #tpu.memory_space<vmem>>
      %dma_wait3A_579 = tpu.memref_squeeze %dma_wait3A_578 : memref<1x80x128xf32, #tpu.memory_space<vmem>> -> memref<80x128xf32, #tpu.memory_space<vmem>>
      %dma_wait3A_580 = arith.constant 0 : i32
      %dma_wait3A_581 = tpu.memref_slice %arg9[%dma_wait3A_574, %add3A_573, %dma_wait3A_580] : memref<2x25x80xi32, #tpu.memory_space<vmem>> -> memref<1x1x80xi32, #tpu.memory_space<vmem>>
      %dma_wait3A_582 = tpu.memref_squeeze %dma_wait3A_581 : memref<1x1x80xi32, #tpu.memory_space<vmem>> -> memref<80xi32, #tpu.memory_space<vmem>>
      %dma_wait3A_583 = arith.constant 0 : i32
      %dma_wait3A_584 = arith.constant 0 : i32
      %dma_wait3A_585 = tpu.memref_slice %arg2[%dma_wait3A_583, %dma_wait3A_584] : memref<10000x128xf32, #tpu.memory_space<hbm>> -> memref<10000x128xf32, #tpu.memory_space<hbm>>
      tpu.wait_indirect_dma semaphore(%arg14 : memref<!tpu.dma_semaphore, #tpu.memory_space<semaphore_mem>>) src(%dma_wait3A_585 : memref<10000x128xf32, #tpu.memory_space<hbm>>) dst(%dma_wait3A_579 : memref<80x128xf32, #tpu.memory_space<vmem>>)
      %add3A_586 = arith.constant 1 : i32
      %add3A_587 = arith.addi %mul3A_537, %add3A_586 : i32
      %run_scoped3A_588 = arith.constant 1 : i32
      %run_scoped3A_589 = arith.constant 0 : i32
      "tpu.region"() ({
        %run_scoped3A_590 = tpu.sem_alloc : memref<!tpu.dma_semaphore, #tpu.memory_space<semaphore_mem>>
        %dma_start3A_591 = arith.constant 0 : i32
        %dma_start3A_592 = arith.constant 0 : i32
        %dma_start3A_593 = tpu.memref_slice %arg11[%run_scoped3A_588, %dma_start3A_591, %dma_start3A_592] : memref<2x80x128xf32, #tpu.memory_space<vmem>> -> memref<1x80x128xf32, #tpu.memory_space<vmem>>
        %dma_start3A_594 = tpu.memref_squeeze %dma_start3A_593 : memref<1x80x128xf32, #tpu.memory_space<vmem>> -> memref<80x128xf32, #tpu.memory_space<vmem>>
        %dma_start3A_595 = arith.constant 0 : i32
        %dma_start3A_596 = tpu.memref_slice %arg10[%run_scoped3A_589, %add3A_587, %dma_start3A_595] : memref<2x25x80xi32, #tpu.memory_space<vmem>> -> memref<1x1x80xi32, #tpu.memory_space<vmem>>
        %dma_start3A_597 = tpu.memref_squeeze %dma_start3A_596 : memref<1x1x80xi32, #tpu.memory_space<vmem>> -> memref<80xi32, #tpu.memory_space<vmem>>
        %dma_start3A_598 = arith.constant 0 : i32
        %dma_start3A_599 = arith.constant 0 : i32
        %dma_start3A_600 = tpu.memref_slice %arg12[%dma_start3A_598, %dma_start3A_599] : memref<10240x128xf32, #tpu.memory_space<vmem_shared>> -> memref<10240x128xf32, #tpu.memory_space<vmem_shared>>
        tpu.enqueue_indirect_dma source(%dma_start3A_594 : memref<80x128xf32, #tpu.memory_space<vmem>>) target(%dma_start3A_600 : memref<10240x128xf32, #tpu.memory_space<vmem_shared>>) offsets(%dma_start3A_597 : memref<80xi32, #tpu.memory_space<vmem>>) semaphore(%run_scoped3A_590 : memref<!tpu.dma_semaphore, #tpu.memory_space<semaphore_mem>>) {add = true}
        %dma_wait3A_601 = arith.constant 0 : i32
        %dma_wait3A_602 = arith.constant 0 : i32
        %dma_wait3A_603 = tpu.memref_slice %arg11[%run_scoped3A_588, %dma_wait3A_601, %dma_wait3A_602] : memref<2x80x128xf32, #tpu.memory_space<vmem>> -> memref<1x80x128xf32, #tpu.memory_space<vmem>>
        %dma_wait3A_604 = tpu.memref_squeeze %dma_wait3A_603 : memref<1x80x128xf32, #tpu.memory_space<vmem>> -> memref<80x128xf32, #tpu.memory_space<vmem>>
        %dma_wait3A_605 = arith.constant 0 : i32
        %dma_wait3A_606 = tpu.memref_slice %arg10[%run_scoped3A_589, %add3A_587, %dma_wait3A_605] : memref<2x25x80xi32, #tpu.memory_space<vmem>> -> memref<1x1x80xi32, #tpu.memory_space<vmem>>
        %dma_wait3A_607 = tpu.memref_squeeze %dma_wait3A_606 : memref<1x1x80xi32, #tpu.memory_space<vmem>> -> memref<80xi32, #tpu.memory_space<vmem>>
        %dma_wait3A_608 = arith.constant 0 : i32
        %dma_wait3A_609 = arith.constant 0 : i32
        %dma_wait3A_610 = tpu.memref_slice %arg12[%dma_wait3A_608, %dma_wait3A_609] : memref<10240x128xf32, #tpu.memory_space<vmem_shared>> -> memref<10240x128xf32, #tpu.memory_space<vmem_shared>>
        tpu.wait_indirect_dma semaphore(%run_scoped3A_590 : memref<!tpu.dma_semaphore, #tpu.memory_space<semaphore_mem>>) src(%dma_wait3A_604 : memref<80x128xf32, #tpu.memory_space<vmem>>) dst(%dma_wait3A_610 : memref<10240x128xf32, #tpu.memory_space<vmem_shared>>)
        tpu.yield
      }) : () -> ()
    }
    %scan3A_339 = arith.constant 12 : i32
    %dma_wait3A_340 = arith.constant 0 : i32
    %dma_wait3A_341 = arith.constant 24 : i32
    %dma_wait3A_342 = arith.constant 0 : i32
    %dma_wait3A_343 = arith.constant 0 : i32
    %dma_wait3A_344 = arith.constant 0 : i32
    %dma_wait3A_345 = tpu.memref_slice %arg11[%dma_wait3A_342, %dma_wait3A_343, %dma_wait3A_344] : memref<2x80x128xf32, #tpu.memory_space<vmem>> -> memref<1x80x128xf32, #tpu.memory_space<vmem>>
    %dma_wait3A_346 = tpu.memref_squeeze %dma_wait3A_345 : memref<1x80x128xf32, #tpu.memory_space<vmem>> -> memref<80x128xf32, #tpu.memory_space<vmem>>
    %dma_wait3A_347 = arith.constant 0 : i32
    %dma_wait3A_348 = tpu.memref_slice %arg9[%dma_wait3A_340, %dma_wait3A_341, %dma_wait3A_347] : memref<2x25x80xi32, #tpu.memory_space<vmem>> -> memref<1x1x80xi32, #tpu.memory_space<vmem>>
    %dma_wait3A_349 = tpu.memref_squeeze %dma_wait3A_348 : memref<1x1x80xi32, #tpu.memory_space<vmem>> -> memref<80xi32, #tpu.memory_space<vmem>>
    %dma_wait3A_350 = arith.constant 0 : i32
    %dma_wait3A_351 = arith.constant 0 : i32
    %dma_wait3A_352 = tpu.memref_slice %arg2[%dma_wait3A_350, %dma_wait3A_351] : memref<10000x128xf32, #tpu.memory_space<hbm>> -> memref<10000x128xf32, #tpu.memory_space<hbm>>
    tpu.wait_indirect_dma semaphore(%arg13 : memref<!tpu.dma_semaphore, #tpu.memory_space<semaphore_mem>>) src(%dma_wait3A_352 : memref<10000x128xf32, #tpu.memory_space<hbm>>) dst(%dma_wait3A_346 : memref<80x128xf32, #tpu.memory_space<vmem>>)
    %run_scoped3A_353 = arith.constant 0 : i32
    %run_scoped3A_354 = arith.constant 0 : i32
    %run_scoped3A_355 = arith.constant 24 : i32
    "tpu.region"() ({
      %run_scoped3A_535 = tpu.sem_alloc : memref<!tpu.dma_semaphore, #tpu.memory_space<semaphore_mem>>
      %dma_start3A_536 = arith.constant 0 : i32
      %dma_start3A_537 = arith.constant 0 : i32
      %dma_start3A_538 = tpu.memref_slice %arg11[%run_scoped3A_353, %dma_start3A_536, %dma_start3A_537] : memref<2x80x128xf32, #tpu.memory_space<vmem>> -> memref<1x80x128xf32, #tpu.memory_space<vmem>>
      %dma_start3A_539 = tpu.memref_squeeze %dma_start3A_538 : memref<1x80x128xf32, #tpu.memory_space<vmem>> -> memref<80x128xf32, #tpu.memory_space<vmem>>
      %dma_start3A_540 = arith.constant 0 : i32
      %dma_start3A_541 = tpu.memref_slice %arg10[%run_scoped3A_354, %run_scoped3A_355, %dma_start3A_540] : memref<2x25x80xi32, #tpu.memory_space<vmem>> -> memref<1x1x80xi32, #tpu.memory_space<vmem>>
      %dma_start3A_542 = tpu.memref_squeeze %dma_start3A_541 : memref<1x1x80xi32, #tpu.memory_space<vmem>> -> memref<80xi32, #tpu.memory_space<vmem>>
      %dma_start3A_543 = arith.constant 0 : i32
      %dma_start3A_544 = arith.constant 0 : i32
      %dma_start3A_545 = tpu.memref_slice %arg12[%dma_start3A_543, %dma_start3A_544] : memref<10240x128xf32, #tpu.memory_space<vmem_shared>> -> memref<10240x128xf32, #tpu.memory_space<vmem_shared>>
      tpu.enqueue_indirect_dma source(%dma_start3A_539 : memref<80x128xf32, #tpu.memory_space<vmem>>) target(%dma_start3A_545 : memref<10240x128xf32, #tpu.memory_space<vmem_shared>>) offsets(%dma_start3A_542 : memref<80xi32, #tpu.memory_space<vmem>>) semaphore(%run_scoped3A_535 : memref<!tpu.dma_semaphore, #tpu.memory_space<semaphore_mem>>) {add = true}
      %dma_wait3A_546 = arith.constant 0 : i32
      %dma_wait3A_547 = arith.constant 0 : i32
      %dma_wait3A_548 = tpu.memref_slice %arg11[%run_scoped3A_353, %dma_wait3A_546, %dma_wait3A_547] : memref<2x80x128xf32, #tpu.memory_space<vmem>> -> memref<1x80x128xf32, #tpu.memory_space<vmem>>
      %dma_wait3A_549 = tpu.memref_squeeze %dma_wait3A_548 : memref<1x80x128xf32, #tpu.memory_space<vmem>> -> memref<80x128xf32, #tpu.memory_space<vmem>>
      %dma_wait3A_550 = arith.constant 0 : i32
      %dma_wait3A_551 = tpu.memref_slice %arg10[%run_scoped3A_354, %run_scoped3A_355, %dma_wait3A_550] : memref<2x25x80xi32, #tpu.memory_space<vmem>> -> memref<1x1x80xi32, #tpu.memory_space<vmem>>
      %dma_wait3A_552 = tpu.memref_squeeze %dma_wait3A_551 : memref<1x1x80xi32, #tpu.memory_space<vmem>> -> memref<80xi32, #tpu.memory_space<vmem>>
      %dma_wait3A_553 = arith.constant 0 : i32
      %dma_wait3A_554 = arith.constant 0 : i32
      %dma_wait3A_555 = tpu.memref_slice %arg12[%dma_wait3A_553, %dma_wait3A_554] : memref<10240x128xf32, #tpu.memory_space<vmem_shared>> -> memref<10240x128xf32, #tpu.memory_space<vmem_shared>>
      tpu.wait_indirect_dma semaphore(%run_scoped3A_535 : memref<!tpu.dma_semaphore, #tpu.memory_space<semaphore_mem>>) src(%dma_wait3A_549 : memref<80x128xf32, #tpu.memory_space<vmem>>) dst(%dma_wait3A_555 : memref<10240x128xf32, #tpu.memory_space<vmem_shared>>)
      tpu.yield
    }) : () -> ()
    %dma_wait3A_356 = arith.constant 3 : i32
    %dma_wait3A_357 = arith.constant 1 : i32
    %dma_wait3A_358 = arith.constant 0 : i32
    %dma_wait3A_359 = arith.constant 0 : i32
    %dma_wait3A_360 = tpu.memref_slice %arg9[%dma_wait3A_357, %dma_wait3A_358, %dma_wait3A_359] : memref<2x25x80xi32, #tpu.memory_space<vmem>> -> memref<1x25x80xi32, #tpu.memory_space<vmem>>
    %dma_wait3A_361 = tpu.memref_squeeze %dma_wait3A_360 : memref<1x25x80xi32, #tpu.memory_space<vmem>> -> memref<25x80xi32, #tpu.memory_space<vmem>>
    %dma_wait3A_362 = arith.constant 0 : i32
    %dma_wait3A_363 = arith.constant 0 : i32
    %dma_wait3A_364 = tpu.memref_slice %arg3[%add3A, %dma_wait3A_356, %dma_wait3A_362, %dma_wait3A_363] : memref<32x5x25x80xi32, #tpu.memory_space<hbm>> -> memref<1x1x25x80xi32, #tpu.memory_space<hbm>>
    %dma_wait3A_365 = tpu.memref_squeeze %dma_wait3A_364 : memref<1x1x25x80xi32, #tpu.memory_space<hbm>> -> memref<25x80xi32, #tpu.memory_space<hbm>>
    %dma_wait3A_366 = arith.constant 0 : i32
    %dma_wait3A_367 = arith.constant 0 : i32
    %dma_wait3A_368 = tpu.memref_slice %arg9[%dma_wait3A_357, %dma_wait3A_366, %dma_wait3A_367] : memref<2x25x80xi32, #tpu.memory_space<vmem>> -> memref<1x25x80xi32, #tpu.memory_space<vmem>>
    %dma_wait3A_369 = tpu.memref_squeeze %dma_wait3A_368 : memref<1x25x80xi32, #tpu.memory_space<vmem>> -> memref<25x80xi32, #tpu.memory_space<vmem>>
    %dma_wait3A_370 = arith.constant 0 : i32
    %dma_wait3A_371 = arith.constant 0 : i32
    %dma_wait3A_372 = tpu.memref_slice %arg3[%add3A, %dma_wait3A_356, %dma_wait3A_370, %dma_wait3A_371] : memref<32x5x25x80xi32, #tpu.memory_space<hbm>> -> memref<1x1x25x80xi32, #tpu.memory_space<hbm>>
    %dma_wait3A_373 = tpu.memref_squeeze %dma_wait3A_372 : memref<1x1x25x80xi32, #tpu.memory_space<hbm>> -> memref<25x80xi32, #tpu.memory_space<hbm>>
    tpu.wait_dma2 semaphore(%arg15 : memref<!tpu.dma_semaphore, #tpu.memory_space<semaphore_mem>>) src(%dma_wait3A_373 : memref<25x80xi32, #tpu.memory_space<hbm>>) dst(%dma_wait3A_369 : memref<25x80xi32, #tpu.memory_space<vmem>>)
    %dma_wait3A_374 = arith.constant 3 : i32
    %dma_wait3A_375 = arith.constant 1 : i32
    %dma_wait3A_376 = arith.constant 0 : i32
    %dma_wait3A_377 = arith.constant 0 : i32
    %dma_wait3A_378 = tpu.memref_slice %arg10[%dma_wait3A_375, %dma_wait3A_376, %dma_wait3A_377] : memref<2x25x80xi32, #tpu.memory_space<vmem>> -> memref<1x25x80xi32, #tpu.memory_space<vmem>>
    %dma_wait3A_379 = tpu.memref_squeeze %dma_wait3A_378 : memref<1x25x80xi32, #tpu.memory_space<vmem>> -> memref<25x80xi32, #tpu.memory_space<vmem>>
    %dma_wait3A_380 = arith.constant 0 : i32
    %dma_wait3A_381 = arith.constant 0 : i32
    %dma_wait3A_382 = tpu.memref_slice %arg4[%add3A, %dma_wait3A_374, %dma_wait3A_380, %dma_wait3A_381] : memref<32x5x25x80xi32, #tpu.memory_space<hbm>> -> memref<1x1x25x80xi32, #tpu.memory_space<hbm>>
    %dma_wait3A_383 = tpu.memref_squeeze %dma_wait3A_382 : memref<1x1x25x80xi32, #tpu.memory_space<hbm>> -> memref<25x80xi32, #tpu.memory_space<hbm>>
    %dma_wait3A_384 = arith.constant 0 : i32
    %dma_wait3A_385 = arith.constant 0 : i32
    %dma_wait3A_386 = tpu.memref_slice %arg10[%dma_wait3A_375, %dma_wait3A_384, %dma_wait3A_385] : memref<2x25x80xi32, #tpu.memory_space<vmem>> -> memref<1x25x80xi32, #tpu.memory_space<vmem>>
    %dma_wait3A_387 = tpu.memref_squeeze %dma_wait3A_386 : memref<1x25x80xi32, #tpu.memory_space<vmem>> -> memref<25x80xi32, #tpu.memory_space<vmem>>
    %dma_wait3A_388 = arith.constant 0 : i32
    %dma_wait3A_389 = arith.constant 0 : i32
    %dma_wait3A_390 = tpu.memref_slice %arg4[%add3A, %dma_wait3A_374, %dma_wait3A_388, %dma_wait3A_389] : memref<32x5x25x80xi32, #tpu.memory_space<hbm>> -> memref<1x1x25x80xi32, #tpu.memory_space<hbm>>
    %dma_wait3A_391 = tpu.memref_squeeze %dma_wait3A_390 : memref<1x1x25x80xi32, #tpu.memory_space<hbm>> -> memref<25x80xi32, #tpu.memory_space<hbm>>
    tpu.wait_dma2 semaphore(%arg15 : memref<!tpu.dma_semaphore, #tpu.memory_space<semaphore_mem>>) src(%dma_wait3A_391 : memref<25x80xi32, #tpu.memory_space<hbm>>) dst(%dma_wait3A_387 : memref<25x80xi32, #tpu.memory_space<vmem>>)
    %dma_start3A_392 = arith.constant 4 : i32
    %dma_start3A_393 = arith.constant 0 : i32
    %dma_start3A_394 = arith.constant 0 : i32
    %dma_start3A_395 = arith.constant 0 : i32
    %dma_start3A_396 = tpu.memref_slice %arg9[%dma_start3A_393, %dma_start3A_394, %dma_start3A_395] : memref<2x25x80xi32, #tpu.memory_space<vmem>> -> memref<1x25x80xi32, #tpu.memory_space<vmem>>
    %dma_start3A_397 = tpu.memref_squeeze %dma_start3A_396 : memref<1x25x80xi32, #tpu.memory_space<vmem>> -> memref<25x80xi32, #tpu.memory_space<vmem>>
    %dma_start3A_398 = arith.constant 0 : i32
    %dma_start3A_399 = arith.constant 0 : i32
    %dma_start3A_400 = tpu.memref_slice %arg3[%add3A, %dma_start3A_392, %dma_start3A_398, %dma_start3A_399] : memref<32x5x25x80xi32, #tpu.memory_space<hbm>> -> memref<1x1x25x80xi32, #tpu.memory_space<hbm>>
    %dma_start3A_401 = tpu.memref_squeeze %dma_start3A_400 : memref<1x1x25x80xi32, #tpu.memory_space<hbm>> -> memref<25x80xi32, #tpu.memory_space<hbm>>
    %dma_start3A_402 = arith.constant 0 : i32
    %dma_start3A_403 = arith.constant 0 : i32
    %dma_start3A_404 = tpu.memref_slice %arg9[%dma_start3A_393, %dma_start3A_402, %dma_start3A_403] : memref<2x25x80xi32, #tpu.memory_space<vmem>> -> memref<1x25x80xi32, #tpu.memory_space<vmem>>
    %dma_start3A_405 = tpu.memref_squeeze %dma_start3A_404 : memref<1x25x80xi32, #tpu.memory_space<vmem>> -> memref<25x80xi32, #tpu.memory_space<vmem>>
    %dma_start3A_406 = arith.constant 0 : i32
    %dma_start3A_407 = arith.constant 0 : i32
    %dma_start3A_408 = tpu.memref_slice %arg3[%add3A, %dma_start3A_392, %dma_start3A_406, %dma_start3A_407] : memref<32x5x25x80xi32, #tpu.memory_space<hbm>> -> memref<1x1x25x80xi32, #tpu.memory_space<hbm>>
    %dma_start3A_409 = tpu.memref_squeeze %dma_start3A_408 : memref<1x1x25x80xi32, #tpu.memory_space<hbm>> -> memref<25x80xi32, #tpu.memory_space<hbm>>
    tpu.enqueue_dma source(%dma_start3A_409 : memref<25x80xi32, #tpu.memory_space<hbm>>) target(%dma_start3A_405 : memref<25x80xi32, #tpu.memory_space<vmem>>) target_semaphore(%arg15 : memref<!tpu.dma_semaphore, #tpu.memory_space<semaphore_mem>>)
    %dma_start3A_410 = arith.constant 4 : i32
    %dma_start3A_411 = arith.constant 0 : i32
    %dma_start3A_412 = arith.constant 0 : i32
    %dma_start3A_413 = arith.constant 0 : i32
    %dma_start3A_414 = tpu.memref_slice %arg10[%dma_start3A_411, %dma_start3A_412, %dma_start3A_413] : memref<2x25x80xi32, #tpu.memory_space<vmem>> -> memref<1x25x80xi32, #tpu.memory_space<vmem>>
    %dma_start3A_415 = tpu.memref_squeeze %dma_start3A_414 : memref<1x25x80xi32, #tpu.memory_space<vmem>> -> memref<25x80xi32, #tpu.memory_space<vmem>>
    %dma_start3A_416 = arith.constant 0 : i32
    %dma_start3A_417 = arith.constant 0 : i32
    %dma_start3A_418 = tpu.memref_slice %arg4[%add3A, %dma_start3A_410, %dma_start3A_416, %dma_start3A_417] : memref<32x5x25x80xi32, #tpu.memory_space<hbm>> -> memref<1x1x25x80xi32, #tpu.memory_space<hbm>>
    %dma_start3A_419 = tpu.memref_squeeze %dma_start3A_418 : memref<1x1x25x80xi32, #tpu.memory_space<hbm>> -> memref<25x80xi32, #tpu.memory_space<hbm>>
    %dma_start3A_420 = arith.constant 0 : i32
    %dma_start3A_421 = arith.constant 0 : i32
    %dma_start3A_422 = tpu.memref_slice %arg10[%dma_start3A_411, %dma_start3A_420, %dma_start3A_421] : memref<2x25x80xi32, #tpu.memory_space<vmem>> -> memref<1x25x80xi32, #tpu.memory_space<vmem>>
    %dma_start3A_423 = tpu.memref_squeeze %dma_start3A_422 : memref<1x25x80xi32, #tpu.memory_space<vmem>> -> memref<25x80xi32, #tpu.memory_space<vmem>>
    %dma_start3A_424 = arith.constant 0 : i32
    %dma_start3A_425 = arith.constant 0 : i32
    %dma_start3A_426 = tpu.memref_slice %arg4[%add3A, %dma_start3A_410, %dma_start3A_424, %dma_start3A_425] : memref<32x5x25x80xi32, #tpu.memory_space<hbm>> -> memref<1x1x25x80xi32, #tpu.memory_space<hbm>>
    %dma_start3A_427 = tpu.memref_squeeze %dma_start3A_426 : memref<1x1x25x80xi32, #tpu.memory_space<hbm>> -> memref<25x80xi32, #tpu.memory_space<hbm>>
    tpu.enqueue_dma source(%dma_start3A_427 : memref<25x80xi32, #tpu.memory_space<hbm>>) target(%dma_start3A_423 : memref<25x80xi32, #tpu.memory_space<vmem>>) target_semaphore(%arg15 : memref<!tpu.dma_semaphore, #tpu.memory_space<semaphore_mem>>)
    %dma_start3A_428 = arith.constant 1 : i32
    %dma_start3A_429 = arith.constant 0 : i32
    %dma_start3A_430 = arith.constant 0 : i32
    %dma_start3A_431 = arith.constant 0 : i32
    %dma_start3A_432 = arith.constant 0 : i32
    %dma_start3A_433 = tpu.memref_slice %arg11[%dma_start3A_430, %dma_start3A_431, %dma_start3A_432] : memref<2x80x128xf32, #tpu.memory_space<vmem>> -> memref<1x80x128xf32, #tpu.memory_space<vmem>>
    %dma_start3A_434 = tpu.memref_squeeze %dma_start3A_433 : memref<1x80x128xf32, #tpu.memory_space<vmem>> -> memref<80x128xf32, #tpu.memory_space<vmem>>
    %dma_start3A_435 = arith.constant 0 : i32
    %dma_start3A_436 = tpu.memref_slice %arg9[%dma_start3A_428, %dma_start3A_429, %dma_start3A_435] : memref<2x25x80xi32, #tpu.memory_space<vmem>> -> memref<1x1x80xi32, #tpu.memory_space<vmem>>
    %dma_start3A_437 = tpu.memref_squeeze %dma_start3A_436 : memref<1x1x80xi32, #tpu.memory_space<vmem>> -> memref<80xi32, #tpu.memory_space<vmem>>
    %dma_start3A_438 = arith.constant 0 : i32
    %dma_start3A_439 = arith.constant 0 : i32
    %dma_start3A_440 = tpu.memref_slice %arg2[%dma_start3A_438, %dma_start3A_439] : memref<10000x128xf32, #tpu.memory_space<hbm>> -> memref<10000x128xf32, #tpu.memory_space<hbm>>
    tpu.enqueue_indirect_dma source(%dma_start3A_440 : memref<10000x128xf32, #tpu.memory_space<hbm>>) target(%dma_start3A_434 : memref<80x128xf32, #tpu.memory_space<vmem>>) offsets(%dma_start3A_437 : memref<80xi32, #tpu.memory_space<vmem>>) semaphore(%arg13 : memref<!tpu.dma_semaphore, #tpu.memory_space<semaphore_mem>>)
    %scan3A_441 = arith.constant 0 : i32
    %scan3A_442 = arith.constant 0 : i32
    %scan3A_443 = arith.constant 12 : i32
    %scan3A_444 = arith.addi %scan3A_442, %scan3A_443 : i32
    %scan3A_445 = arith.constant 1 : i32
    scf.for %scan3A_535 = %scan3A_442 to %scan3A_444 step %scan3A_445  : i32 {
      %mul3A_536 = arith.constant 2 : i32
      %mul3A_537 = arith.muli %mul3A_536, %scan3A_535 : i32
      %add3A_538 = arith.constant 1 : i32
      %add3A_539 = arith.addi %mul3A_537, %add3A_538 : i32
      %dma_start3A_540 = arith.constant 1 : i32
      %dma_start3A_541 = arith.constant 1 : i32
      %dma_start3A_542 = arith.constant 0 : i32
      %dma_start3A_543 = arith.constant 0 : i32
      %dma_start3A_544 = tpu.memref_slice %arg11[%dma_start3A_541, %dma_start3A_542, %dma_start3A_543] : memref<2x80x128xf32, #tpu.memory_space<vmem>> -> memref<1x80x128xf32, #tpu.memory_space<vmem>>
      %dma_start3A_545 = tpu.memref_squeeze %dma_start3A_544 : memref<1x80x128xf32, #tpu.memory_space<vmem>> -> memref<80x128xf32, #tpu.memory_space<vmem>>
      %dma_start3A_546 = arith.constant 0 : i32
      %dma_start3A_547 = tpu.memref_slice %arg9[%dma_start3A_540, %add3A_539, %dma_start3A_546] : memref<2x25x80xi32, #tpu.memory_space<vmem>> -> memref<1x1x80xi32, #tpu.memory_space<vmem>>
      %dma_start3A_548 = tpu.memref_squeeze %dma_start3A_547 : memref<1x1x80xi32, #tpu.memory_space<vmem>> -> memref<80xi32, #tpu.memory_space<vmem>>
      %dma_start3A_549 = arith.constant 0 : i32
      %dma_start3A_550 = arith.constant 0 : i32
      %dma_start3A_551 = tpu.memref_slice %arg2[%dma_start3A_549, %dma_start3A_550] : memref<10000x128xf32, #tpu.memory_space<hbm>> -> memref<10000x128xf32, #tpu.memory_space<hbm>>
      tpu.enqueue_indirect_dma source(%dma_start3A_551 : memref<10000x128xf32, #tpu.memory_space<hbm>>) target(%dma_start3A_545 : memref<80x128xf32, #tpu.memory_space<vmem>>) offsets(%dma_start3A_548 : memref<80xi32, #tpu.memory_space<vmem>>) semaphore(%arg14 : memref<!tpu.dma_semaphore, #tpu.memory_space<semaphore_mem>>)
      %dma_wait3A_552 = arith.constant 1 : i32
      %dma_wait3A_553 = arith.constant 0 : i32
      %dma_wait3A_554 = arith.constant 0 : i32
      %dma_wait3A_555 = arith.constant 0 : i32
      %dma_wait3A_556 = tpu.memref_slice %arg11[%dma_wait3A_553, %dma_wait3A_554, %dma_wait3A_555] : memref<2x80x128xf32, #tpu.memory_space<vmem>> -> memref<1x80x128xf32, #tpu.memory_space<vmem>>
      %dma_wait3A_557 = tpu.memref_squeeze %dma_wait3A_556 : memref<1x80x128xf32, #tpu.memory_space<vmem>> -> memref<80x128xf32, #tpu.memory_space<vmem>>
      %dma_wait3A_558 = arith.constant 0 : i32
      %dma_wait3A_559 = tpu.memref_slice %arg9[%dma_wait3A_552, %mul3A_537, %dma_wait3A_558] : memref<2x25x80xi32, #tpu.memory_space<vmem>> -> memref<1x1x80xi32, #tpu.memory_space<vmem>>
      %dma_wait3A_560 = tpu.memref_squeeze %dma_wait3A_559 : memref<1x1x80xi32, #tpu.memory_space<vmem>> -> memref<80xi32, #tpu.memory_space<vmem>>
      %dma_wait3A_561 = arith.constant 0 : i32
      %dma_wait3A_562 = arith.constant 0 : i32
      %dma_wait3A_563 = tpu.memref_slice %arg2[%dma_wait3A_561, %dma_wait3A_562] : memref<10000x128xf32, #tpu.memory_space<hbm>> -> memref<10000x128xf32, #tpu.memory_space<hbm>>
      tpu.wait_indirect_dma semaphore(%arg13 : memref<!tpu.dma_semaphore, #tpu.memory_space<semaphore_mem>>) src(%dma_wait3A_563 : memref<10000x128xf32, #tpu.memory_space<hbm>>) dst(%dma_wait3A_557 : memref<80x128xf32, #tpu.memory_space<vmem>>)
      %run_scoped3A_564 = arith.constant 0 : i32
      %run_scoped3A_565 = arith.constant 1 : i32
      "tpu.region"() ({
        %run_scoped3A_590 = tpu.sem_alloc : memref<!tpu.dma_semaphore, #tpu.memory_space<semaphore_mem>>
        %dma_start3A_591 = arith.constant 0 : i32
        %dma_start3A_592 = arith.constant 0 : i32
        %dma_start3A_593 = tpu.memref_slice %arg11[%run_scoped3A_564, %dma_start3A_591, %dma_start3A_592] : memref<2x80x128xf32, #tpu.memory_space<vmem>> -> memref<1x80x128xf32, #tpu.memory_space<vmem>>
        %dma_start3A_594 = tpu.memref_squeeze %dma_start3A_593 : memref<1x80x128xf32, #tpu.memory_space<vmem>> -> memref<80x128xf32, #tpu.memory_space<vmem>>
        %dma_start3A_595 = arith.constant 0 : i32
        %dma_start3A_596 = tpu.memref_slice %arg10[%run_scoped3A_565, %mul3A_537, %dma_start3A_595] : memref<2x25x80xi32, #tpu.memory_space<vmem>> -> memref<1x1x80xi32, #tpu.memory_space<vmem>>
        %dma_start3A_597 = tpu.memref_squeeze %dma_start3A_596 : memref<1x1x80xi32, #tpu.memory_space<vmem>> -> memref<80xi32, #tpu.memory_space<vmem>>
        %dma_start3A_598 = arith.constant 0 : i32
        %dma_start3A_599 = arith.constant 0 : i32
        %dma_start3A_600 = tpu.memref_slice %arg12[%dma_start3A_598, %dma_start3A_599] : memref<10240x128xf32, #tpu.memory_space<vmem_shared>> -> memref<10240x128xf32, #tpu.memory_space<vmem_shared>>
        tpu.enqueue_indirect_dma source(%dma_start3A_594 : memref<80x128xf32, #tpu.memory_space<vmem>>) target(%dma_start3A_600 : memref<10240x128xf32, #tpu.memory_space<vmem_shared>>) offsets(%dma_start3A_597 : memref<80xi32, #tpu.memory_space<vmem>>) semaphore(%run_scoped3A_590 : memref<!tpu.dma_semaphore, #tpu.memory_space<semaphore_mem>>) {add = true}
        %dma_wait3A_601 = arith.constant 0 : i32
        %dma_wait3A_602 = arith.constant 0 : i32
        %dma_wait3A_603 = tpu.memref_slice %arg11[%run_scoped3A_564, %dma_wait3A_601, %dma_wait3A_602] : memref<2x80x128xf32, #tpu.memory_space<vmem>> -> memref<1x80x128xf32, #tpu.memory_space<vmem>>
        %dma_wait3A_604 = tpu.memref_squeeze %dma_wait3A_603 : memref<1x80x128xf32, #tpu.memory_space<vmem>> -> memref<80x128xf32, #tpu.memory_space<vmem>>
        %dma_wait3A_605 = arith.constant 0 : i32
        %dma_wait3A_606 = tpu.memref_slice %arg10[%run_scoped3A_565, %mul3A_537, %dma_wait3A_605] : memref<2x25x80xi32, #tpu.memory_space<vmem>> -> memref<1x1x80xi32, #tpu.memory_space<vmem>>
        %dma_wait3A_607 = tpu.memref_squeeze %dma_wait3A_606 : memref<1x1x80xi32, #tpu.memory_space<vmem>> -> memref<80xi32, #tpu.memory_space<vmem>>
        %dma_wait3A_608 = arith.constant 0 : i32
        %dma_wait3A_609 = arith.constant 0 : i32
        %dma_wait3A_610 = tpu.memref_slice %arg12[%dma_wait3A_608, %dma_wait3A_609] : memref<10240x128xf32, #tpu.memory_space<vmem_shared>> -> memref<10240x128xf32, #tpu.memory_space<vmem_shared>>
        tpu.wait_indirect_dma semaphore(%run_scoped3A_590 : memref<!tpu.dma_semaphore, #tpu.memory_space<semaphore_mem>>) src(%dma_wait3A_604 : memref<80x128xf32, #tpu.memory_space<vmem>>) dst(%dma_wait3A_610 : memref<10240x128xf32, #tpu.memory_space<vmem_shared>>)
        tpu.yield
      }) : () -> ()
      %add3A_566 = arith.constant 2 : i32
      %add3A_567 = arith.addi %mul3A_537, %add3A_566 : i32
      %lt3A = arith.constant 25 : i32
      %lt3A_568 = arith.cmpi slt, %add3A_567, %lt3A : i32
      %convert_element_type3A = arith.extui %lt3A_568 : i1 to i32
      %cond3A = arith.constant 0 : i32
      %cond3A_569 = arith.cmpi ne, %convert_element_type3A, %cond3A : i32
      scf.if %cond3A_569 {
        %add3A_590 = arith.constant 2 : i32
        %add3A_591 = arith.addi %mul3A_537, %add3A_590 : i32
        %dma_start3A_592 = arith.constant 1 : i32
        %dma_start3A_593 = arith.constant 0 : i32
        %dma_start3A_594 = arith.constant 0 : i32
        %dma_start3A_595 = arith.constant 0 : i32
        %dma_start3A_596 = tpu.memref_slice %arg11[%dma_start3A_593, %dma_start3A_594, %dma_start3A_595] : memref<2x80x128xf32, #tpu.memory_space<vmem>> -> memref<1x80x128xf32, #tpu.memory_space<vmem>>
        %dma_start3A_597 = tpu.memref_squeeze %dma_start3A_596 : memref<1x80x128xf32, #tpu.memory_space<vmem>> -> memref<80x128xf32, #tpu.memory_space<vmem>>
        %dma_start3A_598 = arith.constant 0 : i32
        %dma_start3A_599 = tpu.memref_slice %arg9[%dma_start3A_592, %add3A_591, %dma_start3A_598] : memref<2x25x80xi32, #tpu.memory_space<vmem>> -> memref<1x1x80xi32, #tpu.memory_space<vmem>>
        %dma_start3A_600 = tpu.memref_squeeze %dma_start3A_599 : memref<1x1x80xi32, #tpu.memory_space<vmem>> -> memref<80xi32, #tpu.memory_space<vmem>>
        %dma_start3A_601 = arith.constant 0 : i32
        %dma_start3A_602 = arith.constant 0 : i32
        %dma_start3A_603 = tpu.memref_slice %arg2[%dma_start3A_601, %dma_start3A_602] : memref<10000x128xf32, #tpu.memory_space<hbm>> -> memref<10000x128xf32, #tpu.memory_space<hbm>>
        tpu.enqueue_indirect_dma source(%dma_start3A_603 : memref<10000x128xf32, #tpu.memory_space<hbm>>) target(%dma_start3A_597 : memref<80x128xf32, #tpu.memory_space<vmem>>) offsets(%dma_start3A_600 : memref<80xi32, #tpu.memory_space<vmem>>) semaphore(%arg13 : memref<!tpu.dma_semaphore, #tpu.memory_space<semaphore_mem>>)
      } else {
      }
      %add3A_570 = arith.constant 1 : i32
      %add3A_571 = arith.addi %mul3A_537, %add3A_570 : i32
      %add3A_572 = arith.constant 1 : i32
      %add3A_573 = arith.addi %mul3A_537, %add3A_572 : i32
      %dma_wait3A_574 = arith.constant 1 : i32
      %dma_wait3A_575 = arith.constant 1 : i32
      %dma_wait3A_576 = arith.constant 0 : i32
      %dma_wait3A_577 = arith.constant 0 : i32
      %dma_wait3A_578 = tpu.memref_slice %arg11[%dma_wait3A_575, %dma_wait3A_576, %dma_wait3A_577] : memref<2x80x128xf32, #tpu.memory_space<vmem>> -> memref<1x80x128xf32, #tpu.memory_space<vmem>>
      %dma_wait3A_579 = tpu.memref_squeeze %dma_wait3A_578 : memref<1x80x128xf32, #tpu.memory_space<vmem>> -> memref<80x128xf32, #tpu.memory_space<vmem>>
      %dma_wait3A_580 = arith.constant 0 : i32
      %dma_wait3A_581 = tpu.memref_slice %arg9[%dma_wait3A_574, %add3A_573, %dma_wait3A_580] : memref<2x25x80xi32, #tpu.memory_space<vmem>> -> memref<1x1x80xi32, #tpu.memory_space<vmem>>
      %dma_wait3A_582 = tpu.memref_squeeze %dma_wait3A_581 : memref<1x1x80xi32, #tpu.memory_space<vmem>> -> memref<80xi32, #tpu.memory_space<vmem>>
      %dma_wait3A_583 = arith.constant 0 : i32
      %dma_wait3A_584 = arith.constant 0 : i32
      %dma_wait3A_585 = tpu.memref_slice %arg2[%dma_wait3A_583, %dma_wait3A_584] : memref<10000x128xf32, #tpu.memory_space<hbm>> -> memref<10000x128xf32, #tpu.memory_space<hbm>>
      tpu.wait_indirect_dma semaphore(%arg14 : memref<!tpu.dma_semaphore, #tpu.memory_space<semaphore_mem>>) src(%dma_wait3A_585 : memref<10000x128xf32, #tpu.memory_space<hbm>>) dst(%dma_wait3A_579 : memref<80x128xf32, #tpu.memory_space<vmem>>)
      %add3A_586 = arith.constant 1 : i32
      %add3A_587 = arith.addi %mul3A_537, %add3A_586 : i32
      %run_scoped3A_588 = arith.constant 1 : i32
      %run_scoped3A_589 = arith.constant 1 : i32
      "tpu.region"() ({
        %run_scoped3A_590 = tpu.sem_alloc : memref<!tpu.dma_semaphore, #tpu.memory_space<semaphore_mem>>
        %dma_start3A_591 = arith.constant 0 : i32
        %dma_start3A_592 = arith.constant 0 : i32
        %dma_start3A_593 = tpu.memref_slice %arg11[%run_scoped3A_588, %dma_start3A_591, %dma_start3A_592] : memref<2x80x128xf32, #tpu.memory_space<vmem>> -> memref<1x80x128xf32, #tpu.memory_space<vmem>>
        %dma_start3A_594 = tpu.memref_squeeze %dma_start3A_593 : memref<1x80x128xf32, #tpu.memory_space<vmem>> -> memref<80x128xf32, #tpu.memory_space<vmem>>
        %dma_start3A_595 = arith.constant 0 : i32
        %dma_start3A_596 = tpu.memref_slice %arg10[%run_scoped3A_589, %add3A_587, %dma_start3A_595] : memref<2x25x80xi32, #tpu.memory_space<vmem>> -> memref<1x1x80xi32, #tpu.memory_space<vmem>>
        %dma_start3A_597 = tpu.memref_squeeze %dma_start3A_596 : memref<1x1x80xi32, #tpu.memory_space<vmem>> -> memref<80xi32, #tpu.memory_space<vmem>>
        %dma_start3A_598 = arith.constant 0 : i32
        %dma_start3A_599 = arith.constant 0 : i32
        %dma_start3A_600 = tpu.memref_slice %arg12[%dma_start3A_598, %dma_start3A_599] : memref<10240x128xf32, #tpu.memory_space<vmem_shared>> -> memref<10240x128xf32, #tpu.memory_space<vmem_shared>>
        tpu.enqueue_indirect_dma source(%dma_start3A_594 : memref<80x128xf32, #tpu.memory_space<vmem>>) target(%dma_start3A_600 : memref<10240x128xf32, #tpu.memory_space<vmem_shared>>) offsets(%dma_start3A_597 : memref<80xi32, #tpu.memory_space<vmem>>) semaphore(%run_scoped3A_590 : memref<!tpu.dma_semaphore, #tpu.memory_space<semaphore_mem>>) {add = true}
        %dma_wait3A_601 = arith.constant 0 : i32
        %dma_wait3A_602 = arith.constant 0 : i32
        %dma_wait3A_603 = tpu.memref_slice %arg11[%run_scoped3A_588, %dma_wait3A_601, %dma_wait3A_602] : memref<2x80x128xf32, #tpu.memory_space<vmem>> -> memref<1x80x128xf32, #tpu.memory_space<vmem>>
        %dma_wait3A_604 = tpu.memref_squeeze %dma_wait3A_603 : memref<1x80x128xf32, #tpu.memory_space<vmem>> -> memref<80x128xf32, #tpu.memory_space<vmem>>
        %dma_wait3A_605 = arith.constant 0 : i32
        %dma_wait3A_606 = tpu.memref_slice %arg10[%run_scoped3A_589, %add3A_587, %dma_wait3A_605] : memref<2x25x80xi32, #tpu.memory_space<vmem>> -> memref<1x1x80xi32, #tpu.memory_space<vmem>>
        %dma_wait3A_607 = tpu.memref_squeeze %dma_wait3A_606 : memref<1x1x80xi32, #tpu.memory_space<vmem>> -> memref<80xi32, #tpu.memory_space<vmem>>
        %dma_wait3A_608 = arith.constant 0 : i32
        %dma_wait3A_609 = arith.constant 0 : i32
        %dma_wait3A_610 = tpu.memref_slice %arg12[%dma_wait3A_608, %dma_wait3A_609] : memref<10240x128xf32, #tpu.memory_space<vmem_shared>> -> memref<10240x128xf32, #tpu.memory_space<vmem_shared>>
        tpu.wait_indirect_dma semaphore(%run_scoped3A_590 : memref<!tpu.dma_semaphore, #tpu.memory_space<semaphore_mem>>) src(%dma_wait3A_604 : memref<80x128xf32, #tpu.memory_space<vmem>>) dst(%dma_wait3A_610 : memref<10240x128xf32, #tpu.memory_space<vmem_shared>>)
        tpu.yield
      }) : () -> ()
    }
    %scan3A_446 = arith.constant 12 : i32
    %dma_wait3A_447 = arith.constant 1 : i32
    %dma_wait3A_448 = arith.constant 24 : i32
    %dma_wait3A_449 = arith.constant 0 : i32
    %dma_wait3A_450 = arith.constant 0 : i32
    %dma_wait3A_451 = arith.constant 0 : i32
    %dma_wait3A_452 = tpu.memref_slice %arg11[%dma_wait3A_449, %dma_wait3A_450, %dma_wait3A_451] : memref<2x80x128xf32, #tpu.memory_space<vmem>> -> memref<1x80x128xf32, #tpu.memory_space<vmem>>
    %dma_wait3A_453 = tpu.memref_squeeze %dma_wait3A_452 : memref<1x80x128xf32, #tpu.memory_space<vmem>> -> memref<80x128xf32, #tpu.memory_space<vmem>>
    %dma_wait3A_454 = arith.constant 0 : i32
    %dma_wait3A_455 = tpu.memref_slice %arg9[%dma_wait3A_447, %dma_wait3A_448, %dma_wait3A_454] : memref<2x25x80xi32, #tpu.memory_space<vmem>> -> memref<1x1x80xi32, #tpu.memory_space<vmem>>
    %dma_wait3A_456 = tpu.memref_squeeze %dma_wait3A_455 : memref<1x1x80xi32, #tpu.memory_space<vmem>> -> memref<80xi32, #tpu.memory_space<vmem>>
    %dma_wait3A_457 = arith.constant 0 : i32
    %dma_wait3A_458 = arith.constant 0 : i32
    %dma_wait3A_459 = tpu.memref_slice %arg2[%dma_wait3A_457, %dma_wait3A_458] : memref<10000x128xf32, #tpu.memory_space<hbm>> -> memref<10000x128xf32, #tpu.memory_space<hbm>>
    tpu.wait_indirect_dma semaphore(%arg13 : memref<!tpu.dma_semaphore, #tpu.memory_space<semaphore_mem>>) src(%dma_wait3A_459 : memref<10000x128xf32, #tpu.memory_space<hbm>>) dst(%dma_wait3A_453 : memref<80x128xf32, #tpu.memory_space<vmem>>)
    %run_scoped3A_460 = arith.constant 0 : i32
    %run_scoped3A_461 = arith.constant 1 : i32
    %run_scoped3A_462 = arith.constant 24 : i32
    "tpu.region"() ({
      %run_scoped3A_535 = tpu.sem_alloc : memref<!tpu.dma_semaphore, #tpu.memory_space<semaphore_mem>>
      %dma_start3A_536 = arith.constant 0 : i32
      %dma_start3A_537 = arith.constant 0 : i32
      %dma_start3A_538 = tpu.memref_slice %arg11[%run_scoped3A_460, %dma_start3A_536, %dma_start3A_537] : memref<2x80x128xf32, #tpu.memory_space<vmem>> -> memref<1x80x128xf32, #tpu.memory_space<vmem>>
      %dma_start3A_539 = tpu.memref_squeeze %dma_start3A_538 : memref<1x80x128xf32, #tpu.memory_space<vmem>> -> memref<80x128xf32, #tpu.memory_space<vmem>>
      %dma_start3A_540 = arith.constant 0 : i32
      %dma_start3A_541 = tpu.memref_slice %arg10[%run_scoped3A_461, %run_scoped3A_462, %dma_start3A_540] : memref<2x25x80xi32, #tpu.memory_space<vmem>> -> memref<1x1x80xi32, #tpu.memory_space<vmem>>
      %dma_start3A_542 = tpu.memref_squeeze %dma_start3A_541 : memref<1x1x80xi32, #tpu.memory_space<vmem>> -> memref<80xi32, #tpu.memory_space<vmem>>
      %dma_start3A_543 = arith.constant 0 : i32
      %dma_start3A_544 = arith.constant 0 : i32
      %dma_start3A_545 = tpu.memref_slice %arg12[%dma_start3A_543, %dma_start3A_544] : memref<10240x128xf32, #tpu.memory_space<vmem_shared>> -> memref<10240x128xf32, #tpu.memory_space<vmem_shared>>
      tpu.enqueue_indirect_dma source(%dma_start3A_539 : memref<80x128xf32, #tpu.memory_space<vmem>>) target(%dma_start3A_545 : memref<10240x128xf32, #tpu.memory_space<vmem_shared>>) offsets(%dma_start3A_542 : memref<80xi32, #tpu.memory_space<vmem>>) semaphore(%run_scoped3A_535 : memref<!tpu.dma_semaphore, #tpu.memory_space<semaphore_mem>>) {add = true}
      %dma_wait3A_546 = arith.constant 0 : i32
      %dma_wait3A_547 = arith.constant 0 : i32
      %dma_wait3A_548 = tpu.memref_slice %arg11[%run_scoped3A_460, %dma_wait3A_546, %dma_wait3A_547] : memref<2x80x128xf32, #tpu.memory_space<vmem>> -> memref<1x80x128xf32, #tpu.memory_space<vmem>>
      %dma_wait3A_549 = tpu.memref_squeeze %dma_wait3A_548 : memref<1x80x128xf32, #tpu.memory_space<vmem>> -> memref<80x128xf32, #tpu.memory_space<vmem>>
      %dma_wait3A_550 = arith.constant 0 : i32
      %dma_wait3A_551 = tpu.memref_slice %arg10[%run_scoped3A_461, %run_scoped3A_462, %dma_wait3A_550] : memref<2x25x80xi32, #tpu.memory_space<vmem>> -> memref<1x1x80xi32, #tpu.memory_space<vmem>>
      %dma_wait3A_552 = tpu.memref_squeeze %dma_wait3A_551 : memref<1x1x80xi32, #tpu.memory_space<vmem>> -> memref<80xi32, #tpu.memory_space<vmem>>
      %dma_wait3A_553 = arith.constant 0 : i32
      %dma_wait3A_554 = arith.constant 0 : i32
      %dma_wait3A_555 = tpu.memref_slice %arg12[%dma_wait3A_553, %dma_wait3A_554] : memref<10240x128xf32, #tpu.memory_space<vmem_shared>> -> memref<10240x128xf32, #tpu.memory_space<vmem_shared>>
      tpu.wait_indirect_dma semaphore(%run_scoped3A_535 : memref<!tpu.dma_semaphore, #tpu.memory_space<semaphore_mem>>) src(%dma_wait3A_549 : memref<80x128xf32, #tpu.memory_space<vmem>>) dst(%dma_wait3A_555 : memref<10240x128xf32, #tpu.memory_space<vmem_shared>>)
      tpu.yield
    }) : () -> ()
    %dma_wait3A_463 = arith.constant 4 : i32
    %dma_wait3A_464 = arith.constant 0 : i32
    %dma_wait3A_465 = arith.constant 0 : i32
    %dma_wait3A_466 = arith.constant 0 : i32
    %dma_wait3A_467 = tpu.memref_slice %arg9[%dma_wait3A_464, %dma_wait3A_465, %dma_wait3A_466] : memref<2x25x80xi32, #tpu.memory_space<vmem>> -> memref<1x25x80xi32, #tpu.memory_space<vmem>>
    %dma_wait3A_468 = tpu.memref_squeeze %dma_wait3A_467 : memref<1x25x80xi32, #tpu.memory_space<vmem>> -> memref<25x80xi32, #tpu.memory_space<vmem>>
    %dma_wait3A_469 = arith.constant 0 : i32
    %dma_wait3A_470 = arith.constant 0 : i32
    %dma_wait3A_471 = tpu.memref_slice %arg3[%add3A, %dma_wait3A_463, %dma_wait3A_469, %dma_wait3A_470] : memref<32x5x25x80xi32, #tpu.memory_space<hbm>> -> memref<1x1x25x80xi32, #tpu.memory_space<hbm>>
    %dma_wait3A_472 = tpu.memref_squeeze %dma_wait3A_471 : memref<1x1x25x80xi32, #tpu.memory_space<hbm>> -> memref<25x80xi32, #tpu.memory_space<hbm>>
    %dma_wait3A_473 = arith.constant 0 : i32
    %dma_wait3A_474 = arith.constant 0 : i32
    %dma_wait3A_475 = tpu.memref_slice %arg9[%dma_wait3A_464, %dma_wait3A_473, %dma_wait3A_474] : memref<2x25x80xi32, #tpu.memory_space<vmem>> -> memref<1x25x80xi32, #tpu.memory_space<vmem>>
    %dma_wait3A_476 = tpu.memref_squeeze %dma_wait3A_475 : memref<1x25x80xi32, #tpu.memory_space<vmem>> -> memref<25x80xi32, #tpu.memory_space<vmem>>
    %dma_wait3A_477 = arith.constant 0 : i32
    %dma_wait3A_478 = arith.constant 0 : i32
    %dma_wait3A_479 = tpu.memref_slice %arg3[%add3A, %dma_wait3A_463, %dma_wait3A_477, %dma_wait3A_478] : memref<32x5x25x80xi32, #tpu.memory_space<hbm>> -> memref<1x1x25x80xi32, #tpu.memory_space<hbm>>
    %dma_wait3A_480 = tpu.memref_squeeze %dma_wait3A_479 : memref<1x1x25x80xi32, #tpu.memory_space<hbm>> -> memref<25x80xi32, #tpu.memory_space<hbm>>
    tpu.wait_dma2 semaphore(%arg15 : memref<!tpu.dma_semaphore, #tpu.memory_space<semaphore_mem>>) src(%dma_wait3A_480 : memref<25x80xi32, #tpu.memory_space<hbm>>) dst(%dma_wait3A_476 : memref<25x80xi32, #tpu.memory_space<vmem>>)
    %dma_wait3A_481 = arith.constant 4 : i32
    %dma_wait3A_482 = arith.constant 0 : i32
    %dma_wait3A_483 = arith.constant 0 : i32
    %dma_wait3A_484 = arith.constant 0 : i32
    %dma_wait3A_485 = tpu.memref_slice %arg10[%dma_wait3A_482, %dma_wait3A_483, %dma_wait3A_484] : memref<2x25x80xi32, #tpu.memory_space<vmem>> -> memref<1x25x80xi32, #tpu.memory_space<vmem>>
    %dma_wait3A_486 = tpu.memref_squeeze %dma_wait3A_485 : memref<1x25x80xi32, #tpu.memory_space<vmem>> -> memref<25x80xi32, #tpu.memory_space<vmem>>
    %dma_wait3A_487 = arith.constant 0 : i32
    %dma_wait3A_488 = arith.constant 0 : i32
    %dma_wait3A_489 = tpu.memref_slice %arg4[%add3A, %dma_wait3A_481, %dma_wait3A_487, %dma_wait3A_488] : memref<32x5x25x80xi32, #tpu.memory_space<hbm>> -> memref<1x1x25x80xi32, #tpu.memory_space<hbm>>
    %dma_wait3A_490 = tpu.memref_squeeze %dma_wait3A_489 : memref<1x1x25x80xi32, #tpu.memory_space<hbm>> -> memref<25x80xi32, #tpu.memory_space<hbm>>
    %dma_wait3A_491 = arith.constant 0 : i32
    %dma_wait3A_492 = arith.constant 0 : i32
    %dma_wait3A_493 = tpu.memref_slice %arg10[%dma_wait3A_482, %dma_wait3A_491, %dma_wait3A_492] : memref<2x25x80xi32, #tpu.memory_space<vmem>> -> memref<1x25x80xi32, #tpu.memory_space<vmem>>
    %dma_wait3A_494 = tpu.memref_squeeze %dma_wait3A_493 : memref<1x25x80xi32, #tpu.memory_space<vmem>> -> memref<25x80xi32, #tpu.memory_space<vmem>>
    %dma_wait3A_495 = arith.constant 0 : i32
    %dma_wait3A_496 = arith.constant 0 : i32
    %dma_wait3A_497 = tpu.memref_slice %arg4[%add3A, %dma_wait3A_481, %dma_wait3A_495, %dma_wait3A_496] : memref<32x5x25x80xi32, #tpu.memory_space<hbm>> -> memref<1x1x25x80xi32, #tpu.memory_space<hbm>>
    %dma_wait3A_498 = tpu.memref_squeeze %dma_wait3A_497 : memref<1x1x25x80xi32, #tpu.memory_space<hbm>> -> memref<25x80xi32, #tpu.memory_space<hbm>>
    tpu.wait_dma2 semaphore(%arg15 : memref<!tpu.dma_semaphore, #tpu.memory_space<semaphore_mem>>) src(%dma_wait3A_498 : memref<25x80xi32, #tpu.memory_space<hbm>>) dst(%dma_wait3A_494 : memref<25x80xi32, #tpu.memory_space<vmem>>)
    %dma_start3A_499 = arith.constant 0 : i32
    %dma_start3A_500 = arith.constant 0 : i32
    %dma_start3A_501 = arith.constant 0 : i32
    %dma_start3A_502 = arith.constant 0 : i32
    %dma_start3A_503 = arith.constant 0 : i32
    %dma_start3A_504 = tpu.memref_slice %arg11[%dma_start3A_501, %dma_start3A_502, %dma_start3A_503] : memref<2x80x128xf32, #tpu.memory_space<vmem>> -> memref<1x80x128xf32, #tpu.memory_space<vmem>>
    %dma_start3A_505 = tpu.memref_squeeze %dma_start3A_504 : memref<1x80x128xf32, #tpu.memory_space<vmem>> -> memref<80x128xf32, #tpu.memory_space<vmem>>
    %dma_start3A_506 = arith.constant 0 : i32
    %dma_start3A_507 = tpu.memref_slice %arg9[%dma_start3A_499, %dma_start3A_500, %dma_start3A_506] : memref<2x25x80xi32, #tpu.memory_space<vmem>> -> memref<1x1x80xi32, #tpu.memory_space<vmem>>
    %dma_start3A_508 = tpu.memref_squeeze %dma_start3A_507 : memref<1x1x80xi32, #tpu.memory_space<vmem>> -> memref<80xi32, #tpu.memory_space<vmem>>
    %dma_start3A_509 = arith.constant 0 : i32
    %dma_start3A_510 = arith.constant 0 : i32
    %dma_start3A_511 = tpu.memref_slice %arg2[%dma_start3A_509, %dma_start3A_510] : memref<10000x128xf32, #tpu.memory_space<hbm>> -> memref<10000x128xf32, #tpu.memory_space<hbm>>
    tpu.enqueue_indirect_dma source(%dma_start3A_511 : memref<10000x128xf32, #tpu.memory_space<hbm>>) target(%dma_start3A_505 : memref<80x128xf32, #tpu.memory_space<vmem>>) offsets(%dma_start3A_508 : memref<80xi32, #tpu.memory_space<vmem>>) semaphore(%arg13 : memref<!tpu.dma_semaphore, #tpu.memory_space<semaphore_mem>>)
    %scan3A_512 = arith.constant 0 : i32
    %scan3A_513 = arith.constant 0 : i32
    %scan3A_514 = arith.constant 12 : i32
    %scan3A_515 = arith.addi %scan3A_513, %scan3A_514 : i32
    %scan3A_516 = arith.constant 1 : i32
    scf.for %scan3A_535 = %scan3A_513 to %scan3A_515 step %scan3A_516  : i32 {
      %mul3A_536 = arith.constant 2 : i32
      %mul3A_537 = arith.muli %mul3A_536, %scan3A_535 : i32
      %add3A_538 = arith.constant 1 : i32
      %add3A_539 = arith.addi %mul3A_537, %add3A_538 : i32
      %dma_start3A_540 = arith.constant 0 : i32
      %dma_start3A_541 = arith.constant 1 : i32
      %dma_start3A_542 = arith.constant 0 : i32
      %dma_start3A_543 = arith.constant 0 : i32
      %dma_start3A_544 = tpu.memref_slice %arg11[%dma_start3A_541, %dma_start3A_542, %dma_start3A_543] : memref<2x80x128xf32, #tpu.memory_space<vmem>> -> memref<1x80x128xf32, #tpu.memory_space<vmem>>
      %dma_start3A_545 = tpu.memref_squeeze %dma_start3A_544 : memref<1x80x128xf32, #tpu.memory_space<vmem>> -> memref<80x128xf32, #tpu.memory_space<vmem>>
      %dma_start3A_546 = arith.constant 0 : i32
      %dma_start3A_547 = tpu.memref_slice %arg9[%dma_start3A_540, %add3A_539, %dma_start3A_546] : memref<2x25x80xi32, #tpu.memory_space<vmem>> -> memref<1x1x80xi32, #tpu.memory_space<vmem>>
      %dma_start3A_548 = tpu.memref_squeeze %dma_start3A_547 : memref<1x1x80xi32, #tpu.memory_space<vmem>> -> memref<80xi32, #tpu.memory_space<vmem>>
      %dma_start3A_549 = arith.constant 0 : i32
      %dma_start3A_550 = arith.constant 0 : i32
      %dma_start3A_551 = tpu.memref_slice %arg2[%dma_start3A_549, %dma_start3A_550] : memref<10000x128xf32, #tpu.memory_space<hbm>> -> memref<10000x128xf32, #tpu.memory_space<hbm>>
      tpu.enqueue_indirect_dma source(%dma_start3A_551 : memref<10000x128xf32, #tpu.memory_space<hbm>>) target(%dma_start3A_545 : memref<80x128xf32, #tpu.memory_space<vmem>>) offsets(%dma_start3A_548 : memref<80xi32, #tpu.memory_space<vmem>>) semaphore(%arg14 : memref<!tpu.dma_semaphore, #tpu.memory_space<semaphore_mem>>)
      %dma_wait3A_552 = arith.constant 0 : i32
      %dma_wait3A_553 = arith.constant 0 : i32
      %dma_wait3A_554 = arith.constant 0 : i32
      %dma_wait3A_555 = arith.constant 0 : i32
      %dma_wait3A_556 = tpu.memref_slice %arg11[%dma_wait3A_553, %dma_wait3A_554, %dma_wait3A_555] : memref<2x80x128xf32, #tpu.memory_space<vmem>> -> memref<1x80x128xf32, #tpu.memory_space<vmem>>
      %dma_wait3A_557 = tpu.memref_squeeze %dma_wait3A_556 : memref<1x80x128xf32, #tpu.memory_space<vmem>> -> memref<80x128xf32, #tpu.memory_space<vmem>>
      %dma_wait3A_558 = arith.constant 0 : i32
      %dma_wait3A_559 = tpu.memref_slice %arg9[%dma_wait3A_552, %mul3A_537, %dma_wait3A_558] : memref<2x25x80xi32, #tpu.memory_space<vmem>> -> memref<1x1x80xi32, #tpu.memory_space<vmem>>
      %dma_wait3A_560 = tpu.memref_squeeze %dma_wait3A_559 : memref<1x1x80xi32, #tpu.memory_space<vmem>> -> memref<80xi32, #tpu.memory_space<vmem>>
      %dma_wait3A_561 = arith.constant 0 : i32
      %dma_wait3A_562 = arith.constant 0 : i32
      %dma_wait3A_563 = tpu.memref_slice %arg2[%dma_wait3A_561, %dma_wait3A_562] : memref<10000x128xf32, #tpu.memory_space<hbm>> -> memref<10000x128xf32, #tpu.memory_space<hbm>>
      tpu.wait_indirect_dma semaphore(%arg13 : memref<!tpu.dma_semaphore, #tpu.memory_space<semaphore_mem>>) src(%dma_wait3A_563 : memref<10000x128xf32, #tpu.memory_space<hbm>>) dst(%dma_wait3A_557 : memref<80x128xf32, #tpu.memory_space<vmem>>)
      %run_scoped3A_564 = arith.constant 0 : i32
      %run_scoped3A_565 = arith.constant 0 : i32
      "tpu.region"() ({
        %run_scoped3A_590 = tpu.sem_alloc : memref<!tpu.dma_semaphore, #tpu.memory_space<semaphore_mem>>
        %dma_start3A_591 = arith.constant 0 : i32
        %dma_start3A_592 = arith.constant 0 : i32
        %dma_start3A_593 = tpu.memref_slice %arg11[%run_scoped3A_564, %dma_start3A_591, %dma_start3A_592] : memref<2x80x128xf32, #tpu.memory_space<vmem>> -> memref<1x80x128xf32, #tpu.memory_space<vmem>>
        %dma_start3A_594 = tpu.memref_squeeze %dma_start3A_593 : memref<1x80x128xf32, #tpu.memory_space<vmem>> -> memref<80x128xf32, #tpu.memory_space<vmem>>
        %dma_start3A_595 = arith.constant 0 : i32
        %dma_start3A_596 = tpu.memref_slice %arg10[%run_scoped3A_565, %mul3A_537, %dma_start3A_595] : memref<2x25x80xi32, #tpu.memory_space<vmem>> -> memref<1x1x80xi32, #tpu.memory_space<vmem>>
        %dma_start3A_597 = tpu.memref_squeeze %dma_start3A_596 : memref<1x1x80xi32, #tpu.memory_space<vmem>> -> memref<80xi32, #tpu.memory_space<vmem>>
        %dma_start3A_598 = arith.constant 0 : i32
        %dma_start3A_599 = arith.constant 0 : i32
        %dma_start3A_600 = tpu.memref_slice %arg12[%dma_start3A_598, %dma_start3A_599] : memref<10240x128xf32, #tpu.memory_space<vmem_shared>> -> memref<10240x128xf32, #tpu.memory_space<vmem_shared>>
        tpu.enqueue_indirect_dma source(%dma_start3A_594 : memref<80x128xf32, #tpu.memory_space<vmem>>) target(%dma_start3A_600 : memref<10240x128xf32, #tpu.memory_space<vmem_shared>>) offsets(%dma_start3A_597 : memref<80xi32, #tpu.memory_space<vmem>>) semaphore(%run_scoped3A_590 : memref<!tpu.dma_semaphore, #tpu.memory_space<semaphore_mem>>) {add = true}
        %dma_wait3A_601 = arith.constant 0 : i32
        %dma_wait3A_602 = arith.constant 0 : i32
        %dma_wait3A_603 = tpu.memref_slice %arg11[%run_scoped3A_564, %dma_wait3A_601, %dma_wait3A_602] : memref<2x80x128xf32, #tpu.memory_space<vmem>> -> memref<1x80x128xf32, #tpu.memory_space<vmem>>
        %dma_wait3A_604 = tpu.memref_squeeze %dma_wait3A_603 : memref<1x80x128xf32, #tpu.memory_space<vmem>> -> memref<80x128xf32, #tpu.memory_space<vmem>>
        %dma_wait3A_605 = arith.constant 0 : i32
        %dma_wait3A_606 = tpu.memref_slice %arg10[%run_scoped3A_565, %mul3A_537, %dma_wait3A_605] : memref<2x25x80xi32, #tpu.memory_space<vmem>> -> memref<1x1x80xi32, #tpu.memory_space<vmem>>
        %dma_wait3A_607 = tpu.memref_squeeze %dma_wait3A_606 : memref<1x1x80xi32, #tpu.memory_space<vmem>> -> memref<80xi32, #tpu.memory_space<vmem>>
        %dma_wait3A_608 = arith.constant 0 : i32
        %dma_wait3A_609 = arith.constant 0 : i32
        %dma_wait3A_610 = tpu.memref_slice %arg12[%dma_wait3A_608, %dma_wait3A_609] : memref<10240x128xf32, #tpu.memory_space<vmem_shared>> -> memref<10240x128xf32, #tpu.memory_space<vmem_shared>>
        tpu.wait_indirect_dma semaphore(%run_scoped3A_590 : memref<!tpu.dma_semaphore, #tpu.memory_space<semaphore_mem>>) src(%dma_wait3A_604 : memref<80x128xf32, #tpu.memory_space<vmem>>) dst(%dma_wait3A_610 : memref<10240x128xf32, #tpu.memory_space<vmem_shared>>)
        tpu.yield
      }) : () -> ()
      %add3A_566 = arith.constant 2 : i32
      %add3A_567 = arith.addi %mul3A_537, %add3A_566 : i32
      %lt3A = arith.constant 25 : i32
      %lt3A_568 = arith.cmpi slt, %add3A_567, %lt3A : i32
      %convert_element_type3A = arith.extui %lt3A_568 : i1 to i32
      %cond3A = arith.constant 0 : i32
      %cond3A_569 = arith.cmpi ne, %convert_element_type3A, %cond3A : i32
      scf.if %cond3A_569 {
        %add3A_590 = arith.constant 2 : i32
        %add3A_591 = arith.addi %mul3A_537, %add3A_590 : i32
        %dma_start3A_592 = arith.constant 0 : i32
        %dma_start3A_593 = arith.constant 0 : i32
        %dma_start3A_594 = arith.constant 0 : i32
        %dma_start3A_595 = arith.constant 0 : i32
        %dma_start3A_596 = tpu.memref_slice %arg11[%dma_start3A_593, %dma_start3A_594, %dma_start3A_595] : memref<2x80x128xf32, #tpu.memory_space<vmem>> -> memref<1x80x128xf32, #tpu.memory_space<vmem>>
        %dma_start3A_597 = tpu.memref_squeeze %dma_start3A_596 : memref<1x80x128xf32, #tpu.memory_space<vmem>> -> memref<80x128xf32, #tpu.memory_space<vmem>>
        %dma_start3A_598 = arith.constant 0 : i32
        %dma_start3A_599 = tpu.memref_slice %arg9[%dma_start3A_592, %add3A_591, %dma_start3A_598] : memref<2x25x80xi32, #tpu.memory_space<vmem>> -> memref<1x1x80xi32, #tpu.memory_space<vmem>>
        %dma_start3A_600 = tpu.memref_squeeze %dma_start3A_599 : memref<1x1x80xi32, #tpu.memory_space<vmem>> -> memref<80xi32, #tpu.memory_space<vmem>>
        %dma_start3A_601 = arith.constant 0 : i32
        %dma_start3A_602 = arith.constant 0 : i32
        %dma_start3A_603 = tpu.memref_slice %arg2[%dma_start3A_601, %dma_start3A_602] : memref<10000x128xf32, #tpu.memory_space<hbm>> -> memref<10000x128xf32, #tpu.memory_space<hbm>>
        tpu.enqueue_indirect_dma source(%dma_start3A_603 : memref<10000x128xf32, #tpu.memory_space<hbm>>) target(%dma_start3A_597 : memref<80x128xf32, #tpu.memory_space<vmem>>) offsets(%dma_start3A_600 : memref<80xi32, #tpu.memory_space<vmem>>) semaphore(%arg13 : memref<!tpu.dma_semaphore, #tpu.memory_space<semaphore_mem>>)
      } else {
      }
      %add3A_570 = arith.constant 1 : i32
      %add3A_571 = arith.addi %mul3A_537, %add3A_570 : i32
      %add3A_572 = arith.constant 1 : i32
      %add3A_573 = arith.addi %mul3A_537, %add3A_572 : i32
      %dma_wait3A_574 = arith.constant 0 : i32
      %dma_wait3A_575 = arith.constant 1 : i32
      %dma_wait3A_576 = arith.constant 0 : i32
      %dma_wait3A_577 = arith.constant 0 : i32
      %dma_wait3A_578 = tpu.memref_slice %arg11[%dma_wait3A_575, %dma_wait3A_576, %dma_wait3A_577] : memref<2x80x128xf32, #tpu.memory_space<vmem>> -> memref<1x80x128xf32, #tpu.memory_space<vmem>>
      %dma_wait3A_579 = tpu.memref_squeeze %dma_wait3A_578 : memref<1x80x128xf32, #tpu.memory_space<vmem>> -> memref<80x128xf32, #tpu.memory_space<vmem>>
      %dma_wait3A_580 = arith.constant 0 : i32
      %dma_wait3A_581 = tpu.memref_slice %arg9[%dma_wait3A_574, %add3A_573, %dma_wait3A_580] : memref<2x25x80xi32, #tpu.memory_space<vmem>> -> memref<1x1x80xi32, #tpu.memory_space<vmem>>
      %dma_wait3A_582 = tpu.memref_squeeze %dma_wait3A_581 : memref<1x1x80xi32, #tpu.memory_space<vmem>> -> memref<80xi32, #tpu.memory_space<vmem>>
      %dma_wait3A_583 = arith.constant 0 : i32
      %dma_wait3A_584 = arith.constant 0 : i32
      %dma_wait3A_585 = tpu.memref_slice %arg2[%dma_wait3A_583, %dma_wait3A_584] : memref<10000x128xf32, #tpu.memory_space<hbm>> -> memref<10000x128xf32, #tpu.memory_space<hbm>>
      tpu.wait_indirect_dma semaphore(%arg14 : memref<!tpu.dma_semaphore, #tpu.memory_space<semaphore_mem>>) src(%dma_wait3A_585 : memref<10000x128xf32, #tpu.memory_space<hbm>>) dst(%dma_wait3A_579 : memref<80x128xf32, #tpu.memory_space<vmem>>)
      %add3A_586 = arith.constant 1 : i32
      %add3A_587 = arith.addi %mul3A_537, %add3A_586 : i32
      %run_scoped3A_588 = arith.constant 1 : i32
      %run_scoped3A_589 = arith.constant 0 : i32
      "tpu.region"() ({
        %run_scoped3A_590 = tpu.sem_alloc : memref<!tpu.dma_semaphore, #tpu.memory_space<semaphore_mem>>
        %dma_start3A_591 = arith.constant 0 : i32
        %dma_start3A_592 = arith.constant 0 : i32
        %dma_start3A_593 = tpu.memref_slice %arg11[%run_scoped3A_588, %dma_start3A_591, %dma_start3A_592] : memref<2x80x128xf32, #tpu.memory_space<vmem>> -> memref<1x80x128xf32, #tpu.memory_space<vmem>>
        %dma_start3A_594 = tpu.memref_squeeze %dma_start3A_593 : memref<1x80x128xf32, #tpu.memory_space<vmem>> -> memref<80x128xf32, #tpu.memory_space<vmem>>
        %dma_start3A_595 = arith.constant 0 : i32
        %dma_start3A_596 = tpu.memref_slice %arg10[%run_scoped3A_589, %add3A_587, %dma_start3A_595] : memref<2x25x80xi32, #tpu.memory_space<vmem>> -> memref<1x1x80xi32, #tpu.memory_space<vmem>>
        %dma_start3A_597 = tpu.memref_squeeze %dma_start3A_596 : memref<1x1x80xi32, #tpu.memory_space<vmem>> -> memref<80xi32, #tpu.memory_space<vmem>>
        %dma_start3A_598 = arith.constant 0 : i32
        %dma_start3A_599 = arith.constant 0 : i32
        %dma_start3A_600 = tpu.memref_slice %arg12[%dma_start3A_598, %dma_start3A_599] : memref<10240x128xf32, #tpu.memory_space<vmem_shared>> -> memref<10240x128xf32, #tpu.memory_space<vmem_shared>>
        tpu.enqueue_indirect_dma source(%dma_start3A_594 : memref<80x128xf32, #tpu.memory_space<vmem>>) target(%dma_start3A_600 : memref<10240x128xf32, #tpu.memory_space<vmem_shared>>) offsets(%dma_start3A_597 : memref<80xi32, #tpu.memory_space<vmem>>) semaphore(%run_scoped3A_590 : memref<!tpu.dma_semaphore, #tpu.memory_space<semaphore_mem>>) {add = true}
        %dma_wait3A_601 = arith.constant 0 : i32
        %dma_wait3A_602 = arith.constant 0 : i32
        %dma_wait3A_603 = tpu.memref_slice %arg11[%run_scoped3A_588, %dma_wait3A_601, %dma_wait3A_602] : memref<2x80x128xf32, #tpu.memory_space<vmem>> -> memref<1x80x128xf32, #tpu.memory_space<vmem>>
        %dma_wait3A_604 = tpu.memref_squeeze %dma_wait3A_603 : memref<1x80x128xf32, #tpu.memory_space<vmem>> -> memref<80x128xf32, #tpu.memory_space<vmem>>
        %dma_wait3A_605 = arith.constant 0 : i32
        %dma_wait3A_606 = tpu.memref_slice %arg10[%run_scoped3A_589, %add3A_587, %dma_wait3A_605] : memref<2x25x80xi32, #tpu.memory_space<vmem>> -> memref<1x1x80xi32, #tpu.memory_space<vmem>>
        %dma_wait3A_607 = tpu.memref_squeeze %dma_wait3A_606 : memref<1x1x80xi32, #tpu.memory_space<vmem>> -> memref<80xi32, #tpu.memory_space<vmem>>
        %dma_wait3A_608 = arith.constant 0 : i32
        %dma_wait3A_609 = arith.constant 0 : i32
        %dma_wait3A_610 = tpu.memref_slice %arg12[%dma_wait3A_608, %dma_wait3A_609] : memref<10240x128xf32, #tpu.memory_space<vmem_shared>> -> memref<10240x128xf32, #tpu.memory_space<vmem_shared>>
        tpu.wait_indirect_dma semaphore(%run_scoped3A_590 : memref<!tpu.dma_semaphore, #tpu.memory_space<semaphore_mem>>) src(%dma_wait3A_604 : memref<80x128xf32, #tpu.memory_space<vmem>>) dst(%dma_wait3A_610 : memref<10240x128xf32, #tpu.memory_space<vmem_shared>>)
        tpu.yield
      }) : () -> ()
    }
    %scan3A_517 = arith.constant 12 : i32
    %dma_wait3A_518 = arith.constant 0 : i32
    %dma_wait3A_519 = arith.constant 24 : i32
    %dma_wait3A_520 = arith.constant 0 : i32
    %dma_wait3A_521 = arith.constant 0 : i32
    %dma_wait3A_522 = arith.constant 0 : i32
    %dma_wait3A_523 = tpu.memref_slice %arg11[%dma_wait3A_520, %dma_wait3A_521, %dma_wait3A_522] : memref<2x80x128xf32, #tpu.memory_space<vmem>> -> memref<1x80x128xf32, #tpu.memory_space<vmem>>
    %dma_wait3A_524 = tpu.memref_squeeze %dma_wait3A_523 : memref<1x80x128xf32, #tpu.memory_space<vmem>> -> memref<80x128xf32, #tpu.memory_space<vmem>>
    %dma_wait3A_525 = arith.constant 0 : i32
    %dma_wait3A_526 = tpu.memref_slice %arg9[%dma_wait3A_518, %dma_wait3A_519, %dma_wait3A_525] : memref<2x25x80xi32, #tpu.memory_space<vmem>> -> memref<1x1x80xi32, #tpu.memory_space<vmem>>
    %dma_wait3A_527 = tpu.memref_squeeze %dma_wait3A_526 : memref<1x1x80xi32, #tpu.memory_space<vmem>> -> memref<80xi32, #tpu.memory_space<vmem>>
    %dma_wait3A_528 = arith.constant 0 : i32
    %dma_wait3A_529 = arith.constant 0 : i32
    %dma_wait3A_530 = tpu.memref_slice %arg2[%dma_wait3A_528, %dma_wait3A_529] : memref<10000x128xf32, #tpu.memory_space<hbm>> -> memref<10000x128xf32, #tpu.memory_space<hbm>>
    tpu.wait_indirect_dma semaphore(%arg13 : memref<!tpu.dma_semaphore, #tpu.memory_space<semaphore_mem>>) src(%dma_wait3A_530 : memref<10000x128xf32, #tpu.memory_space<hbm>>) dst(%dma_wait3A_524 : memref<80x128xf32, #tpu.memory_space<vmem>>)
    %run_scoped3A_531 = arith.constant 0 : i32
    %run_scoped3A_532 = arith.constant 0 : i32
    %run_scoped3A_533 = arith.constant 24 : i32
    "tpu.region"() ({
      %run_scoped3A_535 = tpu.sem_alloc : memref<!tpu.dma_semaphore, #tpu.memory_space<semaphore_mem>>
      %dma_start3A_536 = arith.constant 0 : i32
      %dma_start3A_537 = arith.constant 0 : i32
      %dma_start3A_538 = tpu.memref_slice %arg11[%run_scoped3A_531, %dma_start3A_536, %dma_start3A_537] : memref<2x80x128xf32, #tpu.memory_space<vmem>> -> memref<1x80x128xf32, #tpu.memory_space<vmem>>
      %dma_start3A_539 = tpu.memref_squeeze %dma_start3A_538 : memref<1x80x128xf32, #tpu.memory_space<vmem>> -> memref<80x128xf32, #tpu.memory_space<vmem>>
      %dma_start3A_540 = arith.constant 0 : i32
      %dma_start3A_541 = tpu.memref_slice %arg10[%run_scoped3A_532, %run_scoped3A_533, %dma_start3A_540] : memref<2x25x80xi32, #tpu.memory_space<vmem>> -> memref<1x1x80xi32, #tpu.memory_space<vmem>>
      %dma_start3A_542 = tpu.memref_squeeze %dma_start3A_541 : memref<1x1x80xi32, #tpu.memory_space<vmem>> -> memref<80xi32, #tpu.memory_space<vmem>>
      %dma_start3A_543 = arith.constant 0 : i32
      %dma_start3A_544 = arith.constant 0 : i32
      %dma_start3A_545 = tpu.memref_slice %arg12[%dma_start3A_543, %dma_start3A_544] : memref<10240x128xf32, #tpu.memory_space<vmem_shared>> -> memref<10240x128xf32, #tpu.memory_space<vmem_shared>>
      tpu.enqueue_indirect_dma source(%dma_start3A_539 : memref<80x128xf32, #tpu.memory_space<vmem>>) target(%dma_start3A_545 : memref<10240x128xf32, #tpu.memory_space<vmem_shared>>) offsets(%dma_start3A_542 : memref<80xi32, #tpu.memory_space<vmem>>) semaphore(%run_scoped3A_535 : memref<!tpu.dma_semaphore, #tpu.memory_space<semaphore_mem>>) {add = true}
      %dma_wait3A_546 = arith.constant 0 : i32
      %dma_wait3A_547 = arith.constant 0 : i32
      %dma_wait3A_548 = tpu.memref_slice %arg11[%run_scoped3A_531, %dma_wait3A_546, %dma_wait3A_547] : memref<2x80x128xf32, #tpu.memory_space<vmem>> -> memref<1x80x128xf32, #tpu.memory_space<vmem>>
      %dma_wait3A_549 = tpu.memref_squeeze %dma_wait3A_548 : memref<1x80x128xf32, #tpu.memory_space<vmem>> -> memref<80x128xf32, #tpu.memory_space<vmem>>
      %dma_wait3A_550 = arith.constant 0 : i32
      %dma_wait3A_551 = tpu.memref_slice %arg10[%run_scoped3A_532, %run_scoped3A_533, %dma_wait3A_550] : memref<2x25x80xi32, #tpu.memory_space<vmem>> -> memref<1x1x80xi32, #tpu.memory_space<vmem>>
      %dma_wait3A_552 = tpu.memref_squeeze %dma_wait3A_551 : memref<1x1x80xi32, #tpu.memory_space<vmem>> -> memref<80xi32, #tpu.memory_space<vmem>>
      %dma_wait3A_553 = arith.constant 0 : i32
      %dma_wait3A_554 = arith.constant 0 : i32
      %dma_wait3A_555 = tpu.memref_slice %arg12[%dma_wait3A_553, %dma_wait3A_554] : memref<10240x128xf32, #tpu.memory_space<vmem_shared>> -> memref<10240x128xf32, #tpu.memory_space<vmem_shared>>
      tpu.wait_indirect_dma semaphore(%run_scoped3A_535 : memref<!tpu.dma_semaphore, #tpu.memory_space<semaphore_mem>>) src(%dma_wait3A_549 : memref<80x128xf32, #tpu.memory_space<vmem>>) dst(%dma_wait3A_555 : memref<10240x128xf32, #tpu.memory_space<vmem_shared>>)
      tpu.yield
    }) : () -> ()
    %barrier3A_534 = arith.constant 0 : index
    tpu.barrier barrier_id(%barrier3A_534)
    "tpu.region"() ({
      %run_scoped3A_535 = tpu.sem_alloc : memref<!tpu.dma_semaphore, #tpu.memory_space<semaphore_mem>>
      %dma_start3A_536 = arith.constant 0 : i32
      %dma_start3A_537 = tpu.memref_slice %arg8[%arg0, %mul3A_2, %dma_start3A_536] : memref<2x10240x128xf32, #tpu.memory_space<hbm>> -> memref<1x640x128xf32, #tpu.memory_space<hbm>>
      %dma_start3A_538 = tpu.memref_squeeze %dma_start3A_537 : memref<1x640x128xf32, #tpu.memory_space<hbm>> -> memref<640x128xf32, #tpu.memory_space<hbm>>
      %dma_start3A_539 = arith.constant 0 : i32
      %dma_start3A_540 = tpu.memref_slice %arg12[%mul3A_2, %dma_start3A_539] : memref<10240x128xf32, #tpu.memory_space<vmem_shared>> -> memref<640x128xf32, #tpu.memory_space<vmem_shared>>
      tpu.enqueue_dma source(%dma_start3A_540 : memref<640x128xf32, #tpu.memory_space<vmem_shared>>) target(%dma_start3A_538 : memref<640x128xf32, #tpu.memory_space<hbm>>) target_semaphore(%run_scoped3A_535 : memref<!tpu.dma_semaphore, #tpu.memory_space<semaphore_mem>>)
      %dma_wait3A_541 = arith.constant 0 : i32
      %dma_wait3A_542 = tpu.memref_slice %arg8[%arg0, %mul3A_2, %dma_wait3A_541] : memref<2x10240x128xf32, #tpu.memory_space<hbm>> -> memref<1x640x128xf32, #tpu.memory_space<hbm>>
      %dma_wait3A_543 = tpu.memref_squeeze %dma_wait3A_542 : memref<1x640x128xf32, #tpu.memory_space<hbm>> -> memref<640x128xf32, #tpu.memory_space<hbm>>
      %dma_wait3A_544 = arith.constant 0 : i32
      %dma_wait3A_545 = tpu.memref_slice %arg12[%mul3A_2, %dma_wait3A_544] : memref<10240x128xf32, #tpu.memory_space<vmem_shared>> -> memref<640x128xf32, #tpu.memory_space<vmem_shared>>
      tpu.wait_dma2 semaphore(%run_scoped3A_535 : memref<!tpu.dma_semaphore, #tpu.memory_space<semaphore_mem>>) src(%dma_wait3A_545 : memref<640x128xf32, #tpu.memory_space<vmem_shared>>) dst(%dma_wait3A_543 : memref<640x128xf32, #tpu.memory_space<hbm>>)
      tpu.yield
    }) : () -> ()
    return
  }
}

module attributes {stable_mosaic.version = 14 : i64} {
  func.func @body(%arg0: i32, %arg1: memref<2x1024x128xf32, #tpu.memory_space<vmem>>, %arg2: memref<2x1x1024xf32, #tpu.memory_space<vmem>>, %arg3: memref<1024x128xf32, #tpu.memory_space<vmem>>, %arg4: memref<128x128xf32, #tpu.memory_space<vmem>>, %arg5: memref<1x128xf32, #tpu.memory_space<vmem>>, %arg6: memref<128x128xf32, #tpu.memory_space<vmem>>, %arg7: memref<1024x128xf32, #tpu.memory_space<vmem>>) attributes {dimension_semantics = [#tpu.dimension_semantics<arbitrary>], iteration_bounds = array<i64: 10>, scalar_prefetch = 0 : i64, scratch_operands = 0 : i64, tpu.core_type = #tpu.core_type<tc>, window_params = [{transform_indices = @transform_0, window_bounds = array<i64: 2, 1024, 128>}, {transform_indices = @transform_1, window_bounds = array<i64: 2, 1, 1024>}, {transform_indices = @transform_2, window_bounds = array<i64: 1024, 128>}, {pipeline_mode = #tpu.pipeline_mode<synchronous>, transform_indices = @transform_3, window_bounds = array<i64: 128, 128>}, {pipeline_mode = #tpu.pipeline_mode<synchronous>, transform_indices = @transform_4, window_bounds = array<i64: 1, 128>}, {pipeline_mode = #tpu.pipeline_mode<synchronous>, transform_indices = @transform_5, window_bounds = array<i64: 128, 128>}, {transform_indices = @transform_6, window_bounds = array<i64: 1024, 128>}]} {
    %get3A = arith.constant 0 : index
    %get3A_0 = arith.constant 0 : index
    %get3A_1 = arith.constant 0 : index
    %get3A_2 = vector.load %arg2[%get3A, %get3A_0, %get3A_1] : memref<2x1x1024xf32, #tpu.memory_space<vmem>>, vector<1x1x1024xf32>
    %get3A_3 = vector.shape_cast %get3A_2 : vector<1x1x1024xf32> to vector<1024xf32>
    %get3A_4 = arith.constant 1 : index
    %get3A_5 = arith.constant 0 : index
    %get3A_6 = arith.constant 0 : index
    %get3A_7 = vector.load %arg2[%get3A_4, %get3A_5, %get3A_6] : memref<2x1x1024xf32, #tpu.memory_space<vmem>>, vector<1x1x1024xf32>
    %get3A_8 = vector.shape_cast %get3A_7 : vector<1x1x1024xf32> to vector<1024xf32>
    %add3A = arith.addf %get3A_3, %get3A_8 : vector<1024xf32>
    %max3A = arith.constant 1.000000e+00 : f32
    %max3A_9 = vector.broadcast %max3A : f32 to vector<1024xf32>
    %max3A_10 = arith.maximumf %add3A, %max3A_9 : vector<1024xf32>
    %div3A = arith.constant 1.000000e+00 : f32
    %div3A_11 = vector.broadcast %div3A : f32 to vector<1024xf32>
    %div3A_12 = arith.divf %div3A_11, %max3A_10 : vector<1024xf32>
    %get3A_13 = arith.constant 0 : index
    %get3A_14 = arith.constant 0 : index
    %get3A_15 = arith.constant 0 : index
    %get3A_16 = vector.load %arg1[%get3A_13, %get3A_14, %get3A_15] : memref<2x1024x128xf32, #tpu.memory_space<vmem>>, vector<1x1024x128xf32>
    %get3A_17 = vector.shape_cast %get3A_16 : vector<1x1024x128xf32> to vector<1024x128xf32>
    %get3A_18 = arith.constant 1 : index
    %get3A_19 = arith.constant 0 : index
    %get3A_20 = arith.constant 0 : index
    %get3A_21 = vector.load %arg1[%get3A_18, %get3A_19, %get3A_20] : memref<2x1024x128xf32, #tpu.memory_space<vmem>>, vector<1x1024x128xf32>
    %get3A_22 = vector.shape_cast %get3A_21 : vector<1x1024x128xf32> to vector<1024x128xf32>
    %add3A_23 = arith.addf %get3A_17, %get3A_22 : vector<1024x128xf32>
    %broadcast_in_dim3A = vector.shape_cast %div3A_12 : vector<1024xf32> to vector<1024x1xf32>
    %mul3A = vector.broadcast %broadcast_in_dim3A : vector<1024x1xf32> to vector<1024x128xf32>
    %mul3A_24 = arith.mulf %add3A_23, %mul3A : vector<1024x128xf32>
    %convert_element_type3A = arith.truncf %mul3A_24 : vector<1024x128xf32> to vector<1024x128xbf16>
    %get3A_25 = arith.constant 0 : index
    %get3A_26 = arith.constant 0 : index
    %get3A_27 = vector.load %arg4[%get3A_25, %get3A_26] : memref<128x128xf32, #tpu.memory_space<vmem>>, vector<128x128xf32>
    %convert_element_type3A_28 = arith.truncf %get3A_27 : vector<128x128xf32> to vector<128x128xbf16>
    %dot_general3A = arith.constant dense<0.000000e+00> : vector<1024x128xf32>
    %dot_general3A_29 = tpu.matmul %convert_element_type3A, %convert_element_type3A_28, %dot_general3A {dimension_numbers = #tpu.dot_dimension_numbers<[1], [1], [0], [0], [0, 0, 1, 0], [], []>, transpose_lhs_hint = false} : vector<1024x128xbf16>, vector<128x128xbf16>, vector<1024x128xf32> -> vector<1024x128xf32>
    %get3A_30 = arith.constant 0 : index
    %get3A_31 = arith.constant 0 : index
    %get3A_32 = vector.load %arg5[%get3A_30, %get3A_31] : memref<1x128xf32, #tpu.memory_space<vmem>>, vector<1x128xf32>
    %add3A_33 = vector.broadcast %get3A_32 : vector<1x128xf32> to vector<1024x128xf32>
    %add3A_34 = arith.addf %dot_general3A_29, %add3A_33 : vector<1024x128xf32>
    %get3A_35 = arith.constant 0 : index
    %get3A_36 = arith.constant 0 : index
    %get3A_37 = vector.load %arg3[%get3A_35, %get3A_36] : memref<1024x128xf32, #tpu.memory_space<vmem>>, vector<1024x128xf32>
    %convert_element_type3A_38 = arith.truncf %get3A_37 : vector<1024x128xf32> to vector<1024x128xbf16>
    %get3A_39 = arith.constant 0 : index
    %get3A_40 = arith.constant 0 : index
    %get3A_41 = vector.load %arg6[%get3A_39, %get3A_40] : memref<128x128xf32, #tpu.memory_space<vmem>>, vector<128x128xf32>
    %convert_element_type3A_42 = arith.truncf %get3A_41 : vector<128x128xf32> to vector<128x128xbf16>
    %dot_general3A_43 = arith.constant dense<0.000000e+00> : vector<1024x128xf32>
    %dot_general3A_44 = tpu.matmul %convert_element_type3A_38, %convert_element_type3A_42, %dot_general3A_43 {dimension_numbers = #tpu.dot_dimension_numbers<[1], [1], [0], [0], [0, 0, 1, 0], [], []>, transpose_lhs_hint = false} : vector<1024x128xbf16>, vector<128x128xbf16>, vector<1024x128xf32> -> vector<1024x128xf32>
    %add3A_45 = arith.addf %add3A_34, %dot_general3A_44 : vector<1024x128xf32>
    %max3A_46 = arith.constant 0.000000e+00 : f32
    %max3A_47 = vector.broadcast %max3A_46 : f32 to vector<1024x128xf32>
    %max3A_48 = arith.maximumf %add3A_45, %max3A_47 : vector<1024x128xf32>
    %swap3A = arith.constant 0 : index
    %swap3A_49 = arith.constant 0 : index
    %swap3A_50 = vector.load %arg7[%swap3A, %swap3A_49] : memref<1024x128xf32, #tpu.memory_space<vmem>>, vector<1024x128xf32>
    tpu.vector_store %arg7[%swap3A, %swap3A_49], %max3A_48 {strides = array<i32>} : memref<1024x128xf32, #tpu.memory_space<vmem>>, vector<1024x128xf32>,
    return
  }
  func.func @transform_0(%arg0: i32) -> (i32, i32, i32) {
    %c0_i32 = arith.constant 0 : i32
    %c0_i32_0 = arith.constant 0 : i32
    %c0_i32_1 = arith.constant 0 : i32
    return %c0_i32, %arg0, %c0_i32_0 : i32, i32, i32
  }
  func.func @transform_1(%arg0: i32) -> (i32, i32, i32) {
    %c0_i32 = arith.constant 0 : i32
    %c0_i32_0 = arith.constant 0 : i32
    %c0_i32_1 = arith.constant 0 : i32
    return %c0_i32, %c0_i32_0, %arg0 : i32, i32, i32
  }
  func.func @transform_2(%arg0: i32) -> (i32, i32) {
    %c0_i32 = arith.constant 0 : i32
    %c0_i32_0 = arith.constant 0 : i32
    return %arg0, %c0_i32 : i32, i32
  }
  func.func @transform_3(%arg0: i32) -> (i32, i32) {
    %c0_i32 = arith.constant 0 : i32
    %c0_i32_0 = arith.constant 0 : i32
    %c0_i32_1 = arith.constant 0 : i32
    return %c0_i32, %c0_i32_0 : i32, i32
  }
  func.func @transform_4(%arg0: i32) -> (i32, i32) {
    %c0_i32 = arith.constant 0 : i32
    %c0_i32_0 = arith.constant 0 : i32
    %c0_i32_1 = arith.constant 0 : i32
    return %c0_i32, %c0_i32_0 : i32, i32
  }
  func.func @transform_5(%arg0: i32) -> (i32, i32) {
    %c0_i32 = arith.constant 0 : i32
    %c0_i32_0 = arith.constant 0 : i32
    %c0_i32_1 = arith.constant 0 : i32
    return %c0_i32, %c0_i32_0 : i32, i32
  }
  func.func @transform_6(%arg0: i32) -> (i32, i32) {
    %c0_i32 = arith.constant 0 : i32
    %c0_i32_0 = arith.constant 0 : i32
    return %arg0, %c0_i32 : i32, i32
  }
}

module attributes {stable_mosaic.version = 14 : i64} {
  func.func @body(%arg0: i32, %arg1: memref<2x1024x128xf32, #tpu.memory_space<vmem>>, %arg2: memref<2x1x1024xf32, #tpu.memory_space<vmem>>, %arg3: memref<1024x128xf32, #tpu.memory_space<vmem>>, %arg4: memref<128x128xf32, #tpu.memory_space<vmem>>, %arg5: memref<1x128xf32, #tpu.memory_space<vmem>>, %arg6: memref<128x128xf32, #tpu.memory_space<vmem>>, %arg7: memref<1024x128xf32, #tpu.memory_space<vmem>>) attributes {dimension_semantics = [#tpu.dimension_semantics<arbitrary>], iteration_bounds = array<i64: 10>, scalar_prefetch = 0 : i64, scratch_operands = 0 : i64, tpu.core_type = #tpu.core_type<tc>, window_params = [{transform_indices = @transform_0, window_bounds = array<i64: 2, 1024, 128>}, {transform_indices = @transform_1, window_bounds = array<i64: 2, 1, 1024>}, {transform_indices = @transform_2, window_bounds = array<i64: 1024, 128>}, {pipeline_mode = #tpu.pipeline_mode<synchronous>, transform_indices = @transform_3, window_bounds = array<i64: 128, 128>}, {pipeline_mode = #tpu.pipeline_mode<synchronous>, transform_indices = @transform_4, window_bounds = array<i64: 1, 128>}, {pipeline_mode = #tpu.pipeline_mode<synchronous>, transform_indices = @transform_5, window_bounds = array<i64: 128, 128>}, {transform_indices = @transform_6, window_bounds = array<i64: 1024, 128>}]} {
    %get3A = arith.constant 0 : index
    %get3A_0 = arith.constant 0 : index
    %get3A_1 = arith.constant 0 : index
    %get3A_2 = vector.load %arg2[%get3A, %get3A_0, %get3A_1] : memref<2x1x1024xf32, #tpu.memory_space<vmem>>, vector<1x1x1024xf32>
    %get3A_3 = vector.shape_cast %get3A_2 : vector<1x1x1024xf32> to vector<1024xf32>
    %get3A_4 = arith.constant 1 : index
    %get3A_5 = arith.constant 0 : index
    %get3A_6 = arith.constant 0 : index
    %get3A_7 = vector.load %arg2[%get3A_4, %get3A_5, %get3A_6] : memref<2x1x1024xf32, #tpu.memory_space<vmem>>, vector<1x1x1024xf32>
    %get3A_8 = vector.shape_cast %get3A_7 : vector<1x1x1024xf32> to vector<1024xf32>
    %add3A = arith.addf %get3A_3, %get3A_8 : vector<1024xf32>
    %max3A = arith.constant 1.000000e+00 : f32
    %max3A_9 = vector.broadcast %max3A : f32 to vector<1024xf32>
    %max3A_10 = arith.maximumf %add3A, %max3A_9 : vector<1024xf32>
    %div3A = arith.constant 1.000000e+00 : f32
    %div3A_11 = vector.broadcast %div3A : f32 to vector<1024xf32>
    %div3A_12 = arith.divf %div3A_11, %max3A_10 : vector<1024xf32>
    %get3A_13 = arith.constant 0 : index
    %get3A_14 = arith.constant 0 : index
    %get3A_15 = arith.constant 0 : index
    %get3A_16 = vector.load %arg1[%get3A_13, %get3A_14, %get3A_15] : memref<2x1024x128xf32, #tpu.memory_space<vmem>>, vector<1x1024x128xf32>
    %get3A_17 = vector.shape_cast %get3A_16 : vector<1x1024x128xf32> to vector<1024x128xf32>
    %get3A_18 = arith.constant 1 : index
    %get3A_19 = arith.constant 0 : index
    %get3A_20 = arith.constant 0 : index
    %get3A_21 = vector.load %arg1[%get3A_18, %get3A_19, %get3A_20] : memref<2x1024x128xf32, #tpu.memory_space<vmem>>, vector<1x1024x128xf32>
    %get3A_22 = vector.shape_cast %get3A_21 : vector<1x1024x128xf32> to vector<1024x128xf32>
    %add3A_23 = arith.addf %get3A_17, %get3A_22 : vector<1024x128xf32>
    %broadcast_in_dim3A = vector.shape_cast %div3A_12 : vector<1024xf32> to vector<1024x1xf32>
    %mul3A = vector.broadcast %broadcast_in_dim3A : vector<1024x1xf32> to vector<1024x128xf32>
    %mul3A_24 = arith.mulf %add3A_23, %mul3A : vector<1024x128xf32>
    %convert_element_type3A = arith.truncf %mul3A_24 : vector<1024x128xf32> to vector<1024x128xbf16>
    %get3A_25 = arith.constant 0 : index
    %get3A_26 = arith.constant 0 : index
    %get3A_27 = vector.load %arg4[%get3A_25, %get3A_26] : memref<128x128xf32, #tpu.memory_space<vmem>>, vector<128x128xf32>
    %convert_element_type3A_28 = arith.truncf %get3A_27 : vector<128x128xf32> to vector<128x128xbf16>
    %dot_general3A = arith.constant dense<0.000000e+00> : vector<1024x128xf32>
    %dot_general3A_29 = tpu.matmul %convert_element_type3A, %convert_element_type3A_28, %dot_general3A {dimension_numbers = #tpu.dot_dimension_numbers<[1], [1], [0], [0], [0, 0, 1, 0], [], []>, transpose_lhs_hint = false} : vector<1024x128xbf16>, vector<128x128xbf16>, vector<1024x128xf32> -> vector<1024x128xf32>
    %get3A_30 = arith.constant 0 : index
    %get3A_31 = arith.constant 0 : index
    %get3A_32 = vector.load %arg5[%get3A_30, %get3A_31] : memref<1x128xf32, #tpu.memory_space<vmem>>, vector<1x128xf32>
    %add3A_33 = vector.broadcast %get3A_32 : vector<1x128xf32> to vector<1024x128xf32>
    %add3A_34 = arith.addf %dot_general3A_29, %add3A_33 : vector<1024x128xf32>
    %get3A_35 = arith.constant 0 : index
    %get3A_36 = arith.constant 0 : index
    %get3A_37 = vector.load %arg3[%get3A_35, %get3A_36] : memref<1024x128xf32, #tpu.memory_space<vmem>>, vector<1024x128xf32>
    %convert_element_type3A_38 = arith.truncf %get3A_37 : vector<1024x128xf32> to vector<1024x128xbf16>
    %get3A_39 = arith.constant 0 : index
    %get3A_40 = arith.constant 0 : index
    %get3A_41 = vector.load %arg6[%get3A_39, %get3A_40] : memref<128x128xf32, #tpu.memory_space<vmem>>, vector<128x128xf32>
    %convert_element_type3A_42 = arith.truncf %get3A_41 : vector<128x128xf32> to vector<128x128xbf16>
    %dot_general3A_43 = arith.constant dense<0.000000e+00> : vector<1024x128xf32>
    %dot_general3A_44 = tpu.matmul %convert_element_type3A_38, %convert_element_type3A_42, %dot_general3A_43 {dimension_numbers = #tpu.dot_dimension_numbers<[1], [1], [0], [0], [0, 0, 1, 0], [], []>, transpose_lhs_hint = false} : vector<1024x128xbf16>, vector<128x128xbf16>, vector<1024x128xf32> -> vector<1024x128xf32>
    %add3A_45 = arith.addf %add3A_34, %dot_general3A_44 : vector<1024x128xf32>
    %swap3A = arith.constant 0 : index
    %swap3A_46 = arith.constant 0 : index
    %swap3A_47 = vector.load %arg7[%swap3A, %swap3A_46] : memref<1024x128xf32, #tpu.memory_space<vmem>>, vector<1024x128xf32>
    tpu.vector_store %arg7[%swap3A, %swap3A_46], %add3A_45 {strides = array<i32>} : memref<1024x128xf32, #tpu.memory_space<vmem>>, vector<1024x128xf32>,
    return
  }
  func.func @transform_0(%arg0: i32) -> (i32, i32, i32) {
    %c0_i32 = arith.constant 0 : i32
    %c0_i32_0 = arith.constant 0 : i32
    %c0_i32_1 = arith.constant 0 : i32
    return %c0_i32, %arg0, %c0_i32_0 : i32, i32, i32
  }
  func.func @transform_1(%arg0: i32) -> (i32, i32, i32) {
    %c0_i32 = arith.constant 0 : i32
    %c0_i32_0 = arith.constant 0 : i32
    %c0_i32_1 = arith.constant 0 : i32
    return %c0_i32, %c0_i32_0, %arg0 : i32, i32, i32
  }
  func.func @transform_2(%arg0: i32) -> (i32, i32) {
    %c0_i32 = arith.constant 0 : i32
    %c0_i32_0 = arith.constant 0 : i32
    return %arg0, %c0_i32 : i32, i32
  }
  func.func @transform_3(%arg0: i32) -> (i32, i32) {
    %c0_i32 = arith.constant 0 : i32
    %c0_i32_0 = arith.constant 0 : i32
    %c0_i32_1 = arith.constant 0 : i32
    return %c0_i32, %c0_i32_0 : i32, i32
  }
  func.func @transform_4(%arg0: i32) -> (i32, i32) {
    %c0_i32 = arith.constant 0 : i32
    %c0_i32_0 = arith.constant 0 : i32
    %c0_i32_1 = arith.constant 0 : i32
    return %c0_i32, %c0_i32_0 : i32, i32
  }
  func.func @transform_5(%arg0: i32) -> (i32, i32) {
    %c0_i32 = arith.constant 0 : i32
    %c0_i32_0 = arith.constant 0 : i32
    %c0_i32_1 = arith.constant 0 : i32
    return %c0_i32, %c0_i32_0 : i32, i32
  }
  func.func @transform_6(%arg0: i32) -> (i32, i32) {
    %c0_i32 = arith.constant 0 : i32
    %c0_i32_0 = arith.constant 0 : i32
    return %arg0, %c0_i32 : i32, i32
  }
}

</mosaic_0001>

<sc_bundles>
// kernel: kernel.6.cloned.1.call-start
scs
__scs_entry_jumppad:
0x0: {  	(pc) =	sbr.rel $0x88, $3  }
0x1: {  	(tag) =	ssettag $0x0;
	lr =	simm.s32 $0x1  }
0x2: {  	[smem:$0x3F99] =	sst lr;
	_ =	strace $0xD0000000  }
0x3: {  	_ = 	snop  }
0x4: {  	_ = 	snop  }
0x5: {  	_ = 	snop  }
0x6: {  	_ = 	snop  }
0x7: {  	_ = 	snop  }
__scs_overlays_trampoline_lowered:
0x8: {  	[smem:$0x3FA8] =	sst s0  }
0x9: {  	[smem:$0x3FA9] =	sst s1  }
0xa: {  	[smem:$0x3FAA] =	sst s2  }
0xb: {  	[smem:$0x3FAB] =	sst s3  }
0xc: {  	[smem:$0x3FAC] =	sst s4  }
0xd: {  	[smem:$0x3FAD] =	sst s5  }
0xe: {  	[smem:$0x3FAE] =	sst s6  }
0xf: {  	[smem:$0x3FAF] =	sst s7  }
0x10: {  	[smem:$0x3FB0] =	sst s8  }
0x11: {  	[smem:$0x3FB1] =	sst s9;
	s0 =	simm.s32 @!p0 $0x0  }
0x12: {  	s1 =	sld [smem:$0x3F97];
	s0 =	simm.s32 @p0 $0x1  }
0x13: {  	[smem:$0x3FB2] =	sst s0;
	s0 =	simm.s32 @!p1 $0x0  }
0x14: {  	s2 =	sld [smem:$0x3F96];
	s0 =	simm.s32 @p1 $0x1  }
0x15: {  	[smem:$0x3FB3] =	sst s0;
	s0 =	simm.s32 @!p2 $0x0  }
0x16: {  	s3 =	sld [smem:$0x3FDB];
	s0 =	simm.s32 @p2 $0x1  }
0x17: {  	s4 =	simm.s32 $0x1BF5;
	[smem:$0x3FB5] =	sst s0  }
0x18: {  	s0 =	sld [smem:$0x3F98];
	_ =	swait.ge [sflag:s4], $0x0  }
0x19: {  	s7 =	sld [smem:$0x3F99]  }
0x1a: {  	s8 =	sadd.s32 $0xFFFFE003, lr  }
0x1b: {  	s9 =	sadd.s32 $0xFFFFFEF7, lr;
	s5 =	simm.s32 $0xFFFFFFFF;
	p2 =	slt.u32 s8, $0xFFFFF086  }
0x1c: {  	p1 =	slt.u32 s9, $0xF7A;
	s5 =	simm.s32 @!p2 $0x0  }
0x1d: {  	s5 =	simm.s32 @p1 $0x1;
	p0 =	seq.s32 s7, s2  }
0x1e: {  	s7 =	smul.u32 @!p0 $0xF7A, s2;
	p2 =	seq.s32 @!p0 s5, $0x0  }
0x1f: {  	s9 =	smul.u32 $0xF7A, s1;
	s8 =	simm.s32 @!p0 $0x1BF5;
	p2 =	por !p2, p0  }
0x20: {  	[sflag:s8] =	ssyncset.s32 @!p0 $0xFFFFF086;
	s6 =	sadd.s32 @!p0 s3, s7;
	s7 =	simm.s32 @!p0 $0x108  }
0x21: {  	s3 =	sadd.s32 s3, s9;
	s6 =	sadd.s32 @!p0 $0x88, s6;
	s7 =	simm.s32 @p2 $0x1082  }
0x22: {  	[simem:s7], [sflag:s8] =	dma.local @!p0 [hbm:s6], $0xF7A  }
0x23: {  	s9 =	sor.u32 $0xD0000000, s2;
	s6 =	simm.s32 $0x108;
	_ =	swait.ge @!p0 [sflag:s8], $0x0  }
0x24: {  	s3 =	sadd.s32 $0x88, s3;
	s6 =	simm.s32 @!p1 $0x1082;
	[sflag:s4] =	ssyncset.s32 $0xFFFFF086  }
0x25: {  	[simem:s6], [sflag:s4] =	dma.local [hbm:s3], $0xF7A  }
0x26: {  	[smem:$0x3F99] =	sst s1;
	(tag) =	ssettag s2;
	_ =	strace s9  }
0x27: {  	s1 =	sld [smem:$0x3FA9]  }
0x28: {  	s2 =	sld [smem:$0x3FAA]  }
0x29: {  	s4 =	sld [smem:$0x3FAC]  }
0x2a: {  	p0 =	seq.s32 s5, $0x0;
	s5 =	sld [smem:$0x3FAD]  }
0x2b: {  	s6 =	sld [smem:$0x3FAE]  }
0x2c: {  	s7 =	sld [smem:$0x3FAF]  }
0x2d: {  	s3 =	simm.s32 $0x108;
	s8 =	sld [smem:$0x3FB0]  }
0x2e: {  	s3 =	simm.s32 @!p0 $0x1082;
	s9 =	sld [smem:$0x3FB1]  }
0x2f: {  	lr =	sadd.s32 s0, s3;
	s0 =	sld [smem:$0x3FA8]  }
0x30: {  	s3 =	sld [smem:$0x3FAB]  }
0x31: {  	[smem:$0x3FB4] =	sst s10  }
0x32: {  	s10 =	sld [smem:$0x3FB2];
	_ =	sdelay $0x3  }
0x33: {  	p0 =	seq.s32 s10, $0x1;
	s10 =	sld [smem:$0x3FB4];
	_ =	sdelay $0x3  }
0x34: {  	[smem:$0x3FB4] =	sst s10  }
0x35: {  	s10 =	sld [smem:$0x3FB3];
	_ =	sdelay $0x3  }
0x36: {  	p1 =	seq.s32 s10, $0x1;
	s10 =	sld [smem:$0x3FB4];
	_ =	sdelay $0x3  }
0x37: {  	[smem:$0x3FB4] =	sst s10  }
0x38: {  	s10 =	sld [smem:$0x3FB5]  }
0x39: {  	_ = 	snop;
	(pc) =	sbr.ind lr, $3  }
0x3a: {  	_ = 	snop  }
0x3b: {  	_ = 	snop  }
0x3c: {  	p2 =	seq.s32 s10, $0x1;
	s10 =	sld [smem:$0x3FB4]  }
0x3d: {  	_ =	shalt  }
0x3e: {  	_ =	shalt  }
0x3f: {  	_ =	shalt  }
0x40: {  	_ =	shalt  }
0x41: {  	_ =	shalt  }
0x42: {  	_ =	shalt  }
0x43: {  	_ =	shalt  }
0x44: {  	_ =	shalt  }
0x45: {  	_ =	shalt  }
0x46: {  	_ =	shalt  }
0x47: {  	_ =	shalt  }
0x48: {  	_ =	shalt  }
0x49: {  	_ =	shalt  }
0x4a: {  	_ =	shalt  }
0x4b: {  	_ =	shalt  }
0x4c: {  	_ =	shalt  }
0x4d: {  	_ =	shalt  }
0x4e: {  	_ =	shalt  }
0x4f: {  	_ =	shalt  }
0x50: {  	_ =	shalt  }
0x51: {  	_ =	shalt  }
0x52: {  	_ =	shalt  }
0x53: {  	_ =	shalt  }
0x54: {  	_ =	shalt  }
0x55: {  	_ =	shalt  }
0x56: {  	_ =	shalt  }
0x57: {  	_ =	shalt  }
0x58: {  	_ =	shalt  }
0x59: {  	_ =	shalt  }
0x5a: {  	_ =	shalt  }
0x5b: {  	_ =	shalt  }
0x5c: {  	_ =	shalt  }
0x5d: {  	_ =	shalt  }
0x5e: {  	_ =	shalt  }
0x5f: {  	_ =	shalt  }
0x60: {  	_ =	shalt  }
0x61: {  	_ =	shalt  }
0x62: {  	_ =	shalt  }
0x63: {  	_ =	shalt  }
0x64: {  	_ =	shalt  }
0x65: {  	_ =	shalt  }
0x66: {  	_ =	shalt  }
0x67: {  	_ =	shalt  }
0x68: {  	_ =	shalt  }
0x69: {  	_ =	shalt  }
0x6a: {  	_ =	shalt  }
0x6b: {  	_ =	shalt  }
0x6c: {  	_ =	shalt  }
0x6d: {  	_ =	shalt  }
0x6e: {  	_ =	shalt  }
0x6f: {  	_ =	shalt  }
0x70: {  	_ =	shalt  }
0x71: {  	_ =	shalt  }
0x72: {  	_ =	shalt  }
0x73: {  	_ =	shalt  }
0x74: {  	_ =	shalt  }
0x75: {  	_ =	shalt  }
0x76: {  	_ =	shalt  }
0x77: {  	_ =	shalt  }
0x78: {  	_ =	shalt  }
0x79: {  	_ =	shalt  }
0x7a: {  	_ =	shalt  }
0x7b: {  	_ =	shalt  }
0x7c: {  	_ =	shalt  }
0x7d: {  	_ =	shalt  }
0x7e: {  	_ =	shalt  }
0x7f: {  	_ =	shalt  }
0x80: {  	_ =	shalt  }
0x81: {  	_ =	shalt  }
0x82: {  	_ =	shalt  }
0x83: {  	_ =	shalt  }
0x84: {  	_ =	shalt  }
0x85: {  	_ =	shalt  }
0x86: {  	_ =	shalt  }
0x87: {  	_ =	shalt  }
.Lfunc_end0:
.L_simem_size_0:
called_computation_lowered:
.L_overlay_start_0:
0x88: {  	s2 =	sld [smem:$0x3FD9]  }
0x89: {  	s3 =	sld [smem:$0x3FFE];
	_ =	sdelay $0x1  }
0x8a: {  	s1 =	srdreg.scid  }
0x8b: {  	s0 =	sand.u32 $0x1, s1  }
0x8c: {  	s14 =	sshll.u32 s0, $0xA;
	s2 =	sadd.s32 s3, s2  }
0x8d: {  	s2 =	sadd.s32 s2, s14  }
0x8e: {  	[smem:$0x3FC0] =	sst s2  }
0x8f: {  	_ = 	snop  }
0x90: {  	s2 =	sld [smem:$0x3FD0];
	_ =	sdelay $0x2  }
0x91: {  	s4 =	simm.s32 $0xA;
	s5 =	simm.s32 $0x10;
	s15 =	sld [smem:$0x3FC9]  }
0x92: {  	[smem:s5], [sflag:s4] =	dma.local [hbm:s2], $0x1  }
0x93: {  	_ =	swait.eq [sflag:s4], $0x1  }
0x94: {  	[sflag:s4] =	ssyncset.done $0x0  }
0x95: {  	s16 =	sld [smem:$0x10];
	[sflag:s4] =	ssyncadd.s32 $0xFFFFFFFF  }
0x96: {  	s17 =	sld [smem:$0x11];
	(tm) =	ssettm $0x1  }
0x97: {  	s18 =	sld [smem:$0x3FFB];
	_ =	sdelay $0x3  }
0x98: {  	_ =	strace s18  }
0x99: {  	s5 =	sld [smem:$0x3FFC];
	_ =	sdelay $0x3  }
0x9a: {  	_ =	strace s5  }
0x9b: {  	s5 =	sld [smem:$0x3FFD];
	_ =	sdelay $0x3  }
0x9c: {  	_ =	strace s5  }
0x9d: {  	_ =	strace $0x8FFFFFFF  }
0x9e: {  	s19 =	sld [smem:$0x3FDB];
	_ =	sdelay $0x1  }
0x9f: {  	s6 =	simm.s32 $_scs_section_size  }
0xa0: {  	s7 =	simm.s32 $_size__tile_overlayer_lowered;
	s8 =	simm.s32 $_tile_overlayer_lowered  }
0xa1: {  	s22 =	simm.s32 $0x1BFF;
	s21 =	sshll.u32 s8, $0x1;
	s5 =	sadd.s32 s6, s19  }
0xa2: {  	s9 =	simm.s32 $0x0;
	s20 =	sshll.u32 s7, $0x1;
	s7 =	sadd.s32 s21, s5  }
0xa3: {  	[timem:s9], [sflag:s22] =	dma.local [hbm:s7], s20  }
0xa4: {  	_ =	swait.ge [sflag:s22], s20  }
0xa5: {  	s6 =	ssub.s32 $0x0, s20;
	[sflag:s22] =	ssyncset.done $0x0  }
0xa6: {  	[sflag:s22] =	ssyncadd.s32 s6;
	_ =	sdelay $0x1  }
0xa7: {  	s23 =	simm.s32 $0x1B8B  }
0xa8: {  	_ =	swait.ge [sflag:s23], $0x1  }
0xa9: {  	[sflag:s23] =	ssyncset.done $0x0  }
0xaa: {  	s25 =	simm.s32 $0x1B8E;
	s24 =	sld [smem:$0x3FFE];
	[sflag:s23] =	ssyncadd.s32 $0xFFFFFFFF  }
0xab: {  	s26 =	simm.s32 $execute0_lowered;
	[smem:$0x3FD2] =	sst s25  }
0xac: {  	s7 =	sshll.u32 s26, $0x1;
	_ =	strace $0x80000046;
	[dreg:$0x1] =	wrdreg $0xFFFFFFFF  }
0xad: {  	s28 =	simm.s32 $_size_execute0_lowered;
	s5 =	sadd.s32 s5, s7;
	[dreg:$0x0] =	wrdreg $0x0  }
0xae: {  	s7 =	sshll.u32 s28, $0x1;
	[dreg:$0x2] =	wrdreg s5  }
0xaf: {  	[dreg:$0x3] =	wrdreg s7  }
0xb0: {  	[dreg:$0x4] =	wrdreg $0xC0  }
0xb1: {  	_ =	task [dreg:s9], $0x5FFFF  }
0xb2: {  	[dreg:$0x1] =	wrdreg $0xFFFFFFFF  }
0xb3: {  	[dreg:$0x0] =	wrdreg $0x60  }
0xb4: {  	[dreg:$0x2] =	wrdreg s15  }
0xb5: {  	[dreg:$0x3] =	wrdreg s17  }
0xb6: {  	[dreg:$0x4] =	wrdreg s24  }
0xb7: {  	[dreg:$0x5] =	wrdreg s16  }
0xb8: {  	[dreg:$0x6] =	wrdreg $0x90000  }
0xb9: {  	[dreg:$0x7] =	wrdreg $0x1D0800  }
0xba: {  	[dreg:$0x8] =	wrdreg $0x9  }
0xbb: {  	_ =	task.clear_ibuf [dreg:s9], $0x9FFFF;
	_ =	strace $0x90000046  }
0xbc: {  	s29 =	simm.s32 $0x9;
	_ =	strace $0x80000048  }
0xbd: {  	_ =	swait.ge [sflag:s29], $0x1  }
0xbe: {  	[sflag:s29] =	ssyncadd.s32 $0xFFFFFFFF  }
0xbf: {  	_ =	strace $0x90000048  }
0xc0: {  	_ =	sfence  }
0xc1: {  	s30 =	sld [smem:$0x0];
	_ =	sdelay $0x2  }
0xc2: {  	s31 =	sshll.u32 s1, $0xD;
	s1 =	sshrl.u32 s1, $0x2  }
0xc3: {  	s3 =	sand.u32 $0x4000, s31;
	s1 =	sadd.s32 s1, s30  }
0xc4: {  	s0 =	sor.u32 s3, s0;
	s1 =	sshll.u32 s1, $0x11  }
0xc5: {  	s0 =	sor.u32 s1, s0  }
0xc6: {  	s0 =	sadd.s32 $0x8F2B, s0  }
0xc7: {  	[sflag:s0] =	ssyncadd.remote.s32 $0x1  }
0xc8: {  	_ =	sfence.sel $0xFFFF  }
0xc9: {  	[dreg:$0x0] =	wrdreg $0xFFFFFFFF;
	(pc) =	sbr.abs _section_cstart, $3  }
0xca: {  	[dreg:$0x1] =	wrdreg $0xFFFFFFFF  }
0xcb: {  	_ =	task.clear_ibuf [dreg:s9], $0x2FFFF;
	_ =	strace $0x9FFFFFFF  }
0xcc: {  	(tm) =	ssettm $0x7FFFFFFF  }
0xcd: {  	_ =	shalt  }
tec
execute0_lowered:
.L_overlay_start_1:
0x0: {  	(tag) =	ssettag $0x1  }
0x1: {  	s1 =	rddreg [dreg:$0x0]  }
0x2: {  	s0 =	rddreg [dreg:$0x1]  }
0x3: {  	s5 =	rddreg [dreg:$0x2]  }
0x4: {  	s6 =	rddreg [dreg:$0x3]  }
0x5: {  	s2 =	rddreg [dreg:$0x4]  }
0x6: {  	s3 =	rddreg [dreg:$0x5];
	s4 =	simm.s32 $0x0;
	s7 =	srdreg.scid  }
0x7: {  	s14 =	stileid.u32;
	s28 =	simm.s32 $0x2000;
	s29 =	simm.s32 $0x3  }
0x8: {  	s30 =	simm.s32 $0x1000;
	s31 =	simm.s32 $0x3000;
	[smem:$0x7FF] =	sst s4  }
0x9: {  	s7 =	sand.u32 $0x1, s7;
	s8 =	sadd.s32 $0x2400, s5;
	s10 =	sadd.s32 $0x16800, s5  }
0xa: {  	s21 =	smul.u32 $0x14000, s14;
	s11 =	sshll.u32 s14, $0x1;
	s12 =	sadd.s32 $0x16600, s5  }
0xb: {  	s13 =	smul.u32 $0x50000, s14;
	_ =	strace $0x80000047;
	[dreg:$0x7] =	wrdreg s10  }
0xc: {  	s22 =	sadd.s32 $0x16400, s5;
	s9 =	smul.u32 $0x140000, s7;
	[dreg:$0x8] =	wrdreg s12  }
0xd: {  	[dreg:$0x9] =	wrdreg s22;
	s11 =	sor.u32 s7, s11;
	s22 =	smul.u32 $0x500, s14  }
0xe: {  	s23 =	ssub.s32 $0x2, s7;
	s7 =	sshll.u32 s7, $0x7;
	s11 =	smul.u32 $0x5000, s11  }
0xf: {  	s24 =	sshrl.u32 s23, $0x1;
	s26 =	sshrl.u32 s13, $0x2;
	s9 =	sadd.s32 s21, s9  }
0x10: {  	s9 =	sshrl.u32 s9, $0x3;
	s25 =	sshrl.u32 s11, $0x3;
	s11 =	simm.s32 $0x3C00  }
0x11: {  	s5 =	sadd.s32 s9, s5;
	s9 =	ssub.s32 s23, s24;
	s13 =	sadd.s32 s0, s25  }
0x12: {  	s15 =	sadd.s32 $0x200, s25;
	s16 =	sadd.s32 s8, s25;
	[dreg:$0xa] =	wrdreg s13  }
0x13: {  	s18 =	sadd.s32 $0x400, s25;
	s24 =	sadd.s32 s26, s2;
	[dreg:$0xb] =	wrdreg s16  }
0x14: {  	s20 =	sadd.s32 $0x600, s25;
	s17 =	sadd.s32 s0, s15;
	[dreg:$0x14] =	wrdreg s24  }
0x15: {  	s10 =	sadd.s32 $0x800, s25;
	s12 =	sadd.s32 s8, s15;
	[dreg:$0xc] =	wrdreg s17  }
0x16: {  	s23 =	smul.u32 $0xA00, s14;
	s19 =	sadd.s32 s0, s18;
	[dreg:$0xd] =	wrdreg s12  }
0x17: {  	s25 =	sshll.u32 s14, $0x6;
	s13 =	sadd.s32 s8, s18;
	[dreg:$0xe] =	wrdreg s19  }
0x18: {  	s21 =	sadd.s32 s0, s20;
	s0 =	sadd.s32 s0, s10;
	[dreg:$0xf] =	wrdreg s13  }
0x19: {  	s24 =	smax.u32 s9, $0x1;
	s9 =	simm.s32 $0x4;
	[dreg:$0x10] =	wrdreg s21  }
0x1a: {  	s12 =	sadd.s32 s8, s20;
	[dreg:$0x12] =	wrdreg s0;
	s8 =	sadd.s32 s8, s10  }
0x1b: {  	s0 =	sor.u32 s7, s22;
	s20 =	sor.u32 $0x1C05, s25;
	s26 =	sshrl.u32 s23, $0x2  }
0x1c: {  	s22 =	sadd.s32 $0x19000, s5;
	s25 =	simm.s32 $0x5;
	s5 =	simm.s32 $0x4000  }
0x1d: {  	s7 =	simm.s32 $0x1;
	s10 =	simm.s32 $0x2C00;
	[dreg:$0x11] =	wrdreg s12  }
0x1e: {  	[dreg:$0x13] =	wrdreg s8;
	s0 =	sshrl.u32 s0, $0x3;
	s21 =	sadd.s32 s26, s3  }
0x1f: {  	s26 =	simm.s32 $0x1D000;
	s8 =	simm.s32 $0x2;
	s12 =	simm.s32 $0x0  }
0x20: {  	s23 =	sadd.s32 s6, s0;
	s0 =	simm.s32 $0x50;
	s6 =	simm.s32 $0x6800  }
.LBB2_1:
0x21: {  	s13 =	rddreg [dreg:$0x14]  }
0x22: {  	s14 =	rddreg [dreg:$0x7];
	s13 =	sshrl.u32 s13, $0x3  }
0x23: {  	[spmem:s13], [sflag:s20] =	dma.local [hbm:s14], $0x2800  }
0x24: {  	_ =	swait.ge [sflag:s25], $0x2800  }
0x25: {  	[sflag:s25] =	ssyncset.done $0x0  }
0x26: {  	s14 =	sshrl.u32 s21, $0x3;
	s15 =	rddreg [dreg:$0x8];
	[sflag:s25] =	ssyncadd.s32 $0xFFFFD800  }
0x27: {  	[spmem:s14], [sflag:s20] =	dma.local [hbm:s15], $0x50  }
0x28: {  	_ =	swait.ge [sflag:s25], $0x50  }
0x29: {  	[sflag:s25] =	ssyncset.done $0x0  }
0x2a: {  	s19 =	rddreg [dreg:$0x9];
	[sflag:s25] =	ssyncadd.s32 $0xFFFFFFB0  }
0x2b: {  	[tilespmem:s26], [sflag:$0x5] =	stream.linear.gather [hbm4b:s19+s4], $0x80, $0x38;
	[tilespmem:$0x1D300] =	vst v63  }
0x2c: {  	_ =	swait.ge [sflag:s25], $0x80  }
0x2d: {  	[sflag:s25] =	ssyncset.done $0x0  }
0x2e: {  	[sflag:s25] =	ssyncadd.s32 $0xFFFFFF80  }
0x2f: {  	[bflag:$0x0] =	sbarrier.arrive $0xFFFF  }
0x30: {  	s16 =	rddreg [dreg:$0xa]  }
0x31: {  	[tilespmem:s4], [sflag:$0x3] =	stream.linear.gather [hbm4b:s16+s4], $0xC80, $0x38;
	[tilespmem:$0x1D300] =	vst v63  }
0x32: {  	s17 =	rddreg [dreg:$0xb]  }
0x33: {  	[tilespmem:s28], [sflag:$0x3] =	stream.linear.gather [hbm4b:s17+s4], $0xC80, $0x38;
	[tilespmem:$0x1D300] =	vst v63  }
0x34: {  	_ =	swait.ge [sflag:s29], $0xC80  }
0x35: {  	[sflag:s29] =	ssyncset.done $0x0  }
0x36: {  	[sflag:s29] =	ssyncadd.s32 $0xFFFFF380  }
0x37: {  	_ =	swait.ge [sflag:s29], $0xC80  }
0x38: {  	[sflag:s29] =	ssyncset.done $0x0  }
0x39: {  	s18 =	rddreg [dreg:$0xc];
	[sflag:s29] =	ssyncadd.s32 $0xFFFFF380  }
0x3a: {  	[tilespmem:s30], [sflag:$0x3] =	stream.linear.gather [hbm4b:s18+s4], $0xC80, $0x38;
	[tilespmem:$0x1D300] =	vst v63  }
0x3b: {  	s19 =	rddreg [dreg:$0xd]  }
0x3c: {  	[tilespmem:s31], [sflag:$0x3] =	stream.linear.gather [hbm4b:s19+s4], $0xC80, $0x38;
	[tilespmem:$0x1D300] =	vst v63  }
0x3d: {  	_ = 	snop  }
0x3e: {  	[tilespmem:s5], [sflag:$0x1] =	stream.indirect.gather [hbm4b:s1+s0], $0x80, s4, s0, $0xb8;
	[tilespmem:$0x1D300] =	vst v63  }
0x3f: {  	s16 =	simm.s32 $0x80  }
0x40: {  	[tilespmem:s6], [sflag:$0x2] =	stream.indirect.gather [hbm4b:s1+s0], $0x80, s16, s0, $0xb8;
	[tilespmem:$0x1D300] =	vst v63  }
0x41: {  	s17 =	simm.s32 $0x2000  }
0x42: {  	[spmem:s3] =	stream.indirect.scatter.add.f32 [tilespmem:s26], [sflag:$0x4], $0x1, s17, s0, $0xb8;
	[tilespmem:$0x1D300] =	vst v63  }
0x43: {  	_ =	swait.ge [sflag:s7], $0x2800  }
0x44: {  	[sflag:s7] =	ssyncset.done $0x0  }
0x45: {  	[sflag:s7] =	ssyncadd.s32 $0xFFFFD800  }
0x46: {  	[spmem:s2] =	stream.indirect.scatter.add.f32 [tilespmem:s5], [sflag:$0x5], $0x80, s17, s0, $0xb8;
	[tilespmem:$0x1D300] =	vst v63  }
0x47: {  	_ =	swait.ge [sflag:s25], $0x2800  }
0x48: {  	[sflag:s25] =	ssyncset.done $0x0  }
0x49: {  	s18 =	simm.s32 $0x100;
	[sflag:s25] =	ssyncadd.s32 $0xFFFFD800  }
0x4a: {  	[tilespmem:s5], [sflag:$0x1] =	stream.indirect.gather [hbm4b:s1+s0], $0x80, s18, s0, $0xb8;
	[tilespmem:$0x1D300] =	vst v63  }
0x4b: {  	s19 =	simm.s32 $0x2080  }
0x4c: {  	[spmem:s3] =	stream.indirect.scatter.add.f32 [tilespmem:s26], [sflag:$0x4], $0x1, s19, s0, $0xb8;
	[tilespmem:$0x1D300] =	vst v63  }
0x4d: {  	_ =	swait.ge [sflag:s8], $0x2800  }
0x4e: {  	[sflag:s8] =	ssyncset.done $0x0  }
0x4f: {  	[sflag:s8] =	ssyncadd.s32 $0xFFFFD800  }
0x50: {  	[spmem:s2] =	stream.indirect.scatter.add.f32 [tilespmem:s6], [sflag:$0x5], $0x80, s19, s0, $0xb8;
	[tilespmem:$0x1D300] =	vst v63  }
0x51: {  	_ =	swait.ge [sflag:s25], $0x2800  }
0x52: {  	[sflag:s25] =	ssyncset.done $0x0  }
0x53: {  	[sflag:s25] =	ssyncadd.s32 $0xFFFFD800  }
0x54: {  	_ =	swait.ge [sflag:s9], $0x50  }
0x55: {  	[sflag:s9] =	ssyncset.done $0x0  }
0x56: {  	[sflag:s9] =	ssyncadd.s32 $0xFFFFFFB0  }
0x57: {  	_ =	swait.ge [sflag:s9], $0x50  }
0x58: {  	s15 =	simm.s32 $0x100;
	s16 =	simm.s32 $0x800;
	[sflag:s9] =	ssyncset.done $0x0  }
.LBB2_2:
0x59: {  	s17 =	sadd.s32 $0x80, s15  }
0x5a: {  	[sflag:s9] =	ssyncadd.s32 $0xFFFFFFB0;
	s18 =	smov.u32 s16;
	s19 =	sadd.s32 $0x400, s16  }
0x5b: {  	[tilespmem:s6], [sflag:$0x2] =	stream.indirect.gather [hbm4b:s1+s0], $0x80, s17, s0, $0xb8;
	[tilespmem:$0x1D300] =	vst v63  }
0x5c: {  	p0 =	sne.s32 s16, $0x2C00;
	s16 =	sadd.s32 $0x2000, s15  }
0x5d: {  	[spmem:s3] =	stream.indirect.scatter.add.f32 [tilespmem:s26], [sflag:$0x4], $0x1, s16, s0, $0xb8;
	[tilespmem:$0x1D300] =	vst v63  }
0x5e: {  	_ =	swait.ge [sflag:s7], $0x2800  }
0x5f: {  	[sflag:s7] =	ssyncset.done $0x0  }
0x60: {  	[sflag:s7] =	ssyncadd.s32 $0xFFFFD800  }
0x61: {  	[spmem:s2] =	stream.indirect.scatter.add.f32 [tilespmem:s5], [sflag:$0x5], $0x80, s16, s0, $0xb8;
	[tilespmem:$0x1D300] =	vst v63  }
0x62: {  	_ =	swait.ge [sflag:s25], $0x2800  }
0x63: {  	[sflag:s25] =	ssyncset.done $0x0  }
0x64: {  	s16 =	sadd.s32 $0x100, s15;
	[sflag:s25] =	ssyncadd.s32 $0xFFFFD800  }
0x65: {  	[tilespmem:s5], [sflag:$0x1] =	stream.indirect.gather [hbm4b:s1+s0], $0x80, s16, s0, $0xb8;
	[tilespmem:$0x1D300] =	vst v63  }
0x66: {  	s15 =	sadd.s32 $0x2080, s15  }
0x67: {  	[spmem:s3] =	stream.indirect.scatter.add.f32 [tilespmem:s26], [sflag:$0x4], $0x1, s15, s0, $0xb8;
	[tilespmem:$0x1D300] =	vst v63  }
0x68: {  	_ =	swait.ge [sflag:s8], $0x2800  }
0x69: {  	[sflag:s8] =	ssyncset.done $0x0  }
0x6a: {  	[sflag:s8] =	ssyncadd.s32 $0xFFFFD800  }
0x6b: {  	[spmem:s2] =	stream.indirect.scatter.add.f32 [tilespmem:s6], [sflag:$0x5], $0x80, s15, s0, $0xb8;
	[tilespmem:$0x1D300] =	vst v63  }
0x6c: {  	_ =	swait.ge [sflag:s25], $0x2800  }
0x6d: {  	[sflag:s25] =	ssyncset.done $0x0  }
0x6e: {  	[sflag:s25] =	ssyncadd.s32 $0xFFFFD800  }
.Ltmp0:
0x6f: {  	_ =	swait.ge [sflag:s9], $0x50;
	(pc) =	sbr.rel @p0 .LBB2_2-.Ltmp0, $4  }
0x70: {  	[sflag:s9] =	ssyncset.done $0x0  }
0x71: {  	[sflag:s9] =	ssyncadd.s32 $0xFFFFFFB0  }
0x72: {  	_ =	swait.ge [sflag:s9], $0x50  }
0x73: {  	s16 =	smov.u32 s19;
	s15 =	sshra.s32 s18, $0x2;
	[sflag:s9] =	ssyncset.done $0x0  }
0x74: {  	s16 =	sadd.s32 $0x80, s15;
	[sflag:s9] =	ssyncadd.s32 $0xFFFFFFB0  }
0x75: {  	[tilespmem:s6], [sflag:$0x2] =	stream.indirect.gather [hbm4b:s1+s0], $0x80, s16, s0, $0xb8;
	[tilespmem:$0x1D300] =	vst v63  }
0x76: {  	s18 =	sadd.s32 $0x2000, s15  }
0x77: {  	[spmem:s3] =	stream.indirect.scatter.add.f32 [tilespmem:s26], [sflag:$0x4], $0x1, s18, s0, $0xb8;
	[tilespmem:$0x1D300] =	vst v63  }
0x78: {  	_ =	swait.ge [sflag:s7], $0x2800  }
0x79: {  	[sflag:s7] =	ssyncset.done $0x0  }
0x7a: {  	[sflag:s7] =	ssyncadd.s32 $0xFFFFD800  }
0x7b: {  	[spmem:s2] =	stream.indirect.scatter.add.f32 [tilespmem:s5], [sflag:$0x5], $0x80, s18, s0, $0xb8;
	[tilespmem:$0x1D300] =	vst v63  }
0x7c: {  	_ =	swait.ge [sflag:s25], $0x2800  }
0x7d: {  	[sflag:s25] =	ssyncset.done $0x0  }
0x7e: {  	s19 =	sadd.s32 $0x100, s15;
	[sflag:s25] =	ssyncadd.s32 $0xFFFFD800  }
0x7f: {  	[tilespmem:s5], [sflag:$0x1] =	stream.indirect.gather [hbm4b:s1+s0], $0x80, s19, s0, $0xb8;
	[tilespmem:$0x1D300] =	vst v63  }
0x80: {  	s17 =	sadd.s32 $0x2080, s15  }
0x81: {  	[spmem:s3] =	stream.indirect.scatter.add.f32 [tilespmem:s26], [sflag:$0x4], $0x1, s17, s0, $0xb8;
	[tilespmem:$0x1D300] =	vst v63  }
0x82: {  	_ =	swait.ge [sflag:s8], $0x2800  }
0x83: {  	[sflag:s8] =	ssyncset.done $0x0  }
0x84: {  	[sflag:s8] =	ssyncadd.s32 $0xFFFFD800  }
0x85: {  	[spmem:s2] =	stream.indirect.scatter.add.f32 [tilespmem:s6], [sflag:$0x5], $0x80, s17, s0, $0xb8;
	[tilespmem:$0x1D300] =	vst v63  }
0x86: {  	_ =	swait.ge [sflag:s25], $0x2800  }
0x87: {  	[sflag:s25] =	ssyncset.done $0x0  }
0x88: {  	[sflag:s25] =	ssyncadd.s32 $0xFFFFD800  }
0x89: {  	_ =	swait.ge [sflag:s9], $0x50  }
0x8a: {  	[sflag:s9] =	ssyncset.done $0x0  }
0x8b: {  	[sflag:s9] =	ssyncadd.s32 $0xFFFFFFB0  }
0x8c: {  	_ =	swait.ge [sflag:s9], $0x50  }
0x8d: {  	[sflag:s9] =	ssyncset.done $0x0  }
0x8e: {  	[sflag:s9] =	ssyncadd.s32 $0xFFFFFFB0  }
0x8f: {  	[spmem:s3] =	stream.indirect.scatter.add.f32 [tilespmem:s26], [sflag:$0x4], $0x1, s10, s0, $0xb8;
	[tilespmem:$0x1D300] =	vst v63  }
0x90: {  	_ =	swait.ge [sflag:s7], $0x2800  }
0x91: {  	[sflag:s7] =	ssyncset.done $0x0  }
0x92: {  	[sflag:s7] =	ssyncadd.s32 $0xFFFFD800  }
0x93: {  	[spmem:s2] =	stream.indirect.scatter.add.f32 [tilespmem:s5], [sflag:$0x5], $0x80, s10, s0, $0xb8;
	[tilespmem:$0x1D300] =	vst v63  }
0x94: {  	_ =	swait.ge [sflag:s25], $0x2800  }
0x95: {  	[sflag:s25] =	ssyncset.done $0x0  }
0x96: {  	[sflag:s25] =	ssyncadd.s32 $0xFFFFD800  }
0x97: {  	_ =	swait.ge [sflag:s9], $0x50  }
0x98: {  	[sflag:s9] =	ssyncset.done $0x0  }
0x99: {  	[sflag:s9] =	ssyncadd.s32 $0xFFFFFFB0  }
0x9a: {  	_ =	swait.ge [sflag:s29], $0xC80  }
0x9b: {  	[sflag:s29] =	ssyncset.done $0x0  }
0x9c: {  	[sflag:s29] =	ssyncadd.s32 $0xFFFFF380  }
0x9d: {  	_ =	swait.ge [sflag:s29], $0xC80  }
0x9e: {  	[sflag:s29] =	ssyncset.done $0x0  }
0x9f: {  	s18 =	rddreg [dreg:$0xe];
	[sflag:s29] =	ssyncadd.s32 $0xFFFFF380  }
0xa0: {  	[tilespmem:s4], [sflag:$0x3] =	stream.linear.gather [hbm4b:s18+s4], $0xC80, $0x38;
	[tilespmem:$0x1D300] =	vst v63  }
0xa1: {  	s19 =	rddreg [dreg:$0xf]  }
0xa2: {  	[tilespmem:s28], [sflag:$0x3] =	stream.linear.gather [hbm4b:s19+s4], $0xC80, $0x38;
	[tilespmem:$0x1D300] =	vst v63  }
0xa3: {  	_ = 	snop  }
0xa4: {  	[tilespmem:s5], [sflag:$0x1] =	stream.indirect.gather [hbm4b:s1+s0], $0x80, s30, s0, $0xb8;
	[tilespmem:$0x1D300] =	vst v63  }
0xa5: {  	s16 =	simm.s32 $0x1080  }
0xa6: {  	[tilespmem:s6], [sflag:$0x2] =	stream.indirect.gather [hbm4b:s1+s0], $0x80, s16, s0, $0xb8;
	[tilespmem:$0x1D300] =	vst v63  }
0xa7: {  	s17 =	simm.s32 $0x3000  }
0xa8: {  	[spmem:s3] =	stream.indirect.scatter.add.f32 [tilespmem:s26], [sflag:$0x4], $0x1, s17, s0, $0xb8;
	[tilespmem:$0x1D300] =	vst v63  }
0xa9: {  	_ =	swait.ge [sflag:s7], $0x2800  }
0xaa: {  	[sflag:s7] =	ssyncset.done $0x0  }
0xab: {  	[sflag:s7] =	ssyncadd.s32 $0xFFFFD800  }
0xac: {  	[spmem:s2] =	stream.indirect.scatter.add.f32 [tilespmem:s5], [sflag:$0x5], $0x80, s17, s0, $0xb8;
	[tilespmem:$0x1D300] =	vst v63  }
0xad: {  	_ =	swait.ge [sflag:s25], $0x2800  }
0xae: {  	[sflag:s25] =	ssyncset.done $0x0  }
0xaf: {  	s18 =	simm.s32 $0x1100;
	[sflag:s25] =	ssyncadd.s32 $0xFFFFD800  }
0xb0: {  	[tilespmem:s5], [sflag:$0x1] =	stream.indirect.gather [hbm4b:s1+s0], $0x80, s18, s0, $0xb8;
	[tilespmem:$0x1D300] =	vst v63  }
0xb1: {  	s19 =	simm.s32 $0x3080  }
0xb2: {  	[spmem:s3] =	stream.indirect.scatter.add.f32 [tilespmem:s26], [sflag:$0x4], $0x1, s19, s0, $0xb8;
	[tilespmem:$0x1D300] =	vst v63  }
0xb3: {  	_ =	swait.ge [sflag:s8], $0x2800  }
0xb4: {  	[sflag:s8] =	ssyncset.done $0x0  }
0xb5: {  	[sflag:s8] =	ssyncadd.s32 $0xFFFFD800  }
0xb6: {  	[spmem:s2] =	stream.indirect.scatter.add.f32 [tilespmem:s6], [sflag:$0x5], $0x80, s19, s0, $0xb8;
	[tilespmem:$0x1D300] =	vst v63  }
0xb7: {  	_ =	swait.ge [sflag:s25], $0x2800  }
0xb8: {  	[sflag:s25] =	ssyncset.done $0x0  }
0xb9: {  	[sflag:s25] =	ssyncadd.s32 $0xFFFFD800  }
0xba: {  	_ =	swait.ge [sflag:s9], $0x50  }
0xbb: {  	[sflag:s9] =	ssyncset.done $0x0  }
0xbc: {  	[sflag:s9] =	ssyncadd.s32 $0xFFFFFFB0  }
0xbd: {  	_ =	swait.ge [sflag:s9], $0x50  }
0xbe: {  	s15 =	simm.s32 $0xFFFFF500;
	s16 =	simm.s32 $0xFFFFD800;
	[sflag:s9] =	ssyncset.done $0x0  }
.LBB2_4:
0xbf: {  	s17 =	sadd.s32 $0x1C80, s15  }
0xc0: {  	[sflag:s9] =	ssyncadd.s32 $0xFFFFFFB0;
	s18 =	smov.u32 s16;
	s19 =	sadd.s32 $0x400, s16  }
0xc1: {  	[tilespmem:s6], [sflag:$0x2] =	stream.indirect.gather [hbm4b:s1+s0], $0x80, s17, s0, $0xb8;
	[tilespmem:$0x1D300] =	vst v63  }
0xc2: {  	p0 =	sne.s32 s16, $0xFFFFFC00;
	s16 =	sadd.s32 $0x3C00, s15  }
0xc3: {  	[spmem:s3] =	stream.indirect.scatter.add.f32 [tilespmem:s26], [sflag:$0x4], $0x1, s16, s0, $0xb8;
	[tilespmem:$0x1D300] =	vst v63  }
0xc4: {  	_ =	swait.ge [sflag:s7], $0x2800  }
0xc5: {  	[sflag:s7] =	ssyncset.done $0x0  }
0xc6: {  	[sflag:s7] =	ssyncadd.s32 $0xFFFFD800  }
0xc7: {  	[spmem:s2] =	stream.indirect.scatter.add.f32 [tilespmem:s5], [sflag:$0x5], $0x80, s16, s0, $0xb8;
	[tilespmem:$0x1D300] =	vst v63  }
0xc8: {  	_ =	swait.ge [sflag:s25], $0x2800  }
0xc9: {  	[sflag:s25] =	ssyncset.done $0x0  }
0xca: {  	s16 =	sadd.s32 $0x1D00, s15;
	[sflag:s25] =	ssyncadd.s32 $0xFFFFD800  }
0xcb: {  	[tilespmem:s5], [sflag:$0x1] =	stream.indirect.gather [hbm4b:s1+s0], $0x80, s16, s0, $0xb8;
	[tilespmem:$0x1D300] =	vst v63  }
0xcc: {  	s15 =	sadd.s32 $0x3C80, s15  }
0xcd: {  	[spmem:s3] =	stream.indirect.scatter.add.f32 [tilespmem:s26], [sflag:$0x4], $0x1, s15, s0, $0xb8;
	[tilespmem:$0x1D300] =	vst v63  }
0xce: {  	_ =	swait.ge [sflag:s8], $0x2800  }
0xcf: {  	[sflag:s8] =	ssyncset.done $0x0  }
0xd0: {  	[sflag:s8] =	ssyncadd.s32 $0xFFFFD800  }
0xd1: {  	[spmem:s2] =	stream.indirect.scatter.add.f32 [tilespmem:s6], [sflag:$0x5], $0x80, s15, s0, $0xb8;
	[tilespmem:$0x1D300] =	vst v63  }
0xd2: {  	_ =	swait.ge [sflag:s25], $0x2800  }
0xd3: {  	[sflag:s25] =	ssyncset.done $0x0  }
0xd4: {  	[sflag:s25] =	ssyncadd.s32 $0xFFFFD800  }
.Ltmp1:
0xd5: {  	_ =	swait.ge [sflag:s9], $0x50;
	(pc) =	sbr.rel @p0 .LBB2_4-.Ltmp1, $4  }
0xd6: {  	[sflag:s9] =	ssyncset.done $0x0  }
0xd7: {  	[sflag:s9] =	ssyncadd.s32 $0xFFFFFFB0  }
0xd8: {  	_ =	swait.ge [sflag:s9], $0x50  }
0xd9: {  	s16 =	smov.u32 s19;
	s15 =	sshra.s32 s18, $0x2;
	[sflag:s9] =	ssyncset.done $0x0  }
0xda: {  	s16 =	sadd.s32 $0x1C80, s15;
	[sflag:s9] =	ssyncadd.s32 $0xFFFFFFB0  }
0xdb: {  	[tilespmem:s6], [sflag:$0x2] =	stream.indirect.gather [hbm4b:s1+s0], $0x80, s16, s0, $0xb8;
	[tilespmem:$0x1D300] =	vst v63  }
0xdc: {  	s18 =	sadd.s32 $0x3C00, s15  }
0xdd: {  	[spmem:s3] =	stream.indirect.scatter.add.f32 [tilespmem:s26], [sflag:$0x4], $0x1, s18, s0, $0xb8;
	[tilespmem:$0x1D300] =	vst v63  }
0xde: {  	_ =	swait.ge [sflag:s7], $0x2800  }
0xdf: {  	[sflag:s7] =	ssyncset.done $0x0  }
0xe0: {  	[sflag:s7] =	ssyncadd.s32 $0xFFFFD800  }
0xe1: {  	[spmem:s2] =	stream.indirect.scatter.add.f32 [tilespmem:s5], [sflag:$0x5], $0x80, s18, s0, $0xb8;
	[tilespmem:$0x1D300] =	vst v63  }
0xe2: {  	_ =	swait.ge [sflag:s25], $0x2800  }
0xe3: {  	[sflag:s25] =	ssyncset.done $0x0  }
0xe4: {  	s19 =	sadd.s32 $0x1D00, s15;
	[sflag:s25] =	ssyncadd.s32 $0xFFFFD800  }
0xe5: {  	[tilespmem:s5], [sflag:$0x1] =	stream.indirect.gather [hbm4b:s1+s0], $0x80, s19, s0, $0xb8;
	[tilespmem:$0x1D300] =	vst v63  }
0xe6: {  	s16 =	sadd.s32 $0x3C80, s15  }
0xe7: {  	[spmem:s3] =	stream.indirect.scatter.add.f32 [tilespmem:s26], [sflag:$0x4], $0x1, s16, s0, $0xb8;
	[tilespmem:$0x1D300] =	vst v63  }
0xe8: {  	_ =	swait.ge [sflag:s8], $0x2800  }
0xe9: {  	[sflag:s8] =	ssyncset.done $0x0  }
0xea: {  	[sflag:s8] =	ssyncadd.s32 $0xFFFFD800  }
0xeb: {  	[spmem:s2] =	stream.indirect.scatter.add.f32 [tilespmem:s6], [sflag:$0x5], $0x80, s16, s0, $0xb8;
	[tilespmem:$0x1D300] =	vst v63  }
0xec: {  	_ =	swait.ge [sflag:s25], $0x2800  }
0xed: {  	[sflag:s25] =	ssyncset.done $0x0  }
0xee: {  	[sflag:s25] =	ssyncadd.s32 $0xFFFFD800  }
0xef: {  	_ =	swait.ge [sflag:s9], $0x50  }
0xf0: {  	[sflag:s9] =	ssyncset.done $0x0  }
0xf1: {  	[sflag:s9] =	ssyncadd.s32 $0xFFFFFFB0  }
0xf2: {  	_ =	swait.ge [sflag:s9], $0x50  }
0xf3: {  	[sflag:s9] =	ssyncset.done $0x0  }
0xf4: {  	[sflag:s9] =	ssyncadd.s32 $0xFFFFFFB0  }
0xf5: {  	[spmem:s3] =	stream.indirect.scatter.add.f32 [tilespmem:s26], [sflag:$0x4], $0x1, s11, s0, $0xb8;
	[tilespmem:$0x1D300] =	vst v63  }
0xf6: {  	_ =	swait.ge [sflag:s7], $0x2800  }
0xf7: {  	[sflag:s7] =	ssyncset.done $0x0  }
0xf8: {  	[sflag:s7] =	ssyncadd.s32 $0xFFFFD800  }
0xf9: {  	[spmem:s2] =	stream.indirect.scatter.add.f32 [tilespmem:s5], [sflag:$0x5], $0x80, s11, s0, $0xb8;
	[tilespmem:$0x1D300] =	vst v63  }
0xfa: {  	_ =	swait.ge [sflag:s25], $0x2800  }
0xfb: {  	[sflag:s25] =	ssyncset.done $0x0  }
0xfc: {  	[sflag:s25] =	ssyncadd.s32 $0xFFFFD800  }
0xfd: {  	_ =	swait.ge [sflag:s9], $0x50  }
0xfe: {  	[sflag:s9] =	ssyncset.done $0x0  }
0xff: {  	[sflag:s9] =	ssyncadd.s32 $0xFFFFFFB0  }
0x100: {  	_ =	swait.ge [sflag:s29], $0xC80  }
0x101: {  	[sflag:s29] =	ssyncset.done $0x0  }
0x102: {  	[sflag:s29] =	ssyncadd.s32 $0xFFFFF380  }
0x103: {  	_ =	swait.ge [sflag:s29], $0xC80  }
0x104: {  	[sflag:s29] =	ssyncset.done $0x0  }
0x105: {  	s17 =	simm.s32 $0x0;
	s18 =	rddreg [dreg:$0x10];
	[sflag:s29] =	ssyncadd.s32 $0xFFFFF380  }
0x106: {  	[tilespmem:s30], [sflag:$0x3] =	stream.linear.gather [hbm4b:s18+s17], $0xC80, $0x38;
	[tilespmem:$0x1D300] =	vst v63  }
0x107: {  	s19 =	rddreg [dreg:$0x11]  }
0x108: {  	[tilespmem:s31], [sflag:$0x3] =	stream.linear.gather [hbm4b:s19+s17], $0xC80, $0x38;
	[tilespmem:$0x1D300] =	vst v63  }
0x109: {  	_ = 	snop  }
0x10a: {  	[tilespmem:s5], [sflag:$0x1] =	stream.indirect.gather [hbm4b:s1+s0], $0x80, s17, s0, $0xb8;
	[tilespmem:$0x1D300] =	vst v63  }
0x10b: {  	s16 =	simm.s32 $0x80  }
0x10c: {  	[tilespmem:s6], [sflag:$0x2] =	stream.indirect.gather [hbm4b:s1+s0], $0x80, s16, s0, $0xb8;
	[tilespmem:$0x1D300] =	vst v63  }
0x10d: {  	s17 =	simm.s32 $0x2000  }
0x10e: {  	[spmem:s3] =	stream.indirect.scatter.add.f32 [tilespmem:s26], [sflag:$0x4], $0x1, s17, s0, $0xb8;
	[tilespmem:$0x1D300] =	vst v63  }
0x10f: {  	_ =	swait.ge [sflag:s7], $0x2800  }
0x110: {  	[sflag:s7] =	ssyncset.done $0x0  }
0x111: {  	[sflag:s7] =	ssyncadd.s32 $0xFFFFD800  }
0x112: {  	[spmem:s2] =	stream.indirect.scatter.add.f32 [tilespmem:s5], [sflag:$0x5], $0x80, s17, s0, $0xb8;
	[tilespmem:$0x1D300] =	vst v63  }
0x113: {  	_ =	swait.ge [sflag:s25], $0x2800  }
0x114: {  	[sflag:s25] =	ssyncset.done $0x0  }
0x115: {  	s18 =	simm.s32 $0x100;
	[sflag:s25] =	ssyncadd.s32 $0xFFFFD800  }
0x116: {  	[tilespmem:s5], [sflag:$0x1] =	stream.indirect.gather [hbm4b:s1+s0], $0x80, s18, s0, $0xb8;
	[tilespmem:$0x1D300] =	vst v63  }
0x117: {  	s19 =	simm.s32 $0x2080  }
0x118: {  	[spmem:s3] =	stream.indirect.scatter.add.f32 [tilespmem:s26], [sflag:$0x4], $0x1, s19, s0, $0xb8;
	[tilespmem:$0x1D300] =	vst v63  }
0x119: {  	_ =	swait.ge [sflag:s8], $0x2800  }
0x11a: {  	[sflag:s8] =	ssyncset.done $0x0  }
0x11b: {  	[sflag:s8] =	ssyncadd.s32 $0xFFFFD800  }
0x11c: {  	[spmem:s2] =	stream.indirect.scatter.add.f32 [tilespmem:s6], [sflag:$0x5], $0x80, s19, s0, $0xb8;
	[tilespmem:$0x1D300] =	vst v63  }
0x11d: {  	_ =	swait.ge [sflag:s25], $0x2800  }
0x11e: {  	[sflag:s25] =	ssyncset.done $0x0  }
0x11f: {  	[sflag:s25] =	ssyncadd.s32 $0xFFFFD800  }
0x120: {  	_ =	swait.ge [sflag:s9], $0x50  }
0x121: {  	[sflag:s9] =	ssyncset.done $0x0  }
0x122: {  	[sflag:s9] =	ssyncadd.s32 $0xFFFFFFB0  }
0x123: {  	_ =	swait.ge [sflag:s9], $0x50  }
0x124: {  	s15 =	simm.s32 $0x100;
	s16 =	simm.s32 $0x800;
	[sflag:s9] =	ssyncset.done $0x0  }
.LBB2_6:
0x125: {  	s17 =	sadd.s32 $0x80, s15  }
0x126: {  	[sflag:s9] =	ssyncadd.s32 $0xFFFFFFB0;
	s18 =	smov.u32 s16;
	s19 =	sadd.s32 $0x400, s16  }
0x127: {  	[tilespmem:s6], [sflag:$0x2] =	stream.indirect.gather [hbm4b:s1+s0], $0x80, s17, s0, $0xb8;
	[tilespmem:$0x1D300] =	vst v63  }
0x128: {  	p0 =	sne.s32 s16, $0x2C00;
	s16 =	sadd.s32 $0x2000, s15  }
0x129: {  	[spmem:s3] =	stream.indirect.scatter.add.f32 [tilespmem:s26], [sflag:$0x4], $0x1, s16, s0, $0xb8;
	[tilespmem:$0x1D300] =	vst v63  }
0x12a: {  	_ =	swait.ge [sflag:s7], $0x2800  }
0x12b: {  	[sflag:s7] =	ssyncset.done $0x0  }
0x12c: {  	[sflag:s7] =	ssyncadd.s32 $0xFFFFD800  }
0x12d: {  	[spmem:s2] =	stream.indirect.scatter.add.f32 [tilespmem:s5], [sflag:$0x5], $0x80, s16, s0, $0xb8;
	[tilespmem:$0x1D300] =	vst v63  }
0x12e: {  	_ =	swait.ge [sflag:s25], $0x2800  }
0x12f: {  	[sflag:s25] =	ssyncset.done $0x0  }
0x130: {  	s16 =	sadd.s32 $0x100, s15;
	[sflag:s25] =	ssyncadd.s32 $0xFFFFD800  }
0x131: {  	[tilespmem:s5], [sflag:$0x1] =	stream.indirect.gather [hbm4b:s1+s0], $0x80, s16, s0, $0xb8;
	[tilespmem:$0x1D300] =	vst v63  }
0x132: {  	s15 =	sadd.s32 $0x2080, s15  }
0x133: {  	[spmem:s3] =	stream.indirect.scatter.add.f32 [tilespmem:s26], [sflag:$0x4], $0x1, s15, s0, $0xb8;
	[tilespmem:$0x1D300] =	vst v63  }
0x134: {  	_ =	swait.ge [sflag:s8], $0x2800  }
0x135: {  	[sflag:s8] =	ssyncset.done $0x0  }
0x136: {  	[sflag:s8] =	ssyncadd.s32 $0xFFFFD800  }
0x137: {  	[spmem:s2] =	stream.indirect.scatter.add.f32 [tilespmem:s6], [sflag:$0x5], $0x80, s15, s0, $0xb8;
	[tilespmem:$0x1D300] =	vst v63  }
0x138: {  	_ =	swait.ge [sflag:s25], $0x2800  }
0x139: {  	[sflag:s25] =	ssyncset.done $0x0  }
0x13a: {  	[sflag:s25] =	ssyncadd.s32 $0xFFFFD800  }
.Ltmp2:
0x13b: {  	_ =	swait.ge [sflag:s9], $0x50;
	(pc) =	sbr.rel @p0 .LBB2_6-.Ltmp2, $4  }
0x13c: {  	[sflag:s9] =	ssyncset.done $0x0  }
0x13d: {  	[sflag:s9] =	ssyncadd.s32 $0xFFFFFFB0  }
0x13e: {  	_ =	swait.ge [sflag:s9], $0x50  }
0x13f: {  	s16 =	smov.u32 s19;
	s15 =	sshra.s32 s18, $0x2;
	[sflag:s9] =	ssyncset.done $0x0  }
0x140: {  	s16 =	sadd.s32 $0x80, s15;
	[sflag:s9] =	ssyncadd.s32 $0xFFFFFFB0  }
0x141: {  	[tilespmem:s6], [sflag:$0x2] =	stream.indirect.gather [hbm4b:s1+s0], $0x80, s16, s0, $0xb8;
	[tilespmem:$0x1D300] =	vst v63  }
0x142: {  	s18 =	sadd.s32 $0x2000, s15  }
0x143: {  	[spmem:s3] =	stream.indirect.scatter.add.f32 [tilespmem:s26], [sflag:$0x4], $0x1, s18, s0, $0xb8;
	[tilespmem:$0x1D300] =	vst v63  }
0x144: {  	_ =	swait.ge [sflag:s7], $0x2800  }
0x145: {  	[sflag:s7] =	ssyncset.done $0x0  }
0x146: {  	[sflag:s7] =	ssyncadd.s32 $0xFFFFD800  }
0x147: {  	[spmem:s2] =	stream.indirect.scatter.add.f32 [tilespmem:s5], [sflag:$0x5], $0x80, s18, s0, $0xb8;
	[tilespmem:$0x1D300] =	vst v63  }
0x148: {  	_ =	swait.ge [sflag:s25], $0x2800  }
0x149: {  	[sflag:s25] =	ssyncset.done $0x0  }
0x14a: {  	s19 =	sadd.s32 $0x100, s15;
	[sflag:s25] =	ssyncadd.s32 $0xFFFFD800  }
0x14b: {  	[tilespmem:s5], [sflag:$0x1] =	stream.indirect.gather [hbm4b:s1+s0], $0x80, s19, s0, $0xb8;
	[tilespmem:$0x1D300] =	vst v63  }
0x14c: {  	s17 =	sadd.s32 $0x2080, s15  }
0x14d: {  	[spmem:s3] =	stream.indirect.scatter.add.f32 [tilespmem:s26], [sflag:$0x4], $0x1, s17, s0, $0xb8;
	[tilespmem:$0x1D300] =	vst v63  }
0x14e: {  	_ =	swait.ge [sflag:s8], $0x2800  }
0x14f: {  	[sflag:s8] =	ssyncset.done $0x0  }
0x150: {  	[sflag:s8] =	ssyncadd.s32 $0xFFFFD800  }
0x151: {  	[spmem:s2] =	stream.indirect.scatter.add.f32 [tilespmem:s6], [sflag:$0x5], $0x80, s17, s0, $0xb8;
	[tilespmem:$0x1D300] =	vst v63  }
0x152: {  	_ =	swait.ge [sflag:s25], $0x2800  }
0x153: {  	[sflag:s25] =	ssyncset.done $0x0  }
0x154: {  	[sflag:s25] =	ssyncadd.s32 $0xFFFFD800  }
0x155: {  	_ =	swait.ge [sflag:s9], $0x50  }
0x156: {  	[sflag:s9] =	ssyncset.done $0x0  }
0x157: {  	[sflag:s9] =	ssyncadd.s32 $0xFFFFFFB0  }
0x158: {  	_ =	swait.ge [sflag:s9], $0x50  }
0x159: {  	[sflag:s9] =	ssyncset.done $0x0  }
0x15a: {  	[sflag:s9] =	ssyncadd.s32 $0xFFFFFFB0  }
0x15b: {  	[spmem:s3] =	stream.indirect.scatter.add.f32 [tilespmem:s26], [sflag:$0x4], $0x1, s10, s0, $0xb8;
	[tilespmem:$0x1D300] =	vst v63  }
0x15c: {  	_ =	swait.ge [sflag:s7], $0x2800  }
0x15d: {  	[sflag:s7] =	ssyncset.done $0x0  }
0x15e: {  	[sflag:s7] =	ssyncadd.s32 $0xFFFFD800  }
0x15f: {  	[spmem:s2] =	stream.indirect.scatter.add.f32 [tilespmem:s5], [sflag:$0x5], $0x80, s10, s0, $0xb8;
	[tilespmem:$0x1D300] =	vst v63  }
0x160: {  	_ =	swait.ge [sflag:s25], $0x2800  }
0x161: {  	[sflag:s25] =	ssyncset.done $0x0  }
0x162: {  	[sflag:s25] =	ssyncadd.s32 $0xFFFFD800  }
0x163: {  	_ =	swait.ge [sflag:s9], $0x50  }
0x164: {  	[sflag:s9] =	ssyncset.done $0x0  }
0x165: {  	[sflag:s9] =	ssyncadd.s32 $0xFFFFFFB0  }
0x166: {  	_ =	swait.ge [sflag:s29], $0xC80  }
0x167: {  	[sflag:s29] =	ssyncset.done $0x0  }
0x168: {  	[sflag:s29] =	ssyncadd.s32 $0xFFFFF380  }
0x169: {  	_ =	swait.ge [sflag:s29], $0xC80  }
0x16a: {  	[sflag:s29] =	ssyncset.done $0x0  }
0x16b: {  	s18 =	rddreg [dreg:$0x12];
	[sflag:s29] =	ssyncadd.s32 $0xFFFFF380  }
0x16c: {  	[tilespmem:s4], [sflag:$0x3] =	stream.linear.gather [hbm4b:s18+s4], $0xC80, $0x38;
	[tilespmem:$0x1D300] =	vst v63  }
0x16d: {  	s19 =	rddreg [dreg:$0x13]  }
0x16e: {  	[tilespmem:s28], [sflag:$0x3] =	stream.linear.gather [hbm4b:s19+s4], $0xC80, $0x38;
	[tilespmem:$0x1D300] =	vst v63  }
0x16f: {  	_ = 	snop  }
0x170: {  	[tilespmem:s5], [sflag:$0x1] =	stream.indirect.gather [hbm4b:s1+s0], $0x80, s30, s0, $0xb8;
	[tilespmem:$0x1D300] =	vst v63  }
0x171: {  	s16 =	simm.s32 $0x1080  }
0x172: {  	[tilespmem:s6], [sflag:$0x2] =	stream.indirect.gather [hbm4b:s1+s0], $0x80, s16, s0, $0xb8;
	[tilespmem:$0x1D300] =	vst v63  }
0x173: {  	s17 =	simm.s32 $0x3000  }
0x174: {  	[spmem:s3] =	stream.indirect.scatter.add.f32 [tilespmem:s26], [sflag:$0x4], $0x1, s17, s0, $0xb8;
	[tilespmem:$0x1D300] =	vst v63  }
0x175: {  	_ =	swait.ge [sflag:s7], $0x2800  }
0x176: {  	[sflag:s7] =	ssyncset.done $0x0  }
0x177: {  	[sflag:s7] =	ssyncadd.s32 $0xFFFFD800  }
0x178: {  	[spmem:s2] =	stream.indirect.scatter.add.f32 [tilespmem:s5], [sflag:$0x5], $0x80, s17, s0, $0xb8;
	[tilespmem:$0x1D300] =	vst v63  }
0x179: {  	_ =	swait.ge [sflag:s25], $0x2800  }
0x17a: {  	[sflag:s25] =	ssyncset.done $0x0  }
0x17b: {  	s18 =	simm.s32 $0x1100;
	[sflag:s25] =	ssyncadd.s32 $0xFFFFD800  }
0x17c: {  	[tilespmem:s5], [sflag:$0x1] =	stream.indirect.gather [hbm4b:s1+s0], $0x80, s18, s0, $0xb8;
	[tilespmem:$0x1D300] =	vst v63  }
0x17d: {  	s19 =	simm.s32 $0x3080  }
0x17e: {  	[spmem:s3] =	stream.indirect.scatter.add.f32 [tilespmem:s26], [sflag:$0x4], $0x1, s19, s0, $0xb8;
	[tilespmem:$0x1D300] =	vst v63  }
0x17f: {  	_ =	swait.ge [sflag:s8], $0x2800  }
0x180: {  	[sflag:s8] =	ssyncset.done $0x0  }
0x181: {  	[sflag:s8] =	ssyncadd.s32 $0xFFFFD800  }
0x182: {  	[spmem:s2] =	stream.indirect.scatter.add.f32 [tilespmem:s6], [sflag:$0x5], $0x80, s19, s0, $0xb8;
	[tilespmem:$0x1D300] =	vst v63  }
0x183: {  	_ =	swait.ge [sflag:s25], $0x2800  }
0x184: {  	[sflag:s25] =	ssyncset.done $0x0  }
0x185: {  	[sflag:s25] =	ssyncadd.s32 $0xFFFFD800  }
0x186: {  	_ =	swait.ge [sflag:s9], $0x50  }
0x187: {  	[sflag:s9] =	ssyncset.done $0x0  }
0x188: {  	[sflag:s9] =	ssyncadd.s32 $0xFFFFFFB0  }
0x189: {  	_ =	swait.ge [sflag:s9], $0x50  }
0x18a: {  	s15 =	simm.s32 $0xFFFFF500;
	s16 =	simm.s32 $0xFFFFD800;
	[sflag:s9] =	ssyncset.done $0x0  }
.LBB2_8:
0x18b: {  	s17 =	sadd.s32 $0x1C80, s15  }
0x18c: {  	[sflag:s9] =	ssyncadd.s32 $0xFFFFFFB0;
	s18 =	smov.u32 s16;
	s19 =	sadd.s32 $0x400, s16  }
0x18d: {  	[tilespmem:s6], [sflag:$0x2] =	stream.indirect.gather [hbm4b:s1+s0], $0x80, s17, s0, $0xb8;
	[tilespmem:$0x1D300] =	vst v63  }
0x18e: {  	p0 =	sne.s32 s16, $0xFFFFFC00;
	s16 =	sadd.s32 $0x3C00, s15  }
0x18f: {  	[spmem:s3] =	stream.indirect.scatter.add.f32 [tilespmem:s26], [sflag:$0x4], $0x1, s16, s0, $0xb8;
	[tilespmem:$0x1D300] =	vst v63  }
0x190: {  	_ =	swait.ge [sflag:s7], $0x2800  }
0x191: {  	[sflag:s7] =	ssyncset.done $0x0  }
0x192: {  	[sflag:s7] =	ssyncadd.s32 $0xFFFFD800  }
0x193: {  	[spmem:s2] =	stream.indirect.scatter.add.f32 [tilespmem:s5], [sflag:$0x5], $0x80, s16, s0, $0xb8;
	[tilespmem:$0x1D300] =	vst v63  }
0x194: {  	_ =	swait.ge [sflag:s25], $0x2800  }
0x195: {  	[sflag:s25] =	ssyncset.done $0x0  }
0x196: {  	s16 =	sadd.s32 $0x1D00, s15;
	[sflag:s25] =	ssyncadd.s32 $0xFFFFD800  }
0x197: {  	[tilespmem:s5], [sflag:$0x1] =	stream.indirect.gather [hbm4b:s1+s0], $0x80, s16, s0, $0xb8;
	[tilespmem:$0x1D300] =	vst v63  }
0x198: {  	s15 =	sadd.s32 $0x3C80, s15  }
0x199: {  	[spmem:s3] =	stream.indirect.scatter.add.f32 [tilespmem:s26], [sflag:$0x4], $0x1, s15, s0, $0xb8;
	[tilespmem:$0x1D300] =	vst v63  }
0x19a: {  	_ =	swait.ge [sflag:s8], $0x2800  }
0x19b: {  	[sflag:s8] =	ssyncset.done $0x0  }
0x19c: {  	[sflag:s8] =	ssyncadd.s32 $0xFFFFD800  }
0x19d: {  	[spmem:s2] =	stream.indirect.scatter.add.f32 [tilespmem:s6], [sflag:$0x5], $0x80, s15, s0, $0xb8;
	[tilespmem:$0x1D300] =	vst v63  }
0x19e: {  	_ =	swait.ge [sflag:s25], $0x2800  }
0x19f: {  	[sflag:s25] =	ssyncset.done $0x0  }
0x1a0: {  	[sflag:s25] =	ssyncadd.s32 $0xFFFFD800  }
.Ltmp3:
0x1a1: {  	_ =	swait.ge [sflag:s9], $0x50;
	(pc) =	sbr.rel @p0 .LBB2_8-.Ltmp3, $4  }
0x1a2: {  	[sflag:s9] =	ssyncset.done $0x0  }
0x1a3: {  	[sflag:s9] =	ssyncadd.s32 $0xFFFFFFB0  }
0x1a4: {  	_ =	swait.ge [sflag:s9], $0x50  }
0x1a5: {  	s16 =	smov.u32 s19;
	s15 =	sshra.s32 s18, $0x2;
	[sflag:s9] =	ssyncset.done $0x0  }
0x1a6: {  	s16 =	sadd.s32 $0x1C80, s15;
	[sflag:s9] =	ssyncadd.s32 $0xFFFFFFB0  }
0x1a7: {  	[tilespmem:s6], [sflag:$0x2] =	stream.indirect.gather [hbm4b:s1+s0], $0x80, s16, s0, $0xb8;
	[tilespmem:$0x1D300] =	vst v63  }
0x1a8: {  	s19 =	sadd.s32 $0x3C00, s15  }
0x1a9: {  	[spmem:s3] =	stream.indirect.scatter.add.f32 [tilespmem:s26], [sflag:$0x4], $0x1, s19, s0, $0xb8;
	[tilespmem:$0x1D300] =	vst v63  }
0x1aa: {  	_ =	swait.ge [sflag:s7], $0x2800  }
0x1ab: {  	[sflag:s7] =	ssyncset.done $0x0  }
0x1ac: {  	[sflag:s7] =	ssyncadd.s32 $0xFFFFD800  }
0x1ad: {  	[spmem:s2] =	stream.indirect.scatter.add.f32 [tilespmem:s5], [sflag:$0x5], $0x80, s19, s0, $0xb8;
	[tilespmem:$0x1D300] =	vst v63  }
0x1ae: {  	_ =	swait.ge [sflag:s25], $0x2800  }
0x1af: {  	[sflag:s25] =	ssyncset.done $0x0  }
0x1b0: {  	s17 =	sadd.s32 $0x1D00, s15;
	[sflag:s25] =	ssyncadd.s32 $0xFFFFD800  }
0x1b1: {  	[tilespmem:s5], [sflag:$0x1] =	stream.indirect.gather [hbm4b:s1+s0], $0x80, s17, s0, $0xb8;
	[tilespmem:$0x1D300] =	vst v63  }
0x1b2: {  	s18 =	sadd.s32 $0x3C80, s15  }
0x1b3: {  	[spmem:s3] =	stream.indirect.scatter.add.f32 [tilespmem:s26], [sflag:$0x4], $0x1, s18, s0, $0xb8;
	[tilespmem:$0x1D300] =	vst v63  }
0x1b4: {  	_ =	swait.ge [sflag:s8], $0x2800  }
0x1b5: {  	[sflag:s8] =	ssyncset.done $0x0  }
0x1b6: {  	[sflag:s8] =	ssyncadd.s32 $0xFFFFD800  }
0x1b7: {  	[spmem:s2] =	stream.indirect.scatter.add.f32 [tilespmem:s6], [sflag:$0x5], $0x80, s18, s0, $0xb8;
	[tilespmem:$0x1D300] =	vst v63  }
0x1b8: {  	_ =	swait.ge [sflag:s25], $0x2800  }
0x1b9: {  	[sflag:s25] =	ssyncset.done $0x0  }
0x1ba: {  	[sflag:s25] =	ssyncadd.s32 $0xFFFFD800  }
0x1bb: {  	_ =	swait.ge [sflag:s9], $0x50  }
0x1bc: {  	[sflag:s9] =	ssyncset.done $0x0  }
0x1bd: {  	[sflag:s9] =	ssyncadd.s32 $0xFFFFFFB0  }
0x1be: {  	_ =	swait.ge [sflag:s9], $0x50  }
0x1bf: {  	[sflag:s9] =	ssyncset.done $0x0  }
0x1c0: {  	[sflag:s9] =	ssyncadd.s32 $0xFFFFFFB0  }
0x1c1: {  	[spmem:s3] =	stream.indirect.scatter.add.f32 [tilespmem:s26], [sflag:$0x4], $0x1, s11, s0, $0xb8;
	[tilespmem:$0x1D300] =	vst v63  }
0x1c2: {  	_ =	swait.ge [sflag:s7], $0x2800  }
0x1c3: {  	[sflag:s7] =	ssyncset.done $0x0  }
0x1c4: {  	[sflag:s7] =	ssyncadd.s32 $0xFFFFD800  }
0x1c5: {  	[spmem:s2] =	stream.indirect.scatter.add.f32 [tilespmem:s5], [sflag:$0x5], $0x80, s11, s0, $0xb8;
	[tilespmem:$0x1D300] =	vst v63  }
0x1c6: {  	_ =	swait.ge [sflag:s25], $0x2800  }
0x1c7: {  	[sflag:s25] =	ssyncset.done $0x0  }
0x1c8: {  	[sflag:s25] =	ssyncadd.s32 $0xFFFFD800  }
0x1c9: {  	_ =	swait.ge [sflag:s9], $0x50  }
0x1ca: {  	[sflag:s9] =	ssyncset.done $0x0  }
0x1cb: {  	[sflag:s9] =	ssyncadd.s32 $0xFFFFFFB0  }
0x1cc: {  	_ =	swait.ge [sflag:s29], $0xC80  }
0x1cd: {  	[sflag:s29] =	ssyncset.done $0x0  }
0x1ce: {  	[sflag:s29] =	ssyncadd.s32 $0xFFFFF380  }
0x1cf: {  	_ =	swait.ge [sflag:s29], $0xC80  }
0x1d0: {  	[sflag:s29] =	ssyncset.done $0x0  }
0x1d1: {  	s19 =	simm.s32 $0x0;
	[sflag:s29] =	ssyncadd.s32 $0xFFFFF380  }
0x1d2: {  	[tilespmem:s5], [sflag:$0x1] =	stream.indirect.gather [hbm4b:s1+s0], $0x80, s19, s0, $0xb8;
	[tilespmem:$0x1D300] =	vst v63  }
0x1d3: {  	s16 =	simm.s32 $0x80  }
0x1d4: {  	[tilespmem:s6], [sflag:$0x2] =	stream.indirect.gather [hbm4b:s1+s0], $0x80, s16, s0, $0xb8;
	[tilespmem:$0x1D300] =	vst v63  }
0x1d5: {  	s17 =	simm.s32 $0x2000  }
0x1d6: {  	[spmem:s3] =	stream.indirect.scatter.add.f32 [tilespmem:s26], [sflag:$0x4], $0x1, s17, s0, $0xb8;
	[tilespmem:$0x1D300] =	vst v63  }
0x1d7: {  	_ =	swait.ge [sflag:s7], $0x2800  }
0x1d8: {  	[sflag:s7] =	ssyncset.done $0x0  }
0x1d9: {  	[sflag:s7] =	ssyncadd.s32 $0xFFFFD800  }
0x1da: {  	[spmem:s2] =	stream.indirect.scatter.add.f32 [tilespmem:s5], [sflag:$0x5], $0x80, s17, s0, $0xb8;
	[tilespmem:$0x1D300] =	vst v63  }
0x1db: {  	_ =	swait.ge [sflag:s25], $0x2800  }
0x1dc: {  	[sflag:s25] =	ssyncset.done $0x0  }
0x1dd: {  	s18 =	simm.s32 $0x100;
	[sflag:s25] =	ssyncadd.s32 $0xFFFFD800  }
0x1de: {  	[tilespmem:s5], [sflag:$0x1] =	stream.indirect.gather [hbm4b:s1+s0], $0x80, s18, s0, $0xb8;
	[tilespmem:$0x1D300] =	vst v63  }
0x1df: {  	s19 =	simm.s32 $0x2080  }
0x1e0: {  	[spmem:s3] =	stream.indirect.scatter.add.f32 [tilespmem:s26], [sflag:$0x4], $0x1, s19, s0, $0xb8;
	[tilespmem:$0x1D300] =	vst v63  }
0x1e1: {  	_ =	swait.ge [sflag:s8], $0x2800  }
0x1e2: {  	[sflag:s8] =	ssyncset.done $0x0  }
0x1e3: {  	[sflag:s8] =	ssyncadd.s32 $0xFFFFD800  }
0x1e4: {  	[spmem:s2] =	stream.indirect.scatter.add.f32 [tilespmem:s6], [sflag:$0x5], $0x80, s19, s0, $0xb8;
	[tilespmem:$0x1D300] =	vst v63  }
0x1e5: {  	_ =	swait.ge [sflag:s25], $0x2800  }
0x1e6: {  	[sflag:s25] =	ssyncset.done $0x0  }
0x1e7: {  	[sflag:s25] =	ssyncadd.s32 $0xFFFFD800  }
0x1e8: {  	_ =	swait.ge [sflag:s9], $0x50  }
0x1e9: {  	[sflag:s9] =	ssyncset.done $0x0  }
0x1ea: {  	[sflag:s9] =	ssyncadd.s32 $0xFFFFFFB0  }
0x1eb: {  	_ =	swait.ge [sflag:s9], $0x50  }
0x1ec: {  	s15 =	simm.s32 $0x100;
	s16 =	simm.s32 $0x800;
	[sflag:s9] =	ssyncset.done $0x0  }
.LBB2_10:
0x1ed: {  	s17 =	sadd.s32 $0x80, s15  }
0x1ee: {  	[sflag:s9] =	ssyncadd.s32 $0xFFFFFFB0;
	s18 =	smov.u32 s16;
	s19 =	sadd.s32 $0x400, s16  }
0x1ef: {  	[tilespmem:s6], [sflag:$0x2] =	stream.indirect.gather [hbm4b:s1+s0], $0x80, s17, s0, $0xb8;
	[tilespmem:$0x1D300] =	vst v63  }
0x1f0: {  	p0 =	sne.s32 s16, $0x2C00;
	s16 =	sadd.s32 $0x2000, s15  }
0x1f1: {  	[spmem:s3] =	stream.indirect.scatter.add.f32 [tilespmem:s26], [sflag:$0x4], $0x1, s16, s0, $0xb8;
	[tilespmem:$0x1D300] =	vst v63  }
0x1f2: {  	_ =	swait.ge [sflag:s7], $0x2800  }
0x1f3: {  	[sflag:s7] =	ssyncset.done $0x0  }
0x1f4: {  	[sflag:s7] =	ssyncadd.s32 $0xFFFFD800  }
0x1f5: {  	[spmem:s2] =	stream.indirect.scatter.add.f32 [tilespmem:s5], [sflag:$0x5], $0x80, s16, s0, $0xb8;
	[tilespmem:$0x1D300] =	vst v63  }
0x1f6: {  	_ =	swait.ge [sflag:s25], $0x2800  }
0x1f7: {  	[sflag:s25] =	ssyncset.done $0x0  }
0x1f8: {  	s16 =	sadd.s32 $0x100, s15;
	[sflag:s25] =	ssyncadd.s32 $0xFFFFD800  }
0x1f9: {  	[tilespmem:s5], [sflag:$0x1] =	stream.indirect.gather [hbm4b:s1+s0], $0x80, s16, s0, $0xb8;
	[tilespmem:$0x1D300] =	vst v63  }
0x1fa: {  	s15 =	sadd.s32 $0x2080, s15  }
0x1fb: {  	[spmem:s3] =	stream.indirect.scatter.add.f32 [tilespmem:s26], [sflag:$0x4], $0x1, s15, s0, $0xb8;
	[tilespmem:$0x1D300] =	vst v63  }
0x1fc: {  	_ =	swait.ge [sflag:s8], $0x2800  }
0x1fd: {  	[sflag:s8] =	ssyncset.done $0x0  }
0x1fe: {  	[sflag:s8] =	ssyncadd.s32 $0xFFFFD800  }
0x1ff: {  	[spmem:s2] =	stream.indirect.scatter.add.f32 [tilespmem:s6], [sflag:$0x5], $0x80, s15, s0, $0xb8;
	[tilespmem:$0x1D300] =	vst v63  }
0x200: {  	_ =	swait.ge [sflag:s25], $0x2800  }
0x201: {  	[sflag:s25] =	ssyncset.done $0x0  }
0x202: {  	[sflag:s25] =	ssyncadd.s32 $0xFFFFD800  }
.Ltmp4:
0x203: {  	_ =	swait.ge [sflag:s9], $0x50;
	(pc) =	sbr.rel @p0 .LBB2_10-.Ltmp4, $4  }
0x204: {  	[sflag:s9] =	ssyncset.done $0x0  }
0x205: {  	[sflag:s9] =	ssyncadd.s32 $0xFFFFFFB0  }
0x206: {  	_ =	swait.ge [sflag:s9], $0x50  }
0x207: {  	s16 =	smov.u32 s19;
	s15 =	sshra.s32 s18, $0x2;
	[sflag:s9] =	ssyncset.done $0x0  }
0x208: {  	s16 =	sadd.s32 $0x80, s15;
	[sflag:s9] =	ssyncadd.s32 $0xFFFFFFB0  }
0x209: {  	[tilespmem:s6], [sflag:$0x2] =	stream.indirect.gather [hbm4b:s1+s0], $0x80, s16, s0, $0xb8;
	[tilespmem:$0x1D300] =	vst v63  }
0x20a: {  	s18 =	sadd.s32 $0x2000, s15  }
0x20b: {  	[spmem:s3] =	stream.indirect.scatter.add.f32 [tilespmem:s26], [sflag:$0x4], $0x1, s18, s0, $0xb8;
	[tilespmem:$0x1D300] =	vst v63  }
0x20c: {  	_ =	swait.ge [sflag:s7], $0x2800  }
0x20d: {  	[sflag:s7] =	ssyncset.done $0x0  }
0x20e: {  	[sflag:s7] =	ssyncadd.s32 $0xFFFFD800  }
0x20f: {  	[spmem:s2] =	stream.indirect.scatter.add.f32 [tilespmem:s5], [sflag:$0x5], $0x80, s18, s0, $0xb8;
	[tilespmem:$0x1D300] =	vst v63  }
0x210: {  	_ =	swait.ge [sflag:s25], $0x2800  }
0x211: {  	[sflag:s25] =	ssyncset.done $0x0  }
0x212: {  	s19 =	sadd.s32 $0x100, s15;
	[sflag:s25] =	ssyncadd.s32 $0xFFFFD800  }
0x213: {  	[tilespmem:s5], [sflag:$0x1] =	stream.indirect.gather [hbm4b:s1+s0], $0x80, s19, s0, $0xb8;
	[tilespmem:$0x1D300] =	vst v63  }
0x214: {  	s17 =	sadd.s32 $0x2080, s15  }
0x215: {  	[spmem:s3] =	stream.indirect.scatter.add.f32 [tilespmem:s26], [sflag:$0x4], $0x1, s17, s0, $0xb8;
	[tilespmem:$0x1D300] =	vst v63  }
0x216: {  	_ =	swait.ge [sflag:s8], $0x2800  }
0x217: {  	[sflag:s8] =	ssyncset.done $0x0  }
0x218: {  	[sflag:s8] =	ssyncadd.s32 $0xFFFFD800  }
0x219: {  	[spmem:s2] =	stream.indirect.scatter.add.f32 [tilespmem:s6], [sflag:$0x5], $0x80, s17, s0, $0xb8;
	[tilespmem:$0x1D300] =	vst v63  }
0x21a: {  	_ =	swait.ge [sflag:s25], $0x2800  }
0x21b: {  	[sflag:s25] =	ssyncset.done $0x0  }
0x21c: {  	[sflag:s25] =	ssyncadd.s32 $0xFFFFD800  }
0x21d: {  	_ =	swait.ge [sflag:s9], $0x50  }
0x21e: {  	[sflag:s9] =	ssyncset.done $0x0  }
0x21f: {  	[sflag:s9] =	ssyncadd.s32 $0xFFFFFFB0  }
0x220: {  	_ =	swait.ge [sflag:s9], $0x50  }
0x221: {  	[sflag:s9] =	ssyncset.done $0x0  }
0x222: {  	[sflag:s9] =	ssyncadd.s32 $0xFFFFFFB0  }
0x223: {  	[spmem:s3] =	stream.indirect.scatter.add.f32 [tilespmem:s26], [sflag:$0x4], $0x1, s10, s0, $0xb8;
	[tilespmem:$0x1D300] =	vst v63  }
0x224: {  	_ =	swait.ge [sflag:s7], $0x2800  }
0x225: {  	[sflag:s7] =	ssyncset.done $0x0  }
0x226: {  	[sflag:s7] =	ssyncadd.s32 $0xFFFFD800  }
0x227: {  	[spmem:s2] =	stream.indirect.scatter.add.f32 [tilespmem:s5], [sflag:$0x5], $0x80, s10, s0, $0xb8;
	[tilespmem:$0x1D300] =	vst v63  }
0x228: {  	_ =	swait.ge [sflag:s25], $0x2800  }
0x229: {  	[sflag:s25] =	ssyncset.done $0x0  }
0x22a: {  	[sflag:s25] =	ssyncadd.s32 $0xFFFFD800  }
0x22b: {  	_ =	swait.ge [sflag:s9], $0x50  }
0x22c: {  	[sflag:s9] =	ssyncset.done $0x0  }
0x22d: {  	[sflag:s9] =	ssyncadd.s32 $0xFFFFFFB0  }
0x22e: {  	[bflag:$0x0] =	sbarrier.arrive $0xFFFF  }
0x22f: {  	[hbm:s22], [sflag:s20] =	dma.local [spmem:s13], $0x2800  }
0x230: {  	s12 =	sadd.s32 $0x1, s12;
	_ =	swait.ge [sflag:s25], $0x2800  }
0x231: {  	p0 =	sne.s32 s12, s24;
	s18 =	simm.s32 $0x20;
	[sflag:s25] =	ssyncset.done $0x0  }
.Ltmp5:
0x232: {  	s19 =	simm.s32 $0x10;
	[sflag:s25] =	ssyncadd.s32 $0xFFFFD800;
	(pc) =	sbr.rel @p0 .LBB2_1-.Ltmp5, $4  }
0x233: {  	[hbm:s23@s18], [sflag:s20] =	dma.strided [spmem:s14@s19], $0x50, s7, $0x10   }
0x234: {  	_ =	swait.ge [sflag:s25], $0x50  }
0x235: {  	[sflag:s25] =	ssyncset.done $0x0  }
0x236: {  	[sflag:s25] =	ssyncadd.s32 $0xFFFFFFB0  }
0x237: {  	_ =	sfence.sel $0x180000  }
0x238: {  	[bflag:$0x0] =	sbarrier.arrive $0xFFFF  }
0x239: {  	_ =	strace $0x90000047  }
0x23a: {  	s0 =	stileid.u32;
	[bflag:$0x2] =	sbarrier.arrive $0xFFFF  }
0x23b: {  	p0 =	sne.s32 s0, $0x0;
	s0 =	rddreg [dreg:$0x6]  }
0x23c: {  	s0 =	sadd.s32 @!p0 $0x100000, s0  }
0x23d: {  	[sflag:s0] =	ssyncadd.tile.s32 @!p0 $0x1;
	_ =	shalt  }
.Lfunc_end2:
_tile_overlayer_lowered:
.L_overlay_start_2:
0x23e: {  	(tag) =	ssettag $0x2  }
0x23f: {  	s0 =	rddreg [dreg:$0x0];
	s2 =	stileid.u32  }
0x240: {  	s1 =	rddreg [dreg:$0x1];
	p0 =	sne.s32 s2, $0x0  }
0x241: {  	s3 =	rddreg [dreg:$0x2];
	[bflag:$0x3] =	sbarrier.arrive $0xFFFF;
	s2 =	simm.s32 @!p0 $0x1C05  }
0x242: {  	[timem:s3], [sflag:s2] =	dma.local @!p0 [hbm:s0], s1  }
0x243: {  	s0 =	simm.s32 @!p0 $0x5  }
0x244: {  	_ =	swait.ge @!p0 [sflag:s0], s1  }
0x245: {  	s1 =	ssub.s32 @!p0 $0x0, s1;
	[sflag:s0] =	ssyncset.done @!p0 $0x0  }
0x246: {  	[sflag:s0] =	ssyncadd.s32 @!p0 s1  }
0x247: {  	[bflag:$0x3] =	sbarrier.arrive $0xFFFF  }
0x248: {  	_ =	shalt  }

// kernel: kernel.9.cloned.1.call-start
scs
__scs_entry_jumppad:
0x0: {  	(pc) =	sbr.rel $0x88, $3  }
0x1: {  	(tag) =	ssettag $0x0;
	lr =	simm.s32 $0x1  }
0x2: {  	[smem:$0x3F99] =	sst lr;
	_ =	strace $0xD0000000  }
0x3: {  	_ = 	snop  }
0x4: {  	_ = 	snop  }
0x5: {  	_ = 	snop  }
0x6: {  	_ = 	snop  }
0x7: {  	_ = 	snop  }
__scs_overlays_trampoline_lowered:
0x8: {  	[smem:$0x3FA8] =	sst s0  }
0x9: {  	[smem:$0x3FA9] =	sst s1  }
0xa: {  	[smem:$0x3FAA] =	sst s2  }
0xb: {  	[smem:$0x3FAB] =	sst s3  }
0xc: {  	[smem:$0x3FAC] =	sst s4  }
0xd: {  	[smem:$0x3FAD] =	sst s5  }
0xe: {  	[smem:$0x3FAE] =	sst s6  }
0xf: {  	[smem:$0x3FAF] =	sst s7  }
0x10: {  	[smem:$0x3FB0] =	sst s8  }
0x11: {  	[smem:$0x3FB1] =	sst s9;
	s0 =	simm.s32 @!p0 $0x0  }
0x12: {  	s1 =	sld [smem:$0x3F97];
	s0 =	simm.s32 @p0 $0x1  }
0x13: {  	[smem:$0x3FB2] =	sst s0;
	s0 =	simm.s32 @!p1 $0x0  }
0x14: {  	s2 =	sld [smem:$0x3F96];
	s0 =	simm.s32 @p1 $0x1  }
0x15: {  	[smem:$0x3FB3] =	sst s0;
	s0 =	simm.s32 @!p2 $0x0  }
0x16: {  	s3 =	sld [smem:$0x3FDB];
	s0 =	simm.s32 @p2 $0x1  }
0x17: {  	s4 =	simm.s32 $0x1BF5;
	[smem:$0x3FB5] =	sst s0  }
0x18: {  	s0 =	sld [smem:$0x3F98];
	_ =	swait.ge [sflag:s4], $0x0  }
0x19: {  	s7 =	sld [smem:$0x3F99]  }
0x1a: {  	s8 =	sadd.s32 $0xFFFFE003, lr  }
0x1b: {  	s9 =	sadd.s32 $0xFFFFFEF7, lr;
	s5 =	simm.s32 $0xFFFFFFFF;
	p2 =	slt.u32 s8, $0xFFFFF086  }
0x1c: {  	p1 =	slt.u32 s9, $0xF7A;
	s5 =	simm.s32 @!p2 $0x0  }
0x1d: {  	s5 =	simm.s32 @p1 $0x1;
	p0 =	seq.s32 s7, s2  }
0x1e: {  	s7 =	smul.u32 @!p0 $0xF7A, s2;
	p2 =	seq.s32 @!p0 s5, $0x0  }
0x1f: {  	s9 =	smul.u32 $0xF7A, s1;
	s8 =	simm.s32 @!p0 $0x1BF5;
	p2 =	por !p2, p0  }
0x20: {  	[sflag:s8] =	ssyncset.s32 @!p0 $0xFFFFF086;
	s6 =	sadd.s32 @!p0 s3, s7;
	s7 =	simm.s32 @!p0 $0x108  }
0x21: {  	s3 =	sadd.s32 s3, s9;
	s6 =	sadd.s32 @!p0 $0x88, s6;
	s7 =	simm.s32 @p2 $0x1082  }
0x22: {  	[simem:s7], [sflag:s8] =	dma.local @!p0 [hbm:s6], $0xF7A  }
0x23: {  	s9 =	sor.u32 $0xD0000000, s2;
	s6 =	simm.s32 $0x108;
	_ =	swait.ge @!p0 [sflag:s8], $0x0  }
0x24: {  	s3 =	sadd.s32 $0x88, s3;
	s6 =	simm.s32 @!p1 $0x1082;
	[sflag:s4] =	ssyncset.s32 $0xFFFFF086  }
0x25: {  	[simem:s6], [sflag:s4] =	dma.local [hbm:s3], $0xF7A  }
0x26: {  	[smem:$0x3F99] =	sst s1;
	(tag) =	ssettag s2;
	_ =	strace s9  }
0x27: {  	s1 =	sld [smem:$0x3FA9]  }
0x28: {  	s2 =	sld [smem:$0x3FAA]  }
0x29: {  	s4 =	sld [smem:$0x3FAC]  }
0x2a: {  	p0 =	seq.s32 s5, $0x0;
	s5 =	sld [smem:$0x3FAD]  }
0x2b: {  	s6 =	sld [smem:$0x3FAE]  }
0x2c: {  	s7 =	sld [smem:$0x3FAF]  }
0x2d: {  	s3 =	simm.s32 $0x108;
	s8 =	sld [smem:$0x3FB0]  }
0x2e: {  	s3 =	simm.s32 @!p0 $0x1082;
	s9 =	sld [smem:$0x3FB1]  }
0x2f: {  	lr =	sadd.s32 s0, s3;
	s0 =	sld [smem:$0x3FA8]  }
0x30: {  	s3 =	sld [smem:$0x3FAB]  }
0x31: {  	[smem:$0x3FB4] =	sst s10  }
0x32: {  	s10 =	sld [smem:$0x3FB2];
	_ =	sdelay $0x3  }
0x33: {  	p0 =	seq.s32 s10, $0x1;
	s10 =	sld [smem:$0x3FB4];
	_ =	sdelay $0x3  }
0x34: {  	[smem:$0x3FB4] =	sst s10  }
0x35: {  	s10 =	sld [smem:$0x3FB3];
	_ =	sdelay $0x3  }
0x36: {  	p1 =	seq.s32 s10, $0x1;
	s10 =	sld [smem:$0x3FB4];
	_ =	sdelay $0x3  }
0x37: {  	[smem:$0x3FB4] =	sst s10  }
0x38: {  	s10 =	sld [smem:$0x3FB5]  }
0x39: {  	_ = 	snop;
	(pc) =	sbr.ind lr, $3  }
0x3a: {  	_ = 	snop  }
0x3b: {  	_ = 	snop  }
0x3c: {  	p2 =	seq.s32 s10, $0x1;
	s10 =	sld [smem:$0x3FB4]  }
0x3d: {  	_ =	shalt  }
0x3e: {  	_ =	shalt  }
0x3f: {  	_ =	shalt  }
0x40: {  	_ =	shalt  }
0x41: {  	_ =	shalt  }
0x42: {  	_ =	shalt  }
0x43: {  	_ =	shalt  }
0x44: {  	_ =	shalt  }
0x45: {  	_ =	shalt  }
0x46: {  	_ =	shalt  }
0x47: {  	_ =	shalt  }
0x48: {  	_ =	shalt  }
0x49: {  	_ =	shalt  }
0x4a: {  	_ =	shalt  }
0x4b: {  	_ =	shalt  }
0x4c: {  	_ =	shalt  }
0x4d: {  	_ =	shalt  }
0x4e: {  	_ =	shalt  }
0x4f: {  	_ =	shalt  }
0x50: {  	_ =	shalt  }
0x51: {  	_ =	shalt  }
0x52: {  	_ =	shalt  }
0x53: {  	_ =	shalt  }
0x54: {  	_ =	shalt  }
0x55: {  	_ =	shalt  }
0x56: {  	_ =	shalt  }
0x57: {  	_ =	shalt  }
0x58: {  	_ =	shalt  }
0x59: {  	_ =	shalt  }
0x5a: {  	_ =	shalt  }
0x5b: {  	_ =	shalt  }
0x5c: {  	_ =	shalt  }
0x5d: {  	_ =	shalt  }
0x5e: {  	_ =	shalt  }
0x5f: {  	_ =	shalt  }
0x60: {  	_ =	shalt  }
0x61: {  	_ =	shalt  }
0x62: {  	_ =	shalt  }
0x63: {  	_ =	shalt  }
0x64: {  	_ =	shalt  }
0x65: {  	_ =	shalt  }
0x66: {  	_ =	shalt  }
0x67: {  	_ =	shalt  }
0x68: {  	_ =	shalt  }
0x69: {  	_ =	shalt  }
0x6a: {  	_ =	shalt  }
0x6b: {  	_ =	shalt  }
0x6c: {  	_ =	shalt  }
0x6d: {  	_ =	shalt  }
0x6e: {  	_ =	shalt  }
0x6f: {  	_ =	shalt  }
0x70: {  	_ =	shalt  }
0x71: {  	_ =	shalt  }
0x72: {  	_ =	shalt  }
0x73: {  	_ =	shalt  }
0x74: {  	_ =	shalt  }
0x75: {  	_ =	shalt  }
0x76: {  	_ =	shalt  }
0x77: {  	_ =	shalt  }
0x78: {  	_ =	shalt  }
0x79: {  	_ =	shalt  }
0x7a: {  	_ =	shalt  }
0x7b: {  	_ =	shalt  }
0x7c: {  	_ =	shalt  }
0x7d: {  	_ =	shalt  }
0x7e: {  	_ =	shalt  }
0x7f: {  	_ =	shalt  }
0x80: {  	_ =	shalt  }
0x81: {  	_ =	shalt  }
0x82: {  	_ =	shalt  }
0x83: {  	_ =	shalt  }
0x84: {  	_ =	shalt  }
0x85: {  	_ =	shalt  }
0x86: {  	_ =	shalt  }
0x87: {  	_ =	shalt  }
.Lfunc_end0:
.L_simem_size_0:
called_computation.1_lowered:
.L_overlay_start_0:
0x88: {  	s2 =	sld [smem:$0x3FD9]  }
0x89: {  	s3 =	sld [smem:$0x3FFE];
	_ =	sdelay $0x1  }
0x8a: {  	s1 =	srdreg.scid  }
0x8b: {  	s0 =	sand.u32 $0x1, s1  }
0x8c: {  	s14 =	sshll.u32 s0, $0xA;
	s2 =	sadd.s32 s3, s2  }
0x8d: {  	s2 =	sadd.s32 s2, s14  }
0x8e: {  	[smem:$0x3FC0] =	sst s2  }
0x8f: {  	_ = 	snop  }
0x90: {  	s2 =	sld [smem:$0x3FD0];
	_ =	sdelay $0x2  }
0x91: {  	s15 =	simm.s32 $0xA;
	s4 =	simm.s32 $0x10  }
0x92: {  	[smem:s4], [sflag:s15] =	dma.local [hbm:s2], $0x1  }
0x93: {  	_ =	swait.eq [sflag:s15], $0x1  }
0x94: {  	[sflag:s15] =	ssyncset.done $0x0  }
0x95: {  	s16 =	sld [smem:$0x10];
	[sflag:s15] =	ssyncadd.s32 $0xFFFFFFFF  }
0x96: {  	s17 =	sld [smem:$0x11];
	(tm) =	ssettm $0x1  }
0x97: {  	s18 =	sld [smem:$0x3FFB];
	_ =	sdelay $0x3  }
0x98: {  	_ =	strace s18  }
0x99: {  	s4 =	sld [smem:$0x3FFC];
	_ =	sdelay $0x3  }
0x9a: {  	_ =	strace s4  }
0x9b: {  	s4 =	sld [smem:$0x3FFD];
	_ =	sdelay $0x3  }
0x9c: {  	_ =	strace s4  }
0x9d: {  	_ =	strace $0x8FFFFFFF  }
0x9e: {  	s19 =	sld [smem:$0x3FDB];
	_ =	sdelay $0x1  }
0x9f: {  	s5 =	simm.s32 $_scs_section_size  }
0xa0: {  	s6 =	simm.s32 $_size__tile_overlayer_lowered;
	s7 =	simm.s32 $_tile_overlayer_lowered  }
0xa1: {  	s22 =	simm.s32 $0x1BFF;
	s21 =	sshll.u32 s7, $0x1;
	s4 =	sadd.s32 s5, s19  }
0xa2: {  	s8 =	simm.s32 $0x0;
	s20 =	sshll.u32 s6, $0x1;
	s6 =	sadd.s32 s21, s4  }
0xa3: {  	[timem:s8], [sflag:s22] =	dma.local [hbm:s6], s20  }
0xa4: {  	_ =	swait.ge [sflag:s22], s20  }
0xa5: {  	s5 =	ssub.s32 $0x0, s20;
	[sflag:s22] =	ssyncset.done $0x0  }
0xa6: {  	[sflag:s22] =	ssyncadd.s32 s5;
	_ =	sdelay $0x1  }
0xa7: {  	s23 =	simm.s32 $0x1B8B  }
0xa8: {  	_ =	swait.ge [sflag:s23], $0x1  }
0xa9: {  	[sflag:s23] =	ssyncset.done $0x0  }
0xaa: {  	s25 =	simm.s32 $0x1B8E;
	s24 =	sld [smem:$0x3FFE];
	[sflag:s23] =	ssyncadd.s32 $0xFFFFFFFF  }
0xab: {  	s26 =	simm.s32 $execute0_lowered;
	[smem:$0x3FD2] =	sst s25  }
0xac: {  	s6 =	sshll.u32 s26, $0x1;
	_ =	strace $0x80000049;
	[dreg:$0x1] =	wrdreg $0xFFFFFFFF  }
0xad: {  	s28 =	simm.s32 $_size_execute0_lowered;
	s4 =	sadd.s32 s4, s6;
	[dreg:$0x0] =	wrdreg $0x0  }
0xae: {  	s6 =	sshll.u32 s28, $0x1;
	[dreg:$0x2] =	wrdreg s4  }
0xaf: {  	[dreg:$0x3] =	wrdreg s6  }
0xb0: {  	[dreg:$0x4] =	wrdreg $0xC0  }
0xb1: {  	_ =	task [dreg:s8], $0x5FFFF  }
0xb2: {  	[dreg:$0x1] =	wrdreg $0xFFFFFFFF  }
0xb3: {  	[dreg:$0x0] =	wrdreg $0x60  }
0xb4: {  	[dreg:$0x2] =	wrdreg s16  }
0xb5: {  	[dreg:$0x3] =	wrdreg s17  }
0xb6: {  	[dreg:$0x4] =	wrdreg s24  }
0xb7: {  	[dreg:$0x5] =	wrdreg $0x90000  }
0xb8: {  	[dreg:$0x6] =	wrdreg $0x9  }
0xb9: {  	_ =	task.clear_ibuf [dreg:s8], $0x7FFFF;
	_ =	strace $0x90000049  }
0xba: {  	s29 =	simm.s32 $0x9;
	_ =	strace $0x8000004B  }
0xbb: {  	_ =	swait.ge [sflag:s29], $0x1  }
0xbc: {  	[sflag:s29] =	ssyncadd.s32 $0xFFFFFFFF  }
0xbd: {  	_ =	strace $0x9000004B  }
0xbe: {  	_ =	sfence  }
0xbf: {  	s30 =	sld [smem:$0x0];
	_ =	sdelay $0x2  }
0xc0: {  	s31 =	sshll.u32 s1, $0xD;
	s1 =	sshrl.u32 s1, $0x2  }
0xc1: {  	s3 =	sand.u32 $0x4000, s31;
	s1 =	sadd.s32 s1, s30  }
0xc2: {  	s0 =	sor.u32 s3, s0;
	s1 =	sshll.u32 s1, $0x11  }
0xc3: {  	s0 =	sor.u32 s1, s0  }
0xc4: {  	s0 =	sadd.s32 $0x8F2B, s0  }
0xc5: {  	[sflag:s0] =	ssyncadd.remote.s32 $0x1  }
0xc6: {  	_ =	sfence.sel $0xFFFF  }
0xc7: {  	[dreg:$0x0] =	wrdreg $0xFFFFFFFF;
	(pc) =	sbr.abs _section_cstart, $3  }
0xc8: {  	[dreg:$0x1] =	wrdreg $0xFFFFFFFF  }
0xc9: {  	_ =	task.clear_ibuf [dreg:s8], $0x2FFFF;
	_ =	strace $0x9FFFFFFF  }
0xca: {  	(tm) =	ssettm $0x7FFFFFFF  }
0xcb: {  	_ =	shalt  }
tec
execute0_lowered:
.L_overlay_start_1:
0x0: {  	(tag) =	ssettag $0x1  }
0x1: {  	s0 =	rddreg [dreg:$0x0]  }
0x2: {  	s1 =	rddreg [dreg:$0x1]  }
0x3: {  	s2 =	rddreg [dreg:$0x2];
	s4 =	srdreg.scid  }
0x4: {  	s3 =	rddreg [dreg:$0x3];
	s9 =	stileid.u32;
	s28 =	simm.s32 $0x6800  }
0x5: {  	s29 =	simm.s32 $0x1;
	s30 =	simm.s32 $0x2;
	s31 =	simm.s32 $0x2C00  }
0x6: {  	s5 =	sand.u32 $0x1, s4;
	s4 =	simm.s32 $0x0;
	s7 =	smul.u32 $0x14000, s9  }
0x7: {  	s16 =	sadd.s32 $0x2400, s2;
	s14 =	sadd.s32 $0x16800, s2;
	s17 =	smul.u32 $0x50000, s9  }
0x8: {  	s15 =	sshll.u32 s9, $0x1;
	s20 =	sshll.u32 s9, $0x6;
	s6 =	smul.u32 $0x140000, s5  }
0x9: {  	[smem:$0x7FF] =	sst s4;
	s8 =	ssub.s32 $0x2, s5;
	s5 =	sor.u32 s5, s15  }
0xa: {  	_ =	strace $0x8000004A;
	[dreg:$0x5] =	wrdreg s14;
	s18 =	sshrl.u32 s8, $0x1  }
0xb: {  	s5 =	smul.u32 $0x5000, s5;
	s19 =	sshrl.u32 s17, $0x2;
	s6 =	sadd.s32 s7, s6  }
0xc: {  	s18 =	ssub.s32 s8, s18;
	s19 =	sadd.s32 s19, s3;
	s6 =	sshrl.u32 s6, $0x3  }
0xd: {  	s5 =	sshrl.u32 s5, $0x3;
	s18 =	smax.u32 s18, $0x1;
	s19 =	sshrl.u32 s19, $0x3  }
0xe: {  	s2 =	sadd.s32 s6, s2;
	s6 =	sor.u32 $0x1C04, s20;
	s21 =	sadd.s32 s1, s5  }
0xf: {  	s22 =	sadd.s32 s16, s5;
	s23 =	sadd.s32 $0x200, s5;
	s25 =	sadd.s32 $0x400, s5  }
0x10: {  	s26 =	sadd.s32 $0x600, s5;
	s5 =	sadd.s32 $0x800, s5;
	[dreg:$0x6] =	wrdreg s21  }
0x11: {  	s20 =	simm.s32 $0x4;
	[dreg:$0x7] =	wrdreg s22;
	s24 =	sadd.s32 s1, s23  }
0x12: {  	s7 =	sadd.s32 s16, s23;
	s11 =	sadd.s32 s1, s25;
	s12 =	sadd.s32 s16, s25  }
0x13: {  	s13 =	sadd.s32 s1, s26;
	s14 =	sadd.s32 s16, s26;
	s15 =	sadd.s32 s1, s5  }
0x14: {  	s16 =	sadd.s32 s16, s5;
	s17 =	sadd.s32 $0x19000, s2;
	s21 =	simm.s32 $0x2000  }
0x15: {  	s22 =	simm.s32 $0x3;
	s23 =	simm.s32 $0x1000;
	s25 =	simm.s32 $0x50  }
0x16: {  	s26 =	simm.s32 $0x4000;
	s1 =	simm.s32 $0x3C00;
	[dreg:$0x8] =	wrdreg s24  }
0x17: {  	s2 =	simm.s32 $0x0;
	[dreg:$0x9] =	wrdreg s7;
	s24 =	simm.s32 $0x3000  }
.LBB2_1:
0x18: {  	s5 =	rddreg [dreg:$0x5]  }
0x19: {  	[spmem:s19], [sflag:s6] =	dma.local [hbm:s5], $0x2800  }
0x1a: {  	_ =	swait.ge [sflag:s20], $0x2800  }
0x1b: {  	[sflag:s20] =	ssyncset.done $0x0  }
0x1c: {  	[sflag:s20] =	ssyncadd.s32 $0xFFFFD800  }
0x1d: {  	[bflag:$0x0] =	sbarrier.arrive $0xFFFF  }
0x1e: {  	s7 =	rddreg [dreg:$0x6]  }
0x1f: {  	[tilespmem:s4], [sflag:$0x3] =	stream.linear.gather [hbm4b:s7+s4], $0xC80, $0x38;
	[tilespmem:$0x1D000] =	vst v63  }
0x20: {  	s8 =	rddreg [dreg:$0x7]  }
0x21: {  	[tilespmem:s21], [sflag:$0x3] =	stream.linear.gather [hbm4b:s8+s4], $0xC80, $0x38;
	[tilespmem:$0x1D000] =	vst v63  }
0x22: {  	_ =	swait.ge [sflag:s22], $0xC80  }
0x23: {  	[sflag:s22] =	ssyncset.done $0x0  }
0x24: {  	[sflag:s22] =	ssyncadd.s32 $0xFFFFF380  }
0x25: {  	_ =	swait.ge [sflag:s22], $0xC80  }
0x26: {  	[sflag:s22] =	ssyncset.done $0x0  }
0x27: {  	s9 =	rddreg [dreg:$0x8];
	[sflag:s22] =	ssyncadd.s32 $0xFFFFF380  }
0x28: {  	[tilespmem:s23], [sflag:$0x3] =	stream.linear.gather [hbm4b:s9+s4], $0xC80, $0x38;
	[tilespmem:$0x1D000] =	vst v63  }
0x29: {  	s10 =	rddreg [dreg:$0x9]  }
0x2a: {  	[tilespmem:s24], [sflag:$0x3] =	stream.linear.gather [hbm4b:s10+s4], $0xC80, $0x38;
	[tilespmem:$0x1D000] =	vst v63  }
0x2b: {  	_ = 	snop  }
0x2c: {  	[tilespmem:s26], [sflag:$0x1] =	stream.indirect.gather [hbm4b:s0+s25], $0x80, s4, s25, $0xb8;
	[tilespmem:$0x1D000] =	vst v63  }
0x2d: {  	s7 =	simm.s32 $0x80  }
0x2e: {  	[tilespmem:s28], [sflag:$0x2] =	stream.indirect.gather [hbm4b:s0+s25], $0x80, s7, s25, $0xb8;
	[tilespmem:$0x1D000] =	vst v63  }
0x2f: {  	_ =	swait.ge [sflag:s29], $0x2800  }
0x30: {  	[sflag:s29] =	ssyncset.done $0x0  }
0x31: {  	s8 =	simm.s32 $0x2000;
	[sflag:s29] =	ssyncadd.s32 $0xFFFFD800  }
0x32: {  	[spmem:s3] =	stream.indirect.scatter.add.f32 [tilespmem:s26], [sflag:$0x4], $0x80, s8, s25, $0xb8;
	[tilespmem:$0x1D000] =	vst v63  }
0x33: {  	_ =	swait.ge [sflag:s20], $0x2800  }
0x34: {  	[sflag:s20] =	ssyncset.done $0x0  }
0x35: {  	s9 =	simm.s32 $0x100;
	[sflag:s20] =	ssyncadd.s32 $0xFFFFD800  }
0x36: {  	[tilespmem:s26], [sflag:$0x1] =	stream.indirect.gather [hbm4b:s0+s25], $0x80, s9, s25, $0xb8;
	[tilespmem:$0x1D000] =	vst v63  }
0x37: {  	_ =	swait.ge [sflag:s30], $0x2800  }
0x38: {  	[sflag:s30] =	ssyncset.done $0x0  }
0x39: {  	s10 =	simm.s32 $0x2080;
	[sflag:s30] =	ssyncadd.s32 $0xFFFFD800  }
0x3a: {  	[spmem:s3] =	stream.indirect.scatter.add.f32 [tilespmem:s28], [sflag:$0x4], $0x80, s10, s25, $0xb8;
	[tilespmem:$0x1D000] =	vst v63  }
0x3b: {  	_ =	swait.ge [sflag:s20], $0x2800  }
0x3c: {  	s5 =	simm.s32 $0x100;
	s7 =	simm.s32 $0x800;
	[sflag:s20] =	ssyncset.done $0x0  }
.LBB2_2:
0x3d: {  	s8 =	sadd.s32 $0x80, s5  }
0x3e: {  	[sflag:s20] =	ssyncadd.s32 $0xFFFFD800;
	s9 =	smov.u32 s7;
	s10 =	sadd.s32 $0x400, s7  }
0x3f: {  	[tilespmem:s28], [sflag:$0x2] =	stream.indirect.gather [hbm4b:s0+s25], $0x80, s8, s25, $0xb8;
	[tilespmem:$0x1D000] =	vst v63  }
0x40: {  	p0 =	sne.s32 s7, $0x2C00;
	_ =	swait.ge [sflag:s29], $0x2800  }
0x41: {  	[sflag:s29] =	ssyncset.done $0x0  }
0x42: {  	s7 =	sadd.s32 $0x2000, s5;
	[sflag:s29] =	ssyncadd.s32 $0xFFFFD800  }
0x43: {  	[spmem:s3] =	stream.indirect.scatter.add.f32 [tilespmem:s26], [sflag:$0x4], $0x80, s7, s25, $0xb8;
	[tilespmem:$0x1D000] =	vst v63  }
0x44: {  	_ =	swait.ge [sflag:s20], $0x2800  }
0x45: {  	[sflag:s20] =	ssyncset.done $0x0  }
0x46: {  	s7 =	sadd.s32 $0x100, s5;
	[sflag:s20] =	ssyncadd.s32 $0xFFFFD800  }
0x47: {  	[tilespmem:s26], [sflag:$0x1] =	stream.indirect.gather [hbm4b:s0+s25], $0x80, s7, s25, $0xb8;
	[tilespmem:$0x1D000] =	vst v63  }
0x48: {  	_ =	swait.ge [sflag:s30], $0x2800  }
.Ltmp0:
0x49: {  	[sflag:s30] =	ssyncset.done $0x0;
	(pc) =	sbr.rel @p0 .LBB2_2-.Ltmp0, $4  }
0x4a: {  	s5 =	sadd.s32 $0x2080, s5;
	[sflag:s30] =	ssyncadd.s32 $0xFFFFD800  }
0x4b: {  	[spmem:s3] =	stream.indirect.scatter.add.f32 [tilespmem:s28], [sflag:$0x4], $0x80, s5, s25, $0xb8;
	[tilespmem:$0x1D000] =	vst v63  }
0x4c: {  	_ =	swait.ge [sflag:s20], $0x2800  }
0x4d: {  	s7 =	smov.u32 s10;
	s5 =	sshra.s32 s9, $0x2;
	[sflag:s20] =	ssyncset.done $0x0  }
0x4e: {  	s7 =	sadd.s32 $0x80, s5;
	[sflag:s20] =	ssyncadd.s32 $0xFFFFD800  }
0x4f: {  	[tilespmem:s28], [sflag:$0x2] =	stream.indirect.gather [hbm4b:s0+s25], $0x80, s7, s25, $0xb8;
	[tilespmem:$0x1D000] =	vst v63  }
0x50: {  	_ =	swait.ge [sflag:s29], $0x2800  }
0x51: {  	[sflag:s29] =	ssyncset.done $0x0  }
0x52: {  	s8 =	sadd.s32 $0x2000, s5;
	[sflag:s29] =	ssyncadd.s32 $0xFFFFD800  }
0x53: {  	[spmem:s3] =	stream.indirect.scatter.add.f32 [tilespmem:s26], [sflag:$0x4], $0x80, s8, s25, $0xb8;
	[tilespmem:$0x1D000] =	vst v63  }
0x54: {  	_ =	swait.ge [sflag:s20], $0x2800  }
0x55: {  	[sflag:s20] =	ssyncset.done $0x0  }
0x56: {  	s9 =	sadd.s32 $0x100, s5;
	[sflag:s20] =	ssyncadd.s32 $0xFFFFD800  }
0x57: {  	[tilespmem:s26], [sflag:$0x1] =	stream.indirect.gather [hbm4b:s0+s25], $0x80, s9, s25, $0xb8;
	[tilespmem:$0x1D000] =	vst v63  }
0x58: {  	_ =	swait.ge [sflag:s30], $0x2800  }
0x59: {  	[sflag:s30] =	ssyncset.done $0x0  }
0x5a: {  	s10 =	sadd.s32 $0x2080, s5;
	[sflag:s30] =	ssyncadd.s32 $0xFFFFD800  }
0x5b: {  	[spmem:s3] =	stream.indirect.scatter.add.f32 [tilespmem:s28], [sflag:$0x4], $0x80, s10, s25, $0xb8;
	[tilespmem:$0x1D000] =	vst v63  }
0x5c: {  	_ =	swait.ge [sflag:s20], $0x2800  }
0x5d: {  	[sflag:s20] =	ssyncset.done $0x0  }
0x5e: {  	[sflag:s20] =	ssyncadd.s32 $0xFFFFD800  }
0x5f: {  	_ =	swait.ge [sflag:s29], $0x2800  }
0x60: {  	[sflag:s29] =	ssyncset.done $0x0  }
0x61: {  	[sflag:s29] =	ssyncadd.s32 $0xFFFFD800  }
0x62: {  	[spmem:s3] =	stream.indirect.scatter.add.f32 [tilespmem:s26], [sflag:$0x4], $0x80, s31, s25, $0xb8;
	[tilespmem:$0x1D000] =	vst v63  }
0x63: {  	_ =	swait.ge [sflag:s20], $0x2800  }
0x64: {  	[sflag:s20] =	ssyncset.done $0x0  }
0x65: {  	[sflag:s20] =	ssyncadd.s32 $0xFFFFD800  }
0x66: {  	_ =	swait.ge [sflag:s22], $0xC80  }
0x67: {  	[sflag:s22] =	ssyncset.done $0x0  }
0x68: {  	[sflag:s22] =	ssyncadd.s32 $0xFFFFF380  }
0x69: {  	_ =	swait.ge [sflag:s22], $0xC80  }
0x6a: {  	[sflag:s22] =	ssyncset.done $0x0  }
0x6b: {  	[sflag:s22] =	ssyncadd.s32 $0xFFFFF380  }
0x6c: {  	[tilespmem:s4], [sflag:$0x3] =	stream.linear.gather [hbm4b:s11+s4], $0xC80, $0x38;
	[tilespmem:$0x1D000] =	vst v63  }
0x6d: {  	_ = 	snop  }
0x6e: {  	[tilespmem:s21], [sflag:$0x3] =	stream.linear.gather [hbm4b:s12+s4], $0xC80, $0x38;
	[tilespmem:$0x1D000] =	vst v63  }
0x6f: {  	_ = 	snop  }
0x70: {  	[tilespmem:s26], [sflag:$0x1] =	stream.indirect.gather [hbm4b:s0+s25], $0x80, s23, s25, $0xb8;
	[tilespmem:$0x1D000] =	vst v63  }
0x71: {  	s7 =	simm.s32 $0x1080  }
0x72: {  	[tilespmem:s28], [sflag:$0x2] =	stream.indirect.gather [hbm4b:s0+s25], $0x80, s7, s25, $0xb8;
	[tilespmem:$0x1D000] =	vst v63  }
0x73: {  	_ =	swait.ge [sflag:s29], $0x2800  }
0x74: {  	[sflag:s29] =	ssyncset.done $0x0  }
0x75: {  	s8 =	simm.s32 $0x3000;
	[sflag:s29] =	ssyncadd.s32 $0xFFFFD800  }
0x76: {  	[spmem:s3] =	stream.indirect.scatter.add.f32 [tilespmem:s26], [sflag:$0x4], $0x80, s8, s25, $0xb8;
	[tilespmem:$0x1D000] =	vst v63  }
0x77: {  	_ =	swait.ge [sflag:s20], $0x2800  }
0x78: {  	[sflag:s20] =	ssyncset.done $0x0  }
0x79: {  	s9 =	simm.s32 $0x1100;
	[sflag:s20] =	ssyncadd.s32 $0xFFFFD800  }
0x7a: {  	[tilespmem:s26], [sflag:$0x1] =	stream.indirect.gather [hbm4b:s0+s25], $0x80, s9, s25, $0xb8;
	[tilespmem:$0x1D000] =	vst v63  }
0x7b: {  	_ =	swait.ge [sflag:s30], $0x2800  }
0x7c: {  	[sflag:s30] =	ssyncset.done $0x0  }
0x7d: {  	s10 =	simm.s32 $0x3080;
	[sflag:s30] =	ssyncadd.s32 $0xFFFFD800  }
0x7e: {  	[spmem:s3] =	stream.indirect.scatter.add.f32 [tilespmem:s28], [sflag:$0x4], $0x80, s10, s25, $0xb8;
	[tilespmem:$0x1D000] =	vst v63  }
0x7f: {  	_ =	swait.ge [sflag:s20], $0x2800  }
0x80: {  	s5 =	simm.s32 $0xFFFFF500;
	s7 =	simm.s32 $0xFFFFD800;
	[sflag:s20] =	ssyncset.done $0x0  }
.LBB2_4:
0x81: {  	s8 =	sadd.s32 $0x1C80, s5  }
0x82: {  	[sflag:s20] =	ssyncadd.s32 $0xFFFFD800;
	s9 =	smov.u32 s7;
	s10 =	sadd.s32 $0x400, s7  }
0x83: {  	[tilespmem:s28], [sflag:$0x2] =	stream.indirect.gather [hbm4b:s0+s25], $0x80, s8, s25, $0xb8;
	[tilespmem:$0x1D000] =	vst v63  }
0x84: {  	p0 =	sne.s32 s7, $0xFFFFFC00;
	_ =	swait.ge [sflag:s29], $0x2800  }
0x85: {  	[sflag:s29] =	ssyncset.done $0x0  }
0x86: {  	s7 =	sadd.s32 $0x3C00, s5;
	[sflag:s29] =	ssyncadd.s32 $0xFFFFD800  }
0x87: {  	[spmem:s3] =	stream.indirect.scatter.add.f32 [tilespmem:s26], [sflag:$0x4], $0x80, s7, s25, $0xb8;
	[tilespmem:$0x1D000] =	vst v63  }
0x88: {  	_ =	swait.ge [sflag:s20], $0x2800  }
0x89: {  	[sflag:s20] =	ssyncset.done $0x0  }
0x8a: {  	s7 =	sadd.s32 $0x1D00, s5;
	[sflag:s20] =	ssyncadd.s32 $0xFFFFD800  }
0x8b: {  	[tilespmem:s26], [sflag:$0x1] =	stream.indirect.gather [hbm4b:s0+s25], $0x80, s7, s25, $0xb8;
	[tilespmem:$0x1D000] =	vst v63  }
0x8c: {  	_ =	swait.ge [sflag:s30], $0x2800  }
.Ltmp1:
0x8d: {  	[sflag:s30] =	ssyncset.done $0x0;
	(pc) =	sbr.rel @p0 .LBB2_4-.Ltmp1, $4  }
0x8e: {  	s5 =	sadd.s32 $0x3C80, s5;
	[sflag:s30] =	ssyncadd.s32 $0xFFFFD800  }
0x8f: {  	[spmem:s3] =	stream.indirect.scatter.add.f32 [tilespmem:s28], [sflag:$0x4], $0x80, s5, s25, $0xb8;
	[tilespmem:$0x1D000] =	vst v63  }
0x90: {  	_ =	swait.ge [sflag:s20], $0x2800  }
0x91: {  	s7 =	smov.u32 s10;
	s5 =	sshra.s32 s9, $0x2;
	[sflag:s20] =	ssyncset.done $0x0  }
0x92: {  	s7 =	sadd.s32 $0x1C80, s5;
	[sflag:s20] =	ssyncadd.s32 $0xFFFFD800  }
0x93: {  	[tilespmem:s28], [sflag:$0x2] =	stream.indirect.gather [hbm4b:s0+s25], $0x80, s7, s25, $0xb8;
	[tilespmem:$0x1D000] =	vst v63  }
0x94: {  	_ =	swait.ge [sflag:s29], $0x2800  }
0x95: {  	[sflag:s29] =	ssyncset.done $0x0  }
0x96: {  	s10 =	sadd.s32 $0x3C00, s5;
	[sflag:s29] =	ssyncadd.s32 $0xFFFFD800  }
0x97: {  	[spmem:s3] =	stream.indirect.scatter.add.f32 [tilespmem:s26], [sflag:$0x4], $0x80, s10, s25, $0xb8;
	[tilespmem:$0x1D000] =	vst v63  }
0x98: {  	_ =	swait.ge [sflag:s20], $0x2800  }
0x99: {  	[sflag:s20] =	ssyncset.done $0x0  }
0x9a: {  	s8 =	sadd.s32 $0x1D00, s5;
	[sflag:s20] =	ssyncadd.s32 $0xFFFFD800  }
0x9b: {  	[tilespmem:s26], [sflag:$0x1] =	stream.indirect.gather [hbm4b:s0+s25], $0x80, s8, s25, $0xb8;
	[tilespmem:$0x1D000] =	vst v63  }
0x9c: {  	_ =	swait.ge [sflag:s30], $0x2800  }
0x9d: {  	[sflag:s30] =	ssyncset.done $0x0  }
0x9e: {  	s9 =	sadd.s32 $0x3C80, s5;
	[sflag:s30] =	ssyncadd.s32 $0xFFFFD800  }
0x9f: {  	[spmem:s3] =	stream.indirect.scatter.add.f32 [tilespmem:s28], [sflag:$0x4], $0x80, s9, s25, $0xb8;
	[tilespmem:$0x1D000] =	vst v63  }
0xa0: {  	_ =	swait.ge [sflag:s20], $0x2800  }
0xa1: {  	[sflag:s20] =	ssyncset.done $0x0  }
0xa2: {  	[sflag:s20] =	ssyncadd.s32 $0xFFFFD800  }
0xa3: {  	_ =	swait.ge [sflag:s29], $0x2800  }
0xa4: {  	[sflag:s29] =	ssyncset.done $0x0  }
0xa5: {  	[sflag:s29] =	ssyncadd.s32 $0xFFFFD800  }
0xa6: {  	[spmem:s3] =	stream.indirect.scatter.add.f32 [tilespmem:s26], [sflag:$0x4], $0x80, s1, s25, $0xb8;
	[tilespmem:$0x1D000] =	vst v63  }
0xa7: {  	_ =	swait.ge [sflag:s20], $0x2800  }
0xa8: {  	[sflag:s20] =	ssyncset.done $0x0  }
0xa9: {  	[sflag:s20] =	ssyncadd.s32 $0xFFFFD800  }
0xaa: {  	_ =	swait.ge [sflag:s22], $0xC80  }
0xab: {  	[sflag:s22] =	ssyncset.done $0x0  }
0xac: {  	[sflag:s22] =	ssyncadd.s32 $0xFFFFF380  }
0xad: {  	_ =	swait.ge [sflag:s22], $0xC80  }
0xae: {  	[sflag:s22] =	ssyncset.done $0x0  }
0xaf: {  	s10 =	simm.s32 $0x0;
	[sflag:s22] =	ssyncadd.s32 $0xFFFFF380  }
0xb0: {  	[tilespmem:s23], [sflag:$0x3] =	stream.linear.gather [hbm4b:s13+s10], $0xC80, $0x38;
	[tilespmem:$0x1D000] =	vst v63  }
0xb1: {  	_ = 	snop  }
0xb2: {  	[tilespmem:s24], [sflag:$0x3] =	stream.linear.gather [hbm4b:s14+s10], $0xC80, $0x38;
	[tilespmem:$0x1D000] =	vst v63  }
0xb3: {  	_ = 	snop  }
0xb4: {  	[tilespmem:s26], [sflag:$0x1] =	stream.indirect.gather [hbm4b:s0+s25], $0x80, s10, s25, $0xb8;
	[tilespmem:$0x1D000] =	vst v63  }
0xb5: {  	s7 =	simm.s32 $0x80  }
0xb6: {  	[tilespmem:s28], [sflag:$0x2] =	stream.indirect.gather [hbm4b:s0+s25], $0x80, s7, s25, $0xb8;
	[tilespmem:$0x1D000] =	vst v63  }
0xb7: {  	_ =	swait.ge [sflag:s29], $0x2800  }
0xb8: {  	[sflag:s29] =	ssyncset.done $0x0  }
0xb9: {  	s8 =	simm.s32 $0x2000;
	[sflag:s29] =	ssyncadd.s32 $0xFFFFD800  }
0xba: {  	[spmem:s3] =	stream.indirect.scatter.add.f32 [tilespmem:s26], [sflag:$0x4], $0x80, s8, s25, $0xb8;
	[tilespmem:$0x1D000] =	vst v63  }
0xbb: {  	_ =	swait.ge [sflag:s20], $0x2800  }
0xbc: {  	[sflag:s20] =	ssyncset.done $0x0  }
0xbd: {  	s9 =	simm.s32 $0x100;
	[sflag:s20] =	ssyncadd.s32 $0xFFFFD800  }
0xbe: {  	[tilespmem:s26], [sflag:$0x1] =	stream.indirect.gather [hbm4b:s0+s25], $0x80, s9, s25, $0xb8;
	[tilespmem:$0x1D000] =	vst v63  }
0xbf: {  	_ =	swait.ge [sflag:s30], $0x2800  }
0xc0: {  	[sflag:s30] =	ssyncset.done $0x0  }
0xc1: {  	s10 =	simm.s32 $0x2080;
	[sflag:s30] =	ssyncadd.s32 $0xFFFFD800  }
0xc2: {  	[spmem:s3] =	stream.indirect.scatter.add.f32 [tilespmem:s28], [sflag:$0x4], $0x80, s10, s25, $0xb8;
	[tilespmem:$0x1D000] =	vst v63  }
0xc3: {  	_ =	swait.ge [sflag:s20], $0x2800  }
0xc4: {  	s5 =	simm.s32 $0x100;
	s7 =	simm.s32 $0x800;
	[sflag:s20] =	ssyncset.done $0x0  }
.LBB2_6:
0xc5: {  	s8 =	sadd.s32 $0x80, s5  }
0xc6: {  	[sflag:s20] =	ssyncadd.s32 $0xFFFFD800;
	s9 =	smov.u32 s7;
	s10 =	sadd.s32 $0x400, s7  }
0xc7: {  	[tilespmem:s28], [sflag:$0x2] =	stream.indirect.gather [hbm4b:s0+s25], $0x80, s8, s25, $0xb8;
	[tilespmem:$0x1D000] =	vst v63  }
0xc8: {  	p0 =	sne.s32 s7, $0x2C00;
	_ =	swait.ge [sflag:s29], $0x2800  }
0xc9: {  	[sflag:s29] =	ssyncset.done $0x0  }
0xca: {  	s7 =	sadd.s32 $0x2000, s5;
	[sflag:s29] =	ssyncadd.s32 $0xFFFFD800  }
0xcb: {  	[spmem:s3] =	stream.indirect.scatter.add.f32 [tilespmem:s26], [sflag:$0x4], $0x80, s7, s25, $0xb8;
	[tilespmem:$0x1D000] =	vst v63  }
0xcc: {  	_ =	swait.ge [sflag:s20], $0x2800  }
0xcd: {  	[sflag:s20] =	ssyncset.done $0x0  }
0xce: {  	s7 =	sadd.s32 $0x100, s5;
	[sflag:s20] =	ssyncadd.s32 $0xFFFFD800  }
0xcf: {  	[tilespmem:s26], [sflag:$0x1] =	stream.indirect.gather [hbm4b:s0+s25], $0x80, s7, s25, $0xb8;
	[tilespmem:$0x1D000] =	vst v63  }
0xd0: {  	_ =	swait.ge [sflag:s30], $0x2800  }
.Ltmp2:
0xd1: {  	[sflag:s30] =	ssyncset.done $0x0;
	(pc) =	sbr.rel @p0 .LBB2_6-.Ltmp2, $4  }
0xd2: {  	s5 =	sadd.s32 $0x2080, s5;
	[sflag:s30] =	ssyncadd.s32 $0xFFFFD800  }
0xd3: {  	[spmem:s3] =	stream.indirect.scatter.add.f32 [tilespmem:s28], [sflag:$0x4], $0x80, s5, s25, $0xb8;
	[tilespmem:$0x1D000] =	vst v63  }
0xd4: {  	_ =	swait.ge [sflag:s20], $0x2800  }
0xd5: {  	s7 =	smov.u32 s10;
	s5 =	sshra.s32 s9, $0x2;
	[sflag:s20] =	ssyncset.done $0x0  }
0xd6: {  	s7 =	sadd.s32 $0x80, s5;
	[sflag:s20] =	ssyncadd.s32 $0xFFFFD800  }
0xd7: {  	[tilespmem:s28], [sflag:$0x2] =	stream.indirect.gather [hbm4b:s0+s25], $0x80, s7, s25, $0xb8;
	[tilespmem:$0x1D000] =	vst v63  }
0xd8: {  	_ =	swait.ge [sflag:s29], $0x2800  }
0xd9: {  	[sflag:s29] =	ssyncset.done $0x0  }
0xda: {  	s8 =	sadd.s32 $0x2000, s5;
	[sflag:s29] =	ssyncadd.s32 $0xFFFFD800  }
0xdb: {  	[spmem:s3] =	stream.indirect.scatter.add.f32 [tilespmem:s26], [sflag:$0x4], $0x80, s8, s25, $0xb8;
	[tilespmem:$0x1D000] =	vst v63  }
0xdc: {  	_ =	swait.ge [sflag:s20], $0x2800  }
0xdd: {  	[sflag:s20] =	ssyncset.done $0x0  }
0xde: {  	s9 =	sadd.s32 $0x100, s5;
	[sflag:s20] =	ssyncadd.s32 $0xFFFFD800  }
0xdf: {  	[tilespmem:s26], [sflag:$0x1] =	stream.indirect.gather [hbm4b:s0+s25], $0x80, s9, s25, $0xb8;
	[tilespmem:$0x1D000] =	vst v63  }
0xe0: {  	_ =	swait.ge [sflag:s30], $0x2800  }
0xe1: {  	[sflag:s30] =	ssyncset.done $0x0  }
0xe2: {  	s10 =	sadd.s32 $0x2080, s5;
	[sflag:s30] =	ssyncadd.s32 $0xFFFFD800  }
0xe3: {  	[spmem:s3] =	stream.indirect.scatter.add.f32 [tilespmem:s28], [sflag:$0x4], $0x80, s10, s25, $0xb8;
	[tilespmem:$0x1D000] =	vst v63  }
0xe4: {  	_ =	swait.ge [sflag:s20], $0x2800  }
0xe5: {  	[sflag:s20] =	ssyncset.done $0x0  }
0xe6: {  	[sflag:s20] =	ssyncadd.s32 $0xFFFFD800  }
0xe7: {  	_ =	swait.ge [sflag:s29], $0x2800  }
0xe8: {  	[sflag:s29] =	ssyncset.done $0x0  }
0xe9: {  	[sflag:s29] =	ssyncadd.s32 $0xFFFFD800  }
0xea: {  	[spmem:s3] =	stream.indirect.scatter.add.f32 [tilespmem:s26], [sflag:$0x4], $0x80, s31, s25, $0xb8;
	[tilespmem:$0x1D000] =	vst v63  }
0xeb: {  	_ =	swait.ge [sflag:s20], $0x2800  }
0xec: {  	[sflag:s20] =	ssyncset.done $0x0  }
0xed: {  	[sflag:s20] =	ssyncadd.s32 $0xFFFFD800  }
0xee: {  	_ =	swait.ge [sflag:s22], $0xC80  }
0xef: {  	[sflag:s22] =	ssyncset.done $0x0  }
0xf0: {  	[sflag:s22] =	ssyncadd.s32 $0xFFFFF380  }
0xf1: {  	_ =	swait.ge [sflag:s22], $0xC80  }
0xf2: {  	[sflag:s22] =	ssyncset.done $0x0  }
0xf3: {  	[sflag:s22] =	ssyncadd.s32 $0xFFFFF380  }
0xf4: {  	[tilespmem:s4], [sflag:$0x3] =	stream.linear.gather [hbm4b:s15+s4], $0xC80, $0x38;
	[tilespmem:$0x1D000] =	vst v63  }
0xf5: {  	_ = 	snop  }
0xf6: {  	[tilespmem:s21], [sflag:$0x3] =	stream.linear.gather [hbm4b:s16+s4], $0xC80, $0x38;
	[tilespmem:$0x1D000] =	vst v63  }
0xf7: {  	_ = 	snop  }
0xf8: {  	[tilespmem:s26], [sflag:$0x1] =	stream.indirect.gather [hbm4b:s0+s25], $0x80, s23, s25, $0xb8;
	[tilespmem:$0x1D000] =	vst v63  }
0xf9: {  	s7 =	simm.s32 $0x1080  }
0xfa: {  	[tilespmem:s28], [sflag:$0x2] =	stream.indirect.gather [hbm4b:s0+s25], $0x80, s7, s25, $0xb8;
	[tilespmem:$0x1D000] =	vst v63  }
0xfb: {  	_ =	swait.ge [sflag:s29], $0x2800  }
0xfc: {  	[sflag:s29] =	ssyncset.done $0x0  }
0xfd: {  	s8 =	simm.s32 $0x3000;
	[sflag:s29] =	ssyncadd.s32 $0xFFFFD800  }
0xfe: {  	[spmem:s3] =	stream.indirect.scatter.add.f32 [tilespmem:s26], [sflag:$0x4], $0x80, s8, s25, $0xb8;
	[tilespmem:$0x1D000] =	vst v63  }
0xff: {  	_ =	swait.ge [sflag:s20], $0x2800  }
0x100: {  	[sflag:s20] =	ssyncset.done $0x0  }
0x101: {  	s9 =	simm.s32 $0x1100;
	[sflag:s20] =	ssyncadd.s32 $0xFFFFD800  }
0x102: {  	[tilespmem:s26], [sflag:$0x1] =	stream.indirect.gather [hbm4b:s0+s25], $0x80, s9, s25, $0xb8;
	[tilespmem:$0x1D000] =	vst v63  }
0x103: {  	_ =	swait.ge [sflag:s30], $0x2800  }
0x104: {  	[sflag:s30] =	ssyncset.done $0x0  }
0x105: {  	s10 =	simm.s32 $0x3080;
	[sflag:s30] =	ssyncadd.s32 $0xFFFFD800  }
0x106: {  	[spmem:s3] =	stream.indirect.scatter.add.f32 [tilespmem:s28], [sflag:$0x4], $0x80, s10, s25, $0xb8;
	[tilespmem:$0x1D000] =	vst v63  }
0x107: {  	_ =	swait.ge [sflag:s20], $0x2800  }
0x108: {  	s5 =	simm.s32 $0xFFFFF500;
	s7 =	simm.s32 $0xFFFFD800;
	[sflag:s20] =	ssyncset.done $0x0  }
.LBB2_8:
0x109: {  	s8 =	sadd.s32 $0x1C80, s5  }
0x10a: {  	[sflag:s20] =	ssyncadd.s32 $0xFFFFD800;
	s9 =	smov.u32 s7;
	s10 =	sadd.s32 $0x400, s7  }
0x10b: {  	[tilespmem:s28], [sflag:$0x2] =	stream.indirect.gather [hbm4b:s0+s25], $0x80, s8, s25, $0xb8;
	[tilespmem:$0x1D000] =	vst v63  }
0x10c: {  	p0 =	sne.s32 s7, $0xFFFFFC00;
	_ =	swait.ge [sflag:s29], $0x2800  }
0x10d: {  	[sflag:s29] =	ssyncset.done $0x0  }
0x10e: {  	s7 =	sadd.s32 $0x3C00, s5;
	[sflag:s29] =	ssyncadd.s32 $0xFFFFD800  }
0x10f: {  	[spmem:s3] =	stream.indirect.scatter.add.f32 [tilespmem:s26], [sflag:$0x4], $0x80, s7, s25, $0xb8;
	[tilespmem:$0x1D000] =	vst v63  }
0x110: {  	_ =	swait.ge [sflag:s20], $0x2800  }
0x111: {  	[sflag:s20] =	ssyncset.done $0x0  }
0x112: {  	s7 =	sadd.s32 $0x1D00, s5;
	[sflag:s20] =	ssyncadd.s32 $0xFFFFD800  }
0x113: {  	[tilespmem:s26], [sflag:$0x1] =	stream.indirect.gather [hbm4b:s0+s25], $0x80, s7, s25, $0xb8;
	[tilespmem:$0x1D000] =	vst v63  }
0x114: {  	_ =	swait.ge [sflag:s30], $0x2800  }
.Ltmp3:
0x115: {  	[sflag:s30] =	ssyncset.done $0x0;
	(pc) =	sbr.rel @p0 .LBB2_8-.Ltmp3, $4  }
0x116: {  	s5 =	sadd.s32 $0x3C80, s5;
	[sflag:s30] =	ssyncadd.s32 $0xFFFFD800  }
0x117: {  	[spmem:s3] =	stream.indirect.scatter.add.f32 [tilespmem:s28], [sflag:$0x4], $0x80, s5, s25, $0xb8;
	[tilespmem:$0x1D000] =	vst v63  }
0x118: {  	_ =	swait.ge [sflag:s20], $0x2800  }
0x119: {  	s7 =	smov.u32 s10;
	s5 =	sshra.s32 s9, $0x2;
	[sflag:s20] =	ssyncset.done $0x0  }
0x11a: {  	s7 =	sadd.s32 $0x1C80, s5;
	[sflag:s20] =	ssyncadd.s32 $0xFFFFD800  }
0x11b: {  	[tilespmem:s28], [sflag:$0x2] =	stream.indirect.gather [hbm4b:s0+s25], $0x80, s7, s25, $0xb8;
	[tilespmem:$0x1D000] =	vst v63  }
0x11c: {  	_ =	swait.ge [sflag:s29], $0x2800  }
0x11d: {  	[sflag:s29] =	ssyncset.done $0x0  }
0x11e: {  	s10 =	sadd.s32 $0x3C00, s5;
	[sflag:s29] =	ssyncadd.s32 $0xFFFFD800  }
0x11f: {  	[spmem:s3] =	stream.indirect.scatter.add.f32 [tilespmem:s26], [sflag:$0x4], $0x80, s10, s25, $0xb8;
	[tilespmem:$0x1D000] =	vst v63  }
0x120: {  	_ =	swait.ge [sflag:s20], $0x2800  }
0x121: {  	[sflag:s20] =	ssyncset.done $0x0  }
0x122: {  	s8 =	sadd.s32 $0x1D00, s5;
	[sflag:s20] =	ssyncadd.s32 $0xFFFFD800  }
0x123: {  	[tilespmem:s26], [sflag:$0x1] =	stream.indirect.gather [hbm4b:s0+s25], $0x80, s8, s25, $0xb8;
	[tilespmem:$0x1D000] =	vst v63  }
0x124: {  	_ =	swait.ge [sflag:s30], $0x2800  }
0x125: {  	[sflag:s30] =	ssyncset.done $0x0  }
0x126: {  	s9 =	sadd.s32 $0x3C80, s5;
	[sflag:s30] =	ssyncadd.s32 $0xFFFFD800  }
0x127: {  	[spmem:s3] =	stream.indirect.scatter.add.f32 [tilespmem:s28], [sflag:$0x4], $0x80, s9, s25, $0xb8;
	[tilespmem:$0x1D000] =	vst v63  }
0x128: {  	_ =	swait.ge [sflag:s20], $0x2800  }
0x129: {  	[sflag:s20] =	ssyncset.done $0x0  }
0x12a: {  	[sflag:s20] =	ssyncadd.s32 $0xFFFFD800  }
0x12b: {  	_ =	swait.ge [sflag:s29], $0x2800  }
0x12c: {  	[sflag:s29] =	ssyncset.done $0x0  }
0x12d: {  	[sflag:s29] =	ssyncadd.s32 $0xFFFFD800  }
0x12e: {  	[spmem:s3] =	stream.indirect.scatter.add.f32 [tilespmem:s26], [sflag:$0x4], $0x80, s1, s25, $0xb8;
	[tilespmem:$0x1D000] =	vst v63  }
0x12f: {  	_ =	swait.ge [sflag:s20], $0x2800  }
0x130: {  	[sflag:s20] =	ssyncset.done $0x0  }
0x131: {  	[sflag:s20] =	ssyncadd.s32 $0xFFFFD800  }
0x132: {  	_ =	swait.ge [sflag:s22], $0xC80  }
0x133: {  	[sflag:s22] =	ssyncset.done $0x0  }
0x134: {  	[sflag:s22] =	ssyncadd.s32 $0xFFFFF380  }
0x135: {  	_ =	swait.ge [sflag:s22], $0xC80  }
0x136: {  	[sflag:s22] =	ssyncset.done $0x0  }
0x137: {  	s10 =	simm.s32 $0x0;
	[sflag:s22] =	ssyncadd.s32 $0xFFFFF380  }
0x138: {  	[tilespmem:s26], [sflag:$0x1] =	stream.indirect.gather [hbm4b:s0+s25], $0x80, s10, s25, $0xb8;
	[tilespmem:$0x1D000] =	vst v63  }
0x139: {  	s7 =	simm.s32 $0x80  }
0x13a: {  	[tilespmem:s28], [sflag:$0x2] =	stream.indirect.gather [hbm4b:s0+s25], $0x80, s7, s25, $0xb8;
	[tilespmem:$0x1D000] =	vst v63  }
0x13b: {  	_ =	swait.ge [sflag:s29], $0x2800  }
0x13c: {  	[sflag:s29] =	ssyncset.done $0x0  }
0x13d: {  	s8 =	simm.s32 $0x2000;
	[sflag:s29] =	ssyncadd.s32 $0xFFFFD800  }
0x13e: {  	[spmem:s3] =	stream.indirect.scatter.add.f32 [tilespmem:s26], [sflag:$0x4], $0x80, s8, s25, $0xb8;
	[tilespmem:$0x1D000] =	vst v63  }
0x13f: {  	_ =	swait.ge [sflag:s20], $0x2800  }
0x140: {  	[sflag:s20] =	ssyncset.done $0x0  }
0x141: {  	s9 =	simm.s32 $0x100;
	[sflag:s20] =	ssyncadd.s32 $0xFFFFD800  }
0x142: {  	[tilespmem:s26], [sflag:$0x1] =	stream.indirect.gather [hbm4b:s0+s25], $0x80, s9, s25, $0xb8;
	[tilespmem:$0x1D000] =	vst v63  }
0x143: {  	_ =	swait.ge [sflag:s30], $0x2800  }
0x144: {  	[sflag:s30] =	ssyncset.done $0x0  }
0x145: {  	s10 =	simm.s32 $0x2080;
	[sflag:s30] =	ssyncadd.s32 $0xFFFFD800  }
0x146: {  	[spmem:s3] =	stream.indirect.scatter.add.f32 [tilespmem:s28], [sflag:$0x4], $0x80, s10, s25, $0xb8;
	[tilespmem:$0x1D000] =	vst v63  }
0x147: {  	_ =	swait.ge [sflag:s20], $0x2800  }
0x148: {  	s5 =	simm.s32 $0x100;
	s7 =	simm.s32 $0x800;
	[sflag:s20] =	ssyncset.done $0x0  }
.LBB2_10:
0x149: {  	s8 =	sadd.s32 $0x80, s5  }
0x14a: {  	[sflag:s20] =	ssyncadd.s32 $0xFFFFD800;
	s9 =	smov.u32 s7;
	s10 =	sadd.s32 $0x400, s7  }
0x14b: {  	[tilespmem:s28], [sflag:$0x2] =	stream.indirect.gather [hbm4b:s0+s25], $0x80, s8, s25, $0xb8;
	[tilespmem:$0x1D000] =	vst v63  }
0x14c: {  	p0 =	sne.s32 s7, $0x2C00;
	_ =	swait.ge [sflag:s29], $0x2800  }
0x14d: {  	[sflag:s29] =	ssyncset.done $0x0  }
0x14e: {  	s7 =	sadd.s32 $0x2000, s5;
	[sflag:s29] =	ssyncadd.s32 $0xFFFFD800  }
0x14f: {  	[spmem:s3] =	stream.indirect.scatter.add.f32 [tilespmem:s26], [sflag:$0x4], $0x80, s7, s25, $0xb8;
	[tilespmem:$0x1D000] =	vst v63  }
0x150: {  	_ =	swait.ge [sflag:s20], $0x2800  }
0x151: {  	[sflag:s20] =	ssyncset.done $0x0  }
0x152: {  	s7 =	sadd.s32 $0x100, s5;
	[sflag:s20] =	ssyncadd.s32 $0xFFFFD800  }
0x153: {  	[tilespmem:s26], [sflag:$0x1] =	stream.indirect.gather [hbm4b:s0+s25], $0x80, s7, s25, $0xb8;
	[tilespmem:$0x1D000] =	vst v63  }
0x154: {  	_ =	swait.ge [sflag:s30], $0x2800  }
.Ltmp4:
0x155: {  	[sflag:s30] =	ssyncset.done $0x0;
	(pc) =	sbr.rel @p0 .LBB2_10-.Ltmp4, $4  }
0x156: {  	s5 =	sadd.s32 $0x2080, s5;
	[sflag:s30] =	ssyncadd.s32 $0xFFFFD800  }
0x157: {  	[spmem:s3] =	stream.indirect.scatter.add.f32 [tilespmem:s28], [sflag:$0x4], $0x80, s5, s25, $0xb8;
	[tilespmem:$0x1D000] =	vst v63  }
0x158: {  	_ =	swait.ge [sflag:s20], $0x2800  }
0x159: {  	s7 =	smov.u32 s10;
	s5 =	sshra.s32 s9, $0x2;
	[sflag:s20] =	ssyncset.done $0x0  }
0x15a: {  	s7 =	sadd.s32 $0x80, s5;
	[sflag:s20] =	ssyncadd.s32 $0xFFFFD800  }
0x15b: {  	[tilespmem:s28], [sflag:$0x2] =	stream.indirect.gather [hbm4b:s0+s25], $0x80, s7, s25, $0xb8;
	[tilespmem:$0x1D000] =	vst v63  }
0x15c: {  	_ =	swait.ge [sflag:s29], $0x2800  }
0x15d: {  	[sflag:s29] =	ssyncset.done $0x0  }
0x15e: {  	s8 =	sadd.s32 $0x2000, s5;
	[sflag:s29] =	ssyncadd.s32 $0xFFFFD800  }
0x15f: {  	[spmem:s3] =	stream.indirect.scatter.add.f32 [tilespmem:s26], [sflag:$0x4], $0x80, s8, s25, $0xb8;
	[tilespmem:$0x1D000] =	vst v63  }
0x160: {  	_ =	swait.ge [sflag:s20], $0x2800  }
0x161: {  	[sflag:s20] =	ssyncset.done $0x0  }
0x162: {  	s9 =	sadd.s32 $0x100, s5;
	[sflag:s20] =	ssyncadd.s32 $0xFFFFD800  }
0x163: {  	[tilespmem:s26], [sflag:$0x1] =	stream.indirect.gather [hbm4b:s0+s25], $0x80, s9, s25, $0xb8;
	[tilespmem:$0x1D000] =	vst v63  }
0x164: {  	_ =	swait.ge [sflag:s30], $0x2800  }
0x165: {  	[sflag:s30] =	ssyncset.done $0x0  }
0x166: {  	s10 =	sadd.s32 $0x2080, s5;
	[sflag:s30] =	ssyncadd.s32 $0xFFFFD800  }
0x167: {  	[spmem:s3] =	stream.indirect.scatter.add.f32 [tilespmem:s28], [sflag:$0x4], $0x80, s10, s25, $0xb8;
	[tilespmem:$0x1D000] =	vst v63  }
0x168: {  	_ =	swait.ge [sflag:s20], $0x2800  }
0x169: {  	[sflag:s20] =	ssyncset.done $0x0  }
0x16a: {  	[sflag:s20] =	ssyncadd.s32 $0xFFFFD800  }
0x16b: {  	_ =	swait.ge [sflag:s29], $0x2800  }
0x16c: {  	[sflag:s29] =	ssyncset.done $0x0  }
0x16d: {  	[sflag:s29] =	ssyncadd.s32 $0xFFFFD800  }
0x16e: {  	[spmem:s3] =	stream.indirect.scatter.add.f32 [tilespmem:s26], [sflag:$0x4], $0x80, s31, s25, $0xb8;
	[tilespmem:$0x1D000] =	vst v63  }
0x16f: {  	_ =	swait.ge [sflag:s20], $0x2800  }
0x170: {  	s2 =	sadd.s32 $0x1, s2;
	[sflag:s20] =	ssyncset.done $0x0  }
0x171: {  	p0 =	sne.s32 s2, s18;
	[sflag:s20] =	ssyncadd.s32 $0xFFFFD800  }
.Ltmp5:
0x172: {  	[bflag:$0x0] =	sbarrier.arrive $0xFFFF;
	(pc) =	sbr.rel @p0 .LBB2_1-.Ltmp5, $4  }
0x173: {  	[hbm:s17], [sflag:s6] =	dma.local [spmem:s19], $0x2800  }
0x174: {  	_ =	swait.ge [sflag:s20], $0x2800  }
0x175: {  	[sflag:s20] =	ssyncset.done $0x0  }
0x176: {  	[sflag:s20] =	ssyncadd.s32 $0xFFFFD800  }
0x177: {  	_ =	sfence.sel $0x180000  }
0x178: {  	[bflag:$0x0] =	sbarrier.arrive $0xFFFF  }
0x179: {  	_ =	strace $0x9000004A  }
0x17a: {  	s0 =	stileid.u32;
	[bflag:$0x2] =	sbarrier.arrive $0xFFFF  }
0x17b: {  	p0 =	sne.s32 s0, $0x0;
	s0 =	rddreg [dreg:$0x4]  }
0x17c: {  	s0 =	sadd.s32 @!p0 $0x100000, s0  }
0x17d: {  	[sflag:s0] =	ssyncadd.tile.s32 @!p0 $0x1;
	_ =	shalt  }
.Lfunc_end2:
_tile_overlayer_lowered:
.L_overlay_start_2:
0x17e: {  	(tag) =	ssettag $0x2  }
0x17f: {  	s0 =	rddreg [dreg:$0x0];
	s2 =	stileid.u32  }
0x180: {  	s1 =	rddreg [dreg:$0x1];
	p0 =	sne.s32 s2, $0x0  }
0x181: {  	s3 =	rddreg [dreg:$0x2];
	[bflag:$0x3] =	sbarrier.arrive $0xFFFF;
	s2 =	simm.s32 @!p0 $0x1C04  }
0x182: {  	[timem:s3], [sflag:s2] =	dma.local @!p0 [hbm:s0], s1  }
0x183: {  	s0 =	simm.s32 @!p0 $0x4  }
0x184: {  	_ =	swait.ge @!p0 [sflag:s0], s1  }
0x185: {  	s1 =	ssub.s32 @!p0 $0x0, s1;
	[sflag:s0] =	ssyncset.done @!p0 $0x0  }
0x186: {  	[sflag:s0] =	ssyncadd.s32 @!p0 s1  }
0x187: {  	[bflag:$0x3] =	sbarrier.arrive $0xFFFF  }
0x188: {  	_ =	shalt  }

</sc_bundles>
